<compile_context>
chip_gen: v7x
topology: tpu7x:2x2x1
jax: 0.10.2.dev20260603
libtpu: 0.0.44.dev20260713+nightly
codegen_flags: <defaults>
</compile_context>

<pallas_src>
import functools

import jax
import jax.numpy as jnp
from jax import lax
from jax.experimental import pallas as pl
from jax.experimental.pallas import tpu as pltpu
from jax.experimental.pallas import tpu_sc as plsc

B = 8
P = 20000
F = 3
C = 64
CODE_NUM = 256
COLS = CODE_NUM * F
TPAD = C + 1
OPAD = 201
NW = 32
PPW = P // 4
NCH = 25
CH = PPW // NCH
CBUF = PPW + 8
IBUF = CH * F + 40


def _interp_chunk(i, q, lanes, cx_v, cy_v, cz_v, col_v, frac_v, t_v, out_x):
    p0l = i * CH

    def pa_body(g, _):
        e0 = p0l + g * 16
        tgt = (g * 16 + lanes) * F
        for f, cf_v in ((0, cx_v), (1, cy_v), (2, cz_v)):
            v = cf_v[pl.ds(e0, 16)]
            sc = (v + 1.0) * ((CODE_NUM - 1) / 2.0)
            c0 = sc.astype(jnp.int32)
            frac = sc - c0.astype(jnp.float32)
            plsc.store_scatter(col_v, [tgt + f], (c0 + CODE_NUM * f) * TPAD)
            plsc.store_scatter(frac_v, [tgt + f], frac)
        return 0
    lax.fori_loop(0, CH // 16 + 1, pa_body, 0)

    def pb_body(p, _):
        p3 = p * F
        po = p * C
        colv = col_v[pl.ds(p3, 16)]
        fracv = frac_v[pl.ds(p3, 16)]
        accs = [None] * 4
        for f in range(F):
            base = colv[f]
            tf = fracv[f]
            sf = 1.0 - tf
            for k in range(4):
                v0 = t_v[pl.ds(base + 16 * k, 16)]
                v1 = t_v[pl.ds(base + TPAD + 16 * k, 16)]
                term = v0 * sf + v1 * tf
                accs[k] = term if accs[k] is None else accs[k] + term
        for k in range(4):
            out_x[pl.ds(po + 16 * k, 16)] = accs[k]
        return 0
    lax.fori_loop(0, CH, pb_body, 0, unroll=2)


def _tc_slice_body(idx_ref, code_ref, out_ref):
    out_ref[...] = code_ref[...][None]


def _sc_body(c1_hbm, slices_hbm, out_hbm,
             stage8, t_v, cx_v, cy_v, cz_v, col_v, frac_v,
             out_a, out_b, sem):
    cid = lax.axis_index("c")
    sid = lax.axis_index("s")
    wid = sid * 2 + cid
    b = wid // 4
    q = wid - b * 4

    lanes = lax.iota(jnp.int32, 16)

    for r0 in range(0, C, 8):
        pltpu.sync_copy(slices_hbm.at[b, pl.ds(r0, 8), :], stage8)

        def tr_body(j, _):
            jv = (j * 16 + lanes) * TPAD + r0
            for rr in range(8):
                v = stage8[rr, pl.ds(j * 16, 16)]
                plsc.store_scatter(t_v, [jv + rr], v)
            return 0
        lax.fori_loop(0, COLS // 16, tr_body, 0)

    base_w = b * P + q * PPW
    for f, cf_v in ((0, cx_v), (1, cy_v), (2, cz_v)):
        pltpu.sync_copy(c1_hbm.at[pl.ds(f * B * P + base_w, PPW)],
                        cf_v.at[pl.ds(0, PPW)])

    ch_args = (q, lanes, cx_v, cy_v, cz_v, col_v, frac_v, t_v)
    obase = (b * P + q * PPW) * C

    def fire(out_x, i):
        pltpu.make_async_copy(
            out_x, out_hbm.at[pl.ds(obase + i * CH * C, CH * C)], sem).start()

    def wait_one(out_x):
        pltpu.make_async_copy(
            out_hbm.at[pl.ds(0, CH * C)], out_x, sem).wait()

    def pair_body(ii, _):
        i0 = ii * 2

        @pl.when(ii >= 1)
        def _():
            wait_one(out_a)
        _interp_chunk(i0, *ch_args, out_a)
        fire(out_a, i0)

        @pl.when(ii >= 1)
        def _():
            wait_one(out_b)
        _interp_chunk(i0 + 1, *ch_args, out_b)
        fire(out_b, i0 + 1)
        return 0
    lax.fori_loop(0, (NCH - 1) // 2, pair_body, 0)

    wait_one(out_a)
    _interp_chunk(NCH - 1, *ch_args, out_a)
    fire(out_a, NCH - 1)
    wait_one(out_b)
    wait_one(out_a)


@functools.partial(jax.jit, static_argnames=())
def kernel(coords, idx, shape_code):
    mesh = plsc.VectorSubcoreMesh(core_axis_name="c", subcore_axis_name="s")
    run = pl.kernel(
        _sc_body,
        out_type=jax.ShapeDtypeStruct((B * P * C,), jnp.float32),
        mesh=mesh,
        scratch_types=[
            pltpu.VMEM((8, COLS), jnp.float32),
            pltpu.VMEM((COLS * TPAD,), jnp.float32),
            pltpu.VMEM((CBUF,), jnp.float32),
            pltpu.VMEM((CBUF,), jnp.float32),
            pltpu.VMEM((CBUF,), jnp.float32),
            pltpu.VMEM((IBUF,), jnp.int32),
            pltpu.VMEM((IBUF,), jnp.float32),
            pltpu.VMEM((CH * C,), jnp.float32),
            pltpu.VMEM((CH * C,), jnp.float32),
            pltpu.SemaphoreType.DMA,
        ],
        compiler_params=pltpu.CompilerParams(needs_layout_passes=False),
    )
    slices = pl.pallas_call(
        _tc_slice_body,
        grid_spec=pltpu.PrefetchScalarGridSpec(
            num_scalar_prefetch=1,
            grid=(B,),
            in_specs=[pl.BlockSpec((C, COLS), lambda b, idx_ref: (0, idx_ref[b]))],
            out_specs=pl.BlockSpec((1, C, COLS), lambda b, idx_ref: (b, 0, 0)),
        ),
        out_shape=jax.ShapeDtypeStruct((B, C, COLS), jnp.float32),
    )(idx.astype(jnp.int32), shape_code)
    c1 = coords.transpose(2, 0, 1).reshape(B * P * F)
    out = run(c1, slices)
    return out.reshape(B, P, C)

# --- scband reference (transcript-rebuilt; emitter-appended) ---
"""Pipeline reference for scband-opt-pos-enc-batch-51281909514407 (READ-ONLY COPY).

The authoritative reference and input builder live on the scoring server;
editing this copy changes nothing except your own understanding.
"""

import jax, jax.numpy as jnp
import numpy as np

IN_FEATURES = 3
CODE_NUM = 256
CODE_CHANNEL = 64
SHAPE_NUM = 256
BATCH = 8
PT_NUM = 20000


def setup_inputs(seed: int = 0):
    key = jax.random.key(seed)
    k1, k2, k3 = jax.random.split(key, 3)
    # coords in [0, 1): strictly inside [-1, 1] so all grid corners are in-range
    coords = jax.random.uniform(k1, (BATCH, PT_NUM, IN_FEATURES), dtype=jnp.float32)
    idx = jax.random.randint(k2, (BATCH,), 0, SHAPE_NUM, dtype=jnp.int32)
    # xavier_uniform init for the shape code table
    table_cols = SHAPE_NUM * IN_FEATURES * CODE_NUM
    limit = float(np.sqrt(6.0 / (CODE_CHANNEL + table_cols)))
    shape_code = jax.random.uniform(
        k3, (CODE_CHANNEL, table_cols), minval=-limit, maxval=limit, dtype=jnp.float32
    )
    return {"coords": coords, "idx": idx, "shape_code": shape_code}


def reference(coords, idx, shape_code):
    batch_size, pt_num = coords.shape[0], coords.shape[1]
    mask = jnp.array([[[[0.0, 1.0]]]], dtype=jnp.float32)            # [1,1,1,2]
    mul = jnp.array([[[[CODE_NUM * i] for i in range(IN_FEATURES)]]],
                    dtype=jnp.int32)                                   # [1,1,F,1]
    mul1 = (idx.astype(jnp.int32) * (CODE_NUM * IN_FEATURES)).reshape(-1, 1, 1, 1)
    coords = (coords + 1.0) * ((CODE_NUM - 1) / 2.0)                   # [B,P,F]
    corners = jax.lax.stop_gradient(jnp.floor(coords))                 # detach
    corners = corners[..., None] + mask                                # [B,P,F,2]
    coordsf = coords[..., None] - corners                              # [B,P,F,2]
    index = corners.astype(jnp.int32) + mul                            # [B,P,F,2]
    index = index + mul1                                               # add per-shape offset
    weights = 1.0 - jnp.abs(coordsf)                                   # [B,P,F,2]
    weights = weights[None]                                            # [1,B,P,F,2]
    coords_code = jnp.take(shape_code, index.reshape(-1), axis=1)      # [C, B*P*F*2]
    coords_code = coords_code.reshape(CODE_CHANNEL, batch_size, pt_num, IN_FEATURES, 2)
    output = jnp.sum(coords_code * weights, axis=(-2, -1))             # [C,B,P]
    output = jnp.transpose(output, (1, 2, 0))                          # [B,P,C]
    return output

if __name__ == "__main__":
    import jax
    _d = setup_inputs()
    print(jax.jit(kernel)(*tuple(_d.values())))

</pallas_src>

<mosaic_0001>
#map = affine_map<(d0, d1) -> (0)>
#map1 = affine_map<(d0, d1) -> (0, 0, 0)>
module attributes {stable_mosaic.version = 14 : i64} {
  func.func @_sc_body(%arg0: i32, %arg1: i32, %arg2: memref<480000xf32, #tpu.memory_space<hbm>>, %arg3: memref<8x64x768xf32, #tpu.memory_space<hbm>>, %arg4: memref<10240000xf32, #tpu.memory_space<hbm>>, %arg5: memref<8x768xf32, #tpu.memory_space<vmem>>, %arg6: memref<49920xf32, #tpu.memory_space<vmem>>, %arg7: memref<5008xf32, #tpu.memory_space<vmem>>, %arg8: memref<5008xf32, #tpu.memory_space<vmem>>, %arg9: memref<5008xf32, #tpu.memory_space<vmem>>, %arg10: memref<640xi32, #tpu.memory_space<vmem>>, %arg11: memref<640xf32, #tpu.memory_space<vmem>>, %arg12: memref<12800xf32, #tpu.memory_space<vmem>>, %arg13: memref<12800xf32, #tpu.memory_space<vmem>>, %arg14: memref<!tpu.dma_semaphore, #tpu.memory_space<semaphore_mem>>) attributes {dimension_semantics = [#tpu.dimension_semantics<core_parallel>, #tpu.dimension_semantics<subcore_parallel>], iteration_bounds = array<i64: 2, 16>, scalar_prefetch = 0 : i64, scratch_operands = 10 : i64, tpu.core_type = #tpu.core_type<sc_vector_subcore>, window_params = [{transform_indices = #map}, {transform_indices = #map1}, {transform_indices = #map}]} {
    %mul3A = arith.constant 2 : i32
    %mul3A_0 = arith.muli %arg1, %mul3A : i32
    %add3A = arith.addi %mul3A_0, %arg0 : i32
    %jit3A = arith.constant 4 : i32
    %div3A = arith.divsi %add3A, %jit3A : i32
    %sign3A = arith.constant 0 : i32
    %sign3A_1 = arith.cmpi sgt, %add3A, %sign3A : i32
    %sign3A_2 = arith.extui %sign3A_1 : i1 to i32
    %sign3A_3 = arith.constant 0 : i32
    %sign3A_4 = arith.cmpi slt, %add3A, %sign3A_3 : i32
    %sign3A_5 = arith.extui %sign3A_4 : i1 to i32
    %sign3A_6 = arith.subi %sign3A_2, %sign3A_5 : i32
    %sign3A_7 = arith.constant 0 : i32
    %sign3A_8 = arith.cmpi sgt, %jit3A, %sign3A_7 : i32
    %sign3A_9 = arith.extui %sign3A_8 : i1 to i32
    %sign3A_10 = arith.constant 0 : i32
    %sign3A_11 = arith.cmpi slt, %jit3A, %sign3A_10 : i32
    %sign3A_12 = arith.extui %sign3A_11 : i1 to i32
    %sign3A_13 = arith.subi %sign3A_9, %sign3A_12 : i32
    %ne3A = arith.cmpi ne, %sign3A_6, %sign3A_13 : i32
    %rem3A = arith.remsi %add3A, %jit3A : i32
    %ne3A_14 = arith.constant 0 : i32
    %ne3A_15 = arith.cmpi ne, %rem3A, %ne3A_14 : i32
    %and3A = arith.andi %ne3A, %ne3A_15 : i1
    %sub3A = arith.constant 1 : i32
    %sub3A_16 = arith.subi %div3A, %sub3A : i32
    %select_n3A = arith.select %and3A, %sub3A_16, %div3A : i32
    %mul3A_17 = arith.constant 4 : i32
    %mul3A_18 = arith.muli %select_n3A, %mul3A_17 : i32
    %sub3A_19 = arith.subi %add3A, %mul3A_18 : i32
    %iota3A = tpu.iota {dimensions = array<i32: 0>} : vector<16xi32>
    "tpu.region"() ({
      %run_scoped3A = tpu.sem_alloc : memref<!tpu.dma_semaphore, #tpu.memory_space<semaphore_mem>>
      %dma_start3A_128 = arith.constant 0 : i32
      %dma_start3A_129 = arith.constant 0 : i32
      %dma_start3A_130 = tpu.memref_slice %arg3[%select_n3A, %dma_start3A_128, %dma_start3A_129] : memref<8x64x768xf32, #tpu.memory_space<hbm>> -> memref<1x8x768xf32, #tpu.memory_space<hbm>>
      %dma_start3A_131 = tpu.memref_squeeze %dma_start3A_130 : memref<1x8x768xf32, #tpu.memory_space<hbm>> -> memref<8x768xf32, #tpu.memory_space<hbm>>
      %dma_start3A_132 = arith.constant 0 : i32
      %dma_start3A_133 = arith.constant 0 : i32
      %dma_start3A_134 = tpu.memref_slice %arg3[%select_n3A, %dma_start3A_132, %dma_start3A_133] : memref<8x64x768xf32, #tpu.memory_space<hbm>> -> memref<1x8x768xf32, #tpu.memory_space<hbm>>
      %dma_start3A_135 = tpu.memref_squeeze %dma_start3A_134 : memref<1x8x768xf32, #tpu.memory_space<hbm>> -> memref<8x768xf32, #tpu.memory_space<hbm>>
      tpu.enqueue_dma source(%dma_start3A_135 : memref<8x768xf32, #tpu.memory_space<hbm>>) target(%arg5 : memref<8x768xf32, #tpu.memory_space<vmem>>) target_semaphore(%run_scoped3A : memref<!tpu.dma_semaphore, #tpu.memory_space<semaphore_mem>>)
      %dma_wait3A_136 = arith.constant 0 : i32
      %dma_wait3A_137 = arith.constant 0 : i32
      %dma_wait3A_138 = tpu.memref_slice %arg3[%select_n3A, %dma_wait3A_136, %dma_wait3A_137] : memref<8x64x768xf32, #tpu.memory_space<hbm>> -> memref<1x8x768xf32, #tpu.memory_space<hbm>>
      %dma_wait3A_139 = tpu.memref_squeeze %dma_wait3A_138 : memref<1x8x768xf32, #tpu.memory_space<hbm>> -> memref<8x768xf32, #tpu.memory_space<hbm>>
      %dma_wait3A_140 = arith.constant 0 : i32
      %dma_wait3A_141 = arith.constant 0 : i32
      %dma_wait3A_142 = tpu.memref_slice %arg3[%select_n3A, %dma_wait3A_140, %dma_wait3A_141] : memref<8x64x768xf32, #tpu.memory_space<hbm>> -> memref<1x8x768xf32, #tpu.memory_space<hbm>>
      %dma_wait3A_143 = tpu.memref_squeeze %dma_wait3A_142 : memref<1x8x768xf32, #tpu.memory_space<hbm>> -> memref<8x768xf32, #tpu.memory_space<hbm>>
      tpu.wait_dma2 semaphore(%run_scoped3A : memref<!tpu.dma_semaphore, #tpu.memory_space<semaphore_mem>>) src(%dma_wait3A_143 : memref<8x768xf32, #tpu.memory_space<hbm>>) dst(%arg5 : memref<8x768xf32, #tpu.memory_space<vmem>>)
      tpu.yield
    }) : () -> ()
    %scan3A = arith.constant 0 : i32
    %scan3A_20 = arith.constant 0 : i32
    %scan3A_21 = arith.constant 48 : i32
    %scan3A_22 = arith.addi %scan3A_20, %scan3A_21 : i32
    %scan3A_23 = arith.constant 1 : i32
    %scan3A_24 = scf.for %scan3A_128 = %scan3A_20 to %scan3A_22 step %scan3A_23 iter_args(%scan3A_129 = %scan3A) -> (i32)  : i32 {
      %mul3A_130 = arith.constant 16 : i32
      %mul3A_131 = arith.muli %scan3A_128, %mul3A_130 : i32
      %add3A_132 = vector.broadcast %mul3A_131 : i32 to vector<16xi32>
      %add3A_133 = arith.addi %add3A_132, %iota3A : vector<16xi32>
      %mul3A_134 = arith.constant 65 : i32
      %mul3A_135 = vector.broadcast %mul3A_134 : i32 to vector<16xi32>
      %mul3A_136 = arith.muli %add3A_133, %mul3A_135 : vector<16xi32>
      %add3A_137 = arith.constant 0 : i32
      %add3A_138 = vector.broadcast %add3A_137 : i32 to vector<16xi32>
      %add3A_139 = arith.addi %mul3A_136, %add3A_138 : vector<16xi32>
      %mul3A_140 = arith.constant 16 : i32
      %mul3A_141 = arith.muli %scan3A_128, %mul3A_140 : i32
      %get3A = arith.constant 0 : i32
      %get3A_142 = arith.index_cast %get3A : i32 to index
      %get3A_143 = arith.index_cast %mul3A_141 : i32 to index
      %get3A_144 = tpu.vector_load %arg5[%get3A_142, %get3A_143] {strides = array<i32>} : memref<8x768xf32, #tpu.memory_space<vmem>>, vector<16xf32>,
      %add3A_145 = arith.constant 0 : i32
      %add3A_146 = vector.broadcast %add3A_145 : i32 to vector<16xi32>
      %add3A_147 = arith.addi %add3A_139, %add3A_146 : vector<16xi32>
      tpu.vector_store_idx %arg6[%add3A_147], %get3A_144 : memref<49920xf32, #tpu.memory_space<vmem>>[vector<16xi32>], vector<16xf32>,
      %mul3A_148 = arith.constant 16 : i32
      %mul3A_149 = arith.muli %scan3A_128, %mul3A_148 : i32
      %get3A_150 = arith.constant 1 : i32
      %get3A_151 = arith.index_cast %get3A_150 : i32 to index
      %get3A_152 = arith.index_cast %mul3A_149 : i32 to index
      %get3A_153 = tpu.vector_load %arg5[%get3A_151, %get3A_152] {strides = array<i32>} : memref<8x768xf32, #tpu.memory_space<vmem>>, vector<16xf32>,
      %add3A_154 = arith.constant 1 : i32
      %add3A_155 = vector.broadcast %add3A_154 : i32 to vector<16xi32>
      %add3A_156 = arith.addi %add3A_139, %add3A_155 : vector<16xi32>
      tpu.vector_store_idx %arg6[%add3A_156], %get3A_153 : memref<49920xf32, #tpu.memory_space<vmem>>[vector<16xi32>], vector<16xf32>,
      %mul3A_157 = arith.constant 16 : i32
      %mul3A_158 = arith.muli %scan3A_128, %mul3A_157 : i32
      %get3A_159 = arith.constant 2 : i32
      %get3A_160 = arith.index_cast %get3A_159 : i32 to index
      %get3A_161 = arith.index_cast %mul3A_158 : i32 to index
      %get3A_162 = tpu.vector_load %arg5[%get3A_160, %get3A_161] {strides = array<i32>} : memref<8x768xf32, #tpu.memory_space<vmem>>, vector<16xf32>,
      %add3A_163 = arith.constant 2 : i32
      %add3A_164 = vector.broadcast %add3A_163 : i32 to vector<16xi32>
      %add3A_165 = arith.addi %add3A_139, %add3A_164 : vector<16xi32>
      tpu.vector_store_idx %arg6[%add3A_165], %get3A_162 : memref<49920xf32, #tpu.memory_space<vmem>>[vector<16xi32>], vector<16xf32>,
      %mul3A_166 = arith.constant 16 : i32
      %mul3A_167 = arith.muli %scan3A_128, %mul3A_166 : i32
      %get3A_168 = arith.constant 3 : i32
      %get3A_169 = arith.index_cast %get3A_168 : i32 to index
      %get3A_170 = arith.index_cast %mul3A_167 : i32 to index
      %get3A_171 = tpu.vector_load %arg5[%get3A_169, %get3A_170] {strides = array<i32>} : memref<8x768xf32, #tpu.memory_space<vmem>>, vector<16xf32>,
      %add3A_172 = arith.constant 3 : i32
      %add3A_173 = vector.broadcast %add3A_172 : i32 to vector<16xi32>
      %add3A_174 = arith.addi %add3A_139, %add3A_173 : vector<16xi32>
      tpu.vector_store_idx %arg6[%add3A_174], %get3A_171 : memref<49920xf32, #tpu.memory_space<vmem>>[vector<16xi32>], vector<16xf32>,
      %mul3A_175 = arith.constant 16 : i32
      %mul3A_176 = arith.muli %scan3A_128, %mul3A_175 : i32
      %get3A_177 = arith.constant 4 : i32
      %get3A_178 = arith.index_cast %get3A_177 : i32 to index
      %get3A_179 = arith.index_cast %mul3A_176 : i32 to index
      %get3A_180 = tpu.vector_load %arg5[%get3A_178, %get3A_179] {strides = array<i32>} : memref<8x768xf32, #tpu.memory_space<vmem>>, vector<16xf32>,
      %add3A_181 = arith.constant 4 : i32
      %add3A_182 = vector.broadcast %add3A_181 : i32 to vector<16xi32>
      %add3A_183 = arith.addi %add3A_139, %add3A_182 : vector<16xi32>
      tpu.vector_store_idx %arg6[%add3A_183], %get3A_180 : memref<49920xf32, #tpu.memory_space<vmem>>[vector<16xi32>], vector<16xf32>,
      %mul3A_184 = arith.constant 16 : i32
      %mul3A_185 = arith.muli %scan3A_128, %mul3A_184 : i32
      %get3A_186 = arith.constant 5 : i32
      %get3A_187 = arith.index_cast %get3A_186 : i32 to index
      %get3A_188 = arith.index_cast %mul3A_185 : i32 to index
      %get3A_189 = tpu.vector_load %arg5[%get3A_187, %get3A_188] {strides = array<i32>} : memref<8x768xf32, #tpu.memory_space<vmem>>, vector<16xf32>,
      %add3A_190 = arith.constant 5 : i32
      %add3A_191 = vector.broadcast %add3A_190 : i32 to vector<16xi32>
      %add3A_192 = arith.addi %add3A_139, %add3A_191 : vector<16xi32>
      tpu.vector_store_idx %arg6[%add3A_192], %get3A_189 : memref<49920xf32, #tpu.memory_space<vmem>>[vector<16xi32>], vector<16xf32>,
      %mul3A_193 = arith.constant 16 : i32
      %mul3A_194 = arith.muli %scan3A_128, %mul3A_193 : i32
      %get3A_195 = arith.constant 6 : i32
      %get3A_196 = arith.index_cast %get3A_195 : i32 to index
      %get3A_197 = arith.index_cast %mul3A_194 : i32 to index
      %get3A_198 = tpu.vector_load %arg5[%get3A_196, %get3A_197] {strides = array<i32>} : memref<8x768xf32, #tpu.memory_space<vmem>>, vector<16xf32>,
      %add3A_199 = arith.constant 6 : i32
      %add3A_200 = vector.broadcast %add3A_199 : i32 to vector<16xi32>
      %add3A_201 = arith.addi %add3A_139, %add3A_200 : vector<16xi32>
      tpu.vector_store_idx %arg6[%add3A_201], %get3A_198 : memref<49920xf32, #tpu.memory_space<vmem>>[vector<16xi32>], vector<16xf32>,
      %mul3A_202 = arith.constant 16 : i32
      %mul3A_203 = arith.muli %scan3A_128, %mul3A_202 : i32
      %get3A_204 = arith.constant 7 : i32
      %get3A_205 = arith.index_cast %get3A_204 : i32 to index
      %get3A_206 = arith.index_cast %mul3A_203 : i32 to index
      %get3A_207 = tpu.vector_load %arg5[%get3A_205, %get3A_206] {strides = array<i32>} : memref<8x768xf32, #tpu.memory_space<vmem>>, vector<16xf32>,
      %add3A_208 = arith.constant 7 : i32
      %add3A_209 = vector.broadcast %add3A_208 : i32 to vector<16xi32>
      %add3A_210 = arith.addi %add3A_139, %add3A_209 : vector<16xi32>
      tpu.vector_store_idx %arg6[%add3A_210], %get3A_207 : memref<49920xf32, #tpu.memory_space<vmem>>[vector<16xi32>], vector<16xf32>,
      %scan3A_211 = arith.constant 0 : i32
      scf.yield %scan3A_211 : i32
    }
    %scan3A_25 = arith.constant 48 : i32
    "tpu.region"() ({
      %run_scoped3A = tpu.sem_alloc : memref<!tpu.dma_semaphore, #tpu.memory_space<semaphore_mem>>
      %dma_start3A_128 = arith.constant 8 : i32
      %dma_start3A_129 = arith.constant 0 : i32
      %dma_start3A_130 = tpu.memref_slice %arg3[%select_n3A, %dma_start3A_128, %dma_start3A_129] : memref<8x64x768xf32, #tpu.memory_space<hbm>> -> memref<1x8x768xf32, #tpu.memory_space<hbm>>
      %dma_start3A_131 = tpu.memref_squeeze %dma_start3A_130 : memref<1x8x768xf32, #tpu.memory_space<hbm>> -> memref<8x768xf32, #tpu.memory_space<hbm>>
      %dma_start3A_132 = arith.constant 8 : i32
      %dma_start3A_133 = arith.constant 0 : i32
      %dma_start3A_134 = tpu.memref_slice %arg3[%select_n3A, %dma_start3A_132, %dma_start3A_133] : memref<8x64x768xf32, #tpu.memory_space<hbm>> -> memref<1x8x768xf32, #tpu.memory_space<hbm>>
      %dma_start3A_135 = tpu.memref_squeeze %dma_start3A_134 : memref<1x8x768xf32, #tpu.memory_space<hbm>> -> memref<8x768xf32, #tpu.memory_space<hbm>>
      tpu.enqueue_dma source(%dma_start3A_135 : memref<8x768xf32, #tpu.memory_space<hbm>>) target(%arg5 : memref<8x768xf32, #tpu.memory_space<vmem>>) target_semaphore(%run_scoped3A : memref<!tpu.dma_semaphore, #tpu.memory_space<semaphore_mem>>)
      %dma_wait3A_136 = arith.constant 8 : i32
      %dma_wait3A_137 = arith.constant 0 : i32
      %dma_wait3A_138 = tpu.memref_slice %arg3[%select_n3A, %dma_wait3A_136, %dma_wait3A_137] : memref<8x64x768xf32, #tpu.memory_space<hbm>> -> memref<1x8x768xf32, #tpu.memory_space<hbm>>
      %dma_wait3A_139 = tpu.memref_squeeze %dma_wait3A_138 : memref<1x8x768xf32, #tpu.memory_space<hbm>> -> memref<8x768xf32, #tpu.memory_space<hbm>>
      %dma_wait3A_140 = arith.constant 8 : i32
      %dma_wait3A_141 = arith.constant 0 : i32
      %dma_wait3A_142 = tpu.memref_slice %arg3[%select_n3A, %dma_wait3A_140, %dma_wait3A_141] : memref<8x64x768xf32, #tpu.memory_space<hbm>> -> memref<1x8x768xf32, #tpu.memory_space<hbm>>
      %dma_wait3A_143 = tpu.memref_squeeze %dma_wait3A_142 : memref<1x8x768xf32, #tpu.memory_space<hbm>> -> memref<8x768xf32, #tpu.memory_space<hbm>>
      tpu.wait_dma2 semaphore(%run_scoped3A : memref<!tpu.dma_semaphore, #tpu.memory_space<semaphore_mem>>) src(%dma_wait3A_143 : memref<8x768xf32, #tpu.memory_space<hbm>>) dst(%arg5 : memref<8x768xf32, #tpu.memory_space<vmem>>)
      tpu.yield
    }) : () -> ()
    %scan3A_26 = arith.constant 0 : i32
    %scan3A_27 = arith.constant 0 : i32
    %scan3A_28 = arith.constant 48 : i32
    %scan3A_29 = arith.addi %scan3A_27, %scan3A_28 : i32
    %scan3A_30 = arith.constant 1 : i32
    %scan3A_31 = scf.for %scan3A_128 = %scan3A_27 to %scan3A_29 step %scan3A_30 iter_args(%scan3A_129 = %scan3A_26) -> (i32)  : i32 {
      %mul3A_130 = arith.constant 16 : i32
      %mul3A_131 = arith.muli %scan3A_128, %mul3A_130 : i32
      %add3A_132 = vector.broadcast %mul3A_131 : i32 to vector<16xi32>
      %add3A_133 = arith.addi %add3A_132, %iota3A : vector<16xi32>
      %mul3A_134 = arith.constant 65 : i32
      %mul3A_135 = vector.broadcast %mul3A_134 : i32 to vector<16xi32>
      %mul3A_136 = arith.muli %add3A_133, %mul3A_135 : vector<16xi32>
      %add3A_137 = arith.constant 8 : i32
      %add3A_138 = vector.broadcast %add3A_137 : i32 to vector<16xi32>
      %add3A_139 = arith.addi %mul3A_136, %add3A_138 : vector<16xi32>
      %mul3A_140 = arith.constant 16 : i32
      %mul3A_141 = arith.muli %scan3A_128, %mul3A_140 : i32
      %get3A = arith.constant 0 : i32
      %get3A_142 = arith.index_cast %get3A : i32 to index
      %get3A_143 = arith.index_cast %mul3A_141 : i32 to index
      %get3A_144 = tpu.vector_load %arg5[%get3A_142, %get3A_143] {strides = array<i32>} : memref<8x768xf32, #tpu.memory_space<vmem>>, vector<16xf32>,
      %add3A_145 = arith.constant 0 : i32
      %add3A_146 = vector.broadcast %add3A_145 : i32 to vector<16xi32>
      %add3A_147 = arith.addi %add3A_139, %add3A_146 : vector<16xi32>
      tpu.vector_store_idx %arg6[%add3A_147], %get3A_144 : memref<49920xf32, #tpu.memory_space<vmem>>[vector<16xi32>], vector<16xf32>,
      %mul3A_148 = arith.constant 16 : i32
      %mul3A_149 = arith.muli %scan3A_128, %mul3A_148 : i32
      %get3A_150 = arith.constant 1 : i32
      %get3A_151 = arith.index_cast %get3A_150 : i32 to index
      %get3A_152 = arith.index_cast %mul3A_149 : i32 to index
      %get3A_153 = tpu.vector_load %arg5[%get3A_151, %get3A_152] {strides = array<i32>} : memref<8x768xf32, #tpu.memory_space<vmem>>, vector<16xf32>,
      %add3A_154 = arith.constant 1 : i32
      %add3A_155 = vector.broadcast %add3A_154 : i32 to vector<16xi32>
      %add3A_156 = arith.addi %add3A_139, %add3A_155 : vector<16xi32>
      tpu.vector_store_idx %arg6[%add3A_156], %get3A_153 : memref<49920xf32, #tpu.memory_space<vmem>>[vector<16xi32>], vector<16xf32>,
      %mul3A_157 = arith.constant 16 : i32
      %mul3A_158 = arith.muli %scan3A_128, %mul3A_157 : i32
      %get3A_159 = arith.constant 2 : i32
      %get3A_160 = arith.index_cast %get3A_159 : i32 to index
      %get3A_161 = arith.index_cast %mul3A_158 : i32 to index
      %get3A_162 = tpu.vector_load %arg5[%get3A_160, %get3A_161] {strides = array<i32>} : memref<8x768xf32, #tpu.memory_space<vmem>>, vector<16xf32>,
      %add3A_163 = arith.constant 2 : i32
      %add3A_164 = vector.broadcast %add3A_163 : i32 to vector<16xi32>
      %add3A_165 = arith.addi %add3A_139, %add3A_164 : vector<16xi32>
      tpu.vector_store_idx %arg6[%add3A_165], %get3A_162 : memref<49920xf32, #tpu.memory_space<vmem>>[vector<16xi32>], vector<16xf32>,
      %mul3A_166 = arith.constant 16 : i32
      %mul3A_167 = arith.muli %scan3A_128, %mul3A_166 : i32
      %get3A_168 = arith.constant 3 : i32
      %get3A_169 = arith.index_cast %get3A_168 : i32 to index
      %get3A_170 = arith.index_cast %mul3A_167 : i32 to index
      %get3A_171 = tpu.vector_load %arg5[%get3A_169, %get3A_170] {strides = array<i32>} : memref<8x768xf32, #tpu.memory_space<vmem>>, vector<16xf32>,
      %add3A_172 = arith.constant 3 : i32
      %add3A_173 = vector.broadcast %add3A_172 : i32 to vector<16xi32>
      %add3A_174 = arith.addi %add3A_139, %add3A_173 : vector<16xi32>
      tpu.vector_store_idx %arg6[%add3A_174], %get3A_171 : memref<49920xf32, #tpu.memory_space<vmem>>[vector<16xi32>], vector<16xf32>,
      %mul3A_175 = arith.constant 16 : i32
      %mul3A_176 = arith.muli %scan3A_128, %mul3A_175 : i32
      %get3A_177 = arith.constant 4 : i32
      %get3A_178 = arith.index_cast %get3A_177 : i32 to index
      %get3A_179 = arith.index_cast %mul3A_176 : i32 to index
      %get3A_180 = tpu.vector_load %arg5[%get3A_178, %get3A_179] {strides = array<i32>} : memref<8x768xf32, #tpu.memory_space<vmem>>, vector<16xf32>,
      %add3A_181 = arith.constant 4 : i32
      %add3A_182 = vector.broadcast %add3A_181 : i32 to vector<16xi32>
      %add3A_183 = arith.addi %add3A_139, %add3A_182 : vector<16xi32>
      tpu.vector_store_idx %arg6[%add3A_183], %get3A_180 : memref<49920xf32, #tpu.memory_space<vmem>>[vector<16xi32>], vector<16xf32>,
      %mul3A_184 = arith.constant 16 : i32
      %mul3A_185 = arith.muli %scan3A_128, %mul3A_184 : i32
      %get3A_186 = arith.constant 5 : i32
      %get3A_187 = arith.index_cast %get3A_186 : i32 to index
      %get3A_188 = arith.index_cast %mul3A_185 : i32 to index
      %get3A_189 = tpu.vector_load %arg5[%get3A_187, %get3A_188] {strides = array<i32>} : memref<8x768xf32, #tpu.memory_space<vmem>>, vector<16xf32>,
      %add3A_190 = arith.constant 5 : i32
      %add3A_191 = vector.broadcast %add3A_190 : i32 to vector<16xi32>
      %add3A_192 = arith.addi %add3A_139, %add3A_191 : vector<16xi32>
      tpu.vector_store_idx %arg6[%add3A_192], %get3A_189 : memref<49920xf32, #tpu.memory_space<vmem>>[vector<16xi32>], vector<16xf32>,
      %mul3A_193 = arith.constant 16 : i32
      %mul3A_194 = arith.muli %scan3A_128, %mul3A_193 : i32
      %get3A_195 = arith.constant 6 : i32
      %get3A_196 = arith.index_cast %get3A_195 : i32 to index
      %get3A_197 = arith.index_cast %mul3A_194 : i32 to index
      %get3A_198 = tpu.vector_load %arg5[%get3A_196, %get3A_197] {strides = array<i32>} : memref<8x768xf32, #tpu.memory_space<vmem>>, vector<16xf32>,
      %add3A_199 = arith.constant 6 : i32
      %add3A_200 = vector.broadcast %add3A_199 : i32 to vector<16xi32>
      %add3A_201 = arith.addi %add3A_139, %add3A_200 : vector<16xi32>
      tpu.vector_store_idx %arg6[%add3A_201], %get3A_198 : memref<49920xf32, #tpu.memory_space<vmem>>[vector<16xi32>], vector<16xf32>,
      %mul3A_202 = arith.constant 16 : i32
      %mul3A_203 = arith.muli %scan3A_128, %mul3A_202 : i32
      %get3A_204 = arith.constant 7 : i32
      %get3A_205 = arith.index_cast %get3A_204 : i32 to index
      %get3A_206 = arith.index_cast %mul3A_203 : i32 to index
      %get3A_207 = tpu.vector_load %arg5[%get3A_205, %get3A_206] {strides = array<i32>} : memref<8x768xf32, #tpu.memory_space<vmem>>, vector<16xf32>,
      %add3A_208 = arith.constant 7 : i32
      %add3A_209 = vector.broadcast %add3A_208 : i32 to vector<16xi32>
      %add3A_210 = arith.addi %add3A_139, %add3A_209 : vector<16xi32>
      tpu.vector_store_idx %arg6[%add3A_210], %get3A_207 : memref<49920xf32, #tpu.memory_space<vmem>>[vector<16xi32>], vector<16xf32>,
      %scan3A_211 = arith.constant 0 : i32
      scf.yield %scan3A_211 : i32
    }
    %scan3A_32 = arith.constant 48 : i32
    "tpu.region"() ({
      %run_scoped3A = tpu.sem_alloc : memref<!tpu.dma_semaphore, #tpu.memory_space<semaphore_mem>>
      %dma_start3A_128 = arith.constant 16 : i32
      %dma_start3A_129 = arith.constant 0 : i32
      %dma_start3A_130 = tpu.memref_slice %arg3[%select_n3A, %dma_start3A_128, %dma_start3A_129] : memref<8x64x768xf32, #tpu.memory_space<hbm>> -> memref<1x8x768xf32, #tpu.memory_space<hbm>>
      %dma_start3A_131 = tpu.memref_squeeze %dma_start3A_130 : memref<1x8x768xf32, #tpu.memory_space<hbm>> -> memref<8x768xf32, #tpu.memory_space<hbm>>
      %dma_start3A_132 = arith.constant 16 : i32
      %dma_start3A_133 = arith.constant 0 : i32
      %dma_start3A_134 = tpu.memref_slice %arg3[%select_n3A, %dma_start3A_132, %dma_start3A_133] : memref<8x64x768xf32, #tpu.memory_space<hbm>> -> memref<1x8x768xf32, #tpu.memory_space<hbm>>
      %dma_start3A_135 = tpu.memref_squeeze %dma_start3A_134 : memref<1x8x768xf32, #tpu.memory_space<hbm>> -> memref<8x768xf32, #tpu.memory_space<hbm>>
      tpu.enqueue_dma source(%dma_start3A_135 : memref<8x768xf32, #tpu.memory_space<hbm>>) target(%arg5 : memref<8x768xf32, #tpu.memory_space<vmem>>) target_semaphore(%run_scoped3A : memref<!tpu.dma_semaphore, #tpu.memory_space<semaphore_mem>>)
      %dma_wait3A_136 = arith.constant 16 : i32
      %dma_wait3A_137 = arith.constant 0 : i32
      %dma_wait3A_138 = tpu.memref_slice %arg3[%select_n3A, %dma_wait3A_136, %dma_wait3A_137] : memref<8x64x768xf32, #tpu.memory_space<hbm>> -> memref<1x8x768xf32, #tpu.memory_space<hbm>>
      %dma_wait3A_139 = tpu.memref_squeeze %dma_wait3A_138 : memref<1x8x768xf32, #tpu.memory_space<hbm>> -> memref<8x768xf32, #tpu.memory_space<hbm>>
      %dma_wait3A_140 = arith.constant 16 : i32
      %dma_wait3A_141 = arith.constant 0 : i32
      %dma_wait3A_142 = tpu.memref_slice %arg3[%select_n3A, %dma_wait3A_140, %dma_wait3A_141] : memref<8x64x768xf32, #tpu.memory_space<hbm>> -> memref<1x8x768xf32, #tpu.memory_space<hbm>>
      %dma_wait3A_143 = tpu.memref_squeeze %dma_wait3A_142 : memref<1x8x768xf32, #tpu.memory_space<hbm>> -> memref<8x768xf32, #tpu.memory_space<hbm>>
      tpu.wait_dma2 semaphore(%run_scoped3A : memref<!tpu.dma_semaphore, #tpu.memory_space<semaphore_mem>>) src(%dma_wait3A_143 : memref<8x768xf32, #tpu.memory_space<hbm>>) dst(%arg5 : memref<8x768xf32, #tpu.memory_space<vmem>>)
      tpu.yield
    }) : () -> ()
    %scan3A_33 = arith.constant 0 : i32
    %scan3A_34 = arith.constant 0 : i32
    %scan3A_35 = arith.constant 48 : i32
    %scan3A_36 = arith.addi %scan3A_34, %scan3A_35 : i32
    %scan3A_37 = arith.constant 1 : i32
    %scan3A_38 = scf.for %scan3A_128 = %scan3A_34 to %scan3A_36 step %scan3A_37 iter_args(%scan3A_129 = %scan3A_33) -> (i32)  : i32 {
      %mul3A_130 = arith.constant 16 : i32
      %mul3A_131 = arith.muli %scan3A_128, %mul3A_130 : i32
      %add3A_132 = vector.broadcast %mul3A_131 : i32 to vector<16xi32>
      %add3A_133 = arith.addi %add3A_132, %iota3A : vector<16xi32>
      %mul3A_134 = arith.constant 65 : i32
      %mul3A_135 = vector.broadcast %mul3A_134 : i32 to vector<16xi32>
      %mul3A_136 = arith.muli %add3A_133, %mul3A_135 : vector<16xi32>
      %add3A_137 = arith.constant 16 : i32
      %add3A_138 = vector.broadcast %add3A_137 : i32 to vector<16xi32>
      %add3A_139 = arith.addi %mul3A_136, %add3A_138 : vector<16xi32>
      %mul3A_140 = arith.constant 16 : i32
      %mul3A_141 = arith.muli %scan3A_128, %mul3A_140 : i32
      %get3A = arith.constant 0 : i32
      %get3A_142 = arith.index_cast %get3A : i32 to index
      %get3A_143 = arith.index_cast %mul3A_141 : i32 to index
      %get3A_144 = tpu.vector_load %arg5[%get3A_142, %get3A_143] {strides = array<i32>} : memref<8x768xf32, #tpu.memory_space<vmem>>, vector<16xf32>,
      %add3A_145 = arith.constant 0 : i32
      %add3A_146 = vector.broadcast %add3A_145 : i32 to vector<16xi32>
      %add3A_147 = arith.addi %add3A_139, %add3A_146 : vector<16xi32>
      tpu.vector_store_idx %arg6[%add3A_147], %get3A_144 : memref<49920xf32, #tpu.memory_space<vmem>>[vector<16xi32>], vector<16xf32>,
      %mul3A_148 = arith.constant 16 : i32
      %mul3A_149 = arith.muli %scan3A_128, %mul3A_148 : i32
      %get3A_150 = arith.constant 1 : i32
      %get3A_151 = arith.index_cast %get3A_150 : i32 to index
      %get3A_152 = arith.index_cast %mul3A_149 : i32 to index
      %get3A_153 = tpu.vector_load %arg5[%get3A_151, %get3A_152] {strides = array<i32>} : memref<8x768xf32, #tpu.memory_space<vmem>>, vector<16xf32>,
      %add3A_154 = arith.constant 1 : i32
      %add3A_155 = vector.broadcast %add3A_154 : i32 to vector<16xi32>
      %add3A_156 = arith.addi %add3A_139, %add3A_155 : vector<16xi32>
      tpu.vector_store_idx %arg6[%add3A_156], %get3A_153 : memref<49920xf32, #tpu.memory_space<vmem>>[vector<16xi32>], vector<16xf32>,
      %mul3A_157 = arith.constant 16 : i32
      %mul3A_158 = arith.muli %scan3A_128, %mul3A_157 : i32
      %get3A_159 = arith.constant 2 : i32
      %get3A_160 = arith.index_cast %get3A_159 : i32 to index
      %get3A_161 = arith.index_cast %mul3A_158 : i32 to index
      %get3A_162 = tpu.vector_load %arg5[%get3A_160, %get3A_161] {strides = array<i32>} : memref<8x768xf32, #tpu.memory_space<vmem>>, vector<16xf32>,
      %add3A_163 = arith.constant 2 : i32
      %add3A_164 = vector.broadcast %add3A_163 : i32 to vector<16xi32>
      %add3A_165 = arith.addi %add3A_139, %add3A_164 : vector<16xi32>
      tpu.vector_store_idx %arg6[%add3A_165], %get3A_162 : memref<49920xf32, #tpu.memory_space<vmem>>[vector<16xi32>], vector<16xf32>,
      %mul3A_166 = arith.constant 16 : i32
      %mul3A_167 = arith.muli %scan3A_128, %mul3A_166 : i32
      %get3A_168 = arith.constant 3 : i32
      %get3A_169 = arith.index_cast %get3A_168 : i32 to index
      %get3A_170 = arith.index_cast %mul3A_167 : i32 to index
      %get3A_171 = tpu.vector_load %arg5[%get3A_169, %get3A_170] {strides = array<i32>} : memref<8x768xf32, #tpu.memory_space<vmem>>, vector<16xf32>,
      %add3A_172 = arith.constant 3 : i32
      %add3A_173 = vector.broadcast %add3A_172 : i32 to vector<16xi32>
      %add3A_174 = arith.addi %add3A_139, %add3A_173 : vector<16xi32>
      tpu.vector_store_idx %arg6[%add3A_174], %get3A_171 : memref<49920xf32, #tpu.memory_space<vmem>>[vector<16xi32>], vector<16xf32>,
      %mul3A_175 = arith.constant 16 : i32
      %mul3A_176 = arith.muli %scan3A_128, %mul3A_175 : i32
      %get3A_177 = arith.constant 4 : i32
      %get3A_178 = arith.index_cast %get3A_177 : i32 to index
      %get3A_179 = arith.index_cast %mul3A_176 : i32 to index
      %get3A_180 = tpu.vector_load %arg5[%get3A_178, %get3A_179] {strides = array<i32>} : memref<8x768xf32, #tpu.memory_space<vmem>>, vector<16xf32>,
      %add3A_181 = arith.constant 4 : i32
      %add3A_182 = vector.broadcast %add3A_181 : i32 to vector<16xi32>
      %add3A_183 = arith.addi %add3A_139, %add3A_182 : vector<16xi32>
      tpu.vector_store_idx %arg6[%add3A_183], %get3A_180 : memref<49920xf32, #tpu.memory_space<vmem>>[vector<16xi32>], vector<16xf32>,
      %mul3A_184 = arith.constant 16 : i32
      %mul3A_185 = arith.muli %scan3A_128, %mul3A_184 : i32
      %get3A_186 = arith.constant 5 : i32
      %get3A_187 = arith.index_cast %get3A_186 : i32 to index
      %get3A_188 = arith.index_cast %mul3A_185 : i32 to index
      %get3A_189 = tpu.vector_load %arg5[%get3A_187, %get3A_188] {strides = array<i32>} : memref<8x768xf32, #tpu.memory_space<vmem>>, vector<16xf32>,
      %add3A_190 = arith.constant 5 : i32
      %add3A_191 = vector.broadcast %add3A_190 : i32 to vector<16xi32>
      %add3A_192 = arith.addi %add3A_139, %add3A_191 : vector<16xi32>
      tpu.vector_store_idx %arg6[%add3A_192], %get3A_189 : memref<49920xf32, #tpu.memory_space<vmem>>[vector<16xi32>], vector<16xf32>,
      %mul3A_193 = arith.constant 16 : i32
      %mul3A_194 = arith.muli %scan3A_128, %mul3A_193 : i32
      %get3A_195 = arith.constant 6 : i32
      %get3A_196 = arith.index_cast %get3A_195 : i32 to index
      %get3A_197 = arith.index_cast %mul3A_194 : i32 to index
      %get3A_198 = tpu.vector_load %arg5[%get3A_196, %get3A_197] {strides = array<i32>} : memref<8x768xf32, #tpu.memory_space<vmem>>, vector<16xf32>,
      %add3A_199 = arith.constant 6 : i32
      %add3A_200 = vector.broadcast %add3A_199 : i32 to vector<16xi32>
      %add3A_201 = arith.addi %add3A_139, %add3A_200 : vector<16xi32>
      tpu.vector_store_idx %arg6[%add3A_201], %get3A_198 : memref<49920xf32, #tpu.memory_space<vmem>>[vector<16xi32>], vector<16xf32>,
      %mul3A_202 = arith.constant 16 : i32
      %mul3A_203 = arith.muli %scan3A_128, %mul3A_202 : i32
      %get3A_204 = arith.constant 7 : i32
      %get3A_205 = arith.index_cast %get3A_204 : i32 to index
      %get3A_206 = arith.index_cast %mul3A_203 : i32 to index
      %get3A_207 = tpu.vector_load %arg5[%get3A_205, %get3A_206] {strides = array<i32>} : memref<8x768xf32, #tpu.memory_space<vmem>>, vector<16xf32>,
      %add3A_208 = arith.constant 7 : i32
      %add3A_209 = vector.broadcast %add3A_208 : i32 to vector<16xi32>
      %add3A_210 = arith.addi %add3A_139, %add3A_209 : vector<16xi32>
      tpu.vector_store_idx %arg6[%add3A_210], %get3A_207 : memref<49920xf32, #tpu.memory_space<vmem>>[vector<16xi32>], vector<16xf32>,
      %scan3A_211 = arith.constant 0 : i32
      scf.yield %scan3A_211 : i32
    }
    %scan3A_39 = arith.constant 48 : i32
    "tpu.region"() ({
      %run_scoped3A = tpu.sem_alloc : memref<!tpu.dma_semaphore, #tpu.memory_space<semaphore_mem>>
      %dma_start3A_128 = arith.constant 24 : i32
      %dma_start3A_129 = arith.constant 0 : i32
      %dma_start3A_130 = tpu.memref_slice %arg3[%select_n3A, %dma_start3A_128, %dma_start3A_129] : memref<8x64x768xf32, #tpu.memory_space<hbm>> -> memref<1x8x768xf32, #tpu.memory_space<hbm>>
      %dma_start3A_131 = tpu.memref_squeeze %dma_start3A_130 : memref<1x8x768xf32, #tpu.memory_space<hbm>> -> memref<8x768xf32, #tpu.memory_space<hbm>>
      %dma_start3A_132 = arith.constant 24 : i32
      %dma_start3A_133 = arith.constant 0 : i32
      %dma_start3A_134 = tpu.memref_slice %arg3[%select_n3A, %dma_start3A_132, %dma_start3A_133] : memref<8x64x768xf32, #tpu.memory_space<hbm>> -> memref<1x8x768xf32, #tpu.memory_space<hbm>>
      %dma_start3A_135 = tpu.memref_squeeze %dma_start3A_134 : memref<1x8x768xf32, #tpu.memory_space<hbm>> -> memref<8x768xf32, #tpu.memory_space<hbm>>
      tpu.enqueue_dma source(%dma_start3A_135 : memref<8x768xf32, #tpu.memory_space<hbm>>) target(%arg5 : memref<8x768xf32, #tpu.memory_space<vmem>>) target_semaphore(%run_scoped3A : memref<!tpu.dma_semaphore, #tpu.memory_space<semaphore_mem>>)
      %dma_wait3A_136 = arith.constant 24 : i32
      %dma_wait3A_137 = arith.constant 0 : i32
      %dma_wait3A_138 = tpu.memref_slice %arg3[%select_n3A, %dma_wait3A_136, %dma_wait3A_137] : memref<8x64x768xf32, #tpu.memory_space<hbm>> -> memref<1x8x768xf32, #tpu.memory_space<hbm>>
      %dma_wait3A_139 = tpu.memref_squeeze %dma_wait3A_138 : memref<1x8x768xf32, #tpu.memory_space<hbm>> -> memref<8x768xf32, #tpu.memory_space<hbm>>
      %dma_wait3A_140 = arith.constant 24 : i32
      %dma_wait3A_141 = arith.constant 0 : i32
      %dma_wait3A_142 = tpu.memref_slice %arg3[%select_n3A, %dma_wait3A_140, %dma_wait3A_141] : memref<8x64x768xf32, #tpu.memory_space<hbm>> -> memref<1x8x768xf32, #tpu.memory_space<hbm>>
      %dma_wait3A_143 = tpu.memref_squeeze %dma_wait3A_142 : memref<1x8x768xf32, #tpu.memory_space<hbm>> -> memref<8x768xf32, #tpu.memory_space<hbm>>
      tpu.wait_dma2 semaphore(%run_scoped3A : memref<!tpu.dma_semaphore, #tpu.memory_space<semaphore_mem>>) src(%dma_wait3A_143 : memref<8x768xf32, #tpu.memory_space<hbm>>) dst(%arg5 : memref<8x768xf32, #tpu.memory_space<vmem>>)
      tpu.yield
    }) : () -> ()
    %scan3A_40 = arith.constant 0 : i32
    %scan3A_41 = arith.constant 0 : i32
    %scan3A_42 = arith.constant 48 : i32
    %scan3A_43 = arith.addi %scan3A_41, %scan3A_42 : i32
    %scan3A_44 = arith.constant 1 : i32
    %scan3A_45 = scf.for %scan3A_128 = %scan3A_41 to %scan3A_43 step %scan3A_44 iter_args(%scan3A_129 = %scan3A_40) -> (i32)  : i32 {
      %mul3A_130 = arith.constant 16 : i32
      %mul3A_131 = arith.muli %scan3A_128, %mul3A_130 : i32
      %add3A_132 = vector.broadcast %mul3A_131 : i32 to vector<16xi32>
      %add3A_133 = arith.addi %add3A_132, %iota3A : vector<16xi32>
      %mul3A_134 = arith.constant 65 : i32
      %mul3A_135 = vector.broadcast %mul3A_134 : i32 to vector<16xi32>
      %mul3A_136 = arith.muli %add3A_133, %mul3A_135 : vector<16xi32>
      %add3A_137 = arith.constant 24 : i32
      %add3A_138 = vector.broadcast %add3A_137 : i32 to vector<16xi32>
      %add3A_139 = arith.addi %mul3A_136, %add3A_138 : vector<16xi32>
      %mul3A_140 = arith.constant 16 : i32
      %mul3A_141 = arith.muli %scan3A_128, %mul3A_140 : i32
      %get3A = arith.constant 0 : i32
      %get3A_142 = arith.index_cast %get3A : i32 to index
      %get3A_143 = arith.index_cast %mul3A_141 : i32 to index
      %get3A_144 = tpu.vector_load %arg5[%get3A_142, %get3A_143] {strides = array<i32>} : memref<8x768xf32, #tpu.memory_space<vmem>>, vector<16xf32>,
      %add3A_145 = arith.constant 0 : i32
      %add3A_146 = vector.broadcast %add3A_145 : i32 to vector<16xi32>
      %add3A_147 = arith.addi %add3A_139, %add3A_146 : vector<16xi32>
      tpu.vector_store_idx %arg6[%add3A_147], %get3A_144 : memref<49920xf32, #tpu.memory_space<vmem>>[vector<16xi32>], vector<16xf32>,
      %mul3A_148 = arith.constant 16 : i32
      %mul3A_149 = arith.muli %scan3A_128, %mul3A_148 : i32
      %get3A_150 = arith.constant 1 : i32
      %get3A_151 = arith.index_cast %get3A_150 : i32 to index
      %get3A_152 = arith.index_cast %mul3A_149 : i32 to index
      %get3A_153 = tpu.vector_load %arg5[%get3A_151, %get3A_152] {strides = array<i32>} : memref<8x768xf32, #tpu.memory_space<vmem>>, vector<16xf32>,
      %add3A_154 = arith.constant 1 : i32
      %add3A_155 = vector.broadcast %add3A_154 : i32 to vector<16xi32>
      %add3A_156 = arith.addi %add3A_139, %add3A_155 : vector<16xi32>
      tpu.vector_store_idx %arg6[%add3A_156], %get3A_153 : memref<49920xf32, #tpu.memory_space<vmem>>[vector<16xi32>], vector<16xf32>,
      %mul3A_157 = arith.constant 16 : i32
      %mul3A_158 = arith.muli %scan3A_128, %mul3A_157 : i32
      %get3A_159 = arith.constant 2 : i32
      %get3A_160 = arith.index_cast %get3A_159 : i32 to index
      %get3A_161 = arith.index_cast %mul3A_158 : i32 to index
      %get3A_162 = tpu.vector_load %arg5[%get3A_160, %get3A_161] {strides = array<i32>} : memref<8x768xf32, #tpu.memory_space<vmem>>, vector<16xf32>,
      %add3A_163 = arith.constant 2 : i32
      %add3A_164 = vector.broadcast %add3A_163 : i32 to vector<16xi32>
      %add3A_165 = arith.addi %add3A_139, %add3A_164 : vector<16xi32>
      tpu.vector_store_idx %arg6[%add3A_165], %get3A_162 : memref<49920xf32, #tpu.memory_space<vmem>>[vector<16xi32>], vector<16xf32>,
      %mul3A_166 = arith.constant 16 : i32
      %mul3A_167 = arith.muli %scan3A_128, %mul3A_166 : i32
      %get3A_168 = arith.constant 3 : i32
      %get3A_169 = arith.index_cast %get3A_168 : i32 to index
      %get3A_170 = arith.index_cast %mul3A_167 : i32 to index
      %get3A_171 = tpu.vector_load %arg5[%get3A_169, %get3A_170] {strides = array<i32>} : memref<8x768xf32, #tpu.memory_space<vmem>>, vector<16xf32>,
      %add3A_172 = arith.constant 3 : i32
      %add3A_173 = vector.broadcast %add3A_172 : i32 to vector<16xi32>
      %add3A_174 = arith.addi %add3A_139, %add3A_173 : vector<16xi32>
      tpu.vector_store_idx %arg6[%add3A_174], %get3A_171 : memref<49920xf32, #tpu.memory_space<vmem>>[vector<16xi32>], vector<16xf32>,
      %mul3A_175 = arith.constant 16 : i32
      %mul3A_176 = arith.muli %scan3A_128, %mul3A_175 : i32
      %get3A_177 = arith.constant 4 : i32
      %get3A_178 = arith.index_cast %get3A_177 : i32 to index
      %get3A_179 = arith.index_cast %mul3A_176 : i32 to index
      %get3A_180 = tpu.vector_load %arg5[%get3A_178, %get3A_179] {strides = array<i32>} : memref<8x768xf32, #tpu.memory_space<vmem>>, vector<16xf32>,
      %add3A_181 = arith.constant 4 : i32
      %add3A_182 = vector.broadcast %add3A_181 : i32 to vector<16xi32>
      %add3A_183 = arith.addi %add3A_139, %add3A_182 : vector<16xi32>
      tpu.vector_store_idx %arg6[%add3A_183], %get3A_180 : memref<49920xf32, #tpu.memory_space<vmem>>[vector<16xi32>], vector<16xf32>,
      %mul3A_184 = arith.constant 16 : i32
      %mul3A_185 = arith.muli %scan3A_128, %mul3A_184 : i32
      %get3A_186 = arith.constant 5 : i32
      %get3A_187 = arith.index_cast %get3A_186 : i32 to index
      %get3A_188 = arith.index_cast %mul3A_185 : i32 to index
      %get3A_189 = tpu.vector_load %arg5[%get3A_187, %get3A_188] {strides = array<i32>} : memref<8x768xf32, #tpu.memory_space<vmem>>, vector<16xf32>,
      %add3A_190 = arith.constant 5 : i32
      %add3A_191 = vector.broadcast %add3A_190 : i32 to vector<16xi32>
      %add3A_192 = arith.addi %add3A_139, %add3A_191 : vector<16xi32>
      tpu.vector_store_idx %arg6[%add3A_192], %get3A_189 : memref<49920xf32, #tpu.memory_space<vmem>>[vector<16xi32>], vector<16xf32>,
      %mul3A_193 = arith.constant 16 : i32
      %mul3A_194 = arith.muli %scan3A_128, %mul3A_193 : i32
      %get3A_195 = arith.constant 6 : i32
      %get3A_196 = arith.index_cast %get3A_195 : i32 to index
      %get3A_197 = arith.index_cast %mul3A_194 : i32 to index
      %get3A_198 = tpu.vector_load %arg5[%get3A_196, %get3A_197] {strides = array<i32>} : memref<8x768xf32, #tpu.memory_space<vmem>>, vector<16xf32>,
      %add3A_199 = arith.constant 6 : i32
      %add3A_200 = vector.broadcast %add3A_199 : i32 to vector<16xi32>
      %add3A_201 = arith.addi %add3A_139, %add3A_200 : vector<16xi32>
      tpu.vector_store_idx %arg6[%add3A_201], %get3A_198 : memref<49920xf32, #tpu.memory_space<vmem>>[vector<16xi32>], vector<16xf32>,
      %mul3A_202 = arith.constant 16 : i32
      %mul3A_203 = arith.muli %scan3A_128, %mul3A_202 : i32
      %get3A_204 = arith.constant 7 : i32
      %get3A_205 = arith.index_cast %get3A_204 : i32 to index
      %get3A_206 = arith.index_cast %mul3A_203 : i32 to index
      %get3A_207 = tpu.vector_load %arg5[%get3A_205, %get3A_206] {strides = array<i32>} : memref<8x768xf32, #tpu.memory_space<vmem>>, vector<16xf32>,
      %add3A_208 = arith.constant 7 : i32
      %add3A_209 = vector.broadcast %add3A_208 : i32 to vector<16xi32>
      %add3A_210 = arith.addi %add3A_139, %add3A_209 : vector<16xi32>
      tpu.vector_store_idx %arg6[%add3A_210], %get3A_207 : memref<49920xf32, #tpu.memory_space<vmem>>[vector<16xi32>], vector<16xf32>,
      %scan3A_211 = arith.constant 0 : i32
      scf.yield %scan3A_211 : i32
    }
    %scan3A_46 = arith.constant 48 : i32
    "tpu.region"() ({
      %run_scoped3A = tpu.sem_alloc : memref<!tpu.dma_semaphore, #tpu.memory_space<semaphore_mem>>
      %dma_start3A_128 = arith.constant 32 : i32
      %dma_start3A_129 = arith.constant 0 : i32
      %dma_start3A_130 = tpu.memref_slice %arg3[%select_n3A, %dma_start3A_128, %dma_start3A_129] : memref<8x64x768xf32, #tpu.memory_space<hbm>> -> memref<1x8x768xf32, #tpu.memory_space<hbm>>
      %dma_start3A_131 = tpu.memref_squeeze %dma_start3A_130 : memref<1x8x768xf32, #tpu.memory_space<hbm>> -> memref<8x768xf32, #tpu.memory_space<hbm>>
      %dma_start3A_132 = arith.constant 32 : i32
      %dma_start3A_133 = arith.constant 0 : i32
      %dma_start3A_134 = tpu.memref_slice %arg3[%select_n3A, %dma_start3A_132, %dma_start3A_133] : memref<8x64x768xf32, #tpu.memory_space<hbm>> -> memref<1x8x768xf32, #tpu.memory_space<hbm>>
      %dma_start3A_135 = tpu.memref_squeeze %dma_start3A_134 : memref<1x8x768xf32, #tpu.memory_space<hbm>> -> memref<8x768xf32, #tpu.memory_space<hbm>>
      tpu.enqueue_dma source(%dma_start3A_135 : memref<8x768xf32, #tpu.memory_space<hbm>>) target(%arg5 : memref<8x768xf32, #tpu.memory_space<vmem>>) target_semaphore(%run_scoped3A : memref<!tpu.dma_semaphore, #tpu.memory_space<semaphore_mem>>)
      %dma_wait3A_136 = arith.constant 32 : i32
      %dma_wait3A_137 = arith.constant 0 : i32
      %dma_wait3A_138 = tpu.memref_slice %arg3[%select_n3A, %dma_wait3A_136, %dma_wait3A_137] : memref<8x64x768xf32, #tpu.memory_space<hbm>> -> memref<1x8x768xf32, #tpu.memory_space<hbm>>
      %dma_wait3A_139 = tpu.memref_squeeze %dma_wait3A_138 : memref<1x8x768xf32, #tpu.memory_space<hbm>> -> memref<8x768xf32, #tpu.memory_space<hbm>>
      %dma_wait3A_140 = arith.constant 32 : i32
      %dma_wait3A_141 = arith.constant 0 : i32
      %dma_wait3A_142 = tpu.memref_slice %arg3[%select_n3A, %dma_wait3A_140, %dma_wait3A_141] : memref<8x64x768xf32, #tpu.memory_space<hbm>> -> memref<1x8x768xf32, #tpu.memory_space<hbm>>
      %dma_wait3A_143 = tpu.memref_squeeze %dma_wait3A_142 : memref<1x8x768xf32, #tpu.memory_space<hbm>> -> memref<8x768xf32, #tpu.memory_space<hbm>>
      tpu.wait_dma2 semaphore(%run_scoped3A : memref<!tpu.dma_semaphore, #tpu.memory_space<semaphore_mem>>) src(%dma_wait3A_143 : memref<8x768xf32, #tpu.memory_space<hbm>>) dst(%arg5 : memref<8x768xf32, #tpu.memory_space<vmem>>)
      tpu.yield
    }) : () -> ()
    %scan3A_47 = arith.constant 0 : i32
    %scan3A_48 = arith.constant 0 : i32
    %scan3A_49 = arith.constant 48 : i32
    %scan3A_50 = arith.addi %scan3A_48, %scan3A_49 : i32
    %scan3A_51 = arith.constant 1 : i32
    %scan3A_52 = scf.for %scan3A_128 = %scan3A_48 to %scan3A_50 step %scan3A_51 iter_args(%scan3A_129 = %scan3A_47) -> (i32)  : i32 {
      %mul3A_130 = arith.constant 16 : i32
      %mul3A_131 = arith.muli %scan3A_128, %mul3A_130 : i32
      %add3A_132 = vector.broadcast %mul3A_131 : i32 to vector<16xi32>
      %add3A_133 = arith.addi %add3A_132, %iota3A : vector<16xi32>
      %mul3A_134 = arith.constant 65 : i32
      %mul3A_135 = vector.broadcast %mul3A_134 : i32 to vector<16xi32>
      %mul3A_136 = arith.muli %add3A_133, %mul3A_135 : vector<16xi32>
      %add3A_137 = arith.constant 32 : i32
      %add3A_138 = vector.broadcast %add3A_137 : i32 to vector<16xi32>
      %add3A_139 = arith.addi %mul3A_136, %add3A_138 : vector<16xi32>
      %mul3A_140 = arith.constant 16 : i32
      %mul3A_141 = arith.muli %scan3A_128, %mul3A_140 : i32
      %get3A = arith.constant 0 : i32
      %get3A_142 = arith.index_cast %get3A : i32 to index
      %get3A_143 = arith.index_cast %mul3A_141 : i32 to index
      %get3A_144 = tpu.vector_load %arg5[%get3A_142, %get3A_143] {strides = array<i32>} : memref<8x768xf32, #tpu.memory_space<vmem>>, vector<16xf32>,
      %add3A_145 = arith.constant 0 : i32
      %add3A_146 = vector.broadcast %add3A_145 : i32 to vector<16xi32>
      %add3A_147 = arith.addi %add3A_139, %add3A_146 : vector<16xi32>
      tpu.vector_store_idx %arg6[%add3A_147], %get3A_144 : memref<49920xf32, #tpu.memory_space<vmem>>[vector<16xi32>], vector<16xf32>,
      %mul3A_148 = arith.constant 16 : i32
      %mul3A_149 = arith.muli %scan3A_128, %mul3A_148 : i32
      %get3A_150 = arith.constant 1 : i32
      %get3A_151 = arith.index_cast %get3A_150 : i32 to index
      %get3A_152 = arith.index_cast %mul3A_149 : i32 to index
      %get3A_153 = tpu.vector_load %arg5[%get3A_151, %get3A_152] {strides = array<i32>} : memref<8x768xf32, #tpu.memory_space<vmem>>, vector<16xf32>,
      %add3A_154 = arith.constant 1 : i32
      %add3A_155 = vector.broadcast %add3A_154 : i32 to vector<16xi32>
      %add3A_156 = arith.addi %add3A_139, %add3A_155 : vector<16xi32>
      tpu.vector_store_idx %arg6[%add3A_156], %get3A_153 : memref<49920xf32, #tpu.memory_space<vmem>>[vector<16xi32>], vector<16xf32>,
      %mul3A_157 = arith.constant 16 : i32
      %mul3A_158 = arith.muli %scan3A_128, %mul3A_157 : i32
      %get3A_159 = arith.constant 2 : i32
      %get3A_160 = arith.index_cast %get3A_159 : i32 to index
      %get3A_161 = arith.index_cast %mul3A_158 : i32 to index
      %get3A_162 = tpu.vector_load %arg5[%get3A_160, %get3A_161] {strides = array<i32>} : memref<8x768xf32, #tpu.memory_space<vmem>>, vector<16xf32>,
      %add3A_163 = arith.constant 2 : i32
      %add3A_164 = vector.broadcast %add3A_163 : i32 to vector<16xi32>
      %add3A_165 = arith.addi %add3A_139, %add3A_164 : vector<16xi32>
      tpu.vector_store_idx %arg6[%add3A_165], %get3A_162 : memref<49920xf32, #tpu.memory_space<vmem>>[vector<16xi32>], vector<16xf32>,
      %mul3A_166 = arith.constant 16 : i32
      %mul3A_167 = arith.muli %scan3A_128, %mul3A_166 : i32
      %get3A_168 = arith.constant 3 : i32
      %get3A_169 = arith.index_cast %get3A_168 : i32 to index
      %get3A_170 = arith.index_cast %mul3A_167 : i32 to index
      %get3A_171 = tpu.vector_load %arg5[%get3A_169, %get3A_170] {strides = array<i32>} : memref<8x768xf32, #tpu.memory_space<vmem>>, vector<16xf32>,
      %add3A_172 = arith.constant 3 : i32
      %add3A_173 = vector.broadcast %add3A_172 : i32 to vector<16xi32>
      %add3A_174 = arith.addi %add3A_139, %add3A_173 : vector<16xi32>
      tpu.vector_store_idx %arg6[%add3A_174], %get3A_171 : memref<49920xf32, #tpu.memory_space<vmem>>[vector<16xi32>], vector<16xf32>,
      %mul3A_175 = arith.constant 16 : i32
      %mul3A_176 = arith.muli %scan3A_128, %mul3A_175 : i32
      %get3A_177 = arith.constant 4 : i32
      %get3A_178 = arith.index_cast %get3A_177 : i32 to index
      %get3A_179 = arith.index_cast %mul3A_176 : i32 to index
      %get3A_180 = tpu.vector_load %arg5[%get3A_178, %get3A_179] {strides = array<i32>} : memref<8x768xf32, #tpu.memory_space<vmem>>, vector<16xf32>,
      %add3A_181 = arith.constant 4 : i32
      %add3A_182 = vector.broadcast %add3A_181 : i32 to vector<16xi32>
      %add3A_183 = arith.addi %add3A_139, %add3A_182 : vector<16xi32>
      tpu.vector_store_idx %arg6[%add3A_183], %get3A_180 : memref<49920xf32, #tpu.memory_space<vmem>>[vector<16xi32>], vector<16xf32>,
      %mul3A_184 = arith.constant 16 : i32
      %mul3A_185 = arith.muli %scan3A_128, %mul3A_184 : i32
      %get3A_186 = arith.constant 5 : i32
      %get3A_187 = arith.index_cast %get3A_186 : i32 to index
      %get3A_188 = arith.index_cast %mul3A_185 : i32 to index
      %get3A_189 = tpu.vector_load %arg5[%get3A_187, %get3A_188] {strides = array<i32>} : memref<8x768xf32, #tpu.memory_space<vmem>>, vector<16xf32>,
      %add3A_190 = arith.constant 5 : i32
      %add3A_191 = vector.broadcast %add3A_190 : i32 to vector<16xi32>
      %add3A_192 = arith.addi %add3A_139, %add3A_191 : vector<16xi32>
      tpu.vector_store_idx %arg6[%add3A_192], %get3A_189 : memref<49920xf32, #tpu.memory_space<vmem>>[vector<16xi32>], vector<16xf32>,
      %mul3A_193 = arith.constant 16 : i32
      %mul3A_194 = arith.muli %scan3A_128, %mul3A_193 : i32
      %get3A_195 = arith.constant 6 : i32
      %get3A_196 = arith.index_cast %get3A_195 : i32 to index
      %get3A_197 = arith.index_cast %mul3A_194 : i32 to index
      %get3A_198 = tpu.vector_load %arg5[%get3A_196, %get3A_197] {strides = array<i32>} : memref<8x768xf32, #tpu.memory_space<vmem>>, vector<16xf32>,
      %add3A_199 = arith.constant 6 : i32
      %add3A_200 = vector.broadcast %add3A_199 : i32 to vector<16xi32>
      %add3A_201 = arith.addi %add3A_139, %add3A_200 : vector<16xi32>
      tpu.vector_store_idx %arg6[%add3A_201], %get3A_198 : memref<49920xf32, #tpu.memory_space<vmem>>[vector<16xi32>], vector<16xf32>,
      %mul3A_202 = arith.constant 16 : i32
      %mul3A_203 = arith.muli %scan3A_128, %mul3A_202 : i32
      %get3A_204 = arith.constant 7 : i32
      %get3A_205 = arith.index_cast %get3A_204 : i32 to index
      %get3A_206 = arith.index_cast %mul3A_203 : i32 to index
      %get3A_207 = tpu.vector_load %arg5[%get3A_205, %get3A_206] {strides = array<i32>} : memref<8x768xf32, #tpu.memory_space<vmem>>, vector<16xf32>,
      %add3A_208 = arith.constant 7 : i32
      %add3A_209 = vector.broadcast %add3A_208 : i32 to vector<16xi32>
      %add3A_210 = arith.addi %add3A_139, %add3A_209 : vector<16xi32>
      tpu.vector_store_idx %arg6[%add3A_210], %get3A_207 : memref<49920xf32, #tpu.memory_space<vmem>>[vector<16xi32>], vector<16xf32>,
      %scan3A_211 = arith.constant 0 : i32
      scf.yield %scan3A_211 : i32
    }
    %scan3A_53 = arith.constant 48 : i32
    "tpu.region"() ({
      %run_scoped3A = tpu.sem_alloc : memref<!tpu.dma_semaphore, #tpu.memory_space<semaphore_mem>>
      %dma_start3A_128 = arith.constant 40 : i32
      %dma_start3A_129 = arith.constant 0 : i32
      %dma_start3A_130 = tpu.memref_slice %arg3[%select_n3A, %dma_start3A_128, %dma_start3A_129] : memref<8x64x768xf32, #tpu.memory_space<hbm>> -> memref<1x8x768xf32, #tpu.memory_space<hbm>>
      %dma_start3A_131 = tpu.memref_squeeze %dma_start3A_130 : memref<1x8x768xf32, #tpu.memory_space<hbm>> -> memref<8x768xf32, #tpu.memory_space<hbm>>
      %dma_start3A_132 = arith.constant 40 : i32
      %dma_start3A_133 = arith.constant 0 : i32
      %dma_start3A_134 = tpu.memref_slice %arg3[%select_n3A, %dma_start3A_132, %dma_start3A_133] : memref<8x64x768xf32, #tpu.memory_space<hbm>> -> memref<1x8x768xf32, #tpu.memory_space<hbm>>
      %dma_start3A_135 = tpu.memref_squeeze %dma_start3A_134 : memref<1x8x768xf32, #tpu.memory_space<hbm>> -> memref<8x768xf32, #tpu.memory_space<hbm>>
      tpu.enqueue_dma source(%dma_start3A_135 : memref<8x768xf32, #tpu.memory_space<hbm>>) target(%arg5 : memref<8x768xf32, #tpu.memory_space<vmem>>) target_semaphore(%run_scoped3A : memref<!tpu.dma_semaphore, #tpu.memory_space<semaphore_mem>>)
      %dma_wait3A_136 = arith.constant 40 : i32
      %dma_wait3A_137 = arith.constant 0 : i32
      %dma_wait3A_138 = tpu.memref_slice %arg3[%select_n3A, %dma_wait3A_136, %dma_wait3A_137] : memref<8x64x768xf32, #tpu.memory_space<hbm>> -> memref<1x8x768xf32, #tpu.memory_space<hbm>>
      %dma_wait3A_139 = tpu.memref_squeeze %dma_wait3A_138 : memref<1x8x768xf32, #tpu.memory_space<hbm>> -> memref<8x768xf32, #tpu.memory_space<hbm>>
      %dma_wait3A_140 = arith.constant 40 : i32
      %dma_wait3A_141 = arith.constant 0 : i32
      %dma_wait3A_142 = tpu.memref_slice %arg3[%select_n3A, %dma_wait3A_140, %dma_wait3A_141] : memref<8x64x768xf32, #tpu.memory_space<hbm>> -> memref<1x8x768xf32, #tpu.memory_space<hbm>>
      %dma_wait3A_143 = tpu.memref_squeeze %dma_wait3A_142 : memref<1x8x768xf32, #tpu.memory_space<hbm>> -> memref<8x768xf32, #tpu.memory_space<hbm>>
      tpu.wait_dma2 semaphore(%run_scoped3A : memref<!tpu.dma_semaphore, #tpu.memory_space<semaphore_mem>>) src(%dma_wait3A_143 : memref<8x768xf32, #tpu.memory_space<hbm>>) dst(%arg5 : memref<8x768xf32, #tpu.memory_space<vmem>>)
      tpu.yield
    }) : () -> ()
    %scan3A_54 = arith.constant 0 : i32
    %scan3A_55 = arith.constant 0 : i32
    %scan3A_56 = arith.constant 48 : i32
    %scan3A_57 = arith.addi %scan3A_55, %scan3A_56 : i32
    %scan3A_58 = arith.constant 1 : i32
    %scan3A_59 = scf.for %scan3A_128 = %scan3A_55 to %scan3A_57 step %scan3A_58 iter_args(%scan3A_129 = %scan3A_54) -> (i32)  : i32 {
      %mul3A_130 = arith.constant 16 : i32
      %mul3A_131 = arith.muli %scan3A_128, %mul3A_130 : i32
      %add3A_132 = vector.broadcast %mul3A_131 : i32 to vector<16xi32>
      %add3A_133 = arith.addi %add3A_132, %iota3A : vector<16xi32>
      %mul3A_134 = arith.constant 65 : i32
      %mul3A_135 = vector.broadcast %mul3A_134 : i32 to vector<16xi32>
      %mul3A_136 = arith.muli %add3A_133, %mul3A_135 : vector<16xi32>
      %add3A_137 = arith.constant 40 : i32
      %add3A_138 = vector.broadcast %add3A_137 : i32 to vector<16xi32>
      %add3A_139 = arith.addi %mul3A_136, %add3A_138 : vector<16xi32>
      %mul3A_140 = arith.constant 16 : i32
      %mul3A_141 = arith.muli %scan3A_128, %mul3A_140 : i32
      %get3A = arith.constant 0 : i32
      %get3A_142 = arith.index_cast %get3A : i32 to index
      %get3A_143 = arith.index_cast %mul3A_141 : i32 to index
      %get3A_144 = tpu.vector_load %arg5[%get3A_142, %get3A_143] {strides = array<i32>} : memref<8x768xf32, #tpu.memory_space<vmem>>, vector<16xf32>,
      %add3A_145 = arith.constant 0 : i32
      %add3A_146 = vector.broadcast %add3A_145 : i32 to vector<16xi32>
      %add3A_147 = arith.addi %add3A_139, %add3A_146 : vector<16xi32>
      tpu.vector_store_idx %arg6[%add3A_147], %get3A_144 : memref<49920xf32, #tpu.memory_space<vmem>>[vector<16xi32>], vector<16xf32>,
      %mul3A_148 = arith.constant 16 : i32
      %mul3A_149 = arith.muli %scan3A_128, %mul3A_148 : i32
      %get3A_150 = arith.constant 1 : i32
      %get3A_151 = arith.index_cast %get3A_150 : i32 to index
      %get3A_152 = arith.index_cast %mul3A_149 : i32 to index
      %get3A_153 = tpu.vector_load %arg5[%get3A_151, %get3A_152] {strides = array<i32>} : memref<8x768xf32, #tpu.memory_space<vmem>>, vector<16xf32>,
      %add3A_154 = arith.constant 1 : i32
      %add3A_155 = vector.broadcast %add3A_154 : i32 to vector<16xi32>
      %add3A_156 = arith.addi %add3A_139, %add3A_155 : vector<16xi32>
      tpu.vector_store_idx %arg6[%add3A_156], %get3A_153 : memref<49920xf32, #tpu.memory_space<vmem>>[vector<16xi32>], vector<16xf32>,
      %mul3A_157 = arith.constant 16 : i32
      %mul3A_158 = arith.muli %scan3A_128, %mul3A_157 : i32
      %get3A_159 = arith.constant 2 : i32
      %get3A_160 = arith.index_cast %get3A_159 : i32 to index
      %get3A_161 = arith.index_cast %mul3A_158 : i32 to index
      %get3A_162 = tpu.vector_load %arg5[%get3A_160, %get3A_161] {strides = array<i32>} : memref<8x768xf32, #tpu.memory_space<vmem>>, vector<16xf32>,
      %add3A_163 = arith.constant 2 : i32
      %add3A_164 = vector.broadcast %add3A_163 : i32 to vector<16xi32>
      %add3A_165 = arith.addi %add3A_139, %add3A_164 : vector<16xi32>
      tpu.vector_store_idx %arg6[%add3A_165], %get3A_162 : memref<49920xf32, #tpu.memory_space<vmem>>[vector<16xi32>], vector<16xf32>,
      %mul3A_166 = arith.constant 16 : i32
      %mul3A_167 = arith.muli %scan3A_128, %mul3A_166 : i32
      %get3A_168 = arith.constant 3 : i32
      %get3A_169 = arith.index_cast %get3A_168 : i32 to index
      %get3A_170 = arith.index_cast %mul3A_167 : i32 to index
      %get3A_171 = tpu.vector_load %arg5[%get3A_169, %get3A_170] {strides = array<i32>} : memref<8x768xf32, #tpu.memory_space<vmem>>, vector<16xf32>,
      %add3A_172 = arith.constant 3 : i32
      %add3A_173 = vector.broadcast %add3A_172 : i32 to vector<16xi32>
      %add3A_174 = arith.addi %add3A_139, %add3A_173 : vector<16xi32>
      tpu.vector_store_idx %arg6[%add3A_174], %get3A_171 : memref<49920xf32, #tpu.memory_space<vmem>>[vector<16xi32>], vector<16xf32>,
      %mul3A_175 = arith.constant 16 : i32
      %mul3A_176 = arith.muli %scan3A_128, %mul3A_175 : i32
      %get3A_177 = arith.constant 4 : i32
      %get3A_178 = arith.index_cast %get3A_177 : i32 to index
      %get3A_179 = arith.index_cast %mul3A_176 : i32 to index
      %get3A_180 = tpu.vector_load %arg5[%get3A_178, %get3A_179] {strides = array<i32>} : memref<8x768xf32, #tpu.memory_space<vmem>>, vector<16xf32>,
      %add3A_181 = arith.constant 4 : i32
      %add3A_182 = vector.broadcast %add3A_181 : i32 to vector<16xi32>
      %add3A_183 = arith.addi %add3A_139, %add3A_182 : vector<16xi32>
      tpu.vector_store_idx %arg6[%add3A_183], %get3A_180 : memref<49920xf32, #tpu.memory_space<vmem>>[vector<16xi32>], vector<16xf32>,
      %mul3A_184 = arith.constant 16 : i32
      %mul3A_185 = arith.muli %scan3A_128, %mul3A_184 : i32
      %get3A_186 = arith.constant 5 : i32
      %get3A_187 = arith.index_cast %get3A_186 : i32 to index
      %get3A_188 = arith.index_cast %mul3A_185 : i32 to index
      %get3A_189 = tpu.vector_load %arg5[%get3A_187, %get3A_188] {strides = array<i32>} : memref<8x768xf32, #tpu.memory_space<vmem>>, vector<16xf32>,
      %add3A_190 = arith.constant 5 : i32
      %add3A_191 = vector.broadcast %add3A_190 : i32 to vector<16xi32>
      %add3A_192 = arith.addi %add3A_139, %add3A_191 : vector<16xi32>
      tpu.vector_store_idx %arg6[%add3A_192], %get3A_189 : memref<49920xf32, #tpu.memory_space<vmem>>[vector<16xi32>], vector<16xf32>,
      %mul3A_193 = arith.constant 16 : i32
      %mul3A_194 = arith.muli %scan3A_128, %mul3A_193 : i32
      %get3A_195 = arith.constant 6 : i32
      %get3A_196 = arith.index_cast %get3A_195 : i32 to index
      %get3A_197 = arith.index_cast %mul3A_194 : i32 to index
      %get3A_198 = tpu.vector_load %arg5[%get3A_196, %get3A_197] {strides = array<i32>} : memref<8x768xf32, #tpu.memory_space<vmem>>, vector<16xf32>,
      %add3A_199 = arith.constant 6 : i32
      %add3A_200 = vector.broadcast %add3A_199 : i32 to vector<16xi32>
      %add3A_201 = arith.addi %add3A_139, %add3A_200 : vector<16xi32>
      tpu.vector_store_idx %arg6[%add3A_201], %get3A_198 : memref<49920xf32, #tpu.memory_space<vmem>>[vector<16xi32>], vector<16xf32>,
      %mul3A_202 = arith.constant 16 : i32
      %mul3A_203 = arith.muli %scan3A_128, %mul3A_202 : i32
      %get3A_204 = arith.constant 7 : i32
      %get3A_205 = arith.index_cast %get3A_204 : i32 to index
      %get3A_206 = arith.index_cast %mul3A_203 : i32 to index
      %get3A_207 = tpu.vector_load %arg5[%get3A_205, %get3A_206] {strides = array<i32>} : memref<8x768xf32, #tpu.memory_space<vmem>>, vector<16xf32>,
      %add3A_208 = arith.constant 7 : i32
      %add3A_209 = vector.broadcast %add3A_208 : i32 to vector<16xi32>
      %add3A_210 = arith.addi %add3A_139, %add3A_209 : vector<16xi32>
      tpu.vector_store_idx %arg6[%add3A_210], %get3A_207 : memref<49920xf32, #tpu.memory_space<vmem>>[vector<16xi32>], vector<16xf32>,
      %scan3A_211 = arith.constant 0 : i32
      scf.yield %scan3A_211 : i32
    }
    %scan3A_60 = arith.constant 48 : i32
    "tpu.region"() ({
      %run_scoped3A = tpu.sem_alloc : memref<!tpu.dma_semaphore, #tpu.memory_space<semaphore_mem>>
      %dma_start3A_128 = arith.constant 48 : i32
      %dma_start3A_129 = arith.constant 0 : i32
      %dma_start3A_130 = tpu.memref_slice %arg3[%select_n3A, %dma_start3A_128, %dma_start3A_129] : memref<8x64x768xf32, #tpu.memory_space<hbm>> -> memref<1x8x768xf32, #tpu.memory_space<hbm>>
      %dma_start3A_131 = tpu.memref_squeeze %dma_start3A_130 : memref<1x8x768xf32, #tpu.memory_space<hbm>> -> memref<8x768xf32, #tpu.memory_space<hbm>>
      %dma_start3A_132 = arith.constant 48 : i32
      %dma_start3A_133 = arith.constant 0 : i32
      %dma_start3A_134 = tpu.memref_slice %arg3[%select_n3A, %dma_start3A_132, %dma_start3A_133] : memref<8x64x768xf32, #tpu.memory_space<hbm>> -> memref<1x8x768xf32, #tpu.memory_space<hbm>>
      %dma_start3A_135 = tpu.memref_squeeze %dma_start3A_134 : memref<1x8x768xf32, #tpu.memory_space<hbm>> -> memref<8x768xf32, #tpu.memory_space<hbm>>
      tpu.enqueue_dma source(%dma_start3A_135 : memref<8x768xf32, #tpu.memory_space<hbm>>) target(%arg5 : memref<8x768xf32, #tpu.memory_space<vmem>>) target_semaphore(%run_scoped3A : memref<!tpu.dma_semaphore, #tpu.memory_space<semaphore_mem>>)
      %dma_wait3A_136 = arith.constant 48 : i32
      %dma_wait3A_137 = arith.constant 0 : i32
      %dma_wait3A_138 = tpu.memref_slice %arg3[%select_n3A, %dma_wait3A_136, %dma_wait3A_137] : memref<8x64x768xf32, #tpu.memory_space<hbm>> -> memref<1x8x768xf32, #tpu.memory_space<hbm>>
      %dma_wait3A_139 = tpu.memref_squeeze %dma_wait3A_138 : memref<1x8x768xf32, #tpu.memory_space<hbm>> -> memref<8x768xf32, #tpu.memory_space<hbm>>
      %dma_wait3A_140 = arith.constant 48 : i32
      %dma_wait3A_141 = arith.constant 0 : i32
      %dma_wait3A_142 = tpu.memref_slice %arg3[%select_n3A, %dma_wait3A_140, %dma_wait3A_141] : memref<8x64x768xf32, #tpu.memory_space<hbm>> -> memref<1x8x768xf32, #tpu.memory_space<hbm>>
      %dma_wait3A_143 = tpu.memref_squeeze %dma_wait3A_142 : memref<1x8x768xf32, #tpu.memory_space<hbm>> -> memref<8x768xf32, #tpu.memory_space<hbm>>
      tpu.wait_dma2 semaphore(%run_scoped3A : memref<!tpu.dma_semaphore, #tpu.memory_space<semaphore_mem>>) src(%dma_wait3A_143 : memref<8x768xf32, #tpu.memory_space<hbm>>) dst(%arg5 : memref<8x768xf32, #tpu.memory_space<vmem>>)
      tpu.yield
    }) : () -> ()
    %scan3A_61 = arith.constant 0 : i32
    %scan3A_62 = arith.constant 0 : i32
    %scan3A_63 = arith.constant 48 : i32
    %scan3A_64 = arith.addi %scan3A_62, %scan3A_63 : i32
    %scan3A_65 = arith.constant 1 : i32
    %scan3A_66 = scf.for %scan3A_128 = %scan3A_62 to %scan3A_64 step %scan3A_65 iter_args(%scan3A_129 = %scan3A_61) -> (i32)  : i32 {
      %mul3A_130 = arith.constant 16 : i32
      %mul3A_131 = arith.muli %scan3A_128, %mul3A_130 : i32
      %add3A_132 = vector.broadcast %mul3A_131 : i32 to vector<16xi32>
      %add3A_133 = arith.addi %add3A_132, %iota3A : vector<16xi32>
      %mul3A_134 = arith.constant 65 : i32
      %mul3A_135 = vector.broadcast %mul3A_134 : i32 to vector<16xi32>
      %mul3A_136 = arith.muli %add3A_133, %mul3A_135 : vector<16xi32>
      %add3A_137 = arith.constant 48 : i32
      %add3A_138 = vector.broadcast %add3A_137 : i32 to vector<16xi32>
      %add3A_139 = arith.addi %mul3A_136, %add3A_138 : vector<16xi32>
      %mul3A_140 = arith.constant 16 : i32
      %mul3A_141 = arith.muli %scan3A_128, %mul3A_140 : i32
      %get3A = arith.constant 0 : i32
      %get3A_142 = arith.index_cast %get3A : i32 to index
      %get3A_143 = arith.index_cast %mul3A_141 : i32 to index
      %get3A_144 = tpu.vector_load %arg5[%get3A_142, %get3A_143] {strides = array<i32>} : memref<8x768xf32, #tpu.memory_space<vmem>>, vector<16xf32>,
      %add3A_145 = arith.constant 0 : i32
      %add3A_146 = vector.broadcast %add3A_145 : i32 to vector<16xi32>
      %add3A_147 = arith.addi %add3A_139, %add3A_146 : vector<16xi32>
      tpu.vector_store_idx %arg6[%add3A_147], %get3A_144 : memref<49920xf32, #tpu.memory_space<vmem>>[vector<16xi32>], vector<16xf32>,
      %mul3A_148 = arith.constant 16 : i32
      %mul3A_149 = arith.muli %scan3A_128, %mul3A_148 : i32
      %get3A_150 = arith.constant 1 : i32
      %get3A_151 = arith.index_cast %get3A_150 : i32 to index
      %get3A_152 = arith.index_cast %mul3A_149 : i32 to index
      %get3A_153 = tpu.vector_load %arg5[%get3A_151, %get3A_152] {strides = array<i32>} : memref<8x768xf32, #tpu.memory_space<vmem>>, vector<16xf32>,
      %add3A_154 = arith.constant 1 : i32
      %add3A_155 = vector.broadcast %add3A_154 : i32 to vector<16xi32>
      %add3A_156 = arith.addi %add3A_139, %add3A_155 : vector<16xi32>
      tpu.vector_store_idx %arg6[%add3A_156], %get3A_153 : memref<49920xf32, #tpu.memory_space<vmem>>[vector<16xi32>], vector<16xf32>,
      %mul3A_157 = arith.constant 16 : i32
      %mul3A_158 = arith.muli %scan3A_128, %mul3A_157 : i32
      %get3A_159 = arith.constant 2 : i32
      %get3A_160 = arith.index_cast %get3A_159 : i32 to index
      %get3A_161 = arith.index_cast %mul3A_158 : i32 to index
      %get3A_162 = tpu.vector_load %arg5[%get3A_160, %get3A_161] {strides = array<i32>} : memref<8x768xf32, #tpu.memory_space<vmem>>, vector<16xf32>,
      %add3A_163 = arith.constant 2 : i32
      %add3A_164 = vector.broadcast %add3A_163 : i32 to vector<16xi32>
      %add3A_165 = arith.addi %add3A_139, %add3A_164 : vector<16xi32>
      tpu.vector_store_idx %arg6[%add3A_165], %get3A_162 : memref<49920xf32, #tpu.memory_space<vmem>>[vector<16xi32>], vector<16xf32>,
      %mul3A_166 = arith.constant 16 : i32
      %mul3A_167 = arith.muli %scan3A_128, %mul3A_166 : i32
      %get3A_168 = arith.constant 3 : i32
      %get3A_169 = arith.index_cast %get3A_168 : i32 to index
      %get3A_170 = arith.index_cast %mul3A_167 : i32 to index
      %get3A_171 = tpu.vector_load %arg5[%get3A_169, %get3A_170] {strides = array<i32>} : memref<8x768xf32, #tpu.memory_space<vmem>>, vector<16xf32>,
      %add3A_172 = arith.constant 3 : i32
      %add3A_173 = vector.broadcast %add3A_172 : i32 to vector<16xi32>
      %add3A_174 = arith.addi %add3A_139, %add3A_173 : vector<16xi32>
      tpu.vector_store_idx %arg6[%add3A_174], %get3A_171 : memref<49920xf32, #tpu.memory_space<vmem>>[vector<16xi32>], vector<16xf32>,
      %mul3A_175 = arith.constant 16 : i32
      %mul3A_176 = arith.muli %scan3A_128, %mul3A_175 : i32
      %get3A_177 = arith.constant 4 : i32
      %get3A_178 = arith.index_cast %get3A_177 : i32 to index
      %get3A_179 = arith.index_cast %mul3A_176 : i32 to index
      %get3A_180 = tpu.vector_load %arg5[%get3A_178, %get3A_179] {strides = array<i32>} : memref<8x768xf32, #tpu.memory_space<vmem>>, vector<16xf32>,
      %add3A_181 = arith.constant 4 : i32
      %add3A_182 = vector.broadcast %add3A_181 : i32 to vector<16xi32>
      %add3A_183 = arith.addi %add3A_139, %add3A_182 : vector<16xi32>
      tpu.vector_store_idx %arg6[%add3A_183], %get3A_180 : memref<49920xf32, #tpu.memory_space<vmem>>[vector<16xi32>], vector<16xf32>,
      %mul3A_184 = arith.constant 16 : i32
      %mul3A_185 = arith.muli %scan3A_128, %mul3A_184 : i32
      %get3A_186 = arith.constant 5 : i32
      %get3A_187 = arith.index_cast %get3A_186 : i32 to index
      %get3A_188 = arith.index_cast %mul3A_185 : i32 to index
      %get3A_189 = tpu.vector_load %arg5[%get3A_187, %get3A_188] {strides = array<i32>} : memref<8x768xf32, #tpu.memory_space<vmem>>, vector<16xf32>,
      %add3A_190 = arith.constant 5 : i32
      %add3A_191 = vector.broadcast %add3A_190 : i32 to vector<16xi32>
      %add3A_192 = arith.addi %add3A_139, %add3A_191 : vector<16xi32>
      tpu.vector_store_idx %arg6[%add3A_192], %get3A_189 : memref<49920xf32, #tpu.memory_space<vmem>>[vector<16xi32>], vector<16xf32>,
      %mul3A_193 = arith.constant 16 : i32
      %mul3A_194 = arith.muli %scan3A_128, %mul3A_193 : i32
      %get3A_195 = arith.constant 6 : i32
      %get3A_196 = arith.index_cast %get3A_195 : i32 to index
      %get3A_197 = arith.index_cast %mul3A_194 : i32 to index
      %get3A_198 = tpu.vector_load %arg5[%get3A_196, %get3A_197] {strides = array<i32>} : memref<8x768xf32, #tpu.memory_space<vmem>>, vector<16xf32>,
      %add3A_199 = arith.constant 6 : i32
      %add3A_200 = vector.broadcast %add3A_199 : i32 to vector<16xi32>
      %add3A_201 = arith.addi %add3A_139, %add3A_200 : vector<16xi32>
      tpu.vector_store_idx %arg6[%add3A_201], %get3A_198 : memref<49920xf32, #tpu.memory_space<vmem>>[vector<16xi32>], vector<16xf32>,
      %mul3A_202 = arith.constant 16 : i32
      %mul3A_203 = arith.muli %scan3A_128, %mul3A_202 : i32
      %get3A_204 = arith.constant 7 : i32
      %get3A_205 = arith.index_cast %get3A_204 : i32 to index
      %get3A_206 = arith.index_cast %mul3A_203 : i32 to index
      %get3A_207 = tpu.vector_load %arg5[%get3A_205, %get3A_206] {strides = array<i32>} : memref<8x768xf32, #tpu.memory_space<vmem>>, vector<16xf32>,
      %add3A_208 = arith.constant 7 : i32
      %add3A_209 = vector.broadcast %add3A_208 : i32 to vector<16xi32>
      %add3A_210 = arith.addi %add3A_139, %add3A_209 : vector<16xi32>
      tpu.vector_store_idx %arg6[%add3A_210], %get3A_207 : memref<49920xf32, #tpu.memory_space<vmem>>[vector<16xi32>], vector<16xf32>,
      %scan3A_211 = arith.constant 0 : i32
      scf.yield %scan3A_211 : i32
    }
    %scan3A_67 = arith.constant 48 : i32
    "tpu.region"() ({
      %run_scoped3A = tpu.sem_alloc : memref<!tpu.dma_semaphore, #tpu.memory_space<semaphore_mem>>
      %dma_start3A_128 = arith.constant 56 : i32
      %dma_start3A_129 = arith.constant 0 : i32
      %dma_start3A_130 = tpu.memref_slice %arg3[%select_n3A, %dma_start3A_128, %dma_start3A_129] : memref<8x64x768xf32, #tpu.memory_space<hbm>> -> memref<1x8x768xf32, #tpu.memory_space<hbm>>
      %dma_start3A_131 = tpu.memref_squeeze %dma_start3A_130 : memref<1x8x768xf32, #tpu.memory_space<hbm>> -> memref<8x768xf32, #tpu.memory_space<hbm>>
      %dma_start3A_132 = arith.constant 56 : i32
      %dma_start3A_133 = arith.constant 0 : i32
      %dma_start3A_134 = tpu.memref_slice %arg3[%select_n3A, %dma_start3A_132, %dma_start3A_133] : memref<8x64x768xf32, #tpu.memory_space<hbm>> -> memref<1x8x768xf32, #tpu.memory_space<hbm>>
      %dma_start3A_135 = tpu.memref_squeeze %dma_start3A_134 : memref<1x8x768xf32, #tpu.memory_space<hbm>> -> memref<8x768xf32, #tpu.memory_space<hbm>>
      tpu.enqueue_dma source(%dma_start3A_135 : memref<8x768xf32, #tpu.memory_space<hbm>>) target(%arg5 : memref<8x768xf32, #tpu.memory_space<vmem>>) target_semaphore(%run_scoped3A : memref<!tpu.dma_semaphore, #tpu.memory_space<semaphore_mem>>)
      %dma_wait3A_136 = arith.constant 56 : i32
      %dma_wait3A_137 = arith.constant 0 : i32
      %dma_wait3A_138 = tpu.memref_slice %arg3[%select_n3A, %dma_wait3A_136, %dma_wait3A_137] : memref<8x64x768xf32, #tpu.memory_space<hbm>> -> memref<1x8x768xf32, #tpu.memory_space<hbm>>
      %dma_wait3A_139 = tpu.memref_squeeze %dma_wait3A_138 : memref<1x8x768xf32, #tpu.memory_space<hbm>> -> memref<8x768xf32, #tpu.memory_space<hbm>>
      %dma_wait3A_140 = arith.constant 56 : i32
      %dma_wait3A_141 = arith.constant 0 : i32
      %dma_wait3A_142 = tpu.memref_slice %arg3[%select_n3A, %dma_wait3A_140, %dma_wait3A_141] : memref<8x64x768xf32, #tpu.memory_space<hbm>> -> memref<1x8x768xf32, #tpu.memory_space<hbm>>
      %dma_wait3A_143 = tpu.memref_squeeze %dma_wait3A_142 : memref<1x8x768xf32, #tpu.memory_space<hbm>> -> memref<8x768xf32, #tpu.memory_space<hbm>>
      tpu.wait_dma2 semaphore(%run_scoped3A : memref<!tpu.dma_semaphore, #tpu.memory_space<semaphore_mem>>) src(%dma_wait3A_143 : memref<8x768xf32, #tpu.memory_space<hbm>>) dst(%arg5 : memref<8x768xf32, #tpu.memory_space<vmem>>)
      tpu.yield
    }) : () -> ()
    %scan3A_68 = arith.constant 0 : i32
    %scan3A_69 = arith.constant 0 : i32
    %scan3A_70 = arith.constant 48 : i32
    %scan3A_71 = arith.addi %scan3A_69, %scan3A_70 : i32
    %scan3A_72 = arith.constant 1 : i32
    %scan3A_73 = scf.for %scan3A_128 = %scan3A_69 to %scan3A_71 step %scan3A_72 iter_args(%scan3A_129 = %scan3A_68) -> (i32)  : i32 {
      %mul3A_130 = arith.constant 16 : i32
      %mul3A_131 = arith.muli %scan3A_128, %mul3A_130 : i32
      %add3A_132 = vector.broadcast %mul3A_131 : i32 to vector<16xi32>
      %add3A_133 = arith.addi %add3A_132, %iota3A : vector<16xi32>
      %mul3A_134 = arith.constant 65 : i32
      %mul3A_135 = vector.broadcast %mul3A_134 : i32 to vector<16xi32>
      %mul3A_136 = arith.muli %add3A_133, %mul3A_135 : vector<16xi32>
      %add3A_137 = arith.constant 56 : i32
      %add3A_138 = vector.broadcast %add3A_137 : i32 to vector<16xi32>
      %add3A_139 = arith.addi %mul3A_136, %add3A_138 : vector<16xi32>
      %mul3A_140 = arith.constant 16 : i32
      %mul3A_141 = arith.muli %scan3A_128, %mul3A_140 : i32
      %get3A = arith.constant 0 : i32
      %get3A_142 = arith.index_cast %get3A : i32 to index
      %get3A_143 = arith.index_cast %mul3A_141 : i32 to index
      %get3A_144 = tpu.vector_load %arg5[%get3A_142, %get3A_143] {strides = array<i32>} : memref<8x768xf32, #tpu.memory_space<vmem>>, vector<16xf32>,
      %add3A_145 = arith.constant 0 : i32
      %add3A_146 = vector.broadcast %add3A_145 : i32 to vector<16xi32>
      %add3A_147 = arith.addi %add3A_139, %add3A_146 : vector<16xi32>
      tpu.vector_store_idx %arg6[%add3A_147], %get3A_144 : memref<49920xf32, #tpu.memory_space<vmem>>[vector<16xi32>], vector<16xf32>,
      %mul3A_148 = arith.constant 16 : i32
      %mul3A_149 = arith.muli %scan3A_128, %mul3A_148 : i32
      %get3A_150 = arith.constant 1 : i32
      %get3A_151 = arith.index_cast %get3A_150 : i32 to index
      %get3A_152 = arith.index_cast %mul3A_149 : i32 to index
      %get3A_153 = tpu.vector_load %arg5[%get3A_151, %get3A_152] {strides = array<i32>} : memref<8x768xf32, #tpu.memory_space<vmem>>, vector<16xf32>,
      %add3A_154 = arith.constant 1 : i32
      %add3A_155 = vector.broadcast %add3A_154 : i32 to vector<16xi32>
      %add3A_156 = arith.addi %add3A_139, %add3A_155 : vector<16xi32>
      tpu.vector_store_idx %arg6[%add3A_156], %get3A_153 : memref<49920xf32, #tpu.memory_space<vmem>>[vector<16xi32>], vector<16xf32>,
      %mul3A_157 = arith.constant 16 : i32
      %mul3A_158 = arith.muli %scan3A_128, %mul3A_157 : i32
      %get3A_159 = arith.constant 2 : i32
      %get3A_160 = arith.index_cast %get3A_159 : i32 to index
      %get3A_161 = arith.index_cast %mul3A_158 : i32 to index
      %get3A_162 = tpu.vector_load %arg5[%get3A_160, %get3A_161] {strides = array<i32>} : memref<8x768xf32, #tpu.memory_space<vmem>>, vector<16xf32>,
      %add3A_163 = arith.constant 2 : i32
      %add3A_164 = vector.broadcast %add3A_163 : i32 to vector<16xi32>
      %add3A_165 = arith.addi %add3A_139, %add3A_164 : vector<16xi32>
      tpu.vector_store_idx %arg6[%add3A_165], %get3A_162 : memref<49920xf32, #tpu.memory_space<vmem>>[vector<16xi32>], vector<16xf32>,
      %mul3A_166 = arith.constant 16 : i32
      %mul3A_167 = arith.muli %scan3A_128, %mul3A_166 : i32
      %get3A_168 = arith.constant 3 : i32
      %get3A_169 = arith.index_cast %get3A_168 : i32 to index
      %get3A_170 = arith.index_cast %mul3A_167 : i32 to index
      %get3A_171 = tpu.vector_load %arg5[%get3A_169, %get3A_170] {strides = array<i32>} : memref<8x768xf32, #tpu.memory_space<vmem>>, vector<16xf32>,
      %add3A_172 = arith.constant 3 : i32
      %add3A_173 = vector.broadcast %add3A_172 : i32 to vector<16xi32>
      %add3A_174 = arith.addi %add3A_139, %add3A_173 : vector<16xi32>
      tpu.vector_store_idx %arg6[%add3A_174], %get3A_171 : memref<49920xf32, #tpu.memory_space<vmem>>[vector<16xi32>], vector<16xf32>,
      %mul3A_175 = arith.constant 16 : i32
      %mul3A_176 = arith.muli %scan3A_128, %mul3A_175 : i32
      %get3A_177 = arith.constant 4 : i32
      %get3A_178 = arith.index_cast %get3A_177 : i32 to index
      %get3A_179 = arith.index_cast %mul3A_176 : i32 to index
      %get3A_180 = tpu.vector_load %arg5[%get3A_178, %get3A_179] {strides = array<i32>} : memref<8x768xf32, #tpu.memory_space<vmem>>, vector<16xf32>,
      %add3A_181 = arith.constant 4 : i32
      %add3A_182 = vector.broadcast %add3A_181 : i32 to vector<16xi32>
      %add3A_183 = arith.addi %add3A_139, %add3A_182 : vector<16xi32>
      tpu.vector_store_idx %arg6[%add3A_183], %get3A_180 : memref<49920xf32, #tpu.memory_space<vmem>>[vector<16xi32>], vector<16xf32>,
      %mul3A_184 = arith.constant 16 : i32
      %mul3A_185 = arith.muli %scan3A_128, %mul3A_184 : i32
      %get3A_186 = arith.constant 5 : i32
      %get3A_187 = arith.index_cast %get3A_186 : i32 to index
      %get3A_188 = arith.index_cast %mul3A_185 : i32 to index
      %get3A_189 = tpu.vector_load %arg5[%get3A_187, %get3A_188] {strides = array<i32>} : memref<8x768xf32, #tpu.memory_space<vmem>>, vector<16xf32>,
      %add3A_190 = arith.constant 5 : i32
      %add3A_191 = vector.broadcast %add3A_190 : i32 to vector<16xi32>
      %add3A_192 = arith.addi %add3A_139, %add3A_191 : vector<16xi32>
      tpu.vector_store_idx %arg6[%add3A_192], %get3A_189 : memref<49920xf32, #tpu.memory_space<vmem>>[vector<16xi32>], vector<16xf32>,
      %mul3A_193 = arith.constant 16 : i32
      %mul3A_194 = arith.muli %scan3A_128, %mul3A_193 : i32
      %get3A_195 = arith.constant 6 : i32
      %get3A_196 = arith.index_cast %get3A_195 : i32 to index
      %get3A_197 = arith.index_cast %mul3A_194 : i32 to index
      %get3A_198 = tpu.vector_load %arg5[%get3A_196, %get3A_197] {strides = array<i32>} : memref<8x768xf32, #tpu.memory_space<vmem>>, vector<16xf32>,
      %add3A_199 = arith.constant 6 : i32
      %add3A_200 = vector.broadcast %add3A_199 : i32 to vector<16xi32>
      %add3A_201 = arith.addi %add3A_139, %add3A_200 : vector<16xi32>
      tpu.vector_store_idx %arg6[%add3A_201], %get3A_198 : memref<49920xf32, #tpu.memory_space<vmem>>[vector<16xi32>], vector<16xf32>,
      %mul3A_202 = arith.constant 16 : i32
      %mul3A_203 = arith.muli %scan3A_128, %mul3A_202 : i32
      %get3A_204 = arith.constant 7 : i32
      %get3A_205 = arith.index_cast %get3A_204 : i32 to index
      %get3A_206 = arith.index_cast %mul3A_203 : i32 to index
      %get3A_207 = tpu.vector_load %arg5[%get3A_205, %get3A_206] {strides = array<i32>} : memref<8x768xf32, #tpu.memory_space<vmem>>, vector<16xf32>,
      %add3A_208 = arith.constant 7 : i32
      %add3A_209 = vector.broadcast %add3A_208 : i32 to vector<16xi32>
      %add3A_210 = arith.addi %add3A_139, %add3A_209 : vector<16xi32>
      tpu.vector_store_idx %arg6[%add3A_210], %get3A_207 : memref<49920xf32, #tpu.memory_space<vmem>>[vector<16xi32>], vector<16xf32>,
      %scan3A_211 = arith.constant 0 : i32
      scf.yield %scan3A_211 : i32
    }
    %scan3A_74 = arith.constant 48 : i32
    %mul3A_75 = arith.constant 20000 : i32
    %mul3A_76 = arith.muli %select_n3A, %mul3A_75 : i32
    %mul3A_77 = arith.constant 5000 : i32
    %mul3A_78 = arith.muli %sub3A_19, %mul3A_77 : i32
    %add3A_79 = arith.addi %mul3A_76, %mul3A_78 : i32
    %add3A_80 = arith.constant 0 : i32
    %add3A_81 = arith.addi %add3A_80, %add3A_79 : i32
    "tpu.region"() ({
      %run_scoped3A = tpu.sem_alloc : memref<!tpu.dma_semaphore, #tpu.memory_space<semaphore_mem>>
      %dma_start3A_128 = arith.constant 0 : i32
      %dma_start3A_129 = tpu.memref_slice %arg7[%dma_start3A_128] : memref<5008xf32, #tpu.memory_space<vmem>> -> memref<5000xf32, #tpu.memory_space<vmem>>
      %dma_start3A_130 = tpu.memref_slice %arg2[%add3A_81] : memref<480000xf32, #tpu.memory_space<hbm>> -> memref<5000xf32, #tpu.memory_space<hbm>>
      %dma_start3A_131 = arith.constant 0 : i32
      %dma_start3A_132 = tpu.memref_slice %arg7[%dma_start3A_131] : memref<5008xf32, #tpu.memory_space<vmem>> -> memref<5000xf32, #tpu.memory_space<vmem>>
      %dma_start3A_133 = tpu.memref_slice %arg2[%add3A_81] : memref<480000xf32, #tpu.memory_space<hbm>> -> memref<5000xf32, #tpu.memory_space<hbm>>
      tpu.enqueue_dma source(%dma_start3A_133 : memref<5000xf32, #tpu.memory_space<hbm>>) target(%dma_start3A_132 : memref<5000xf32, #tpu.memory_space<vmem>>) target_semaphore(%run_scoped3A : memref<!tpu.dma_semaphore, #tpu.memory_space<semaphore_mem>>)
      %dma_wait3A_134 = arith.constant 0 : i32
      %dma_wait3A_135 = tpu.memref_slice %arg7[%dma_wait3A_134] : memref<5008xf32, #tpu.memory_space<vmem>> -> memref<5000xf32, #tpu.memory_space<vmem>>
      %dma_wait3A_136 = tpu.memref_slice %arg2[%add3A_81] : memref<480000xf32, #tpu.memory_space<hbm>> -> memref<5000xf32, #tpu.memory_space<hbm>>
      %dma_wait3A_137 = arith.constant 0 : i32
      %dma_wait3A_138 = tpu.memref_slice %arg7[%dma_wait3A_137] : memref<5008xf32, #tpu.memory_space<vmem>> -> memref<5000xf32, #tpu.memory_space<vmem>>
      %dma_wait3A_139 = tpu.memref_slice %arg2[%add3A_81] : memref<480000xf32, #tpu.memory_space<hbm>> -> memref<5000xf32, #tpu.memory_space<hbm>>
      tpu.wait_dma2 semaphore(%run_scoped3A : memref<!tpu.dma_semaphore, #tpu.memory_space<semaphore_mem>>) src(%dma_wait3A_139 : memref<5000xf32, #tpu.memory_space<hbm>>) dst(%dma_wait3A_138 : memref<5000xf32, #tpu.memory_space<vmem>>)
      tpu.yield
    }) : () -> ()
    %add3A_82 = arith.constant 160000 : i32
    %add3A_83 = arith.addi %add3A_82, %add3A_79 : i32
    "tpu.region"() ({
      %run_scoped3A = tpu.sem_alloc : memref<!tpu.dma_semaphore, #tpu.memory_space<semaphore_mem>>
      %dma_start3A_128 = arith.constant 0 : i32
      %dma_start3A_129 = tpu.memref_slice %arg8[%dma_start3A_128] : memref<5008xf32, #tpu.memory_space<vmem>> -> memref<5000xf32, #tpu.memory_space<vmem>>
      %dma_start3A_130 = tpu.memref_slice %arg2[%add3A_83] : memref<480000xf32, #tpu.memory_space<hbm>> -> memref<5000xf32, #tpu.memory_space<hbm>>
      %dma_start3A_131 = arith.constant 0 : i32
      %dma_start3A_132 = tpu.memref_slice %arg8[%dma_start3A_131] : memref<5008xf32, #tpu.memory_space<vmem>> -> memref<5000xf32, #tpu.memory_space<vmem>>
      %dma_start3A_133 = tpu.memref_slice %arg2[%add3A_83] : memref<480000xf32, #tpu.memory_space<hbm>> -> memref<5000xf32, #tpu.memory_space<hbm>>
      tpu.enqueue_dma source(%dma_start3A_133 : memref<5000xf32, #tpu.memory_space<hbm>>) target(%dma_start3A_132 : memref<5000xf32, #tpu.memory_space<vmem>>) target_semaphore(%run_scoped3A : memref<!tpu.dma_semaphore, #tpu.memory_space<semaphore_mem>>)
      %dma_wait3A_134 = arith.constant 0 : i32
      %dma_wait3A_135 = tpu.memref_slice %arg8[%dma_wait3A_134] : memref<5008xf32, #tpu.memory_space<vmem>> -> memref<5000xf32, #tpu.memory_space<vmem>>
      %dma_wait3A_136 = tpu.memref_slice %arg2[%add3A_83] : memref<480000xf32, #tpu.memory_space<hbm>> -> memref<5000xf32, #tpu.memory_space<hbm>>
      %dma_wait3A_137 = arith.constant 0 : i32
      %dma_wait3A_138 = tpu.memref_slice %arg8[%dma_wait3A_137] : memref<5008xf32, #tpu.memory_space<vmem>> -> memref<5000xf32, #tpu.memory_space<vmem>>
      %dma_wait3A_139 = tpu.memref_slice %arg2[%add3A_83] : memref<480000xf32, #tpu.memory_space<hbm>> -> memref<5000xf32, #tpu.memory_space<hbm>>
      tpu.wait_dma2 semaphore(%run_scoped3A : memref<!tpu.dma_semaphore, #tpu.memory_space<semaphore_mem>>) src(%dma_wait3A_139 : memref<5000xf32, #tpu.memory_space<hbm>>) dst(%dma_wait3A_138 : memref<5000xf32, #tpu.memory_space<vmem>>)
      tpu.yield
    }) : () -> ()
    %add3A_84 = arith.constant 320000 : i32
    %add3A_85 = arith.addi %add3A_84, %add3A_79 : i32
    "tpu.region"() ({
      %run_scoped3A = tpu.sem_alloc : memref<!tpu.dma_semaphore, #tpu.memory_space<semaphore_mem>>
      %dma_start3A_128 = arith.constant 0 : i32
      %dma_start3A_129 = tpu.memref_slice %arg9[%dma_start3A_128] : memref<5008xf32, #tpu.memory_space<vmem>> -> memref<5000xf32, #tpu.memory_space<vmem>>
      %dma_start3A_130 = tpu.memref_slice %arg2[%add3A_85] : memref<480000xf32, #tpu.memory_space<hbm>> -> memref<5000xf32, #tpu.memory_space<hbm>>
      %dma_start3A_131 = arith.constant 0 : i32
      %dma_start3A_132 = tpu.memref_slice %arg9[%dma_start3A_131] : memref<5008xf32, #tpu.memory_space<vmem>> -> memref<5000xf32, #tpu.memory_space<vmem>>
      %dma_start3A_133 = tpu.memref_slice %arg2[%add3A_85] : memref<480000xf32, #tpu.memory_space<hbm>> -> memref<5000xf32, #tpu.memory_space<hbm>>
      tpu.enqueue_dma source(%dma_start3A_133 : memref<5000xf32, #tpu.memory_space<hbm>>) target(%dma_start3A_132 : memref<5000xf32, #tpu.memory_space<vmem>>) target_semaphore(%run_scoped3A : memref<!tpu.dma_semaphore, #tpu.memory_space<semaphore_mem>>)
      %dma_wait3A_134 = arith.constant 0 : i32
      %dma_wait3A_135 = tpu.memref_slice %arg9[%dma_wait3A_134] : memref<5008xf32, #tpu.memory_space<vmem>> -> memref<5000xf32, #tpu.memory_space<vmem>>
      %dma_wait3A_136 = tpu.memref_slice %arg2[%add3A_85] : memref<480000xf32, #tpu.memory_space<hbm>> -> memref<5000xf32, #tpu.memory_space<hbm>>
      %dma_wait3A_137 = arith.constant 0 : i32
      %dma_wait3A_138 = tpu.memref_slice %arg9[%dma_wait3A_137] : memref<5008xf32, #tpu.memory_space<vmem>> -> memref<5000xf32, #tpu.memory_space<vmem>>
      %dma_wait3A_139 = tpu.memref_slice %arg2[%add3A_85] : memref<480000xf32, #tpu.memory_space<hbm>> -> memref<5000xf32, #tpu.memory_space<hbm>>
      tpu.wait_dma2 semaphore(%run_scoped3A : memref<!tpu.dma_semaphore, #tpu.memory_space<semaphore_mem>>) src(%dma_wait3A_139 : memref<5000xf32, #tpu.memory_space<hbm>>) dst(%dma_wait3A_138 : memref<5000xf32, #tpu.memory_space<vmem>>)
      tpu.yield
    }) : () -> ()
    %mul3A_86 = arith.constant 20000 : i32
    %mul3A_87 = arith.muli %select_n3A, %mul3A_86 : i32
    %mul3A_88 = arith.constant 5000 : i32
    %mul3A_89 = arith.muli %sub3A_19, %mul3A_88 : i32
    %add3A_90 = arith.addi %mul3A_87, %mul3A_89 : i32
    %mul3A_91 = arith.constant 64 : i32
    %mul3A_92 = arith.muli %add3A_90, %mul3A_91 : i32
    %scan3A_93 = arith.constant 0 : i32
    %scan3A_94 = arith.constant 0 : i32
    %scan3A_95 = arith.constant 12 : i32
    %scan3A_96 = arith.addi %scan3A_94, %scan3A_95 : i32
    %scan3A_97 = arith.constant 1 : i32
    %scan3A_98 = scf.for %scan3A_128 = %scan3A_94 to %scan3A_96 step %scan3A_97 iter_args(%scan3A_129 = %scan3A_93) -> (i32)  : i32 {
      %mul3A_130 = arith.constant 2 : i32
      %mul3A_131 = arith.muli %scan3A_128, %mul3A_130 : i32
      %ge3A = arith.constant 1 : i32
      %ge3A_132 = arith.cmpi sge, %scan3A_128, %ge3A : i32
      %convert_element_type3A = arith.extui %ge3A_132 : i1 to i32
      %cond3A = arith.constant 0 : i32
      %cond3A_133 = arith.cmpi ne, %convert_element_type3A, %cond3A : i32
      scf.if %cond3A_133 {
        %dma_wait3A_190 = arith.constant 0 : i32
        %dma_wait3A_191 = tpu.memref_slice %arg4[%dma_wait3A_190] : memref<10240000xf32, #tpu.memory_space<hbm>> -> memref<12800xf32, #tpu.memory_space<hbm>>
        %dma_wait3A_192 = arith.constant 0 : i32
        %dma_wait3A_193 = tpu.memref_slice %arg4[%dma_wait3A_192] : memref<10240000xf32, #tpu.memory_space<hbm>> -> memref<12800xf32, #tpu.memory_space<hbm>>
        tpu.wait_dma2 semaphore(%arg14 : memref<!tpu.dma_semaphore, #tpu.memory_space<semaphore_mem>>) src(%dma_wait3A_193 : memref<12800xf32, #tpu.memory_space<hbm>>) dst(%arg12 : memref<12800xf32, #tpu.memory_space<vmem>>)
      } else {
      }
      %mul3A_134 = arith.constant 200 : i32
      %mul3A_135 = arith.muli %mul3A_131, %mul3A_134 : i32
      %scan3A_136 = arith.constant 0 : i32
      %scan3A_137 = arith.constant 0 : i32
      %scan3A_138 = arith.constant 13 : i32
      %scan3A_139 = arith.addi %scan3A_137, %scan3A_138 : i32
      %scan3A_140 = arith.constant 1 : i32
      %scan3A_141 = scf.for %scan3A_190 = %scan3A_137 to %scan3A_139 step %scan3A_140 iter_args(%scan3A_191 = %scan3A_136) -> (i32)  : i32 {
        %mul3A_192 = arith.constant 16 : i32
        %mul3A_193 = arith.muli %scan3A_190, %mul3A_192 : i32
        %add3A_194 = arith.addi %mul3A_135, %mul3A_193 : i32
        %mul3A_195 = arith.constant 16 : i32
        %mul3A_196 = arith.muli %scan3A_190, %mul3A_195 : i32
        %add3A_197 = vector.broadcast %mul3A_196 : i32 to vector<16xi32>
        %add3A_198 = arith.addi %add3A_197, %iota3A : vector<16xi32>
        %mul3A_199 = arith.constant 3 : i32
        %mul3A_200 = vector.broadcast %mul3A_199 : i32 to vector<16xi32>
        %mul3A_201 = arith.muli %add3A_198, %mul3A_200 : vector<16xi32>
        %get3A = arith.index_cast %add3A_194 : i32 to index
        %get3A_202 = tpu.vector_load %arg7[%get3A] {strides = array<i32>} : memref<5008xf32, #tpu.memory_space<vmem>>, vector<16xf32>,
        %add3A_203 = arith.constant 1.000000e+00 : f32
        %add3A_204 = vector.broadcast %add3A_203 : f32 to vector<16xf32>
        %add3A_205 = arith.addf %get3A_202, %add3A_204 : vector<16xf32>
        %mul3A_206 = arith.constant 1.275000e+02 : f32
        %mul3A_207 = vector.broadcast %mul3A_206 : f32 to vector<16xf32>
        %mul3A_208 = arith.mulf %add3A_205, %mul3A_207 : vector<16xf32>
        %convert_element_type3A_209 = arith.fptosi %mul3A_208 : vector<16xf32> to vector<16xi32>
        %convert_element_type3A_210 = arith.sitofp %convert_element_type3A_209 : vector<16xi32> to vector<16xf32>
        %sub3A_211 = arith.subf %mul3A_208, %convert_element_type3A_210 : vector<16xf32>
        %add3A_212 = arith.constant 0 : i32
        %add3A_213 = vector.broadcast %add3A_212 : i32 to vector<16xi32>
        %add3A_214 = arith.addi %mul3A_201, %add3A_213 : vector<16xi32>
        %add3A_215 = arith.constant 0 : i32
        %add3A_216 = vector.broadcast %add3A_215 : i32 to vector<16xi32>
        %add3A_217 = arith.addi %convert_element_type3A_209, %add3A_216 : vector<16xi32>
        %mul3A_218 = arith.constant 65 : i32
        %mul3A_219 = vector.broadcast %mul3A_218 : i32 to vector<16xi32>
        %mul3A_220 = arith.muli %add3A_217, %mul3A_219 : vector<16xi32>
        tpu.vector_store_idx %arg10[%add3A_214], %mul3A_220 : memref<640xi32, #tpu.memory_space<vmem>>[vector<16xi32>], vector<16xi32>,
        %add3A_221 = arith.constant 0 : i32
        %add3A_222 = vector.broadcast %add3A_221 : i32 to vector<16xi32>
        %add3A_223 = arith.addi %mul3A_201, %add3A_222 : vector<16xi32>
        tpu.vector_store_idx %arg11[%add3A_223], %sub3A_211 : memref<640xf32, #tpu.memory_space<vmem>>[vector<16xi32>], vector<16xf32>,
        %get3A_224 = arith.index_cast %add3A_194 : i32 to index
        %get3A_225 = tpu.vector_load %arg8[%get3A_224] {strides = array<i32>} : memref<5008xf32, #tpu.memory_space<vmem>>, vector<16xf32>,
        %add3A_226 = arith.constant 1.000000e+00 : f32
        %add3A_227 = vector.broadcast %add3A_226 : f32 to vector<16xf32>
        %add3A_228 = arith.addf %get3A_225, %add3A_227 : vector<16xf32>
        %mul3A_229 = arith.constant 1.275000e+02 : f32
        %mul3A_230 = vector.broadcast %mul3A_229 : f32 to vector<16xf32>
        %mul3A_231 = arith.mulf %add3A_228, %mul3A_230 : vector<16xf32>
        %convert_element_type3A_232 = arith.fptosi %mul3A_231 : vector<16xf32> to vector<16xi32>
        %convert_element_type3A_233 = arith.sitofp %convert_element_type3A_232 : vector<16xi32> to vector<16xf32>
        %sub3A_234 = arith.subf %mul3A_231, %convert_element_type3A_233 : vector<16xf32>
        %add3A_235 = arith.constant 1 : i32
        %add3A_236 = vector.broadcast %add3A_235 : i32 to vector<16xi32>
        %add3A_237 = arith.addi %mul3A_201, %add3A_236 : vector<16xi32>
        %add3A_238 = arith.constant 256 : i32
        %add3A_239 = vector.broadcast %add3A_238 : i32 to vector<16xi32>
        %add3A_240 = arith.addi %convert_element_type3A_232, %add3A_239 : vector<16xi32>
        %mul3A_241 = arith.constant 65 : i32
        %mul3A_242 = vector.broadcast %mul3A_241 : i32 to vector<16xi32>
        %mul3A_243 = arith.muli %add3A_240, %mul3A_242 : vector<16xi32>
        tpu.vector_store_idx %arg10[%add3A_237], %mul3A_243 : memref<640xi32, #tpu.memory_space<vmem>>[vector<16xi32>], vector<16xi32>,
        %add3A_244 = arith.constant 1 : i32
        %add3A_245 = vector.broadcast %add3A_244 : i32 to vector<16xi32>
        %add3A_246 = arith.addi %mul3A_201, %add3A_245 : vector<16xi32>
        tpu.vector_store_idx %arg11[%add3A_246], %sub3A_234 : memref<640xf32, #tpu.memory_space<vmem>>[vector<16xi32>], vector<16xf32>,
        %get3A_247 = arith.index_cast %add3A_194 : i32 to index
        %get3A_248 = tpu.vector_load %arg9[%get3A_247] {strides = array<i32>} : memref<5008xf32, #tpu.memory_space<vmem>>, vector<16xf32>,
        %add3A_249 = arith.constant 1.000000e+00 : f32
        %add3A_250 = vector.broadcast %add3A_249 : f32 to vector<16xf32>
        %add3A_251 = arith.addf %get3A_248, %add3A_250 : vector<16xf32>
        %mul3A_252 = arith.constant 1.275000e+02 : f32
        %mul3A_253 = vector.broadcast %mul3A_252 : f32 to vector<16xf32>
        %mul3A_254 = arith.mulf %add3A_251, %mul3A_253 : vector<16xf32>
        %convert_element_type3A_255 = arith.fptosi %mul3A_254 : vector<16xf32> to vector<16xi32>
        %convert_element_type3A_256 = arith.sitofp %convert_element_type3A_255 : vector<16xi32> to vector<16xf32>
        %sub3A_257 = arith.subf %mul3A_254, %convert_element_type3A_256 : vector<16xf32>
        %add3A_258 = arith.constant 2 : i32
        %add3A_259 = vector.broadcast %add3A_258 : i32 to vector<16xi32>
        %add3A_260 = arith.addi %mul3A_201, %add3A_259 : vector<16xi32>
        %add3A_261 = arith.constant 512 : i32
        %add3A_262 = vector.broadcast %add3A_261 : i32 to vector<16xi32>
        %add3A_263 = arith.addi %convert_element_type3A_255, %add3A_262 : vector<16xi32>
        %mul3A_264 = arith.constant 65 : i32
        %mul3A_265 = vector.broadcast %mul3A_264 : i32 to vector<16xi32>
        %mul3A_266 = arith.muli %add3A_263, %mul3A_265 : vector<16xi32>
        tpu.vector_store_idx %arg10[%add3A_260], %mul3A_266 : memref<640xi32, #tpu.memory_space<vmem>>[vector<16xi32>], vector<16xi32>,
        %add3A_267 = arith.constant 2 : i32
        %add3A_268 = vector.broadcast %add3A_267 : i32 to vector<16xi32>
        %add3A_269 = arith.addi %mul3A_201, %add3A_268 : vector<16xi32>
        tpu.vector_store_idx %arg11[%add3A_269], %sub3A_257 : memref<640xf32, #tpu.memory_space<vmem>>[vector<16xi32>], vector<16xf32>,
        %scan3A_270 = arith.constant 0 : i32
        scf.yield %scan3A_270 : i32
      }
      %scan3A_142 = arith.constant 13 : i32
      %scan3A_143 = arith.constant 0 : i32
      %scan3A_144 = arith.constant 0 : i32
      %scan3A_145 = arith.constant 200 : i32
      %scan3A_146 = arith.addi %scan3A_144, %scan3A_145 : i32
      %scan3A_147 = arith.constant 2 : i32
      %scan3A_148 = scf.for %scan3A_190 = %scan3A_144 to %scan3A_146 step %scan3A_147 iter_args(%scan3A_191 = %scan3A_143) -> (i32)  : i32 {
        %mul3A_192 = arith.constant 3 : i32
        %mul3A_193 = arith.muli %scan3A_190, %mul3A_192 : i32
        %mul3A_194 = arith.constant 64 : i32
        %mul3A_195 = arith.muli %scan3A_190, %mul3A_194 : i32
        %get3A = arith.index_cast %mul3A_193 : i32 to index
        %get3A_196 = tpu.vector_load %arg10[%get3A] {strides = array<i32>} : memref<640xi32, #tpu.memory_space<vmem>>, vector<16xi32>,
        %get3A_197 = arith.index_cast %mul3A_193 : i32 to index
        %get3A_198 = tpu.vector_load %arg11[%get3A_197] {strides = array<i32>} : memref<640xf32, #tpu.memory_space<vmem>>, vector<16xf32>,
        %slice3A = vector.extract_strided_slice %get3A_196 {offsets = [0], sizes = [1], strides = [1]} : vector<16xi32> to vector<1xi32>
        %squeeze3A = vector.extract %slice3A[0] : i32 from vector<1xi32>
        %slice3A_199 = vector.extract_strided_slice %get3A_198 {offsets = [0], sizes = [1], strides = [1]} : vector<16xf32> to vector<1xf32>
        %squeeze3A_200 = vector.extract %slice3A_199[0] : f32 from vector<1xf32>
        %sub3A_201 = arith.constant 1.000000e+00 : f32
        %sub3A_202 = arith.subf %sub3A_201, %squeeze3A_200 : f32
        %add3A_203 = arith.constant 0 : i32
        %add3A_204 = arith.addi %squeeze3A, %add3A_203 : i32
        %get3A_205 = arith.index_cast %add3A_204 : i32 to index
        %get3A_206 = tpu.vector_load %arg6[%get3A_205] {strides = array<i32>} : memref<49920xf32, #tpu.memory_space<vmem>>, vector<16xf32>,
        %add3A_207 = arith.constant 65 : i32
        %add3A_208 = arith.addi %squeeze3A, %add3A_207 : i32
        %add3A_209 = arith.constant 0 : i32
        %add3A_210 = arith.addi %add3A_208, %add3A_209 : i32
        %get3A_211 = arith.index_cast %add3A_210 : i32 to index
        %get3A_212 = tpu.vector_load %arg6[%get3A_211] {strides = array<i32>} : memref<49920xf32, #tpu.memory_space<vmem>>, vector<16xf32>,
        %mul3A_213 = vector.broadcast %sub3A_202 : f32 to vector<16xf32>
        %mul3A_214 = arith.mulf %get3A_206, %mul3A_213 : vector<16xf32>
        %mul3A_215 = vector.broadcast %squeeze3A_200 : f32 to vector<16xf32>
        %mul3A_216 = arith.mulf %get3A_212, %mul3A_215 : vector<16xf32>
        %add3A_217 = arith.addf %mul3A_214, %mul3A_216 : vector<16xf32>
        %add3A_218 = arith.constant 16 : i32
        %add3A_219 = arith.addi %squeeze3A, %add3A_218 : i32
        %get3A_220 = arith.index_cast %add3A_219 : i32 to index
        %get3A_221 = tpu.vector_load %arg6[%get3A_220] {strides = array<i32>} : memref<49920xf32, #tpu.memory_space<vmem>>, vector<16xf32>,
        %add3A_222 = arith.constant 65 : i32
        %add3A_223 = arith.addi %squeeze3A, %add3A_222 : i32
        %add3A_224 = arith.constant 16 : i32
        %add3A_225 = arith.addi %add3A_223, %add3A_224 : i32
        %get3A_226 = arith.index_cast %add3A_225 : i32 to index
        %get3A_227 = tpu.vector_load %arg6[%get3A_226] {strides = array<i32>} : memref<49920xf32, #tpu.memory_space<vmem>>, vector<16xf32>,
        %mul3A_228 = vector.broadcast %sub3A_202 : f32 to vector<16xf32>
        %mul3A_229 = arith.mulf %get3A_221, %mul3A_228 : vector<16xf32>
        %mul3A_230 = vector.broadcast %squeeze3A_200 : f32 to vector<16xf32>
        %mul3A_231 = arith.mulf %get3A_227, %mul3A_230 : vector<16xf32>
        %add3A_232 = arith.addf %mul3A_229, %mul3A_231 : vector<16xf32>
        %add3A_233 = arith.constant 32 : i32
        %add3A_234 = arith.addi %squeeze3A, %add3A_233 : i32
        %get3A_235 = arith.index_cast %add3A_234 : i32 to index
        %get3A_236 = tpu.vector_load %arg6[%get3A_235] {strides = array<i32>} : memref<49920xf32, #tpu.memory_space<vmem>>, vector<16xf32>,
        %add3A_237 = arith.constant 65 : i32
        %add3A_238 = arith.addi %squeeze3A, %add3A_237 : i32
        %add3A_239 = arith.constant 32 : i32
        %add3A_240 = arith.addi %add3A_238, %add3A_239 : i32
        %get3A_241 = arith.index_cast %add3A_240 : i32 to index
        %get3A_242 = tpu.vector_load %arg6[%get3A_241] {strides = array<i32>} : memref<49920xf32, #tpu.memory_space<vmem>>, vector<16xf32>,
        %mul3A_243 = vector.broadcast %sub3A_202 : f32 to vector<16xf32>
        %mul3A_244 = arith.mulf %get3A_236, %mul3A_243 : vector<16xf32>
        %mul3A_245 = vector.broadcast %squeeze3A_200 : f32 to vector<16xf32>
        %mul3A_246 = arith.mulf %get3A_242, %mul3A_245 : vector<16xf32>
        %add3A_247 = arith.addf %mul3A_244, %mul3A_246 : vector<16xf32>
        %add3A_248 = arith.constant 48 : i32
        %add3A_249 = arith.addi %squeeze3A, %add3A_248 : i32
        %get3A_250 = arith.index_cast %add3A_249 : i32 to index
        %get3A_251 = tpu.vector_load %arg6[%get3A_250] {strides = array<i32>} : memref<49920xf32, #tpu.memory_space<vmem>>, vector<16xf32>,
        %add3A_252 = arith.constant 65 : i32
        %add3A_253 = arith.addi %squeeze3A, %add3A_252 : i32
        %add3A_254 = arith.constant 48 : i32
        %add3A_255 = arith.addi %add3A_253, %add3A_254 : i32
        %get3A_256 = arith.index_cast %add3A_255 : i32 to index
        %get3A_257 = tpu.vector_load %arg6[%get3A_256] {strides = array<i32>} : memref<49920xf32, #tpu.memory_space<vmem>>, vector<16xf32>,
        %mul3A_258 = vector.broadcast %sub3A_202 : f32 to vector<16xf32>
        %mul3A_259 = arith.mulf %get3A_251, %mul3A_258 : vector<16xf32>
        %mul3A_260 = vector.broadcast %squeeze3A_200 : f32 to vector<16xf32>
        %mul3A_261 = arith.mulf %get3A_257, %mul3A_260 : vector<16xf32>
        %add3A_262 = arith.addf %mul3A_259, %mul3A_261 : vector<16xf32>
        %slice3A_263 = vector.extract_strided_slice %get3A_196 {offsets = [1], sizes = [1], strides = [1]} : vector<16xi32> to vector<1xi32>
        %squeeze3A_264 = vector.extract %slice3A_263[0] : i32 from vector<1xi32>
        %slice3A_265 = vector.extract_strided_slice %get3A_198 {offsets = [1], sizes = [1], strides = [1]} : vector<16xf32> to vector<1xf32>
        %squeeze3A_266 = vector.extract %slice3A_265[0] : f32 from vector<1xf32>
        %sub3A_267 = arith.constant 1.000000e+00 : f32
        %sub3A_268 = arith.subf %sub3A_267, %squeeze3A_266 : f32
        %add3A_269 = arith.constant 0 : i32
        %add3A_270 = arith.addi %squeeze3A_264, %add3A_269 : i32
        %get3A_271 = arith.index_cast %add3A_270 : i32 to index
        %get3A_272 = tpu.vector_load %arg6[%get3A_271] {strides = array<i32>} : memref<49920xf32, #tpu.memory_space<vmem>>, vector<16xf32>,
        %add3A_273 = arith.constant 65 : i32
        %add3A_274 = arith.addi %squeeze3A_264, %add3A_273 : i32
        %add3A_275 = arith.constant 0 : i32
        %add3A_276 = arith.addi %add3A_274, %add3A_275 : i32
        %get3A_277 = arith.index_cast %add3A_276 : i32 to index
        %get3A_278 = tpu.vector_load %arg6[%get3A_277] {strides = array<i32>} : memref<49920xf32, #tpu.memory_space<vmem>>, vector<16xf32>,
        %mul3A_279 = vector.broadcast %sub3A_268 : f32 to vector<16xf32>
        %mul3A_280 = arith.mulf %get3A_272, %mul3A_279 : vector<16xf32>
        %mul3A_281 = vector.broadcast %squeeze3A_266 : f32 to vector<16xf32>
        %mul3A_282 = arith.mulf %get3A_278, %mul3A_281 : vector<16xf32>
        %add3A_283 = arith.addf %mul3A_280, %mul3A_282 : vector<16xf32>
        %add3A_284 = arith.addf %add3A_217, %add3A_283 : vector<16xf32>
        %add3A_285 = arith.constant 16 : i32
        %add3A_286 = arith.addi %squeeze3A_264, %add3A_285 : i32
        %get3A_287 = arith.index_cast %add3A_286 : i32 to index
        %get3A_288 = tpu.vector_load %arg6[%get3A_287] {strides = array<i32>} : memref<49920xf32, #tpu.memory_space<vmem>>, vector<16xf32>,
        %add3A_289 = arith.constant 65 : i32
        %add3A_290 = arith.addi %squeeze3A_264, %add3A_289 : i32
        %add3A_291 = arith.constant 16 : i32
        %add3A_292 = arith.addi %add3A_290, %add3A_291 : i32
        %get3A_293 = arith.index_cast %add3A_292 : i32 to index
        %get3A_294 = tpu.vector_load %arg6[%get3A_293] {strides = array<i32>} : memref<49920xf32, #tpu.memory_space<vmem>>, vector<16xf32>,
        %mul3A_295 = vector.broadcast %sub3A_268 : f32 to vector<16xf32>
        %mul3A_296 = arith.mulf %get3A_288, %mul3A_295 : vector<16xf32>
        %mul3A_297 = vector.broadcast %squeeze3A_266 : f32 to vector<16xf32>
        %mul3A_298 = arith.mulf %get3A_294, %mul3A_297 : vector<16xf32>
        %add3A_299 = arith.addf %mul3A_296, %mul3A_298 : vector<16xf32>
        %add3A_300 = arith.addf %add3A_232, %add3A_299 : vector<16xf32>
        %add3A_301 = arith.constant 32 : i32
        %add3A_302 = arith.addi %squeeze3A_264, %add3A_301 : i32
        %get3A_303 = arith.index_cast %add3A_302 : i32 to index
        %get3A_304 = tpu.vector_load %arg6[%get3A_303] {strides = array<i32>} : memref<49920xf32, #tpu.memory_space<vmem>>, vector<16xf32>,
        %add3A_305 = arith.constant 65 : i32
        %add3A_306 = arith.addi %squeeze3A_264, %add3A_305 : i32
        %add3A_307 = arith.constant 32 : i32
        %add3A_308 = arith.addi %add3A_306, %add3A_307 : i32
        %get3A_309 = arith.index_cast %add3A_308 : i32 to index
        %get3A_310 = tpu.vector_load %arg6[%get3A_309] {strides = array<i32>} : memref<49920xf32, #tpu.memory_space<vmem>>, vector<16xf32>,
        %mul3A_311 = vector.broadcast %sub3A_268 : f32 to vector<16xf32>
        %mul3A_312 = arith.mulf %get3A_304, %mul3A_311 : vector<16xf32>
        %mul3A_313 = vector.broadcast %squeeze3A_266 : f32 to vector<16xf32>
        %mul3A_314 = arith.mulf %get3A_310, %mul3A_313 : vector<16xf32>
        %add3A_315 = arith.addf %mul3A_312, %mul3A_314 : vector<16xf32>
        %add3A_316 = arith.addf %add3A_247, %add3A_315 : vector<16xf32>
        %add3A_317 = arith.constant 48 : i32
        %add3A_318 = arith.addi %squeeze3A_264, %add3A_317 : i32
        %get3A_319 = arith.index_cast %add3A_318 : i32 to index
        %get3A_320 = tpu.vector_load %arg6[%get3A_319] {strides = array<i32>} : memref<49920xf32, #tpu.memory_space<vmem>>, vector<16xf32>,
        %add3A_321 = arith.constant 65 : i32
        %add3A_322 = arith.addi %squeeze3A_264, %add3A_321 : i32
        %add3A_323 = arith.constant 48 : i32
        %add3A_324 = arith.addi %add3A_322, %add3A_323 : i32
        %get3A_325 = arith.index_cast %add3A_324 : i32 to index
        %get3A_326 = tpu.vector_load %arg6[%get3A_325] {strides = array<i32>} : memref<49920xf32, #tpu.memory_space<vmem>>, vector<16xf32>,
        %mul3A_327 = vector.broadcast %sub3A_268 : f32 to vector<16xf32>
        %mul3A_328 = arith.mulf %get3A_320, %mul3A_327 : vector<16xf32>
        %mul3A_329 = vector.broadcast %squeeze3A_266 : f32 to vector<16xf32>
        %mul3A_330 = arith.mulf %get3A_326, %mul3A_329 : vector<16xf32>
        %add3A_331 = arith.addf %mul3A_328, %mul3A_330 : vector<16xf32>
        %add3A_332 = arith.addf %add3A_262, %add3A_331 : vector<16xf32>
        %slice3A_333 = vector.extract_strided_slice %get3A_196 {offsets = [2], sizes = [1], strides = [1]} : vector<16xi32> to vector<1xi32>
        %squeeze3A_334 = vector.extract %slice3A_333[0] : i32 from vector<1xi32>
        %slice3A_335 = vector.extract_strided_slice %get3A_198 {offsets = [2], sizes = [1], strides = [1]} : vector<16xf32> to vector<1xf32>
        %squeeze3A_336 = vector.extract %slice3A_335[0] : f32 from vector<1xf32>
        %sub3A_337 = arith.constant 1.000000e+00 : f32
        %sub3A_338 = arith.subf %sub3A_337, %squeeze3A_336 : f32
        %add3A_339 = arith.constant 0 : i32
        %add3A_340 = arith.addi %squeeze3A_334, %add3A_339 : i32
        %get3A_341 = arith.index_cast %add3A_340 : i32 to index
        %get3A_342 = tpu.vector_load %arg6[%get3A_341] {strides = array<i32>} : memref<49920xf32, #tpu.memory_space<vmem>>, vector<16xf32>,
        %add3A_343 = arith.constant 65 : i32
        %add3A_344 = arith.addi %squeeze3A_334, %add3A_343 : i32
        %add3A_345 = arith.constant 0 : i32
        %add3A_346 = arith.addi %add3A_344, %add3A_345 : i32
        %get3A_347 = arith.index_cast %add3A_346 : i32 to index
        %get3A_348 = tpu.vector_load %arg6[%get3A_347] {strides = array<i32>} : memref<49920xf32, #tpu.memory_space<vmem>>, vector<16xf32>,
        %mul3A_349 = vector.broadcast %sub3A_338 : f32 to vector<16xf32>
        %mul3A_350 = arith.mulf %get3A_342, %mul3A_349 : vector<16xf32>
        %mul3A_351 = vector.broadcast %squeeze3A_336 : f32 to vector<16xf32>
        %mul3A_352 = arith.mulf %get3A_348, %mul3A_351 : vector<16xf32>
        %add3A_353 = arith.addf %mul3A_350, %mul3A_352 : vector<16xf32>
        %add3A_354 = arith.addf %add3A_284, %add3A_353 : vector<16xf32>
        %add3A_355 = arith.constant 16 : i32
        %add3A_356 = arith.addi %squeeze3A_334, %add3A_355 : i32
        %get3A_357 = arith.index_cast %add3A_356 : i32 to index
        %get3A_358 = tpu.vector_load %arg6[%get3A_357] {strides = array<i32>} : memref<49920xf32, #tpu.memory_space<vmem>>, vector<16xf32>,
        %add3A_359 = arith.constant 65 : i32
        %add3A_360 = arith.addi %squeeze3A_334, %add3A_359 : i32
        %add3A_361 = arith.constant 16 : i32
        %add3A_362 = arith.addi %add3A_360, %add3A_361 : i32
        %get3A_363 = arith.index_cast %add3A_362 : i32 to index
        %get3A_364 = tpu.vector_load %arg6[%get3A_363] {strides = array<i32>} : memref<49920xf32, #tpu.memory_space<vmem>>, vector<16xf32>,
        %mul3A_365 = vector.broadcast %sub3A_338 : f32 to vector<16xf32>
        %mul3A_366 = arith.mulf %get3A_358, %mul3A_365 : vector<16xf32>
        %mul3A_367 = vector.broadcast %squeeze3A_336 : f32 to vector<16xf32>
        %mul3A_368 = arith.mulf %get3A_364, %mul3A_367 : vector<16xf32>
        %add3A_369 = arith.addf %mul3A_366, %mul3A_368 : vector<16xf32>
        %add3A_370 = arith.addf %add3A_300, %add3A_369 : vector<16xf32>
        %add3A_371 = arith.constant 32 : i32
        %add3A_372 = arith.addi %squeeze3A_334, %add3A_371 : i32
        %get3A_373 = arith.index_cast %add3A_372 : i32 to index
        %get3A_374 = tpu.vector_load %arg6[%get3A_373] {strides = array<i32>} : memref<49920xf32, #tpu.memory_space<vmem>>, vector<16xf32>,
        %add3A_375 = arith.constant 65 : i32
        %add3A_376 = arith.addi %squeeze3A_334, %add3A_375 : i32
        %add3A_377 = arith.constant 32 : i32
        %add3A_378 = arith.addi %add3A_376, %add3A_377 : i32
        %get3A_379 = arith.index_cast %add3A_378 : i32 to index
        %get3A_380 = tpu.vector_load %arg6[%get3A_379] {strides = array<i32>} : memref<49920xf32, #tpu.memory_space<vmem>>, vector<16xf32>,
        %mul3A_381 = vector.broadcast %sub3A_338 : f32 to vector<16xf32>
        %mul3A_382 = arith.mulf %get3A_374, %mul3A_381 : vector<16xf32>
        %mul3A_383 = vector.broadcast %squeeze3A_336 : f32 to vector<16xf32>
        %mul3A_384 = arith.mulf %get3A_380, %mul3A_383 : vector<16xf32>
        %add3A_385 = arith.addf %mul3A_382, %mul3A_384 : vector<16xf32>
        %add3A_386 = arith.addf %add3A_316, %add3A_385 : vector<16xf32>
        %add3A_387 = arith.constant 48 : i32
        %add3A_388 = arith.addi %squeeze3A_334, %add3A_387 : i32
        %get3A_389 = arith.index_cast %add3A_388 : i32 to index
        %get3A_390 = tpu.vector_load %arg6[%get3A_389] {strides = array<i32>} : memref<49920xf32, #tpu.memory_space<vmem>>, vector<16xf32>,
        %add3A_391 = arith.constant 65 : i32
        %add3A_392 = arith.addi %squeeze3A_334, %add3A_391 : i32
        %add3A_393 = arith.constant 48 : i32
        %add3A_394 = arith.addi %add3A_392, %add3A_393 : i32
        %get3A_395 = arith.index_cast %add3A_394 : i32 to index
        %get3A_396 = tpu.vector_load %arg6[%get3A_395] {strides = array<i32>} : memref<49920xf32, #tpu.memory_space<vmem>>, vector<16xf32>,
        %mul3A_397 = vector.broadcast %sub3A_338 : f32 to vector<16xf32>
        %mul3A_398 = arith.mulf %get3A_390, %mul3A_397 : vector<16xf32>
        %mul3A_399 = vector.broadcast %squeeze3A_336 : f32 to vector<16xf32>
        %mul3A_400 = arith.mulf %get3A_396, %mul3A_399 : vector<16xf32>
        %add3A_401 = arith.addf %mul3A_398, %mul3A_400 : vector<16xf32>
        %add3A_402 = arith.addf %add3A_332, %add3A_401 : vector<16xf32>
        %add3A_403 = arith.constant 0 : i32
        %add3A_404 = arith.addi %mul3A_195, %add3A_403 : i32
        %swap3A = arith.index_cast %add3A_404 : i32 to index
        %swap3A_405 = tpu.vector_load %arg12[%swap3A] {strides = array<i32>} : memref<12800xf32, #tpu.memory_space<vmem>>, vector<16xf32>,
        tpu.vector_store %arg12[%swap3A], %add3A_354 {strides = array<i32>} : memref<12800xf32, #tpu.memory_space<vmem>>, vector<16xf32>,
        %add3A_406 = arith.constant 16 : i32
        %add3A_407 = arith.addi %mul3A_195, %add3A_406 : i32
        %swap3A_408 = arith.index_cast %add3A_407 : i32 to index
        %swap3A_409 = tpu.vector_load %arg12[%swap3A_408] {strides = array<i32>} : memref<12800xf32, #tpu.memory_space<vmem>>, vector<16xf32>,
        tpu.vector_store %arg12[%swap3A_408], %add3A_370 {strides = array<i32>} : memref<12800xf32, #tpu.memory_space<vmem>>, vector<16xf32>,
        %add3A_410 = arith.constant 32 : i32
        %add3A_411 = arith.addi %mul3A_195, %add3A_410 : i32
        %swap3A_412 = arith.index_cast %add3A_411 : i32 to index
        %swap3A_413 = tpu.vector_load %arg12[%swap3A_412] {strides = array<i32>} : memref<12800xf32, #tpu.memory_space<vmem>>, vector<16xf32>,
        tpu.vector_store %arg12[%swap3A_412], %add3A_386 {strides = array<i32>} : memref<12800xf32, #tpu.memory_space<vmem>>, vector<16xf32>,
        %add3A_414 = arith.constant 48 : i32
        %add3A_415 = arith.addi %mul3A_195, %add3A_414 : i32
        %swap3A_416 = arith.index_cast %add3A_415 : i32 to index
        %swap3A_417 = tpu.vector_load %arg12[%swap3A_416] {strides = array<i32>} : memref<12800xf32, #tpu.memory_space<vmem>>, vector<16xf32>,
        tpu.vector_store %arg12[%swap3A_416], %add3A_402 {strides = array<i32>} : memref<12800xf32, #tpu.memory_space<vmem>>, vector<16xf32>,
        %scan3A_418 = arith.constant 0 : i32
        %scan3A_419 = arith.constant 1 : i32
        %scan3A_420 = arith.addi %scan3A_190, %scan3A_419 : i32
        %mul3A_421 = arith.constant 3 : i32
        %mul3A_422 = arith.muli %scan3A_420, %mul3A_421 : i32
        %mul3A_423 = arith.constant 64 : i32
        %mul3A_424 = arith.muli %scan3A_420, %mul3A_423 : i32
        %get3A_425 = arith.index_cast %mul3A_422 : i32 to index
        %get3A_426 = tpu.vector_load %arg10[%get3A_425] {strides = array<i32>} : memref<640xi32, #tpu.memory_space<vmem>>, vector<16xi32>,
        %get3A_427 = arith.index_cast %mul3A_422 : i32 to index
        %get3A_428 = tpu.vector_load %arg11[%get3A_427] {strides = array<i32>} : memref<640xf32, #tpu.memory_space<vmem>>, vector<16xf32>,
        %slice3A_429 = vector.extract_strided_slice %get3A_426 {offsets = [0], sizes = [1], strides = [1]} : vector<16xi32> to vector<1xi32>
        %squeeze3A_430 = vector.extract %slice3A_429[0] : i32 from vector<1xi32>
        %slice3A_431 = vector.extract_strided_slice %get3A_428 {offsets = [0], sizes = [1], strides = [1]} : vector<16xf32> to vector<1xf32>
        %squeeze3A_432 = vector.extract %slice3A_431[0] : f32 from vector<1xf32>
        %sub3A_433 = arith.constant 1.000000e+00 : f32
        %sub3A_434 = arith.subf %sub3A_433, %squeeze3A_432 : f32
        %add3A_435 = arith.constant 0 : i32
        %add3A_436 = arith.addi %squeeze3A_430, %add3A_435 : i32
        %get3A_437 = arith.index_cast %add3A_436 : i32 to index
        %get3A_438 = tpu.vector_load %arg6[%get3A_437] {strides = array<i32>} : memref<49920xf32, #tpu.memory_space<vmem>>, vector<16xf32>,
        %add3A_439 = arith.constant 65 : i32
        %add3A_440 = arith.addi %squeeze3A_430, %add3A_439 : i32
        %add3A_441 = arith.constant 0 : i32
        %add3A_442 = arith.addi %add3A_440, %add3A_441 : i32
        %get3A_443 = arith.index_cast %add3A_442 : i32 to index
        %get3A_444 = tpu.vector_load %arg6[%get3A_443] {strides = array<i32>} : memref<49920xf32, #tpu.memory_space<vmem>>, vector<16xf32>,
        %mul3A_445 = vector.broadcast %sub3A_434 : f32 to vector<16xf32>
        %mul3A_446 = arith.mulf %get3A_438, %mul3A_445 : vector<16xf32>
        %mul3A_447 = vector.broadcast %squeeze3A_432 : f32 to vector<16xf32>
        %mul3A_448 = arith.mulf %get3A_444, %mul3A_447 : vector<16xf32>
        %add3A_449 = arith.addf %mul3A_446, %mul3A_448 : vector<16xf32>
        %add3A_450 = arith.constant 16 : i32
        %add3A_451 = arith.addi %squeeze3A_430, %add3A_450 : i32
        %get3A_452 = arith.index_cast %add3A_451 : i32 to index
        %get3A_453 = tpu.vector_load %arg6[%get3A_452] {strides = array<i32>} : memref<49920xf32, #tpu.memory_space<vmem>>, vector<16xf32>,
        %add3A_454 = arith.constant 65 : i32
        %add3A_455 = arith.addi %squeeze3A_430, %add3A_454 : i32
        %add3A_456 = arith.constant 16 : i32
        %add3A_457 = arith.addi %add3A_455, %add3A_456 : i32
        %get3A_458 = arith.index_cast %add3A_457 : i32 to index
        %get3A_459 = tpu.vector_load %arg6[%get3A_458] {strides = array<i32>} : memref<49920xf32, #tpu.memory_space<vmem>>, vector<16xf32>,
        %mul3A_460 = vector.broadcast %sub3A_434 : f32 to vector<16xf32>
        %mul3A_461 = arith.mulf %get3A_453, %mul3A_460 : vector<16xf32>
        %mul3A_462 = vector.broadcast %squeeze3A_432 : f32 to vector<16xf32>
        %mul3A_463 = arith.mulf %get3A_459, %mul3A_462 : vector<16xf32>
        %add3A_464 = arith.addf %mul3A_461, %mul3A_463 : vector<16xf32>
        %add3A_465 = arith.constant 32 : i32
        %add3A_466 = arith.addi %squeeze3A_430, %add3A_465 : i32
        %get3A_467 = arith.index_cast %add3A_466 : i32 to index
        %get3A_468 = tpu.vector_load %arg6[%get3A_467] {strides = array<i32>} : memref<49920xf32, #tpu.memory_space<vmem>>, vector<16xf32>,
        %add3A_469 = arith.constant 65 : i32
        %add3A_470 = arith.addi %squeeze3A_430, %add3A_469 : i32
        %add3A_471 = arith.constant 32 : i32
        %add3A_472 = arith.addi %add3A_470, %add3A_471 : i32
        %get3A_473 = arith.index_cast %add3A_472 : i32 to index
        %get3A_474 = tpu.vector_load %arg6[%get3A_473] {strides = array<i32>} : memref<49920xf32, #tpu.memory_space<vmem>>, vector<16xf32>,
        %mul3A_475 = vector.broadcast %sub3A_434 : f32 to vector<16xf32>
        %mul3A_476 = arith.mulf %get3A_468, %mul3A_475 : vector<16xf32>
        %mul3A_477 = vector.broadcast %squeeze3A_432 : f32 to vector<16xf32>
        %mul3A_478 = arith.mulf %get3A_474, %mul3A_477 : vector<16xf32>
        %add3A_479 = arith.addf %mul3A_476, %mul3A_478 : vector<16xf32>
        %add3A_480 = arith.constant 48 : i32
        %add3A_481 = arith.addi %squeeze3A_430, %add3A_480 : i32
        %get3A_482 = arith.index_cast %add3A_481 : i32 to index
        %get3A_483 = tpu.vector_load %arg6[%get3A_482] {strides = array<i32>} : memref<49920xf32, #tpu.memory_space<vmem>>, vector<16xf32>,
        %add3A_484 = arith.constant 65 : i32
        %add3A_485 = arith.addi %squeeze3A_430, %add3A_484 : i32
        %add3A_486 = arith.constant 48 : i32
        %add3A_487 = arith.addi %add3A_485, %add3A_486 : i32
        %get3A_488 = arith.index_cast %add3A_487 : i32 to index
        %get3A_489 = tpu.vector_load %arg6[%get3A_488] {strides = array<i32>} : memref<49920xf32, #tpu.memory_space<vmem>>, vector<16xf32>,
        %mul3A_490 = vector.broadcast %sub3A_434 : f32 to vector<16xf32>
        %mul3A_491 = arith.mulf %get3A_483, %mul3A_490 : vector<16xf32>
        %mul3A_492 = vector.broadcast %squeeze3A_432 : f32 to vector<16xf32>
        %mul3A_493 = arith.mulf %get3A_489, %mul3A_492 : vector<16xf32>
        %add3A_494 = arith.addf %mul3A_491, %mul3A_493 : vector<16xf32>
        %slice3A_495 = vector.extract_strided_slice %get3A_426 {offsets = [1], sizes = [1], strides = [1]} : vector<16xi32> to vector<1xi32>
        %squeeze3A_496 = vector.extract %slice3A_495[0] : i32 from vector<1xi32>
        %slice3A_497 = vector.extract_strided_slice %get3A_428 {offsets = [1], sizes = [1], strides = [1]} : vector<16xf32> to vector<1xf32>
        %squeeze3A_498 = vector.extract %slice3A_497[0] : f32 from vector<1xf32>
        %sub3A_499 = arith.constant 1.000000e+00 : f32
        %sub3A_500 = arith.subf %sub3A_499, %squeeze3A_498 : f32
        %add3A_501 = arith.constant 0 : i32
        %add3A_502 = arith.addi %squeeze3A_496, %add3A_501 : i32
        %get3A_503 = arith.index_cast %add3A_502 : i32 to index
        %get3A_504 = tpu.vector_load %arg6[%get3A_503] {strides = array<i32>} : memref<49920xf32, #tpu.memory_space<vmem>>, vector<16xf32>,
        %add3A_505 = arith.constant 65 : i32
        %add3A_506 = arith.addi %squeeze3A_496, %add3A_505 : i32
        %add3A_507 = arith.constant 0 : i32
        %add3A_508 = arith.addi %add3A_506, %add3A_507 : i32
        %get3A_509 = arith.index_cast %add3A_508 : i32 to index
        %get3A_510 = tpu.vector_load %arg6[%get3A_509] {strides = array<i32>} : memref<49920xf32, #tpu.memory_space<vmem>>, vector<16xf32>,
        %mul3A_511 = vector.broadcast %sub3A_500 : f32 to vector<16xf32>
        %mul3A_512 = arith.mulf %get3A_504, %mul3A_511 : vector<16xf32>
        %mul3A_513 = vector.broadcast %squeeze3A_498 : f32 to vector<16xf32>
        %mul3A_514 = arith.mulf %get3A_510, %mul3A_513 : vector<16xf32>
        %add3A_515 = arith.addf %mul3A_512, %mul3A_514 : vector<16xf32>
        %add3A_516 = arith.addf %add3A_449, %add3A_515 : vector<16xf32>
        %add3A_517 = arith.constant 16 : i32
        %add3A_518 = arith.addi %squeeze3A_496, %add3A_517 : i32
        %get3A_519 = arith.index_cast %add3A_518 : i32 to index
        %get3A_520 = tpu.vector_load %arg6[%get3A_519] {strides = array<i32>} : memref<49920xf32, #tpu.memory_space<vmem>>, vector<16xf32>,
        %add3A_521 = arith.constant 65 : i32
        %add3A_522 = arith.addi %squeeze3A_496, %add3A_521 : i32
        %add3A_523 = arith.constant 16 : i32
        %add3A_524 = arith.addi %add3A_522, %add3A_523 : i32
        %get3A_525 = arith.index_cast %add3A_524 : i32 to index
        %get3A_526 = tpu.vector_load %arg6[%get3A_525] {strides = array<i32>} : memref<49920xf32, #tpu.memory_space<vmem>>, vector<16xf32>,
        %mul3A_527 = vector.broadcast %sub3A_500 : f32 to vector<16xf32>
        %mul3A_528 = arith.mulf %get3A_520, %mul3A_527 : vector<16xf32>
        %mul3A_529 = vector.broadcast %squeeze3A_498 : f32 to vector<16xf32>
        %mul3A_530 = arith.mulf %get3A_526, %mul3A_529 : vector<16xf32>
        %add3A_531 = arith.addf %mul3A_528, %mul3A_530 : vector<16xf32>
        %add3A_532 = arith.addf %add3A_464, %add3A_531 : vector<16xf32>
        %add3A_533 = arith.constant 32 : i32
        %add3A_534 = arith.addi %squeeze3A_496, %add3A_533 : i32
        %get3A_535 = arith.index_cast %add3A_534 : i32 to index
        %get3A_536 = tpu.vector_load %arg6[%get3A_535] {strides = array<i32>} : memref<49920xf32, #tpu.memory_space<vmem>>, vector<16xf32>,
        %add3A_537 = arith.constant 65 : i32
        %add3A_538 = arith.addi %squeeze3A_496, %add3A_537 : i32
        %add3A_539 = arith.constant 32 : i32
        %add3A_540 = arith.addi %add3A_538, %add3A_539 : i32
        %get3A_541 = arith.index_cast %add3A_540 : i32 to index
        %get3A_542 = tpu.vector_load %arg6[%get3A_541] {strides = array<i32>} : memref<49920xf32, #tpu.memory_space<vmem>>, vector<16xf32>,
        %mul3A_543 = vector.broadcast %sub3A_500 : f32 to vector<16xf32>
        %mul3A_544 = arith.mulf %get3A_536, %mul3A_543 : vector<16xf32>
        %mul3A_545 = vector.broadcast %squeeze3A_498 : f32 to vector<16xf32>
        %mul3A_546 = arith.mulf %get3A_542, %mul3A_545 : vector<16xf32>
        %add3A_547 = arith.addf %mul3A_544, %mul3A_546 : vector<16xf32>
        %add3A_548 = arith.addf %add3A_479, %add3A_547 : vector<16xf32>
        %add3A_549 = arith.constant 48 : i32
        %add3A_550 = arith.addi %squeeze3A_496, %add3A_549 : i32
        %get3A_551 = arith.index_cast %add3A_550 : i32 to index
        %get3A_552 = tpu.vector_load %arg6[%get3A_551] {strides = array<i32>} : memref<49920xf32, #tpu.memory_space<vmem>>, vector<16xf32>,
        %add3A_553 = arith.constant 65 : i32
        %add3A_554 = arith.addi %squeeze3A_496, %add3A_553 : i32
        %add3A_555 = arith.constant 48 : i32
        %add3A_556 = arith.addi %add3A_554, %add3A_555 : i32
        %get3A_557 = arith.index_cast %add3A_556 : i32 to index
        %get3A_558 = tpu.vector_load %arg6[%get3A_557] {strides = array<i32>} : memref<49920xf32, #tpu.memory_space<vmem>>, vector<16xf32>,
        %mul3A_559 = vector.broadcast %sub3A_500 : f32 to vector<16xf32>
        %mul3A_560 = arith.mulf %get3A_552, %mul3A_559 : vector<16xf32>
        %mul3A_561 = vector.broadcast %squeeze3A_498 : f32 to vector<16xf32>
        %mul3A_562 = arith.mulf %get3A_558, %mul3A_561 : vector<16xf32>
        %add3A_563 = arith.addf %mul3A_560, %mul3A_562 : vector<16xf32>
        %add3A_564 = arith.addf %add3A_494, %add3A_563 : vector<16xf32>
        %slice3A_565 = vector.extract_strided_slice %get3A_426 {offsets = [2], sizes = [1], strides = [1]} : vector<16xi32> to vector<1xi32>
        %squeeze3A_566 = vector.extract %slice3A_565[0] : i32 from vector<1xi32>
        %slice3A_567 = vector.extract_strided_slice %get3A_428 {offsets = [2], sizes = [1], strides = [1]} : vector<16xf32> to vector<1xf32>
        %squeeze3A_568 = vector.extract %slice3A_567[0] : f32 from vector<1xf32>
        %sub3A_569 = arith.constant 1.000000e+00 : f32
        %sub3A_570 = arith.subf %sub3A_569, %squeeze3A_568 : f32
        %add3A_571 = arith.constant 0 : i32
        %add3A_572 = arith.addi %squeeze3A_566, %add3A_571 : i32
        %get3A_573 = arith.index_cast %add3A_572 : i32 to index
        %get3A_574 = tpu.vector_load %arg6[%get3A_573] {strides = array<i32>} : memref<49920xf32, #tpu.memory_space<vmem>>, vector<16xf32>,
        %add3A_575 = arith.constant 65 : i32
        %add3A_576 = arith.addi %squeeze3A_566, %add3A_575 : i32
        %add3A_577 = arith.constant 0 : i32
        %add3A_578 = arith.addi %add3A_576, %add3A_577 : i32
        %get3A_579 = arith.index_cast %add3A_578 : i32 to index
        %get3A_580 = tpu.vector_load %arg6[%get3A_579] {strides = array<i32>} : memref<49920xf32, #tpu.memory_space<vmem>>, vector<16xf32>,
        %mul3A_581 = vector.broadcast %sub3A_570 : f32 to vector<16xf32>
        %mul3A_582 = arith.mulf %get3A_574, %mul3A_581 : vector<16xf32>
        %mul3A_583 = vector.broadcast %squeeze3A_568 : f32 to vector<16xf32>
        %mul3A_584 = arith.mulf %get3A_580, %mul3A_583 : vector<16xf32>
        %add3A_585 = arith.addf %mul3A_582, %mul3A_584 : vector<16xf32>
        %add3A_586 = arith.addf %add3A_516, %add3A_585 : vector<16xf32>
        %add3A_587 = arith.constant 16 : i32
        %add3A_588 = arith.addi %squeeze3A_566, %add3A_587 : i32
        %get3A_589 = arith.index_cast %add3A_588 : i32 to index
        %get3A_590 = tpu.vector_load %arg6[%get3A_589] {strides = array<i32>} : memref<49920xf32, #tpu.memory_space<vmem>>, vector<16xf32>,
        %add3A_591 = arith.constant 65 : i32
        %add3A_592 = arith.addi %squeeze3A_566, %add3A_591 : i32
        %add3A_593 = arith.constant 16 : i32
        %add3A_594 = arith.addi %add3A_592, %add3A_593 : i32
        %get3A_595 = arith.index_cast %add3A_594 : i32 to index
        %get3A_596 = tpu.vector_load %arg6[%get3A_595] {strides = array<i32>} : memref<49920xf32, #tpu.memory_space<vmem>>, vector<16xf32>,
        %mul3A_597 = vector.broadcast %sub3A_570 : f32 to vector<16xf32>
        %mul3A_598 = arith.mulf %get3A_590, %mul3A_597 : vector<16xf32>
        %mul3A_599 = vector.broadcast %squeeze3A_568 : f32 to vector<16xf32>
        %mul3A_600 = arith.mulf %get3A_596, %mul3A_599 : vector<16xf32>
        %add3A_601 = arith.addf %mul3A_598, %mul3A_600 : vector<16xf32>
        %add3A_602 = arith.addf %add3A_532, %add3A_601 : vector<16xf32>
        %add3A_603 = arith.constant 32 : i32
        %add3A_604 = arith.addi %squeeze3A_566, %add3A_603 : i32
        %get3A_605 = arith.index_cast %add3A_604 : i32 to index
        %get3A_606 = tpu.vector_load %arg6[%get3A_605] {strides = array<i32>} : memref<49920xf32, #tpu.memory_space<vmem>>, vector<16xf32>,
        %add3A_607 = arith.constant 65 : i32
        %add3A_608 = arith.addi %squeeze3A_566, %add3A_607 : i32
        %add3A_609 = arith.constant 32 : i32
        %add3A_610 = arith.addi %add3A_608, %add3A_609 : i32
        %get3A_611 = arith.index_cast %add3A_610 : i32 to index
        %get3A_612 = tpu.vector_load %arg6[%get3A_611] {strides = array<i32>} : memref<49920xf32, #tpu.memory_space<vmem>>, vector<16xf32>,
        %mul3A_613 = vector.broadcast %sub3A_570 : f32 to vector<16xf32>
        %mul3A_614 = arith.mulf %get3A_606, %mul3A_613 : vector<16xf32>
        %mul3A_615 = vector.broadcast %squeeze3A_568 : f32 to vector<16xf32>
        %mul3A_616 = arith.mulf %get3A_612, %mul3A_615 : vector<16xf32>
        %add3A_617 = arith.addf %mul3A_614, %mul3A_616 : vector<16xf32>
        %add3A_618 = arith.addf %add3A_548, %add3A_617 : vector<16xf32>
        %add3A_619 = arith.constant 48 : i32
        %add3A_620 = arith.addi %squeeze3A_566, %add3A_619 : i32
        %get3A_621 = arith.index_cast %add3A_620 : i32 to index
        %get3A_622 = tpu.vector_load %arg6[%get3A_621] {strides = array<i32>} : memref<49920xf32, #tpu.memory_space<vmem>>, vector<16xf32>,
        %add3A_623 = arith.constant 65 : i32
        %add3A_624 = arith.addi %squeeze3A_566, %add3A_623 : i32
        %add3A_625 = arith.constant 48 : i32
        %add3A_626 = arith.addi %add3A_624, %add3A_625 : i32
        %get3A_627 = arith.index_cast %add3A_626 : i32 to index
        %get3A_628 = tpu.vector_load %arg6[%get3A_627] {strides = array<i32>} : memref<49920xf32, #tpu.memory_space<vmem>>, vector<16xf32>,
        %mul3A_629 = vector.broadcast %sub3A_570 : f32 to vector<16xf32>
        %mul3A_630 = arith.mulf %get3A_622, %mul3A_629 : vector<16xf32>
        %mul3A_631 = vector.broadcast %squeeze3A_568 : f32 to vector<16xf32>
        %mul3A_632 = arith.mulf %get3A_628, %mul3A_631 : vector<16xf32>
        %add3A_633 = arith.addf %mul3A_630, %mul3A_632 : vector<16xf32>
        %add3A_634 = arith.addf %add3A_564, %add3A_633 : vector<16xf32>
        %add3A_635 = arith.constant 0 : i32
        %add3A_636 = arith.addi %mul3A_424, %add3A_635 : i32
        %swap3A_637 = arith.index_cast %add3A_636 : i32 to index
        %swap3A_638 = tpu.vector_load %arg12[%swap3A_637] {strides = array<i32>} : memref<12800xf32, #tpu.memory_space<vmem>>, vector<16xf32>,
        tpu.vector_store %arg12[%swap3A_637], %add3A_586 {strides = array<i32>} : memref<12800xf32, #tpu.memory_space<vmem>>, vector<16xf32>,
        %add3A_639 = arith.constant 16 : i32
        %add3A_640 = arith.addi %mul3A_424, %add3A_639 : i32
        %swap3A_641 = arith.index_cast %add3A_640 : i32 to index
        %swap3A_642 = tpu.vector_load %arg12[%swap3A_641] {strides = array<i32>} : memref<12800xf32, #tpu.memory_space<vmem>>, vector<16xf32>,
        tpu.vector_store %arg12[%swap3A_641], %add3A_602 {strides = array<i32>} : memref<12800xf32, #tpu.memory_space<vmem>>, vector<16xf32>,
        %add3A_643 = arith.constant 32 : i32
        %add3A_644 = arith.addi %mul3A_424, %add3A_643 : i32
        %swap3A_645 = arith.index_cast %add3A_644 : i32 to index
        %swap3A_646 = tpu.vector_load %arg12[%swap3A_645] {strides = array<i32>} : memref<12800xf32, #tpu.memory_space<vmem>>, vector<16xf32>,
        tpu.vector_store %arg12[%swap3A_645], %add3A_618 {strides = array<i32>} : memref<12800xf32, #tpu.memory_space<vmem>>, vector<16xf32>,
        %add3A_647 = arith.constant 48 : i32
        %add3A_648 = arith.addi %mul3A_424, %add3A_647 : i32
        %swap3A_649 = arith.index_cast %add3A_648 : i32 to index
        %swap3A_650 = tpu.vector_load %arg12[%swap3A_649] {strides = array<i32>} : memref<12800xf32, #tpu.memory_space<vmem>>, vector<16xf32>,
        tpu.vector_store %arg12[%swap3A_649], %add3A_634 {strides = array<i32>} : memref<12800xf32, #tpu.memory_space<vmem>>, vector<16xf32>,
        %scan3A_651 = arith.constant 0 : i32
        scf.yield %scan3A_651 : i32
      }
      %scan3A_149 = arith.constant 200 : i32
      %mul3A_150 = arith.constant 200 : i32
      %mul3A_151 = arith.muli %mul3A_131, %mul3A_150 : i32
      %mul3A_152 = arith.constant 64 : i32
      %mul3A_153 = arith.muli %mul3A_151, %mul3A_152 : i32
      %add3A_154 = arith.addi %mul3A_92, %mul3A_153 : i32
      %dma_start3A_155 = tpu.memref_slice %arg4[%add3A_154] : memref<10240000xf32, #tpu.memory_space<hbm>> -> memref<12800xf32, #tpu.memory_space<hbm>>
      %dma_start3A_156 = tpu.memref_slice %arg4[%add3A_154] : memref<10240000xf32, #tpu.memory_space<hbm>> -> memref<12800xf32, #tpu.memory_space<hbm>>
      tpu.enqueue_dma source(%arg12 : memref<12800xf32, #tpu.memory_space<vmem>>) target(%dma_start3A_156 : memref<12800xf32, #tpu.memory_space<hbm>>) target_semaphore(%arg14 : memref<!tpu.dma_semaphore, #tpu.memory_space<semaphore_mem>>)
      %ge3A_157 = arith.constant 1 : i32
      %ge3A_158 = arith.cmpi sge, %scan3A_128, %ge3A_157 : i32
      %convert_element_type3A_159 = arith.extui %ge3A_158 : i1 to i32
      %cond3A_160 = arith.constant 0 : i32
      %cond3A_161 = arith.cmpi ne, %convert_element_type3A_159, %cond3A_160 : i32
      scf.if %cond3A_161 {
        %dma_wait3A_190 = arith.constant 0 : i32
        %dma_wait3A_191 = tpu.memref_slice %arg4[%dma_wait3A_190] : memref<10240000xf32, #tpu.memory_space<hbm>> -> memref<12800xf32, #tpu.memory_space<hbm>>
        %dma_wait3A_192 = arith.constant 0 : i32
        %dma_wait3A_193 = tpu.memref_slice %arg4[%dma_wait3A_192] : memref<10240000xf32, #tpu.memory_space<hbm>> -> memref<12800xf32, #tpu.memory_space<hbm>>
        tpu.wait_dma2 semaphore(%arg14 : memref<!tpu.dma_semaphore, #tpu.memory_space<semaphore_mem>>) src(%dma_wait3A_193 : memref<12800xf32, #tpu.memory_space<hbm>>) dst(%arg13 : memref<12800xf32, #tpu.memory_space<vmem>>)
      } else {
      }
      %add3A_162 = arith.constant 1 : i32
      %add3A_163 = arith.addi %mul3A_131, %add3A_162 : i32
      %mul3A_164 = arith.constant 200 : i32
      %mul3A_165 = arith.muli %add3A_163, %mul3A_164 : i32
      %scan3A_166 = arith.constant 0 : i32
      %scan3A_167 = arith.constant 0 : i32
      %scan3A_168 = arith.constant 13 : i32
      %scan3A_169 = arith.addi %scan3A_167, %scan3A_168 : i32
      %scan3A_170 = arith.constant 1 : i32
      %scan3A_171 = scf.for %scan3A_190 = %scan3A_167 to %scan3A_169 step %scan3A_170 iter_args(%scan3A_191 = %scan3A_166) -> (i32)  : i32 {
        %mul3A_192 = arith.constant 16 : i32
        %mul3A_193 = arith.muli %scan3A_190, %mul3A_192 : i32
        %add3A_194 = arith.addi %mul3A_165, %mul3A_193 : i32
        %mul3A_195 = arith.constant 16 : i32
        %mul3A_196 = arith.muli %scan3A_190, %mul3A_195 : i32
        %add3A_197 = vector.broadcast %mul3A_196 : i32 to vector<16xi32>
        %add3A_198 = arith.addi %add3A_197, %iota3A : vector<16xi32>
        %mul3A_199 = arith.constant 3 : i32
        %mul3A_200 = vector.broadcast %mul3A_199 : i32 to vector<16xi32>
        %mul3A_201 = arith.muli %add3A_198, %mul3A_200 : vector<16xi32>
        %get3A = arith.index_cast %add3A_194 : i32 to index
        %get3A_202 = tpu.vector_load %arg7[%get3A] {strides = array<i32>} : memref<5008xf32, #tpu.memory_space<vmem>>, vector<16xf32>,
        %add3A_203 = arith.constant 1.000000e+00 : f32
        %add3A_204 = vector.broadcast %add3A_203 : f32 to vector<16xf32>
        %add3A_205 = arith.addf %get3A_202, %add3A_204 : vector<16xf32>
        %mul3A_206 = arith.constant 1.275000e+02 : f32
        %mul3A_207 = vector.broadcast %mul3A_206 : f32 to vector<16xf32>
        %mul3A_208 = arith.mulf %add3A_205, %mul3A_207 : vector<16xf32>
        %convert_element_type3A_209 = arith.fptosi %mul3A_208 : vector<16xf32> to vector<16xi32>
        %convert_element_type3A_210 = arith.sitofp %convert_element_type3A_209 : vector<16xi32> to vector<16xf32>
        %sub3A_211 = arith.subf %mul3A_208, %convert_element_type3A_210 : vector<16xf32>
        %add3A_212 = arith.constant 0 : i32
        %add3A_213 = vector.broadcast %add3A_212 : i32 to vector<16xi32>
        %add3A_214 = arith.addi %mul3A_201, %add3A_213 : vector<16xi32>
        %add3A_215 = arith.constant 0 : i32
        %add3A_216 = vector.broadcast %add3A_215 : i32 to vector<16xi32>
        %add3A_217 = arith.addi %convert_element_type3A_209, %add3A_216 : vector<16xi32>
        %mul3A_218 = arith.constant 65 : i32
        %mul3A_219 = vector.broadcast %mul3A_218 : i32 to vector<16xi32>
        %mul3A_220 = arith.muli %add3A_217, %mul3A_219 : vector<16xi32>
        tpu.vector_store_idx %arg10[%add3A_214], %mul3A_220 : memref<640xi32, #tpu.memory_space<vmem>>[vector<16xi32>], vector<16xi32>,
        %add3A_221 = arith.constant 0 : i32
        %add3A_222 = vector.broadcast %add3A_221 : i32 to vector<16xi32>
        %add3A_223 = arith.addi %mul3A_201, %add3A_222 : vector<16xi32>
        tpu.vector_store_idx %arg11[%add3A_223], %sub3A_211 : memref<640xf32, #tpu.memory_space<vmem>>[vector<16xi32>], vector<16xf32>,
        %get3A_224 = arith.index_cast %add3A_194 : i32 to index
        %get3A_225 = tpu.vector_load %arg8[%get3A_224] {strides = array<i32>} : memref<5008xf32, #tpu.memory_space<vmem>>, vector<16xf32>,
        %add3A_226 = arith.constant 1.000000e+00 : f32
        %add3A_227 = vector.broadcast %add3A_226 : f32 to vector<16xf32>
        %add3A_228 = arith.addf %get3A_225, %add3A_227 : vector<16xf32>
        %mul3A_229 = arith.constant 1.275000e+02 : f32
        %mul3A_230 = vector.broadcast %mul3A_229 : f32 to vector<16xf32>
        %mul3A_231 = arith.mulf %add3A_228, %mul3A_230 : vector<16xf32>
        %convert_element_type3A_232 = arith.fptosi %mul3A_231 : vector<16xf32> to vector<16xi32>
        %convert_element_type3A_233 = arith.sitofp %convert_element_type3A_232 : vector<16xi32> to vector<16xf32>
        %sub3A_234 = arith.subf %mul3A_231, %convert_element_type3A_233 : vector<16xf32>
        %add3A_235 = arith.constant 1 : i32
        %add3A_236 = vector.broadcast %add3A_235 : i32 to vector<16xi32>
        %add3A_237 = arith.addi %mul3A_201, %add3A_236 : vector<16xi32>
        %add3A_238 = arith.constant 256 : i32
        %add3A_239 = vector.broadcast %add3A_238 : i32 to vector<16xi32>
        %add3A_240 = arith.addi %convert_element_type3A_232, %add3A_239 : vector<16xi32>
        %mul3A_241 = arith.constant 65 : i32
        %mul3A_242 = vector.broadcast %mul3A_241 : i32 to vector<16xi32>
        %mul3A_243 = arith.muli %add3A_240, %mul3A_242 : vector<16xi32>
        tpu.vector_store_idx %arg10[%add3A_237], %mul3A_243 : memref<640xi32, #tpu.memory_space<vmem>>[vector<16xi32>], vector<16xi32>,
        %add3A_244 = arith.constant 1 : i32
        %add3A_245 = vector.broadcast %add3A_244 : i32 to vector<16xi32>
        %add3A_246 = arith.addi %mul3A_201, %add3A_245 : vector<16xi32>
        tpu.vector_store_idx %arg11[%add3A_246], %sub3A_234 : memref<640xf32, #tpu.memory_space<vmem>>[vector<16xi32>], vector<16xf32>,
        %get3A_247 = arith.index_cast %add3A_194 : i32 to index
        %get3A_248 = tpu.vector_load %arg9[%get3A_247] {strides = array<i32>} : memref<5008xf32, #tpu.memory_space<vmem>>, vector<16xf32>,
        %add3A_249 = arith.constant 1.000000e+00 : f32
        %add3A_250 = vector.broadcast %add3A_249 : f32 to vector<16xf32>
        %add3A_251 = arith.addf %get3A_248, %add3A_250 : vector<16xf32>
        %mul3A_252 = arith.constant 1.275000e+02 : f32
        %mul3A_253 = vector.broadcast %mul3A_252 : f32 to vector<16xf32>
        %mul3A_254 = arith.mulf %add3A_251, %mul3A_253 : vector<16xf32>
        %convert_element_type3A_255 = arith.fptosi %mul3A_254 : vector<16xf32> to vector<16xi32>
        %convert_element_type3A_256 = arith.sitofp %convert_element_type3A_255 : vector<16xi32> to vector<16xf32>
        %sub3A_257 = arith.subf %mul3A_254, %convert_element_type3A_256 : vector<16xf32>
        %add3A_258 = arith.constant 2 : i32
        %add3A_259 = vector.broadcast %add3A_258 : i32 to vector<16xi32>
        %add3A_260 = arith.addi %mul3A_201, %add3A_259 : vector<16xi32>
        %add3A_261 = arith.constant 512 : i32
        %add3A_262 = vector.broadcast %add3A_261 : i32 to vector<16xi32>
        %add3A_263 = arith.addi %convert_element_type3A_255, %add3A_262 : vector<16xi32>
        %mul3A_264 = arith.constant 65 : i32
        %mul3A_265 = vector.broadcast %mul3A_264 : i32 to vector<16xi32>
        %mul3A_266 = arith.muli %add3A_263, %mul3A_265 : vector<16xi32>
        tpu.vector_store_idx %arg10[%add3A_260], %mul3A_266 : memref<640xi32, #tpu.memory_space<vmem>>[vector<16xi32>], vector<16xi32>,
        %add3A_267 = arith.constant 2 : i32
        %add3A_268 = vector.broadcast %add3A_267 : i32 to vector<16xi32>
        %add3A_269 = arith.addi %mul3A_201, %add3A_268 : vector<16xi32>
        tpu.vector_store_idx %arg11[%add3A_269], %sub3A_257 : memref<640xf32, #tpu.memory_space<vmem>>[vector<16xi32>], vector<16xf32>,
        %scan3A_270 = arith.constant 0 : i32
        scf.yield %scan3A_270 : i32
      }
      %scan3A_172 = arith.constant 13 : i32
      %scan3A_173 = arith.constant 0 : i32
      %scan3A_174 = arith.constant 0 : i32
      %scan3A_175 = arith.constant 200 : i32
      %scan3A_176 = arith.addi %scan3A_174, %scan3A_175 : i32
      %scan3A_177 = arith.constant 2 : i32
      %scan3A_178 = scf.for %scan3A_190 = %scan3A_174 to %scan3A_176 step %scan3A_177 iter_args(%scan3A_191 = %scan3A_173) -> (i32)  : i32 {
        %mul3A_192 = arith.constant 3 : i32
        %mul3A_193 = arith.muli %scan3A_190, %mul3A_192 : i32
        %mul3A_194 = arith.constant 64 : i32
        %mul3A_195 = arith.muli %scan3A_190, %mul3A_194 : i32
        %get3A = arith.index_cast %mul3A_193 : i32 to index
        %get3A_196 = tpu.vector_load %arg10[%get3A] {strides = array<i32>} : memref<640xi32, #tpu.memory_space<vmem>>, vector<16xi32>,
        %get3A_197 = arith.index_cast %mul3A_193 : i32 to index
        %get3A_198 = tpu.vector_load %arg11[%get3A_197] {strides = array<i32>} : memref<640xf32, #tpu.memory_space<vmem>>, vector<16xf32>,
        %slice3A = vector.extract_strided_slice %get3A_196 {offsets = [0], sizes = [1], strides = [1]} : vector<16xi32> to vector<1xi32>
        %squeeze3A = vector.extract %slice3A[0] : i32 from vector<1xi32>
        %slice3A_199 = vector.extract_strided_slice %get3A_198 {offsets = [0], sizes = [1], strides = [1]} : vector<16xf32> to vector<1xf32>
        %squeeze3A_200 = vector.extract %slice3A_199[0] : f32 from vector<1xf32>
        %sub3A_201 = arith.constant 1.000000e+00 : f32
        %sub3A_202 = arith.subf %sub3A_201, %squeeze3A_200 : f32
        %add3A_203 = arith.constant 0 : i32
        %add3A_204 = arith.addi %squeeze3A, %add3A_203 : i32
        %get3A_205 = arith.index_cast %add3A_204 : i32 to index
        %get3A_206 = tpu.vector_load %arg6[%get3A_205] {strides = array<i32>} : memref<49920xf32, #tpu.memory_space<vmem>>, vector<16xf32>,
        %add3A_207 = arith.constant 65 : i32
        %add3A_208 = arith.addi %squeeze3A, %add3A_207 : i32
        %add3A_209 = arith.constant 0 : i32
        %add3A_210 = arith.addi %add3A_208, %add3A_209 : i32
        %get3A_211 = arith.index_cast %add3A_210 : i32 to index
        %get3A_212 = tpu.vector_load %arg6[%get3A_211] {strides = array<i32>} : memref<49920xf32, #tpu.memory_space<vmem>>, vector<16xf32>,
        %mul3A_213 = vector.broadcast %sub3A_202 : f32 to vector<16xf32>
        %mul3A_214 = arith.mulf %get3A_206, %mul3A_213 : vector<16xf32>
        %mul3A_215 = vector.broadcast %squeeze3A_200 : f32 to vector<16xf32>
        %mul3A_216 = arith.mulf %get3A_212, %mul3A_215 : vector<16xf32>
        %add3A_217 = arith.addf %mul3A_214, %mul3A_216 : vector<16xf32>
        %add3A_218 = arith.constant 16 : i32
        %add3A_219 = arith.addi %squeeze3A, %add3A_218 : i32
        %get3A_220 = arith.index_cast %add3A_219 : i32 to index
        %get3A_221 = tpu.vector_load %arg6[%get3A_220] {strides = array<i32>} : memref<49920xf32, #tpu.memory_space<vmem>>, vector<16xf32>,
        %add3A_222 = arith.constant 65 : i32
        %add3A_223 = arith.addi %squeeze3A, %add3A_222 : i32
        %add3A_224 = arith.constant 16 : i32
        %add3A_225 = arith.addi %add3A_223, %add3A_224 : i32
        %get3A_226 = arith.index_cast %add3A_225 : i32 to index
        %get3A_227 = tpu.vector_load %arg6[%get3A_226] {strides = array<i32>} : memref<49920xf32, #tpu.memory_space<vmem>>, vector<16xf32>,
        %mul3A_228 = vector.broadcast %sub3A_202 : f32 to vector<16xf32>
        %mul3A_229 = arith.mulf %get3A_221, %mul3A_228 : vector<16xf32>
        %mul3A_230 = vector.broadcast %squeeze3A_200 : f32 to vector<16xf32>
        %mul3A_231 = arith.mulf %get3A_227, %mul3A_230 : vector<16xf32>
        %add3A_232 = arith.addf %mul3A_229, %mul3A_231 : vector<16xf32>
        %add3A_233 = arith.constant 32 : i32
        %add3A_234 = arith.addi %squeeze3A, %add3A_233 : i32
        %get3A_235 = arith.index_cast %add3A_234 : i32 to index
        %get3A_236 = tpu.vector_load %arg6[%get3A_235] {strides = array<i32>} : memref<49920xf32, #tpu.memory_space<vmem>>, vector<16xf32>,
        %add3A_237 = arith.constant 65 : i32
        %add3A_238 = arith.addi %squeeze3A, %add3A_237 : i32
        %add3A_239 = arith.constant 32 : i32
        %add3A_240 = arith.addi %add3A_238, %add3A_239 : i32
        %get3A_241 = arith.index_cast %add3A_240 : i32 to index
        %get3A_242 = tpu.vector_load %arg6[%get3A_241] {strides = array<i32>} : memref<49920xf32, #tpu.memory_space<vmem>>, vector<16xf32>,
        %mul3A_243 = vector.broadcast %sub3A_202 : f32 to vector<16xf32>
        %mul3A_244 = arith.mulf %get3A_236, %mul3A_243 : vector<16xf32>
        %mul3A_245 = vector.broadcast %squeeze3A_200 : f32 to vector<16xf32>
        %mul3A_246 = arith.mulf %get3A_242, %mul3A_245 : vector<16xf32>
        %add3A_247 = arith.addf %mul3A_244, %mul3A_246 : vector<16xf32>
        %add3A_248 = arith.constant 48 : i32
        %add3A_249 = arith.addi %squeeze3A, %add3A_248 : i32
        %get3A_250 = arith.index_cast %add3A_249 : i32 to index
        %get3A_251 = tpu.vector_load %arg6[%get3A_250] {strides = array<i32>} : memref<49920xf32, #tpu.memory_space<vmem>>, vector<16xf32>,
        %add3A_252 = arith.constant 65 : i32
        %add3A_253 = arith.addi %squeeze3A, %add3A_252 : i32
        %add3A_254 = arith.constant 48 : i32
        %add3A_255 = arith.addi %add3A_253, %add3A_254 : i32
        %get3A_256 = arith.index_cast %add3A_255 : i32 to index
        %get3A_257 = tpu.vector_load %arg6[%get3A_256] {strides = array<i32>} : memref<49920xf32, #tpu.memory_space<vmem>>, vector<16xf32>,
        %mul3A_258 = vector.broadcast %sub3A_202 : f32 to vector<16xf32>
        %mul3A_259 = arith.mulf %get3A_251, %mul3A_258 : vector<16xf32>
        %mul3A_260 = vector.broadcast %squeeze3A_200 : f32 to vector<16xf32>
        %mul3A_261 = arith.mulf %get3A_257, %mul3A_260 : vector<16xf32>
        %add3A_262 = arith.addf %mul3A_259, %mul3A_261 : vector<16xf32>
        %slice3A_263 = vector.extract_strided_slice %get3A_196 {offsets = [1], sizes = [1], strides = [1]} : vector<16xi32> to vector<1xi32>
        %squeeze3A_264 = vector.extract %slice3A_263[0] : i32 from vector<1xi32>
        %slice3A_265 = vector.extract_strided_slice %get3A_198 {offsets = [1], sizes = [1], strides = [1]} : vector<16xf32> to vector<1xf32>
        %squeeze3A_266 = vector.extract %slice3A_265[0] : f32 from vector<1xf32>
        %sub3A_267 = arith.constant 1.000000e+00 : f32
        %sub3A_268 = arith.subf %sub3A_267, %squeeze3A_266 : f32
        %add3A_269 = arith.constant 0 : i32
        %add3A_270 = arith.addi %squeeze3A_264, %add3A_269 : i32
        %get3A_271 = arith.index_cast %add3A_270 : i32 to index
        %get3A_272 = tpu.vector_load %arg6[%get3A_271] {strides = array<i32>} : memref<49920xf32, #tpu.memory_space<vmem>>, vector<16xf32>,
        %add3A_273 = arith.constant 65 : i32
        %add3A_274 = arith.addi %squeeze3A_264, %add3A_273 : i32
        %add3A_275 = arith.constant 0 : i32
        %add3A_276 = arith.addi %add3A_274, %add3A_275 : i32
        %get3A_277 = arith.index_cast %add3A_276 : i32 to index
        %get3A_278 = tpu.vector_load %arg6[%get3A_277] {strides = array<i32>} : memref<49920xf32, #tpu.memory_space<vmem>>, vector<16xf32>,
        %mul3A_279 = vector.broadcast %sub3A_268 : f32 to vector<16xf32>
        %mul3A_280 = arith.mulf %get3A_272, %mul3A_279 : vector<16xf32>
        %mul3A_281 = vector.broadcast %squeeze3A_266 : f32 to vector<16xf32>
        %mul3A_282 = arith.mulf %get3A_278, %mul3A_281 : vector<16xf32>
        %add3A_283 = arith.addf %mul3A_280, %mul3A_282 : vector<16xf32>
        %add3A_284 = arith.addf %add3A_217, %add3A_283 : vector<16xf32>
        %add3A_285 = arith.constant 16 : i32
        %add3A_286 = arith.addi %squeeze3A_264, %add3A_285 : i32
        %get3A_287 = arith.index_cast %add3A_286 : i32 to index
        %get3A_288 = tpu.vector_load %arg6[%get3A_287] {strides = array<i32>} : memref<49920xf32, #tpu.memory_space<vmem>>, vector<16xf32>,
        %add3A_289 = arith.constant 65 : i32
        %add3A_290 = arith.addi %squeeze3A_264, %add3A_289 : i32
        %add3A_291 = arith.constant 16 : i32
        %add3A_292 = arith.addi %add3A_290, %add3A_291 : i32
        %get3A_293 = arith.index_cast %add3A_292 : i32 to index
        %get3A_294 = tpu.vector_load %arg6[%get3A_293] {strides = array<i32>} : memref<49920xf32, #tpu.memory_space<vmem>>, vector<16xf32>,
        %mul3A_295 = vector.broadcast %sub3A_268 : f32 to vector<16xf32>
        %mul3A_296 = arith.mulf %get3A_288, %mul3A_295 : vector<16xf32>
        %mul3A_297 = vector.broadcast %squeeze3A_266 : f32 to vector<16xf32>
        %mul3A_298 = arith.mulf %get3A_294, %mul3A_297 : vector<16xf32>
        %add3A_299 = arith.addf %mul3A_296, %mul3A_298 : vector<16xf32>
        %add3A_300 = arith.addf %add3A_232, %add3A_299 : vector<16xf32>
        %add3A_301 = arith.constant 32 : i32
        %add3A_302 = arith.addi %squeeze3A_264, %add3A_301 : i32
        %get3A_303 = arith.index_cast %add3A_302 : i32 to index
        %get3A_304 = tpu.vector_load %arg6[%get3A_303] {strides = array<i32>} : memref<49920xf32, #tpu.memory_space<vmem>>, vector<16xf32>,
        %add3A_305 = arith.constant 65 : i32
        %add3A_306 = arith.addi %squeeze3A_264, %add3A_305 : i32
        %add3A_307 = arith.constant 32 : i32
        %add3A_308 = arith.addi %add3A_306, %add3A_307 : i32
        %get3A_309 = arith.index_cast %add3A_308 : i32 to index
        %get3A_310 = tpu.vector_load %arg6[%get3A_309] {strides = array<i32>} : memref<49920xf32, #tpu.memory_space<vmem>>, vector<16xf32>,
        %mul3A_311 = vector.broadcast %sub3A_268 : f32 to vector<16xf32>
        %mul3A_312 = arith.mulf %get3A_304, %mul3A_311 : vector<16xf32>
        %mul3A_313 = vector.broadcast %squeeze3A_266 : f32 to vector<16xf32>
        %mul3A_314 = arith.mulf %get3A_310, %mul3A_313 : vector<16xf32>
        %add3A_315 = arith.addf %mul3A_312, %mul3A_314 : vector<16xf32>
        %add3A_316 = arith.addf %add3A_247, %add3A_315 : vector<16xf32>
        %add3A_317 = arith.constant 48 : i32
        %add3A_318 = arith.addi %squeeze3A_264, %add3A_317 : i32
        %get3A_319 = arith.index_cast %add3A_318 : i32 to index
        %get3A_320 = tpu.vector_load %arg6[%get3A_319] {strides = array<i32>} : memref<49920xf32, #tpu.memory_space<vmem>>, vector<16xf32>,
        %add3A_321 = arith.constant 65 : i32
        %add3A_322 = arith.addi %squeeze3A_264, %add3A_321 : i32
        %add3A_323 = arith.constant 48 : i32
        %add3A_324 = arith.addi %add3A_322, %add3A_323 : i32
        %get3A_325 = arith.index_cast %add3A_324 : i32 to index
        %get3A_326 = tpu.vector_load %arg6[%get3A_325] {strides = array<i32>} : memref<49920xf32, #tpu.memory_space<vmem>>, vector<16xf32>,
        %mul3A_327 = vector.broadcast %sub3A_268 : f32 to vector<16xf32>
        %mul3A_328 = arith.mulf %get3A_320, %mul3A_327 : vector<16xf32>
        %mul3A_329 = vector.broadcast %squeeze3A_266 : f32 to vector<16xf32>
        %mul3A_330 = arith.mulf %get3A_326, %mul3A_329 : vector<16xf32>
        %add3A_331 = arith.addf %mul3A_328, %mul3A_330 : vector<16xf32>
        %add3A_332 = arith.addf %add3A_262, %add3A_331 : vector<16xf32>
        %slice3A_333 = vector.extract_strided_slice %get3A_196 {offsets = [2], sizes = [1], strides = [1]} : vector<16xi32> to vector<1xi32>
        %squeeze3A_334 = vector.extract %slice3A_333[0] : i32 from vector<1xi32>
        %slice3A_335 = vector.extract_strided_slice %get3A_198 {offsets = [2], sizes = [1], strides = [1]} : vector<16xf32> to vector<1xf32>
        %squeeze3A_336 = vector.extract %slice3A_335[0] : f32 from vector<1xf32>
        %sub3A_337 = arith.constant 1.000000e+00 : f32
        %sub3A_338 = arith.subf %sub3A_337, %squeeze3A_336 : f32
        %add3A_339 = arith.constant 0 : i32
        %add3A_340 = arith.addi %squeeze3A_334, %add3A_339 : i32
        %get3A_341 = arith.index_cast %add3A_340 : i32 to index
        %get3A_342 = tpu.vector_load %arg6[%get3A_341] {strides = array<i32>} : memref<49920xf32, #tpu.memory_space<vmem>>, vector<16xf32>,
        %add3A_343 = arith.constant 65 : i32
        %add3A_344 = arith.addi %squeeze3A_334, %add3A_343 : i32
        %add3A_345 = arith.constant 0 : i32
        %add3A_346 = arith.addi %add3A_344, %add3A_345 : i32
        %get3A_347 = arith.index_cast %add3A_346 : i32 to index
        %get3A_348 = tpu.vector_load %arg6[%get3A_347] {strides = array<i32>} : memref<49920xf32, #tpu.memory_space<vmem>>, vector<16xf32>,
        %mul3A_349 = vector.broadcast %sub3A_338 : f32 to vector<16xf32>
        %mul3A_350 = arith.mulf %get3A_342, %mul3A_349 : vector<16xf32>
        %mul3A_351 = vector.broadcast %squeeze3A_336 : f32 to vector<16xf32>
        %mul3A_352 = arith.mulf %get3A_348, %mul3A_351 : vector<16xf32>
        %add3A_353 = arith.addf %mul3A_350, %mul3A_352 : vector<16xf32>
        %add3A_354 = arith.addf %add3A_284, %add3A_353 : vector<16xf32>
        %add3A_355 = arith.constant 16 : i32
        %add3A_356 = arith.addi %squeeze3A_334, %add3A_355 : i32
        %get3A_357 = arith.index_cast %add3A_356 : i32 to index
        %get3A_358 = tpu.vector_load %arg6[%get3A_357] {strides = array<i32>} : memref<49920xf32, #tpu.memory_space<vmem>>, vector<16xf32>,
        %add3A_359 = arith.constant 65 : i32
        %add3A_360 = arith.addi %squeeze3A_334, %add3A_359 : i32
        %add3A_361 = arith.constant 16 : i32
        %add3A_362 = arith.addi %add3A_360, %add3A_361 : i32
        %get3A_363 = arith.index_cast %add3A_362 : i32 to index
        %get3A_364 = tpu.vector_load %arg6[%get3A_363] {strides = array<i32>} : memref<49920xf32, #tpu.memory_space<vmem>>, vector<16xf32>,
        %mul3A_365 = vector.broadcast %sub3A_338 : f32 to vector<16xf32>
        %mul3A_366 = arith.mulf %get3A_358, %mul3A_365 : vector<16xf32>
        %mul3A_367 = vector.broadcast %squeeze3A_336 : f32 to vector<16xf32>
        %mul3A_368 = arith.mulf %get3A_364, %mul3A_367 : vector<16xf32>
        %add3A_369 = arith.addf %mul3A_366, %mul3A_368 : vector<16xf32>
        %add3A_370 = arith.addf %add3A_300, %add3A_369 : vector<16xf32>
        %add3A_371 = arith.constant 32 : i32
        %add3A_372 = arith.addi %squeeze3A_334, %add3A_371 : i32
        %get3A_373 = arith.index_cast %add3A_372 : i32 to index
        %get3A_374 = tpu.vector_load %arg6[%get3A_373] {strides = array<i32>} : memref<49920xf32, #tpu.memory_space<vmem>>, vector<16xf32>,
        %add3A_375 = arith.constant 65 : i32
        %add3A_376 = arith.addi %squeeze3A_334, %add3A_375 : i32
        %add3A_377 = arith.constant 32 : i32
        %add3A_378 = arith.addi %add3A_376, %add3A_377 : i32
        %get3A_379 = arith.index_cast %add3A_378 : i32 to index
        %get3A_380 = tpu.vector_load %arg6[%get3A_379] {strides = array<i32>} : memref<49920xf32, #tpu.memory_space<vmem>>, vector<16xf32>,
        %mul3A_381 = vector.broadcast %sub3A_338 : f32 to vector<16xf32>
        %mul3A_382 = arith.mulf %get3A_374, %mul3A_381 : vector<16xf32>
        %mul3A_383 = vector.broadcast %squeeze3A_336 : f32 to vector<16xf32>
        %mul3A_384 = arith.mulf %get3A_380, %mul3A_383 : vector<16xf32>
        %add3A_385 = arith.addf %mul3A_382, %mul3A_384 : vector<16xf32>
        %add3A_386 = arith.addf %add3A_316, %add3A_385 : vector<16xf32>
        %add3A_387 = arith.constant 48 : i32
        %add3A_388 = arith.addi %squeeze3A_334, %add3A_387 : i32
        %get3A_389 = arith.index_cast %add3A_388 : i32 to index
        %get3A_390 = tpu.vector_load %arg6[%get3A_389] {strides = array<i32>} : memref<49920xf32, #tpu.memory_space<vmem>>, vector<16xf32>,
        %add3A_391 = arith.constant 65 : i32
        %add3A_392 = arith.addi %squeeze3A_334, %add3A_391 : i32
        %add3A_393 = arith.constant 48 : i32
        %add3A_394 = arith.addi %add3A_392, %add3A_393 : i32
        %get3A_395 = arith.index_cast %add3A_394 : i32 to index
        %get3A_396 = tpu.vector_load %arg6[%get3A_395] {strides = array<i32>} : memref<49920xf32, #tpu.memory_space<vmem>>, vector<16xf32>,
        %mul3A_397 = vector.broadcast %sub3A_338 : f32 to vector<16xf32>
        %mul3A_398 = arith.mulf %get3A_390, %mul3A_397 : vector<16xf32>
        %mul3A_399 = vector.broadcast %squeeze3A_336 : f32 to vector<16xf32>
        %mul3A_400 = arith.mulf %get3A_396, %mul3A_399 : vector<16xf32>
        %add3A_401 = arith.addf %mul3A_398, %mul3A_400 : vector<16xf32>
        %add3A_402 = arith.addf %add3A_332, %add3A_401 : vector<16xf32>
        %add3A_403 = arith.constant 0 : i32
        %add3A_404 = arith.addi %mul3A_195, %add3A_403 : i32
        %swap3A = arith.index_cast %add3A_404 : i32 to index
        %swap3A_405 = tpu.vector_load %arg13[%swap3A] {strides = array<i32>} : memref<12800xf32, #tpu.memory_space<vmem>>, vector<16xf32>,
        tpu.vector_store %arg13[%swap3A], %add3A_354 {strides = array<i32>} : memref<12800xf32, #tpu.memory_space<vmem>>, vector<16xf32>,
        %add3A_406 = arith.constant 16 : i32
        %add3A_407 = arith.addi %mul3A_195, %add3A_406 : i32
        %swap3A_408 = arith.index_cast %add3A_407 : i32 to index
        %swap3A_409 = tpu.vector_load %arg13[%swap3A_408] {strides = array<i32>} : memref<12800xf32, #tpu.memory_space<vmem>>, vector<16xf32>,
        tpu.vector_store %arg13[%swap3A_408], %add3A_370 {strides = array<i32>} : memref<12800xf32, #tpu.memory_space<vmem>>, vector<16xf32>,
        %add3A_410 = arith.constant 32 : i32
        %add3A_411 = arith.addi %mul3A_195, %add3A_410 : i32
        %swap3A_412 = arith.index_cast %add3A_411 : i32 to index
        %swap3A_413 = tpu.vector_load %arg13[%swap3A_412] {strides = array<i32>} : memref<12800xf32, #tpu.memory_space<vmem>>, vector<16xf32>,
        tpu.vector_store %arg13[%swap3A_412], %add3A_386 {strides = array<i32>} : memref<12800xf32, #tpu.memory_space<vmem>>, vector<16xf32>,
        %add3A_414 = arith.constant 48 : i32
        %add3A_415 = arith.addi %mul3A_195, %add3A_414 : i32
        %swap3A_416 = arith.index_cast %add3A_415 : i32 to index
        %swap3A_417 = tpu.vector_load %arg13[%swap3A_416] {strides = array<i32>} : memref<12800xf32, #tpu.memory_space<vmem>>, vector<16xf32>,
        tpu.vector_store %arg13[%swap3A_416], %add3A_402 {strides = array<i32>} : memref<12800xf32, #tpu.memory_space<vmem>>, vector<16xf32>,
        %scan3A_418 = arith.constant 0 : i32
        %scan3A_419 = arith.constant 1 : i32
        %scan3A_420 = arith.addi %scan3A_190, %scan3A_419 : i32
        %mul3A_421 = arith.constant 3 : i32
        %mul3A_422 = arith.muli %scan3A_420, %mul3A_421 : i32
        %mul3A_423 = arith.constant 64 : i32
        %mul3A_424 = arith.muli %scan3A_420, %mul3A_423 : i32
        %get3A_425 = arith.index_cast %mul3A_422 : i32 to index
        %get3A_426 = tpu.vector_load %arg10[%get3A_425] {strides = array<i32>} : memref<640xi32, #tpu.memory_space<vmem>>, vector<16xi32>,
        %get3A_427 = arith.index_cast %mul3A_422 : i32 to index
        %get3A_428 = tpu.vector_load %arg11[%get3A_427] {strides = array<i32>} : memref<640xf32, #tpu.memory_space<vmem>>, vector<16xf32>,
        %slice3A_429 = vector.extract_strided_slice %get3A_426 {offsets = [0], sizes = [1], strides = [1]} : vector<16xi32> to vector<1xi32>
        %squeeze3A_430 = vector.extract %slice3A_429[0] : i32 from vector<1xi32>
        %slice3A_431 = vector.extract_strided_slice %get3A_428 {offsets = [0], sizes = [1], strides = [1]} : vector<16xf32> to vector<1xf32>
        %squeeze3A_432 = vector.extract %slice3A_431[0] : f32 from vector<1xf32>
        %sub3A_433 = arith.constant 1.000000e+00 : f32
        %sub3A_434 = arith.subf %sub3A_433, %squeeze3A_432 : f32
        %add3A_435 = arith.constant 0 : i32
        %add3A_436 = arith.addi %squeeze3A_430, %add3A_435 : i32
        %get3A_437 = arith.index_cast %add3A_436 : i32 to index
        %get3A_438 = tpu.vector_load %arg6[%get3A_437] {strides = array<i32>} : memref<49920xf32, #tpu.memory_space<vmem>>, vector<16xf32>,
        %add3A_439 = arith.constant 65 : i32
        %add3A_440 = arith.addi %squeeze3A_430, %add3A_439 : i32
        %add3A_441 = arith.constant 0 : i32
        %add3A_442 = arith.addi %add3A_440, %add3A_441 : i32
        %get3A_443 = arith.index_cast %add3A_442 : i32 to index
        %get3A_444 = tpu.vector_load %arg6[%get3A_443] {strides = array<i32>} : memref<49920xf32, #tpu.memory_space<vmem>>, vector<16xf32>,
        %mul3A_445 = vector.broadcast %sub3A_434 : f32 to vector<16xf32>
        %mul3A_446 = arith.mulf %get3A_438, %mul3A_445 : vector<16xf32>
        %mul3A_447 = vector.broadcast %squeeze3A_432 : f32 to vector<16xf32>
        %mul3A_448 = arith.mulf %get3A_444, %mul3A_447 : vector<16xf32>
        %add3A_449 = arith.addf %mul3A_446, %mul3A_448 : vector<16xf32>
        %add3A_450 = arith.constant 16 : i32
        %add3A_451 = arith.addi %squeeze3A_430, %add3A_450 : i32
        %get3A_452 = arith.index_cast %add3A_451 : i32 to index
        %get3A_453 = tpu.vector_load %arg6[%get3A_452] {strides = array<i32>} : memref<49920xf32, #tpu.memory_space<vmem>>, vector<16xf32>,
        %add3A_454 = arith.constant 65 : i32
        %add3A_455 = arith.addi %squeeze3A_430, %add3A_454 : i32
        %add3A_456 = arith.constant 16 : i32
        %add3A_457 = arith.addi %add3A_455, %add3A_456 : i32
        %get3A_458 = arith.index_cast %add3A_457 : i32 to index
        %get3A_459 = tpu.vector_load %arg6[%get3A_458] {strides = array<i32>} : memref<49920xf32, #tpu.memory_space<vmem>>, vector<16xf32>,
        %mul3A_460 = vector.broadcast %sub3A_434 : f32 to vector<16xf32>
        %mul3A_461 = arith.mulf %get3A_453, %mul3A_460 : vector<16xf32>
        %mul3A_462 = vector.broadcast %squeeze3A_432 : f32 to vector<16xf32>
        %mul3A_463 = arith.mulf %get3A_459, %mul3A_462 : vector<16xf32>
        %add3A_464 = arith.addf %mul3A_461, %mul3A_463 : vector<16xf32>
        %add3A_465 = arith.constant 32 : i32
        %add3A_466 = arith.addi %squeeze3A_430, %add3A_465 : i32
        %get3A_467 = arith.index_cast %add3A_466 : i32 to index
        %get3A_468 = tpu.vector_load %arg6[%get3A_467] {strides = array<i32>} : memref<49920xf32, #tpu.memory_space<vmem>>, vector<16xf32>,
        %add3A_469 = arith.constant 65 : i32
        %add3A_470 = arith.addi %squeeze3A_430, %add3A_469 : i32
        %add3A_471 = arith.constant 32 : i32
        %add3A_472 = arith.addi %add3A_470, %add3A_471 : i32
        %get3A_473 = arith.index_cast %add3A_472 : i32 to index
        %get3A_474 = tpu.vector_load %arg6[%get3A_473] {strides = array<i32>} : memref<49920xf32, #tpu.memory_space<vmem>>, vector<16xf32>,
        %mul3A_475 = vector.broadcast %sub3A_434 : f32 to vector<16xf32>
        %mul3A_476 = arith.mulf %get3A_468, %mul3A_475 : vector<16xf32>
        %mul3A_477 = vector.broadcast %squeeze3A_432 : f32 to vector<16xf32>
        %mul3A_478 = arith.mulf %get3A_474, %mul3A_477 : vector<16xf32>
        %add3A_479 = arith.addf %mul3A_476, %mul3A_478 : vector<16xf32>
        %add3A_480 = arith.constant 48 : i32
        %add3A_481 = arith.addi %squeeze3A_430, %add3A_480 : i32
        %get3A_482 = arith.index_cast %add3A_481 : i32 to index
        %get3A_483 = tpu.vector_load %arg6[%get3A_482] {strides = array<i32>} : memref<49920xf32, #tpu.memory_space<vmem>>, vector<16xf32>,
        %add3A_484 = arith.constant 65 : i32
        %add3A_485 = arith.addi %squeeze3A_430, %add3A_484 : i32
        %add3A_486 = arith.constant 48 : i32
        %add3A_487 = arith.addi %add3A_485, %add3A_486 : i32
        %get3A_488 = arith.index_cast %add3A_487 : i32 to index
        %get3A_489 = tpu.vector_load %arg6[%get3A_488] {strides = array<i32>} : memref<49920xf32, #tpu.memory_space<vmem>>, vector<16xf32>,
        %mul3A_490 = vector.broadcast %sub3A_434 : f32 to vector<16xf32>
        %mul3A_491 = arith.mulf %get3A_483, %mul3A_490 : vector<16xf32>
        %mul3A_492 = vector.broadcast %squeeze3A_432 : f32 to vector<16xf32>
        %mul3A_493 = arith.mulf %get3A_489, %mul3A_492 : vector<16xf32>
        %add3A_494 = arith.addf %mul3A_491, %mul3A_493 : vector<16xf32>
        %slice3A_495 = vector.extract_strided_slice %get3A_426 {offsets = [1], sizes = [1], strides = [1]} : vector<16xi32> to vector<1xi32>
        %squeeze3A_496 = vector.extract %slice3A_495[0] : i32 from vector<1xi32>
        %slice3A_497 = vector.extract_strided_slice %get3A_428 {offsets = [1], sizes = [1], strides = [1]} : vector<16xf32> to vector<1xf32>
        %squeeze3A_498 = vector.extract %slice3A_497[0] : f32 from vector<1xf32>
        %sub3A_499 = arith.constant 1.000000e+00 : f32
        %sub3A_500 = arith.subf %sub3A_499, %squeeze3A_498 : f32
        %add3A_501 = arith.constant 0 : i32
        %add3A_502 = arith.addi %squeeze3A_496, %add3A_501 : i32
        %get3A_503 = arith.index_cast %add3A_502 : i32 to index
        %get3A_504 = tpu.vector_load %arg6[%get3A_503] {strides = array<i32>} : memref<49920xf32, #tpu.memory_space<vmem>>, vector<16xf32>,
        %add3A_505 = arith.constant 65 : i32
        %add3A_506 = arith.addi %squeeze3A_496, %add3A_505 : i32
        %add3A_507 = arith.constant 0 : i32
        %add3A_508 = arith.addi %add3A_506, %add3A_507 : i32
        %get3A_509 = arith.index_cast %add3A_508 : i32 to index
        %get3A_510 = tpu.vector_load %arg6[%get3A_509] {strides = array<i32>} : memref<49920xf32, #tpu.memory_space<vmem>>, vector<16xf32>,
        %mul3A_511 = vector.broadcast %sub3A_500 : f32 to vector<16xf32>
        %mul3A_512 = arith.mulf %get3A_504, %mul3A_511 : vector<16xf32>
        %mul3A_513 = vector.broadcast %squeeze3A_498 : f32 to vector<16xf32>
        %mul3A_514 = arith.mulf %get3A_510, %mul3A_513 : vector<16xf32>
        %add3A_515 = arith.addf %mul3A_512, %mul3A_514 : vector<16xf32>
        %add3A_516 = arith.addf %add3A_449, %add3A_515 : vector<16xf32>
        %add3A_517 = arith.constant 16 : i32
        %add3A_518 = arith.addi %squeeze3A_496, %add3A_517 : i32
        %get3A_519 = arith.index_cast %add3A_518 : i32 to index
        %get3A_520 = tpu.vector_load %arg6[%get3A_519] {strides = array<i32>} : memref<49920xf32, #tpu.memory_space<vmem>>, vector<16xf32>,
        %add3A_521 = arith.constant 65 : i32
        %add3A_522 = arith.addi %squeeze3A_496, %add3A_521 : i32
        %add3A_523 = arith.constant 16 : i32
        %add3A_524 = arith.addi %add3A_522, %add3A_523 : i32
        %get3A_525 = arith.index_cast %add3A_524 : i32 to index
        %get3A_526 = tpu.vector_load %arg6[%get3A_525] {strides = array<i32>} : memref<49920xf32, #tpu.memory_space<vmem>>, vector<16xf32>,
        %mul3A_527 = vector.broadcast %sub3A_500 : f32 to vector<16xf32>
        %mul3A_528 = arith.mulf %get3A_520, %mul3A_527 : vector<16xf32>
        %mul3A_529 = vector.broadcast %squeeze3A_498 : f32 to vector<16xf32>
        %mul3A_530 = arith.mulf %get3A_526, %mul3A_529 : vector<16xf32>
        %add3A_531 = arith.addf %mul3A_528, %mul3A_530 : vector<16xf32>
        %add3A_532 = arith.addf %add3A_464, %add3A_531 : vector<16xf32>
        %add3A_533 = arith.constant 32 : i32
        %add3A_534 = arith.addi %squeeze3A_496, %add3A_533 : i32
        %get3A_535 = arith.index_cast %add3A_534 : i32 to index
        %get3A_536 = tpu.vector_load %arg6[%get3A_535] {strides = array<i32>} : memref<49920xf32, #tpu.memory_space<vmem>>, vector<16xf32>,
        %add3A_537 = arith.constant 65 : i32
        %add3A_538 = arith.addi %squeeze3A_496, %add3A_537 : i32
        %add3A_539 = arith.constant 32 : i32
        %add3A_540 = arith.addi %add3A_538, %add3A_539 : i32
        %get3A_541 = arith.index_cast %add3A_540 : i32 to index
        %get3A_542 = tpu.vector_load %arg6[%get3A_541] {strides = array<i32>} : memref<49920xf32, #tpu.memory_space<vmem>>, vector<16xf32>,
        %mul3A_543 = vector.broadcast %sub3A_500 : f32 to vector<16xf32>
        %mul3A_544 = arith.mulf %get3A_536, %mul3A_543 : vector<16xf32>
        %mul3A_545 = vector.broadcast %squeeze3A_498 : f32 to vector<16xf32>
        %mul3A_546 = arith.mulf %get3A_542, %mul3A_545 : vector<16xf32>
        %add3A_547 = arith.addf %mul3A_544, %mul3A_546 : vector<16xf32>
        %add3A_548 = arith.addf %add3A_479, %add3A_547 : vector<16xf32>
        %add3A_549 = arith.constant 48 : i32
        %add3A_550 = arith.addi %squeeze3A_496, %add3A_549 : i32
        %get3A_551 = arith.index_cast %add3A_550 : i32 to index
        %get3A_552 = tpu.vector_load %arg6[%get3A_551] {strides = array<i32>} : memref<49920xf32, #tpu.memory_space<vmem>>, vector<16xf32>,
        %add3A_553 = arith.constant 65 : i32
        %add3A_554 = arith.addi %squeeze3A_496, %add3A_553 : i32
        %add3A_555 = arith.constant 48 : i32
        %add3A_556 = arith.addi %add3A_554, %add3A_555 : i32
        %get3A_557 = arith.index_cast %add3A_556 : i32 to index
        %get3A_558 = tpu.vector_load %arg6[%get3A_557] {strides = array<i32>} : memref<49920xf32, #tpu.memory_space<vmem>>, vector<16xf32>,
        %mul3A_559 = vector.broadcast %sub3A_500 : f32 to vector<16xf32>
        %mul3A_560 = arith.mulf %get3A_552, %mul3A_559 : vector<16xf32>
        %mul3A_561 = vector.broadcast %squeeze3A_498 : f32 to vector<16xf32>
        %mul3A_562 = arith.mulf %get3A_558, %mul3A_561 : vector<16xf32>
        %add3A_563 = arith.addf %mul3A_560, %mul3A_562 : vector<16xf32>
        %add3A_564 = arith.addf %add3A_494, %add3A_563 : vector<16xf32>
        %slice3A_565 = vector.extract_strided_slice %get3A_426 {offsets = [2], sizes = [1], strides = [1]} : vector<16xi32> to vector<1xi32>
        %squeeze3A_566 = vector.extract %slice3A_565[0] : i32 from vector<1xi32>
        %slice3A_567 = vector.extract_strided_slice %get3A_428 {offsets = [2], sizes = [1], strides = [1]} : vector<16xf32> to vector<1xf32>
        %squeeze3A_568 = vector.extract %slice3A_567[0] : f32 from vector<1xf32>
        %sub3A_569 = arith.constant 1.000000e+00 : f32
        %sub3A_570 = arith.subf %sub3A_569, %squeeze3A_568 : f32
        %add3A_571 = arith.constant 0 : i32
        %add3A_572 = arith.addi %squeeze3A_566, %add3A_571 : i32
        %get3A_573 = arith.index_cast %add3A_572 : i32 to index
        %get3A_574 = tpu.vector_load %arg6[%get3A_573] {strides = array<i32>} : memref<49920xf32, #tpu.memory_space<vmem>>, vector<16xf32>,
        %add3A_575 = arith.constant 65 : i32
        %add3A_576 = arith.addi %squeeze3A_566, %add3A_575 : i32
        %add3A_577 = arith.constant 0 : i32
        %add3A_578 = arith.addi %add3A_576, %add3A_577 : i32
        %get3A_579 = arith.index_cast %add3A_578 : i32 to index
        %get3A_580 = tpu.vector_load %arg6[%get3A_579] {strides = array<i32>} : memref<49920xf32, #tpu.memory_space<vmem>>, vector<16xf32>,
        %mul3A_581 = vector.broadcast %sub3A_570 : f32 to vector<16xf32>
        %mul3A_582 = arith.mulf %get3A_574, %mul3A_581 : vector<16xf32>
        %mul3A_583 = vector.broadcast %squeeze3A_568 : f32 to vector<16xf32>
        %mul3A_584 = arith.mulf %get3A_580, %mul3A_583 : vector<16xf32>
        %add3A_585 = arith.addf %mul3A_582, %mul3A_584 : vector<16xf32>
        %add3A_586 = arith.addf %add3A_516, %add3A_585 : vector<16xf32>
        %add3A_587 = arith.constant 16 : i32
        %add3A_588 = arith.addi %squeeze3A_566, %add3A_587 : i32
        %get3A_589 = arith.index_cast %add3A_588 : i32 to index
        %get3A_590 = tpu.vector_load %arg6[%get3A_589] {strides = array<i32>} : memref<49920xf32, #tpu.memory_space<vmem>>, vector<16xf32>,
        %add3A_591 = arith.constant 65 : i32
        %add3A_592 = arith.addi %squeeze3A_566, %add3A_591 : i32
        %add3A_593 = arith.constant 16 : i32
        %add3A_594 = arith.addi %add3A_592, %add3A_593 : i32
        %get3A_595 = arith.index_cast %add3A_594 : i32 to index
        %get3A_596 = tpu.vector_load %arg6[%get3A_595] {strides = array<i32>} : memref<49920xf32, #tpu.memory_space<vmem>>, vector<16xf32>,
        %mul3A_597 = vector.broadcast %sub3A_570 : f32 to vector<16xf32>
        %mul3A_598 = arith.mulf %get3A_590, %mul3A_597 : vector<16xf32>
        %mul3A_599 = vector.broadcast %squeeze3A_568 : f32 to vector<16xf32>
        %mul3A_600 = arith.mulf %get3A_596, %mul3A_599 : vector<16xf32>
        %add3A_601 = arith.addf %mul3A_598, %mul3A_600 : vector<16xf32>
        %add3A_602 = arith.addf %add3A_532, %add3A_601 : vector<16xf32>
        %add3A_603 = arith.constant 32 : i32
        %add3A_604 = arith.addi %squeeze3A_566, %add3A_603 : i32
        %get3A_605 = arith.index_cast %add3A_604 : i32 to index
        %get3A_606 = tpu.vector_load %arg6[%get3A_605] {strides = array<i32>} : memref<49920xf32, #tpu.memory_space<vmem>>, vector<16xf32>,
        %add3A_607 = arith.constant 65 : i32
        %add3A_608 = arith.addi %squeeze3A_566, %add3A_607 : i32
        %add3A_609 = arith.constant 32 : i32
        %add3A_610 = arith.addi %add3A_608, %add3A_609 : i32
        %get3A_611 = arith.index_cast %add3A_610 : i32 to index
        %get3A_612 = tpu.vector_load %arg6[%get3A_611] {strides = array<i32>} : memref<49920xf32, #tpu.memory_space<vmem>>, vector<16xf32>,
        %mul3A_613 = vector.broadcast %sub3A_570 : f32 to vector<16xf32>
        %mul3A_614 = arith.mulf %get3A_606, %mul3A_613 : vector<16xf32>
        %mul3A_615 = vector.broadcast %squeeze3A_568 : f32 to vector<16xf32>
        %mul3A_616 = arith.mulf %get3A_612, %mul3A_615 : vector<16xf32>
        %add3A_617 = arith.addf %mul3A_614, %mul3A_616 : vector<16xf32>
        %add3A_618 = arith.addf %add3A_548, %add3A_617 : vector<16xf32>
        %add3A_619 = arith.constant 48 : i32
        %add3A_620 = arith.addi %squeeze3A_566, %add3A_619 : i32
        %get3A_621 = arith.index_cast %add3A_620 : i32 to index
        %get3A_622 = tpu.vector_load %arg6[%get3A_621] {strides = array<i32>} : memref<49920xf32, #tpu.memory_space<vmem>>, vector<16xf32>,
        %add3A_623 = arith.constant 65 : i32
        %add3A_624 = arith.addi %squeeze3A_566, %add3A_623 : i32
        %add3A_625 = arith.constant 48 : i32
        %add3A_626 = arith.addi %add3A_624, %add3A_625 : i32
        %get3A_627 = arith.index_cast %add3A_626 : i32 to index
        %get3A_628 = tpu.vector_load %arg6[%get3A_627] {strides = array<i32>} : memref<49920xf32, #tpu.memory_space<vmem>>, vector<16xf32>,
        %mul3A_629 = vector.broadcast %sub3A_570 : f32 to vector<16xf32>
        %mul3A_630 = arith.mulf %get3A_622, %mul3A_629 : vector<16xf32>
        %mul3A_631 = vector.broadcast %squeeze3A_568 : f32 to vector<16xf32>
        %mul3A_632 = arith.mulf %get3A_628, %mul3A_631 : vector<16xf32>
        %add3A_633 = arith.addf %mul3A_630, %mul3A_632 : vector<16xf32>
        %add3A_634 = arith.addf %add3A_564, %add3A_633 : vector<16xf32>
        %add3A_635 = arith.constant 0 : i32
        %add3A_636 = arith.addi %mul3A_424, %add3A_635 : i32
        %swap3A_637 = arith.index_cast %add3A_636 : i32 to index
        %swap3A_638 = tpu.vector_load %arg13[%swap3A_637] {strides = array<i32>} : memref<12800xf32, #tpu.memory_space<vmem>>, vector<16xf32>,
        tpu.vector_store %arg13[%swap3A_637], %add3A_586 {strides = array<i32>} : memref<12800xf32, #tpu.memory_space<vmem>>, vector<16xf32>,
        %add3A_639 = arith.constant 16 : i32
        %add3A_640 = arith.addi %mul3A_424, %add3A_639 : i32
        %swap3A_641 = arith.index_cast %add3A_640 : i32 to index
        %swap3A_642 = tpu.vector_load %arg13[%swap3A_641] {strides = array<i32>} : memref<12800xf32, #tpu.memory_space<vmem>>, vector<16xf32>,
        tpu.vector_store %arg13[%swap3A_641], %add3A_602 {strides = array<i32>} : memref<12800xf32, #tpu.memory_space<vmem>>, vector<16xf32>,
        %add3A_643 = arith.constant 32 : i32
        %add3A_644 = arith.addi %mul3A_424, %add3A_643 : i32
        %swap3A_645 = arith.index_cast %add3A_644 : i32 to index
        %swap3A_646 = tpu.vector_load %arg13[%swap3A_645] {strides = array<i32>} : memref<12800xf32, #tpu.memory_space<vmem>>, vector<16xf32>,
        tpu.vector_store %arg13[%swap3A_645], %add3A_618 {strides = array<i32>} : memref<12800xf32, #tpu.memory_space<vmem>>, vector<16xf32>,
        %add3A_647 = arith.constant 48 : i32
        %add3A_648 = arith.addi %mul3A_424, %add3A_647 : i32
        %swap3A_649 = arith.index_cast %add3A_648 : i32 to index
        %swap3A_650 = tpu.vector_load %arg13[%swap3A_649] {strides = array<i32>} : memref<12800xf32, #tpu.memory_space<vmem>>, vector<16xf32>,
        tpu.vector_store %arg13[%swap3A_649], %add3A_634 {strides = array<i32>} : memref<12800xf32, #tpu.memory_space<vmem>>, vector<16xf32>,
        %scan3A_651 = arith.constant 0 : i32
        scf.yield %scan3A_651 : i32
      }
      %scan3A_179 = arith.constant 200 : i32
      %add3A_180 = arith.constant 1 : i32
      %add3A_181 = arith.addi %mul3A_131, %add3A_180 : i32
      %mul3A_182 = arith.constant 200 : i32
      %mul3A_183 = arith.muli %add3A_181, %mul3A_182 : i32
      %mul3A_184 = arith.constant 64 : i32
      %mul3A_185 = arith.muli %mul3A_183, %mul3A_184 : i32
      %add3A_186 = arith.addi %mul3A_92, %mul3A_185 : i32
      %dma_start3A_187 = tpu.memref_slice %arg4[%add3A_186] : memref<10240000xf32, #tpu.memory_space<hbm>> -> memref<12800xf32, #tpu.memory_space<hbm>>
      %dma_start3A_188 = tpu.memref_slice %arg4[%add3A_186] : memref<10240000xf32, #tpu.memory_space<hbm>> -> memref<12800xf32, #tpu.memory_space<hbm>>
      tpu.enqueue_dma source(%arg13 : memref<12800xf32, #tpu.memory_space<vmem>>) target(%dma_start3A_188 : memref<12800xf32, #tpu.memory_space<hbm>>) target_semaphore(%arg14 : memref<!tpu.dma_semaphore, #tpu.memory_space<semaphore_mem>>)
      %scan3A_189 = arith.constant 0 : i32
      scf.yield %scan3A_189 : i32
    }
    %scan3A_99 = arith.constant 12 : i32
    %dma_wait3A = arith.constant 0 : i32
    %dma_wait3A_100 = tpu.memref_slice %arg4[%dma_wait3A] : memref<10240000xf32, #tpu.memory_space<hbm>> -> memref<12800xf32, #tpu.memory_space<hbm>>
    %dma_wait3A_101 = arith.constant 0 : i32
    %dma_wait3A_102 = tpu.memref_slice %arg4[%dma_wait3A_101] : memref<10240000xf32, #tpu.memory_space<hbm>> -> memref<12800xf32, #tpu.memory_space<hbm>>
    tpu.wait_dma2 semaphore(%arg14 : memref<!tpu.dma_semaphore, #tpu.memory_space<semaphore_mem>>) src(%dma_wait3A_102 : memref<12800xf32, #tpu.memory_space<hbm>>) dst(%arg12 : memref<12800xf32, #tpu.memory_space<vmem>>)
    %scan3A_103 = arith.constant 0 : i32
    %scan3A_104 = arith.constant 0 : i32
    %scan3A_105 = arith.constant 13 : i32
    %scan3A_106 = arith.addi %scan3A_104, %scan3A_105 : i32
    %scan3A_107 = arith.constant 1 : i32
    %scan3A_108 = scf.for %scan3A_128 = %scan3A_104 to %scan3A_106 step %scan3A_107 iter_args(%scan3A_129 = %scan3A_103) -> (i32)  : i32 {
      %mul3A_130 = arith.constant 16 : i32
      %mul3A_131 = arith.muli %scan3A_128, %mul3A_130 : i32
      %add3A_132 = arith.constant 4800 : i32
      %add3A_133 = arith.addi %add3A_132, %mul3A_131 : i32
      %mul3A_134 = arith.constant 16 : i32
      %mul3A_135 = arith.muli %scan3A_128, %mul3A_134 : i32
      %add3A_136 = vector.broadcast %mul3A_135 : i32 to vector<16xi32>
      %add3A_137 = arith.addi %add3A_136, %iota3A : vector<16xi32>
      %mul3A_138 = arith.constant 3 : i32
      %mul3A_139 = vector.broadcast %mul3A_138 : i32 to vector<16xi32>
      %mul3A_140 = arith.muli %add3A_137, %mul3A_139 : vector<16xi32>
      %get3A = arith.index_cast %add3A_133 : i32 to index
      %get3A_141 = tpu.vector_load %arg7[%get3A] {strides = array<i32>} : memref<5008xf32, #tpu.memory_space<vmem>>, vector<16xf32>,
      %add3A_142 = arith.constant 1.000000e+00 : f32
      %add3A_143 = vector.broadcast %add3A_142 : f32 to vector<16xf32>
      %add3A_144 = arith.addf %get3A_141, %add3A_143 : vector<16xf32>
      %mul3A_145 = arith.constant 1.275000e+02 : f32
      %mul3A_146 = vector.broadcast %mul3A_145 : f32 to vector<16xf32>
      %mul3A_147 = arith.mulf %add3A_144, %mul3A_146 : vector<16xf32>
      %convert_element_type3A = arith.fptosi %mul3A_147 : vector<16xf32> to vector<16xi32>
      %convert_element_type3A_148 = arith.sitofp %convert_element_type3A : vector<16xi32> to vector<16xf32>
      %sub3A_149 = arith.subf %mul3A_147, %convert_element_type3A_148 : vector<16xf32>
      %add3A_150 = arith.constant 0 : i32
      %add3A_151 = vector.broadcast %add3A_150 : i32 to vector<16xi32>
      %add3A_152 = arith.addi %mul3A_140, %add3A_151 : vector<16xi32>
      %add3A_153 = arith.constant 0 : i32
      %add3A_154 = vector.broadcast %add3A_153 : i32 to vector<16xi32>
      %add3A_155 = arith.addi %convert_element_type3A, %add3A_154 : vector<16xi32>
      %mul3A_156 = arith.constant 65 : i32
      %mul3A_157 = vector.broadcast %mul3A_156 : i32 to vector<16xi32>
      %mul3A_158 = arith.muli %add3A_155, %mul3A_157 : vector<16xi32>
      tpu.vector_store_idx %arg10[%add3A_152], %mul3A_158 : memref<640xi32, #tpu.memory_space<vmem>>[vector<16xi32>], vector<16xi32>,
      %add3A_159 = arith.constant 0 : i32
      %add3A_160 = vector.broadcast %add3A_159 : i32 to vector<16xi32>
      %add3A_161 = arith.addi %mul3A_140, %add3A_160 : vector<16xi32>
      tpu.vector_store_idx %arg11[%add3A_161], %sub3A_149 : memref<640xf32, #tpu.memory_space<vmem>>[vector<16xi32>], vector<16xf32>,
      %get3A_162 = arith.index_cast %add3A_133 : i32 to index
      %get3A_163 = tpu.vector_load %arg8[%get3A_162] {strides = array<i32>} : memref<5008xf32, #tpu.memory_space<vmem>>, vector<16xf32>,
      %add3A_164 = arith.constant 1.000000e+00 : f32
      %add3A_165 = vector.broadcast %add3A_164 : f32 to vector<16xf32>
      %add3A_166 = arith.addf %get3A_163, %add3A_165 : vector<16xf32>
      %mul3A_167 = arith.constant 1.275000e+02 : f32
      %mul3A_168 = vector.broadcast %mul3A_167 : f32 to vector<16xf32>
      %mul3A_169 = arith.mulf %add3A_166, %mul3A_168 : vector<16xf32>
      %convert_element_type3A_170 = arith.fptosi %mul3A_169 : vector<16xf32> to vector<16xi32>
      %convert_element_type3A_171 = arith.sitofp %convert_element_type3A_170 : vector<16xi32> to vector<16xf32>
      %sub3A_172 = arith.subf %mul3A_169, %convert_element_type3A_171 : vector<16xf32>
      %add3A_173 = arith.constant 1 : i32
      %add3A_174 = vector.broadcast %add3A_173 : i32 to vector<16xi32>
      %add3A_175 = arith.addi %mul3A_140, %add3A_174 : vector<16xi32>
      %add3A_176 = arith.constant 256 : i32
      %add3A_177 = vector.broadcast %add3A_176 : i32 to vector<16xi32>
      %add3A_178 = arith.addi %convert_element_type3A_170, %add3A_177 : vector<16xi32>
      %mul3A_179 = arith.constant 65 : i32
      %mul3A_180 = vector.broadcast %mul3A_179 : i32 to vector<16xi32>
      %mul3A_181 = arith.muli %add3A_178, %mul3A_180 : vector<16xi32>
      tpu.vector_store_idx %arg10[%add3A_175], %mul3A_181 : memref<640xi32, #tpu.memory_space<vmem>>[vector<16xi32>], vector<16xi32>,
      %add3A_182 = arith.constant 1 : i32
      %add3A_183 = vector.broadcast %add3A_182 : i32 to vector<16xi32>
      %add3A_184 = arith.addi %mul3A_140, %add3A_183 : vector<16xi32>
      tpu.vector_store_idx %arg11[%add3A_184], %sub3A_172 : memref<640xf32, #tpu.memory_space<vmem>>[vector<16xi32>], vector<16xf32>,
      %get3A_185 = arith.index_cast %add3A_133 : i32 to index
      %get3A_186 = tpu.vector_load %arg9[%get3A_185] {strides = array<i32>} : memref<5008xf32, #tpu.memory_space<vmem>>, vector<16xf32>,
      %add3A_187 = arith.constant 1.000000e+00 : f32
      %add3A_188 = vector.broadcast %add3A_187 : f32 to vector<16xf32>
      %add3A_189 = arith.addf %get3A_186, %add3A_188 : vector<16xf32>
      %mul3A_190 = arith.constant 1.275000e+02 : f32
      %mul3A_191 = vector.broadcast %mul3A_190 : f32 to vector<16xf32>
      %mul3A_192 = arith.mulf %add3A_189, %mul3A_191 : vector<16xf32>
      %convert_element_type3A_193 = arith.fptosi %mul3A_192 : vector<16xf32> to vector<16xi32>
      %convert_element_type3A_194 = arith.sitofp %convert_element_type3A_193 : vector<16xi32> to vector<16xf32>
      %sub3A_195 = arith.subf %mul3A_192, %convert_element_type3A_194 : vector<16xf32>
      %add3A_196 = arith.constant 2 : i32
      %add3A_197 = vector.broadcast %add3A_196 : i32 to vector<16xi32>
      %add3A_198 = arith.addi %mul3A_140, %add3A_197 : vector<16xi32>
      %add3A_199 = arith.constant 512 : i32
      %add3A_200 = vector.broadcast %add3A_199 : i32 to vector<16xi32>
      %add3A_201 = arith.addi %convert_element_type3A_193, %add3A_200 : vector<16xi32>
      %mul3A_202 = arith.constant 65 : i32
      %mul3A_203 = vector.broadcast %mul3A_202 : i32 to vector<16xi32>
      %mul3A_204 = arith.muli %add3A_201, %mul3A_203 : vector<16xi32>
      tpu.vector_store_idx %arg10[%add3A_198], %mul3A_204 : memref<640xi32, #tpu.memory_space<vmem>>[vector<16xi32>], vector<16xi32>,
      %add3A_205 = arith.constant 2 : i32
      %add3A_206 = vector.broadcast %add3A_205 : i32 to vector<16xi32>
      %add3A_207 = arith.addi %mul3A_140, %add3A_206 : vector<16xi32>
      tpu.vector_store_idx %arg11[%add3A_207], %sub3A_195 : memref<640xf32, #tpu.memory_space<vmem>>[vector<16xi32>], vector<16xf32>,
      %scan3A_208 = arith.constant 0 : i32
      scf.yield %scan3A_208 : i32
    }
    %scan3A_109 = arith.constant 13 : i32
    %scan3A_110 = arith.constant 0 : i32
    %scan3A_111 = arith.constant 0 : i32
    %scan3A_112 = arith.constant 200 : i32
    %scan3A_113 = arith.addi %scan3A_111, %scan3A_112 : i32
    %scan3A_114 = arith.constant 2 : i32
    %scan3A_115 = scf.for %scan3A_128 = %scan3A_111 to %scan3A_113 step %scan3A_114 iter_args(%scan3A_129 = %scan3A_110) -> (i32)  : i32 {
      %mul3A_130 = arith.constant 3 : i32
      %mul3A_131 = arith.muli %scan3A_128, %mul3A_130 : i32
      %mul3A_132 = arith.constant 64 : i32
      %mul3A_133 = arith.muli %scan3A_128, %mul3A_132 : i32
      %get3A = arith.index_cast %mul3A_131 : i32 to index
      %get3A_134 = tpu.vector_load %arg10[%get3A] {strides = array<i32>} : memref<640xi32, #tpu.memory_space<vmem>>, vector<16xi32>,
      %get3A_135 = arith.index_cast %mul3A_131 : i32 to index
      %get3A_136 = tpu.vector_load %arg11[%get3A_135] {strides = array<i32>} : memref<640xf32, #tpu.memory_space<vmem>>, vector<16xf32>,
      %slice3A = vector.extract_strided_slice %get3A_134 {offsets = [0], sizes = [1], strides = [1]} : vector<16xi32> to vector<1xi32>
      %squeeze3A = vector.extract %slice3A[0] : i32 from vector<1xi32>
      %slice3A_137 = vector.extract_strided_slice %get3A_136 {offsets = [0], sizes = [1], strides = [1]} : vector<16xf32> to vector<1xf32>
      %squeeze3A_138 = vector.extract %slice3A_137[0] : f32 from vector<1xf32>
      %sub3A_139 = arith.constant 1.000000e+00 : f32
      %sub3A_140 = arith.subf %sub3A_139, %squeeze3A_138 : f32
      %add3A_141 = arith.constant 0 : i32
      %add3A_142 = arith.addi %squeeze3A, %add3A_141 : i32
      %get3A_143 = arith.index_cast %add3A_142 : i32 to index
      %get3A_144 = tpu.vector_load %arg6[%get3A_143] {strides = array<i32>} : memref<49920xf32, #tpu.memory_space<vmem>>, vector<16xf32>,
      %add3A_145 = arith.constant 65 : i32
      %add3A_146 = arith.addi %squeeze3A, %add3A_145 : i32
      %add3A_147 = arith.constant 0 : i32
      %add3A_148 = arith.addi %add3A_146, %add3A_147 : i32
      %get3A_149 = arith.index_cast %add3A_148 : i32 to index
      %get3A_150 = tpu.vector_load %arg6[%get3A_149] {strides = array<i32>} : memref<49920xf32, #tpu.memory_space<vmem>>, vector<16xf32>,
      %mul3A_151 = vector.broadcast %sub3A_140 : f32 to vector<16xf32>
      %mul3A_152 = arith.mulf %get3A_144, %mul3A_151 : vector<16xf32>
      %mul3A_153 = vector.broadcast %squeeze3A_138 : f32 to vector<16xf32>
      %mul3A_154 = arith.mulf %get3A_150, %mul3A_153 : vector<16xf32>
      %add3A_155 = arith.addf %mul3A_152, %mul3A_154 : vector<16xf32>
      %add3A_156 = arith.constant 16 : i32
      %add3A_157 = arith.addi %squeeze3A, %add3A_156 : i32
      %get3A_158 = arith.index_cast %add3A_157 : i32 to index
      %get3A_159 = tpu.vector_load %arg6[%get3A_158] {strides = array<i32>} : memref<49920xf32, #tpu.memory_space<vmem>>, vector<16xf32>,
      %add3A_160 = arith.constant 65 : i32
      %add3A_161 = arith.addi %squeeze3A, %add3A_160 : i32
      %add3A_162 = arith.constant 16 : i32
      %add3A_163 = arith.addi %add3A_161, %add3A_162 : i32
      %get3A_164 = arith.index_cast %add3A_163 : i32 to index
      %get3A_165 = tpu.vector_load %arg6[%get3A_164] {strides = array<i32>} : memref<49920xf32, #tpu.memory_space<vmem>>, vector<16xf32>,
      %mul3A_166 = vector.broadcast %sub3A_140 : f32 to vector<16xf32>
      %mul3A_167 = arith.mulf %get3A_159, %mul3A_166 : vector<16xf32>
      %mul3A_168 = vector.broadcast %squeeze3A_138 : f32 to vector<16xf32>
      %mul3A_169 = arith.mulf %get3A_165, %mul3A_168 : vector<16xf32>
      %add3A_170 = arith.addf %mul3A_167, %mul3A_169 : vector<16xf32>
      %add3A_171 = arith.constant 32 : i32
      %add3A_172 = arith.addi %squeeze3A, %add3A_171 : i32
      %get3A_173 = arith.index_cast %add3A_172 : i32 to index
      %get3A_174 = tpu.vector_load %arg6[%get3A_173] {strides = array<i32>} : memref<49920xf32, #tpu.memory_space<vmem>>, vector<16xf32>,
      %add3A_175 = arith.constant 65 : i32
      %add3A_176 = arith.addi %squeeze3A, %add3A_175 : i32
      %add3A_177 = arith.constant 32 : i32
      %add3A_178 = arith.addi %add3A_176, %add3A_177 : i32
      %get3A_179 = arith.index_cast %add3A_178 : i32 to index
      %get3A_180 = tpu.vector_load %arg6[%get3A_179] {strides = array<i32>} : memref<49920xf32, #tpu.memory_space<vmem>>, vector<16xf32>,
      %mul3A_181 = vector.broadcast %sub3A_140 : f32 to vector<16xf32>
      %mul3A_182 = arith.mulf %get3A_174, %mul3A_181 : vector<16xf32>
      %mul3A_183 = vector.broadcast %squeeze3A_138 : f32 to vector<16xf32>
      %mul3A_184 = arith.mulf %get3A_180, %mul3A_183 : vector<16xf32>
      %add3A_185 = arith.addf %mul3A_182, %mul3A_184 : vector<16xf32>
      %add3A_186 = arith.constant 48 : i32
      %add3A_187 = arith.addi %squeeze3A, %add3A_186 : i32
      %get3A_188 = arith.index_cast %add3A_187 : i32 to index
      %get3A_189 = tpu.vector_load %arg6[%get3A_188] {strides = array<i32>} : memref<49920xf32, #tpu.memory_space<vmem>>, vector<16xf32>,
      %add3A_190 = arith.constant 65 : i32
      %add3A_191 = arith.addi %squeeze3A, %add3A_190 : i32
      %add3A_192 = arith.constant 48 : i32
      %add3A_193 = arith.addi %add3A_191, %add3A_192 : i32
      %get3A_194 = arith.index_cast %add3A_193 : i32 to index
      %get3A_195 = tpu.vector_load %arg6[%get3A_194] {strides = array<i32>} : memref<49920xf32, #tpu.memory_space<vmem>>, vector<16xf32>,
      %mul3A_196 = vector.broadcast %sub3A_140 : f32 to vector<16xf32>
      %mul3A_197 = arith.mulf %get3A_189, %mul3A_196 : vector<16xf32>
      %mul3A_198 = vector.broadcast %squeeze3A_138 : f32 to vector<16xf32>
      %mul3A_199 = arith.mulf %get3A_195, %mul3A_198 : vector<16xf32>
      %add3A_200 = arith.addf %mul3A_197, %mul3A_199 : vector<16xf32>
      %slice3A_201 = vector.extract_strided_slice %get3A_134 {offsets = [1], sizes = [1], strides = [1]} : vector<16xi32> to vector<1xi32>
      %squeeze3A_202 = vector.extract %slice3A_201[0] : i32 from vector<1xi32>
      %slice3A_203 = vector.extract_strided_slice %get3A_136 {offsets = [1], sizes = [1], strides = [1]} : vector<16xf32> to vector<1xf32>
      %squeeze3A_204 = vector.extract %slice3A_203[0] : f32 from vector<1xf32>
      %sub3A_205 = arith.constant 1.000000e+00 : f32
      %sub3A_206 = arith.subf %sub3A_205, %squeeze3A_204 : f32
      %add3A_207 = arith.constant 0 : i32
      %add3A_208 = arith.addi %squeeze3A_202, %add3A_207 : i32
      %get3A_209 = arith.index_cast %add3A_208 : i32 to index
      %get3A_210 = tpu.vector_load %arg6[%get3A_209] {strides = array<i32>} : memref<49920xf32, #tpu.memory_space<vmem>>, vector<16xf32>,
      %add3A_211 = arith.constant 65 : i32
      %add3A_212 = arith.addi %squeeze3A_202, %add3A_211 : i32
      %add3A_213 = arith.constant 0 : i32
      %add3A_214 = arith.addi %add3A_212, %add3A_213 : i32
      %get3A_215 = arith.index_cast %add3A_214 : i32 to index
      %get3A_216 = tpu.vector_load %arg6[%get3A_215] {strides = array<i32>} : memref<49920xf32, #tpu.memory_space<vmem>>, vector<16xf32>,
      %mul3A_217 = vector.broadcast %sub3A_206 : f32 to vector<16xf32>
      %mul3A_218 = arith.mulf %get3A_210, %mul3A_217 : vector<16xf32>
      %mul3A_219 = vector.broadcast %squeeze3A_204 : f32 to vector<16xf32>
      %mul3A_220 = arith.mulf %get3A_216, %mul3A_219 : vector<16xf32>
      %add3A_221 = arith.addf %mul3A_218, %mul3A_220 : vector<16xf32>
      %add3A_222 = arith.addf %add3A_155, %add3A_221 : vector<16xf32>
      %add3A_223 = arith.constant 16 : i32
      %add3A_224 = arith.addi %squeeze3A_202, %add3A_223 : i32
      %get3A_225 = arith.index_cast %add3A_224 : i32 to index
      %get3A_226 = tpu.vector_load %arg6[%get3A_225] {strides = array<i32>} : memref<49920xf32, #tpu.memory_space<vmem>>, vector<16xf32>,
      %add3A_227 = arith.constant 65 : i32
      %add3A_228 = arith.addi %squeeze3A_202, %add3A_227 : i32
      %add3A_229 = arith.constant 16 : i32
      %add3A_230 = arith.addi %add3A_228, %add3A_229 : i32
      %get3A_231 = arith.index_cast %add3A_230 : i32 to index
      %get3A_232 = tpu.vector_load %arg6[%get3A_231] {strides = array<i32>} : memref<49920xf32, #tpu.memory_space<vmem>>, vector<16xf32>,
      %mul3A_233 = vector.broadcast %sub3A_206 : f32 to vector<16xf32>
      %mul3A_234 = arith.mulf %get3A_226, %mul3A_233 : vector<16xf32>
      %mul3A_235 = vector.broadcast %squeeze3A_204 : f32 to vector<16xf32>
      %mul3A_236 = arith.mulf %get3A_232, %mul3A_235 : vector<16xf32>
      %add3A_237 = arith.addf %mul3A_234, %mul3A_236 : vector<16xf32>
      %add3A_238 = arith.addf %add3A_170, %add3A_237 : vector<16xf32>
      %add3A_239 = arith.constant 32 : i32
      %add3A_240 = arith.addi %squeeze3A_202, %add3A_239 : i32
      %get3A_241 = arith.index_cast %add3A_240 : i32 to index
      %get3A_242 = tpu.vector_load %arg6[%get3A_241] {strides = array<i32>} : memref<49920xf32, #tpu.memory_space<vmem>>, vector<16xf32>,
      %add3A_243 = arith.constant 65 : i32
      %add3A_244 = arith.addi %squeeze3A_202, %add3A_243 : i32
      %add3A_245 = arith.constant 32 : i32
      %add3A_246 = arith.addi %add3A_244, %add3A_245 : i32
      %get3A_247 = arith.index_cast %add3A_246 : i32 to index
      %get3A_248 = tpu.vector_load %arg6[%get3A_247] {strides = array<i32>} : memref<49920xf32, #tpu.memory_space<vmem>>, vector<16xf32>,
      %mul3A_249 = vector.broadcast %sub3A_206 : f32 to vector<16xf32>
      %mul3A_250 = arith.mulf %get3A_242, %mul3A_249 : vector<16xf32>
      %mul3A_251 = vector.broadcast %squeeze3A_204 : f32 to vector<16xf32>
      %mul3A_252 = arith.mulf %get3A_248, %mul3A_251 : vector<16xf32>
      %add3A_253 = arith.addf %mul3A_250, %mul3A_252 : vector<16xf32>
      %add3A_254 = arith.addf %add3A_185, %add3A_253 : vector<16xf32>
      %add3A_255 = arith.constant 48 : i32
      %add3A_256 = arith.addi %squeeze3A_202, %add3A_255 : i32
      %get3A_257 = arith.index_cast %add3A_256 : i32 to index
      %get3A_258 = tpu.vector_load %arg6[%get3A_257] {strides = array<i32>} : memref<49920xf32, #tpu.memory_space<vmem>>, vector<16xf32>,
      %add3A_259 = arith.constant 65 : i32
      %add3A_260 = arith.addi %squeeze3A_202, %add3A_259 : i32
      %add3A_261 = arith.constant 48 : i32
      %add3A_262 = arith.addi %add3A_260, %add3A_261 : i32
      %get3A_263 = arith.index_cast %add3A_262 : i32 to index
      %get3A_264 = tpu.vector_load %arg6[%get3A_263] {strides = array<i32>} : memref<49920xf32, #tpu.memory_space<vmem>>, vector<16xf32>,
      %mul3A_265 = vector.broadcast %sub3A_206 : f32 to vector<16xf32>
      %mul3A_266 = arith.mulf %get3A_258, %mul3A_265 : vector<16xf32>
      %mul3A_267 = vector.broadcast %squeeze3A_204 : f32 to vector<16xf32>
      %mul3A_268 = arith.mulf %get3A_264, %mul3A_267 : vector<16xf32>
      %add3A_269 = arith.addf %mul3A_266, %mul3A_268 : vector<16xf32>
      %add3A_270 = arith.addf %add3A_200, %add3A_269 : vector<16xf32>
      %slice3A_271 = vector.extract_strided_slice %get3A_134 {offsets = [2], sizes = [1], strides = [1]} : vector<16xi32> to vector<1xi32>
      %squeeze3A_272 = vector.extract %slice3A_271[0] : i32 from vector<1xi32>
      %slice3A_273 = vector.extract_strided_slice %get3A_136 {offsets = [2], sizes = [1], strides = [1]} : vector<16xf32> to vector<1xf32>
      %squeeze3A_274 = vector.extract %slice3A_273[0] : f32 from vector<1xf32>
      %sub3A_275 = arith.constant 1.000000e+00 : f32
      %sub3A_276 = arith.subf %sub3A_275, %squeeze3A_274 : f32
      %add3A_277 = arith.constant 0 : i32
      %add3A_278 = arith.addi %squeeze3A_272, %add3A_277 : i32
      %get3A_279 = arith.index_cast %add3A_278 : i32 to index
      %get3A_280 = tpu.vector_load %arg6[%get3A_279] {strides = array<i32>} : memref<49920xf32, #tpu.memory_space<vmem>>, vector<16xf32>,
      %add3A_281 = arith.constant 65 : i32
      %add3A_282 = arith.addi %squeeze3A_272, %add3A_281 : i32
      %add3A_283 = arith.constant 0 : i32
      %add3A_284 = arith.addi %add3A_282, %add3A_283 : i32
      %get3A_285 = arith.index_cast %add3A_284 : i32 to index
      %get3A_286 = tpu.vector_load %arg6[%get3A_285] {strides = array<i32>} : memref<49920xf32, #tpu.memory_space<vmem>>, vector<16xf32>,
      %mul3A_287 = vector.broadcast %sub3A_276 : f32 to vector<16xf32>
      %mul3A_288 = arith.mulf %get3A_280, %mul3A_287 : vector<16xf32>
      %mul3A_289 = vector.broadcast %squeeze3A_274 : f32 to vector<16xf32>
      %mul3A_290 = arith.mulf %get3A_286, %mul3A_289 : vector<16xf32>
      %add3A_291 = arith.addf %mul3A_288, %mul3A_290 : vector<16xf32>
      %add3A_292 = arith.addf %add3A_222, %add3A_291 : vector<16xf32>
      %add3A_293 = arith.constant 16 : i32
      %add3A_294 = arith.addi %squeeze3A_272, %add3A_293 : i32
      %get3A_295 = arith.index_cast %add3A_294 : i32 to index
      %get3A_296 = tpu.vector_load %arg6[%get3A_295] {strides = array<i32>} : memref<49920xf32, #tpu.memory_space<vmem>>, vector<16xf32>,
      %add3A_297 = arith.constant 65 : i32
      %add3A_298 = arith.addi %squeeze3A_272, %add3A_297 : i32
      %add3A_299 = arith.constant 16 : i32
      %add3A_300 = arith.addi %add3A_298, %add3A_299 : i32
      %get3A_301 = arith.index_cast %add3A_300 : i32 to index
      %get3A_302 = tpu.vector_load %arg6[%get3A_301] {strides = array<i32>} : memref<49920xf32, #tpu.memory_space<vmem>>, vector<16xf32>,
      %mul3A_303 = vector.broadcast %sub3A_276 : f32 to vector<16xf32>
      %mul3A_304 = arith.mulf %get3A_296, %mul3A_303 : vector<16xf32>
      %mul3A_305 = vector.broadcast %squeeze3A_274 : f32 to vector<16xf32>
      %mul3A_306 = arith.mulf %get3A_302, %mul3A_305 : vector<16xf32>
      %add3A_307 = arith.addf %mul3A_304, %mul3A_306 : vector<16xf32>
      %add3A_308 = arith.addf %add3A_238, %add3A_307 : vector<16xf32>
      %add3A_309 = arith.constant 32 : i32
      %add3A_310 = arith.addi %squeeze3A_272, %add3A_309 : i32
      %get3A_311 = arith.index_cast %add3A_310 : i32 to index
      %get3A_312 = tpu.vector_load %arg6[%get3A_311] {strides = array<i32>} : memref<49920xf32, #tpu.memory_space<vmem>>, vector<16xf32>,
      %add3A_313 = arith.constant 65 : i32
      %add3A_314 = arith.addi %squeeze3A_272, %add3A_313 : i32
      %add3A_315 = arith.constant 32 : i32
      %add3A_316 = arith.addi %add3A_314, %add3A_315 : i32
      %get3A_317 = arith.index_cast %add3A_316 : i32 to index
      %get3A_318 = tpu.vector_load %arg6[%get3A_317] {strides = array<i32>} : memref<49920xf32, #tpu.memory_space<vmem>>, vector<16xf32>,
      %mul3A_319 = vector.broadcast %sub3A_276 : f32 to vector<16xf32>
      %mul3A_320 = arith.mulf %get3A_312, %mul3A_319 : vector<16xf32>
      %mul3A_321 = vector.broadcast %squeeze3A_274 : f32 to vector<16xf32>
      %mul3A_322 = arith.mulf %get3A_318, %mul3A_321 : vector<16xf32>
      %add3A_323 = arith.addf %mul3A_320, %mul3A_322 : vector<16xf32>
      %add3A_324 = arith.addf %add3A_254, %add3A_323 : vector<16xf32>
      %add3A_325 = arith.constant 48 : i32
      %add3A_326 = arith.addi %squeeze3A_272, %add3A_325 : i32
      %get3A_327 = arith.index_cast %add3A_326 : i32 to index
      %get3A_328 = tpu.vector_load %arg6[%get3A_327] {strides = array<i32>} : memref<49920xf32, #tpu.memory_space<vmem>>, vector<16xf32>,
      %add3A_329 = arith.constant 65 : i32
      %add3A_330 = arith.addi %squeeze3A_272, %add3A_329 : i32
      %add3A_331 = arith.constant 48 : i32
      %add3A_332 = arith.addi %add3A_330, %add3A_331 : i32
      %get3A_333 = arith.index_cast %add3A_332 : i32 to index
      %get3A_334 = tpu.vector_load %arg6[%get3A_333] {strides = array<i32>} : memref<49920xf32, #tpu.memory_space<vmem>>, vector<16xf32>,
      %mul3A_335 = vector.broadcast %sub3A_276 : f32 to vector<16xf32>
      %mul3A_336 = arith.mulf %get3A_328, %mul3A_335 : vector<16xf32>
      %mul3A_337 = vector.broadcast %squeeze3A_274 : f32 to vector<16xf32>
      %mul3A_338 = arith.mulf %get3A_334, %mul3A_337 : vector<16xf32>
      %add3A_339 = arith.addf %mul3A_336, %mul3A_338 : vector<16xf32>
      %add3A_340 = arith.addf %add3A_270, %add3A_339 : vector<16xf32>
      %add3A_341 = arith.constant 0 : i32
      %add3A_342 = arith.addi %mul3A_133, %add3A_341 : i32
      %swap3A = arith.index_cast %add3A_342 : i32 to index
      %swap3A_343 = tpu.vector_load %arg12[%swap3A] {strides = array<i32>} : memref<12800xf32, #tpu.memory_space<vmem>>, vector<16xf32>,
      tpu.vector_store %arg12[%swap3A], %add3A_292 {strides = array<i32>} : memref<12800xf32, #tpu.memory_space<vmem>>, vector<16xf32>,
      %add3A_344 = arith.constant 16 : i32
      %add3A_345 = arith.addi %mul3A_133, %add3A_344 : i32
      %swap3A_346 = arith.index_cast %add3A_345 : i32 to index
      %swap3A_347 = tpu.vector_load %arg12[%swap3A_346] {strides = array<i32>} : memref<12800xf32, #tpu.memory_space<vmem>>, vector<16xf32>,
      tpu.vector_store %arg12[%swap3A_346], %add3A_308 {strides = array<i32>} : memref<12800xf32, #tpu.memory_space<vmem>>, vector<16xf32>,
      %add3A_348 = arith.constant 32 : i32
      %add3A_349 = arith.addi %mul3A_133, %add3A_348 : i32
      %swap3A_350 = arith.index_cast %add3A_349 : i32 to index
      %swap3A_351 = tpu.vector_load %arg12[%swap3A_350] {strides = array<i32>} : memref<12800xf32, #tpu.memory_space<vmem>>, vector<16xf32>,
      tpu.vector_store %arg12[%swap3A_350], %add3A_324 {strides = array<i32>} : memref<12800xf32, #tpu.memory_space<vmem>>, vector<16xf32>,
      %add3A_352 = arith.constant 48 : i32
      %add3A_353 = arith.addi %mul3A_133, %add3A_352 : i32
      %swap3A_354 = arith.index_cast %add3A_353 : i32 to index
      %swap3A_355 = tpu.vector_load %arg12[%swap3A_354] {strides = array<i32>} : memref<12800xf32, #tpu.memory_space<vmem>>, vector<16xf32>,
      tpu.vector_store %arg12[%swap3A_354], %add3A_340 {strides = array<i32>} : memref<12800xf32, #tpu.memory_space<vmem>>, vector<16xf32>,
      %scan3A_356 = arith.constant 0 : i32
      %scan3A_357 = arith.constant 1 : i32
      %scan3A_358 = arith.addi %scan3A_128, %scan3A_357 : i32
      %mul3A_359 = arith.constant 3 : i32
      %mul3A_360 = arith.muli %scan3A_358, %mul3A_359 : i32
      %mul3A_361 = arith.constant 64 : i32
      %mul3A_362 = arith.muli %scan3A_358, %mul3A_361 : i32
      %get3A_363 = arith.index_cast %mul3A_360 : i32 to index
      %get3A_364 = tpu.vector_load %arg10[%get3A_363] {strides = array<i32>} : memref<640xi32, #tpu.memory_space<vmem>>, vector<16xi32>,
      %get3A_365 = arith.index_cast %mul3A_360 : i32 to index
      %get3A_366 = tpu.vector_load %arg11[%get3A_365] {strides = array<i32>} : memref<640xf32, #tpu.memory_space<vmem>>, vector<16xf32>,
      %slice3A_367 = vector.extract_strided_slice %get3A_364 {offsets = [0], sizes = [1], strides = [1]} : vector<16xi32> to vector<1xi32>
      %squeeze3A_368 = vector.extract %slice3A_367[0] : i32 from vector<1xi32>
      %slice3A_369 = vector.extract_strided_slice %get3A_366 {offsets = [0], sizes = [1], strides = [1]} : vector<16xf32> to vector<1xf32>
      %squeeze3A_370 = vector.extract %slice3A_369[0] : f32 from vector<1xf32>
      %sub3A_371 = arith.constant 1.000000e+00 : f32
      %sub3A_372 = arith.subf %sub3A_371, %squeeze3A_370 : f32
      %add3A_373 = arith.constant 0 : i32
      %add3A_374 = arith.addi %squeeze3A_368, %add3A_373 : i32
      %get3A_375 = arith.index_cast %add3A_374 : i32 to index
      %get3A_376 = tpu.vector_load %arg6[%get3A_375] {strides = array<i32>} : memref<49920xf32, #tpu.memory_space<vmem>>, vector<16xf32>,
      %add3A_377 = arith.constant 65 : i32
      %add3A_378 = arith.addi %squeeze3A_368, %add3A_377 : i32
      %add3A_379 = arith.constant 0 : i32
      %add3A_380 = arith.addi %add3A_378, %add3A_379 : i32
      %get3A_381 = arith.index_cast %add3A_380 : i32 to index
      %get3A_382 = tpu.vector_load %arg6[%get3A_381] {strides = array<i32>} : memref<49920xf32, #tpu.memory_space<vmem>>, vector<16xf32>,
      %mul3A_383 = vector.broadcast %sub3A_372 : f32 to vector<16xf32>
      %mul3A_384 = arith.mulf %get3A_376, %mul3A_383 : vector<16xf32>
      %mul3A_385 = vector.broadcast %squeeze3A_370 : f32 to vector<16xf32>
      %mul3A_386 = arith.mulf %get3A_382, %mul3A_385 : vector<16xf32>
      %add3A_387 = arith.addf %mul3A_384, %mul3A_386 : vector<16xf32>
      %add3A_388 = arith.constant 16 : i32
      %add3A_389 = arith.addi %squeeze3A_368, %add3A_388 : i32
      %get3A_390 = arith.index_cast %add3A_389 : i32 to index
      %get3A_391 = tpu.vector_load %arg6[%get3A_390] {strides = array<i32>} : memref<49920xf32, #tpu.memory_space<vmem>>, vector<16xf32>,
      %add3A_392 = arith.constant 65 : i32
      %add3A_393 = arith.addi %squeeze3A_368, %add3A_392 : i32
      %add3A_394 = arith.constant 16 : i32
      %add3A_395 = arith.addi %add3A_393, %add3A_394 : i32
      %get3A_396 = arith.index_cast %add3A_395 : i32 to index
      %get3A_397 = tpu.vector_load %arg6[%get3A_396] {strides = array<i32>} : memref<49920xf32, #tpu.memory_space<vmem>>, vector<16xf32>,
      %mul3A_398 = vector.broadcast %sub3A_372 : f32 to vector<16xf32>
      %mul3A_399 = arith.mulf %get3A_391, %mul3A_398 : vector<16xf32>
      %mul3A_400 = vector.broadcast %squeeze3A_370 : f32 to vector<16xf32>
      %mul3A_401 = arith.mulf %get3A_397, %mul3A_400 : vector<16xf32>
      %add3A_402 = arith.addf %mul3A_399, %mul3A_401 : vector<16xf32>
      %add3A_403 = arith.constant 32 : i32
      %add3A_404 = arith.addi %squeeze3A_368, %add3A_403 : i32
      %get3A_405 = arith.index_cast %add3A_404 : i32 to index
      %get3A_406 = tpu.vector_load %arg6[%get3A_405] {strides = array<i32>} : memref<49920xf32, #tpu.memory_space<vmem>>, vector<16xf32>,
      %add3A_407 = arith.constant 65 : i32
      %add3A_408 = arith.addi %squeeze3A_368, %add3A_407 : i32
      %add3A_409 = arith.constant 32 : i32
      %add3A_410 = arith.addi %add3A_408, %add3A_409 : i32
      %get3A_411 = arith.index_cast %add3A_410 : i32 to index
      %get3A_412 = tpu.vector_load %arg6[%get3A_411] {strides = array<i32>} : memref<49920xf32, #tpu.memory_space<vmem>>, vector<16xf32>,
      %mul3A_413 = vector.broadcast %sub3A_372 : f32 to vector<16xf32>
      %mul3A_414 = arith.mulf %get3A_406, %mul3A_413 : vector<16xf32>
      %mul3A_415 = vector.broadcast %squeeze3A_370 : f32 to vector<16xf32>
      %mul3A_416 = arith.mulf %get3A_412, %mul3A_415 : vector<16xf32>
      %add3A_417 = arith.addf %mul3A_414, %mul3A_416 : vector<16xf32>
      %add3A_418 = arith.constant 48 : i32
      %add3A_419 = arith.addi %squeeze3A_368, %add3A_418 : i32
      %get3A_420 = arith.index_cast %add3A_419 : i32 to index
      %get3A_421 = tpu.vector_load %arg6[%get3A_420] {strides = array<i32>} : memref<49920xf32, #tpu.memory_space<vmem>>, vector<16xf32>,
      %add3A_422 = arith.constant 65 : i32
      %add3A_423 = arith.addi %squeeze3A_368, %add3A_422 : i32
      %add3A_424 = arith.constant 48 : i32
      %add3A_425 = arith.addi %add3A_423, %add3A_424 : i32
      %get3A_426 = arith.index_cast %add3A_425 : i32 to index
      %get3A_427 = tpu.vector_load %arg6[%get3A_426] {strides = array<i32>} : memref<49920xf32, #tpu.memory_space<vmem>>, vector<16xf32>,
      %mul3A_428 = vector.broadcast %sub3A_372 : f32 to vector<16xf32>
      %mul3A_429 = arith.mulf %get3A_421, %mul3A_428 : vector<16xf32>
      %mul3A_430 = vector.broadcast %squeeze3A_370 : f32 to vector<16xf32>
      %mul3A_431 = arith.mulf %get3A_427, %mul3A_430 : vector<16xf32>
      %add3A_432 = arith.addf %mul3A_429, %mul3A_431 : vector<16xf32>
      %slice3A_433 = vector.extract_strided_slice %get3A_364 {offsets = [1], sizes = [1], strides = [1]} : vector<16xi32> to vector<1xi32>
      %squeeze3A_434 = vector.extract %slice3A_433[0] : i32 from vector<1xi32>
      %slice3A_435 = vector.extract_strided_slice %get3A_366 {offsets = [1], sizes = [1], strides = [1]} : vector<16xf32> to vector<1xf32>
      %squeeze3A_436 = vector.extract %slice3A_435[0] : f32 from vector<1xf32>
      %sub3A_437 = arith.constant 1.000000e+00 : f32
      %sub3A_438 = arith.subf %sub3A_437, %squeeze3A_436 : f32
      %add3A_439 = arith.constant 0 : i32
      %add3A_440 = arith.addi %squeeze3A_434, %add3A_439 : i32
      %get3A_441 = arith.index_cast %add3A_440 : i32 to index
      %get3A_442 = tpu.vector_load %arg6[%get3A_441] {strides = array<i32>} : memref<49920xf32, #tpu.memory_space<vmem>>, vector<16xf32>,
      %add3A_443 = arith.constant 65 : i32
      %add3A_444 = arith.addi %squeeze3A_434, %add3A_443 : i32
      %add3A_445 = arith.constant 0 : i32
      %add3A_446 = arith.addi %add3A_444, %add3A_445 : i32
      %get3A_447 = arith.index_cast %add3A_446 : i32 to index
      %get3A_448 = tpu.vector_load %arg6[%get3A_447] {strides = array<i32>} : memref<49920xf32, #tpu.memory_space<vmem>>, vector<16xf32>,
      %mul3A_449 = vector.broadcast %sub3A_438 : f32 to vector<16xf32>
      %mul3A_450 = arith.mulf %get3A_442, %mul3A_449 : vector<16xf32>
      %mul3A_451 = vector.broadcast %squeeze3A_436 : f32 to vector<16xf32>
      %mul3A_452 = arith.mulf %get3A_448, %mul3A_451 : vector<16xf32>
      %add3A_453 = arith.addf %mul3A_450, %mul3A_452 : vector<16xf32>
      %add3A_454 = arith.addf %add3A_387, %add3A_453 : vector<16xf32>
      %add3A_455 = arith.constant 16 : i32
      %add3A_456 = arith.addi %squeeze3A_434, %add3A_455 : i32
      %get3A_457 = arith.index_cast %add3A_456 : i32 to index
      %get3A_458 = tpu.vector_load %arg6[%get3A_457] {strides = array<i32>} : memref<49920xf32, #tpu.memory_space<vmem>>, vector<16xf32>,
      %add3A_459 = arith.constant 65 : i32
      %add3A_460 = arith.addi %squeeze3A_434, %add3A_459 : i32
      %add3A_461 = arith.constant 16 : i32
      %add3A_462 = arith.addi %add3A_460, %add3A_461 : i32
      %get3A_463 = arith.index_cast %add3A_462 : i32 to index
      %get3A_464 = tpu.vector_load %arg6[%get3A_463] {strides = array<i32>} : memref<49920xf32, #tpu.memory_space<vmem>>, vector<16xf32>,
      %mul3A_465 = vector.broadcast %sub3A_438 : f32 to vector<16xf32>
      %mul3A_466 = arith.mulf %get3A_458, %mul3A_465 : vector<16xf32>
      %mul3A_467 = vector.broadcast %squeeze3A_436 : f32 to vector<16xf32>
      %mul3A_468 = arith.mulf %get3A_464, %mul3A_467 : vector<16xf32>
      %add3A_469 = arith.addf %mul3A_466, %mul3A_468 : vector<16xf32>
      %add3A_470 = arith.addf %add3A_402, %add3A_469 : vector<16xf32>
      %add3A_471 = arith.constant 32 : i32
      %add3A_472 = arith.addi %squeeze3A_434, %add3A_471 : i32
      %get3A_473 = arith.index_cast %add3A_472 : i32 to index
      %get3A_474 = tpu.vector_load %arg6[%get3A_473] {strides = array<i32>} : memref<49920xf32, #tpu.memory_space<vmem>>, vector<16xf32>,
      %add3A_475 = arith.constant 65 : i32
      %add3A_476 = arith.addi %squeeze3A_434, %add3A_475 : i32
      %add3A_477 = arith.constant 32 : i32
      %add3A_478 = arith.addi %add3A_476, %add3A_477 : i32
      %get3A_479 = arith.index_cast %add3A_478 : i32 to index
      %get3A_480 = tpu.vector_load %arg6[%get3A_479] {strides = array<i32>} : memref<49920xf32, #tpu.memory_space<vmem>>, vector<16xf32>,
      %mul3A_481 = vector.broadcast %sub3A_438 : f32 to vector<16xf32>
      %mul3A_482 = arith.mulf %get3A_474, %mul3A_481 : vector<16xf32>
      %mul3A_483 = vector.broadcast %squeeze3A_436 : f32 to vector<16xf32>
      %mul3A_484 = arith.mulf %get3A_480, %mul3A_483 : vector<16xf32>
      %add3A_485 = arith.addf %mul3A_482, %mul3A_484 : vector<16xf32>
      %add3A_486 = arith.addf %add3A_417, %add3A_485 : vector<16xf32>
      %add3A_487 = arith.constant 48 : i32
      %add3A_488 = arith.addi %squeeze3A_434, %add3A_487 : i32
      %get3A_489 = arith.index_cast %add3A_488 : i32 to index
      %get3A_490 = tpu.vector_load %arg6[%get3A_489] {strides = array<i32>} : memref<49920xf32, #tpu.memory_space<vmem>>, vector<16xf32>,
      %add3A_491 = arith.constant 65 : i32
      %add3A_492 = arith.addi %squeeze3A_434, %add3A_491 : i32
      %add3A_493 = arith.constant 48 : i32
      %add3A_494 = arith.addi %add3A_492, %add3A_493 : i32
      %get3A_495 = arith.index_cast %add3A_494 : i32 to index
      %get3A_496 = tpu.vector_load %arg6[%get3A_495] {strides = array<i32>} : memref<49920xf32, #tpu.memory_space<vmem>>, vector<16xf32>,
      %mul3A_497 = vector.broadcast %sub3A_438 : f32 to vector<16xf32>
      %mul3A_498 = arith.mulf %get3A_490, %mul3A_497 : vector<16xf32>
      %mul3A_499 = vector.broadcast %squeeze3A_436 : f32 to vector<16xf32>
      %mul3A_500 = arith.mulf %get3A_496, %mul3A_499 : vector<16xf32>
      %add3A_501 = arith.addf %mul3A_498, %mul3A_500 : vector<16xf32>
      %add3A_502 = arith.addf %add3A_432, %add3A_501 : vector<16xf32>
      %slice3A_503 = vector.extract_strided_slice %get3A_364 {offsets = [2], sizes = [1], strides = [1]} : vector<16xi32> to vector<1xi32>
      %squeeze3A_504 = vector.extract %slice3A_503[0] : i32 from vector<1xi32>
      %slice3A_505 = vector.extract_strided_slice %get3A_366 {offsets = [2], sizes = [1], strides = [1]} : vector<16xf32> to vector<1xf32>
      %squeeze3A_506 = vector.extract %slice3A_505[0] : f32 from vector<1xf32>
      %sub3A_507 = arith.constant 1.000000e+00 : f32
      %sub3A_508 = arith.subf %sub3A_507, %squeeze3A_506 : f32
      %add3A_509 = arith.constant 0 : i32
      %add3A_510 = arith.addi %squeeze3A_504, %add3A_509 : i32
      %get3A_511 = arith.index_cast %add3A_510 : i32 to index
      %get3A_512 = tpu.vector_load %arg6[%get3A_511] {strides = array<i32>} : memref<49920xf32, #tpu.memory_space<vmem>>, vector<16xf32>,
      %add3A_513 = arith.constant 65 : i32
      %add3A_514 = arith.addi %squeeze3A_504, %add3A_513 : i32
      %add3A_515 = arith.constant 0 : i32
      %add3A_516 = arith.addi %add3A_514, %add3A_515 : i32
      %get3A_517 = arith.index_cast %add3A_516 : i32 to index
      %get3A_518 = tpu.vector_load %arg6[%get3A_517] {strides = array<i32>} : memref<49920xf32, #tpu.memory_space<vmem>>, vector<16xf32>,
      %mul3A_519 = vector.broadcast %sub3A_508 : f32 to vector<16xf32>
      %mul3A_520 = arith.mulf %get3A_512, %mul3A_519 : vector<16xf32>
      %mul3A_521 = vector.broadcast %squeeze3A_506 : f32 to vector<16xf32>
      %mul3A_522 = arith.mulf %get3A_518, %mul3A_521 : vector<16xf32>
      %add3A_523 = arith.addf %mul3A_520, %mul3A_522 : vector<16xf32>
      %add3A_524 = arith.addf %add3A_454, %add3A_523 : vector<16xf32>
      %add3A_525 = arith.constant 16 : i32
      %add3A_526 = arith.addi %squeeze3A_504, %add3A_525 : i32
      %get3A_527 = arith.index_cast %add3A_526 : i32 to index
      %get3A_528 = tpu.vector_load %arg6[%get3A_527] {strides = array<i32>} : memref<49920xf32, #tpu.memory_space<vmem>>, vector<16xf32>,
      %add3A_529 = arith.constant 65 : i32
      %add3A_530 = arith.addi %squeeze3A_504, %add3A_529 : i32
      %add3A_531 = arith.constant 16 : i32
      %add3A_532 = arith.addi %add3A_530, %add3A_531 : i32
      %get3A_533 = arith.index_cast %add3A_532 : i32 to index
      %get3A_534 = tpu.vector_load %arg6[%get3A_533] {strides = array<i32>} : memref<49920xf32, #tpu.memory_space<vmem>>, vector<16xf32>,
      %mul3A_535 = vector.broadcast %sub3A_508 : f32 to vector<16xf32>
      %mul3A_536 = arith.mulf %get3A_528, %mul3A_535 : vector<16xf32>
      %mul3A_537 = vector.broadcast %squeeze3A_506 : f32 to vector<16xf32>
      %mul3A_538 = arith.mulf %get3A_534, %mul3A_537 : vector<16xf32>
      %add3A_539 = arith.addf %mul3A_536, %mul3A_538 : vector<16xf32>
      %add3A_540 = arith.addf %add3A_470, %add3A_539 : vector<16xf32>
      %add3A_541 = arith.constant 32 : i32
      %add3A_542 = arith.addi %squeeze3A_504, %add3A_541 : i32
      %get3A_543 = arith.index_cast %add3A_542 : i32 to index
      %get3A_544 = tpu.vector_load %arg6[%get3A_543] {strides = array<i32>} : memref<49920xf32, #tpu.memory_space<vmem>>, vector<16xf32>,
      %add3A_545 = arith.constant 65 : i32
      %add3A_546 = arith.addi %squeeze3A_504, %add3A_545 : i32
      %add3A_547 = arith.constant 32 : i32
      %add3A_548 = arith.addi %add3A_546, %add3A_547 : i32
      %get3A_549 = arith.index_cast %add3A_548 : i32 to index
      %get3A_550 = tpu.vector_load %arg6[%get3A_549] {strides = array<i32>} : memref<49920xf32, #tpu.memory_space<vmem>>, vector<16xf32>,
      %mul3A_551 = vector.broadcast %sub3A_508 : f32 to vector<16xf32>
      %mul3A_552 = arith.mulf %get3A_544, %mul3A_551 : vector<16xf32>
      %mul3A_553 = vector.broadcast %squeeze3A_506 : f32 to vector<16xf32>
      %mul3A_554 = arith.mulf %get3A_550, %mul3A_553 : vector<16xf32>
      %add3A_555 = arith.addf %mul3A_552, %mul3A_554 : vector<16xf32>
      %add3A_556 = arith.addf %add3A_486, %add3A_555 : vector<16xf32>
      %add3A_557 = arith.constant 48 : i32
      %add3A_558 = arith.addi %squeeze3A_504, %add3A_557 : i32
      %get3A_559 = arith.index_cast %add3A_558 : i32 to index
      %get3A_560 = tpu.vector_load %arg6[%get3A_559] {strides = array<i32>} : memref<49920xf32, #tpu.memory_space<vmem>>, vector<16xf32>,
      %add3A_561 = arith.constant 65 : i32
      %add3A_562 = arith.addi %squeeze3A_504, %add3A_561 : i32
      %add3A_563 = arith.constant 48 : i32
      %add3A_564 = arith.addi %add3A_562, %add3A_563 : i32
      %get3A_565 = arith.index_cast %add3A_564 : i32 to index
      %get3A_566 = tpu.vector_load %arg6[%get3A_565] {strides = array<i32>} : memref<49920xf32, #tpu.memory_space<vmem>>, vector<16xf32>,
      %mul3A_567 = vector.broadcast %sub3A_508 : f32 to vector<16xf32>
      %mul3A_568 = arith.mulf %get3A_560, %mul3A_567 : vector<16xf32>
      %mul3A_569 = vector.broadcast %squeeze3A_506 : f32 to vector<16xf32>
      %mul3A_570 = arith.mulf %get3A_566, %mul3A_569 : vector<16xf32>
      %add3A_571 = arith.addf %mul3A_568, %mul3A_570 : vector<16xf32>
      %add3A_572 = arith.addf %add3A_502, %add3A_571 : vector<16xf32>
      %add3A_573 = arith.constant 0 : i32
      %add3A_574 = arith.addi %mul3A_362, %add3A_573 : i32
      %swap3A_575 = arith.index_cast %add3A_574 : i32 to index
      %swap3A_576 = tpu.vector_load %arg12[%swap3A_575] {strides = array<i32>} : memref<12800xf32, #tpu.memory_space<vmem>>, vector<16xf32>,
      tpu.vector_store %arg12[%swap3A_575], %add3A_524 {strides = array<i32>} : memref<12800xf32, #tpu.memory_space<vmem>>, vector<16xf32>,
      %add3A_577 = arith.constant 16 : i32
      %add3A_578 = arith.addi %mul3A_362, %add3A_577 : i32
      %swap3A_579 = arith.index_cast %add3A_578 : i32 to index
      %swap3A_580 = tpu.vector_load %arg12[%swap3A_579] {strides = array<i32>} : memref<12800xf32, #tpu.memory_space<vmem>>, vector<16xf32>,
      tpu.vector_store %arg12[%swap3A_579], %add3A_540 {strides = array<i32>} : memref<12800xf32, #tpu.memory_space<vmem>>, vector<16xf32>,
      %add3A_581 = arith.constant 32 : i32
      %add3A_582 = arith.addi %mul3A_362, %add3A_581 : i32
      %swap3A_583 = arith.index_cast %add3A_582 : i32 to index
      %swap3A_584 = tpu.vector_load %arg12[%swap3A_583] {strides = array<i32>} : memref<12800xf32, #tpu.memory_space<vmem>>, vector<16xf32>,
      tpu.vector_store %arg12[%swap3A_583], %add3A_556 {strides = array<i32>} : memref<12800xf32, #tpu.memory_space<vmem>>, vector<16xf32>,
      %add3A_585 = arith.constant 48 : i32
      %add3A_586 = arith.addi %mul3A_362, %add3A_585 : i32
      %swap3A_587 = arith.index_cast %add3A_586 : i32 to index
      %swap3A_588 = tpu.vector_load %arg12[%swap3A_587] {strides = array<i32>} : memref<12800xf32, #tpu.memory_space<vmem>>, vector<16xf32>,
      tpu.vector_store %arg12[%swap3A_587], %add3A_572 {strides = array<i32>} : memref<12800xf32, #tpu.memory_space<vmem>>, vector<16xf32>,
      %scan3A_589 = arith.constant 0 : i32
      scf.yield %scan3A_589 : i32
    }
    %scan3A_116 = arith.constant 200 : i32
    %add3A_117 = arith.constant 307200 : i32
    %add3A_118 = arith.addi %mul3A_92, %add3A_117 : i32
    %dma_start3A = tpu.memref_slice %arg4[%add3A_118] : memref<10240000xf32, #tpu.memory_space<hbm>> -> memref<12800xf32, #tpu.memory_space<hbm>>
    %dma_start3A_119 = tpu.memref_slice %arg4[%add3A_118] : memref<10240000xf32, #tpu.memory_space<hbm>> -> memref<12800xf32, #tpu.memory_space<hbm>>
    tpu.enqueue_dma source(%arg12 : memref<12800xf32, #tpu.memory_space<vmem>>) target(%dma_start3A_119 : memref<12800xf32, #tpu.memory_space<hbm>>) target_semaphore(%arg14 : memref<!tpu.dma_semaphore, #tpu.memory_space<semaphore_mem>>)
    %dma_wait3A_120 = arith.constant 0 : i32
    %dma_wait3A_121 = tpu.memref_slice %arg4[%dma_wait3A_120] : memref<10240000xf32, #tpu.memory_space<hbm>> -> memref<12800xf32, #tpu.memory_space<hbm>>
    %dma_wait3A_122 = arith.constant 0 : i32
    %dma_wait3A_123 = tpu.memref_slice %arg4[%dma_wait3A_122] : memref<10240000xf32, #tpu.memory_space<hbm>> -> memref<12800xf32, #tpu.memory_space<hbm>>
    tpu.wait_dma2 semaphore(%arg14 : memref<!tpu.dma_semaphore, #tpu.memory_space<semaphore_mem>>) src(%dma_wait3A_123 : memref<12800xf32, #tpu.memory_space<hbm>>) dst(%arg13 : memref<12800xf32, #tpu.memory_space<vmem>>)
    %dma_wait3A_124 = arith.constant 0 : i32
    %dma_wait3A_125 = tpu.memref_slice %arg4[%dma_wait3A_124] : memref<10240000xf32, #tpu.memory_space<hbm>> -> memref<12800xf32, #tpu.memory_space<hbm>>
    %dma_wait3A_126 = arith.constant 0 : i32
    %dma_wait3A_127 = tpu.memref_slice %arg4[%dma_wait3A_126] : memref<10240000xf32, #tpu.memory_space<hbm>> -> memref<12800xf32, #tpu.memory_space<hbm>>
    tpu.wait_dma2 semaphore(%arg14 : memref<!tpu.dma_semaphore, #tpu.memory_space<semaphore_mem>>) src(%dma_wait3A_127 : memref<12800xf32, #tpu.memory_space<hbm>>) dst(%arg12 : memref<12800xf32, #tpu.memory_space<vmem>>)
    return
  }
}

module attributes {stable_mosaic.version = 14 : i64} {
  func.func @_tc_slice_body(%arg0: i32, %arg1: memref<8xi32, #tpu.memory_space<smem>>, %arg2: memref<64x768xf32, #tpu.memory_space<vmem>>, %arg3: memref<1x64x768xf32, #tpu.memory_space<vmem>>) attributes {dimension_semantics = [#tpu.dimension_semantics<arbitrary>], iteration_bounds = array<i64: 8>, scalar_prefetch = 1 : i64, scratch_operands = 0 : i64, tpu.core_type = #tpu.core_type<tc>, window_params = [{transform_indices = @transform_0, window_bounds = array<i64: 64, 768>}, {transform_indices = @transform_1, window_bounds = array<i64: 1, 64, 768>}]} {
    %get3A = arith.constant 0 : index
    %get3A_0 = arith.constant 0 : index
    %get3A_1 = vector.load %arg2[%get3A, %get3A_0] : memref<64x768xf32, #tpu.memory_space<vmem>>, vector<64x768xf32>
    %broadcast_in_dim3A = vector.shape_cast %get3A_1 : vector<64x768xf32> to vector<1x64x768xf32>
    %swap3A = arith.constant 0 : index
    %swap3A_2 = arith.constant 0 : index
    %swap3A_3 = arith.constant 0 : index
    %swap3A_4 = vector.load %arg3[%swap3A, %swap3A_2, %swap3A_3] : memref<1x64x768xf32, #tpu.memory_space<vmem>>, vector<1x64x768xf32>
    tpu.vector_store %arg3[%swap3A, %swap3A_2, %swap3A_3], %broadcast_in_dim3A {strides = array<i32>} : memref<1x64x768xf32, #tpu.memory_space<vmem>>, vector<1x64x768xf32>,
    return
  }
  func.func @transform_0(%arg0: i32, %arg1: memref<8xi32, #tpu.memory_space<smem>>) -> (i32, i32) {
    %get3A = arith.index_cast %arg0 : i32 to index
    %get3A_0 = memref.load %arg1[%get3A] : memref<8xi32, #tpu.memory_space<smem>>
    %c0_i32 = arith.constant 0 : i32
    %c0_i32_1 = arith.constant 0 : i32
    return %c0_i32, %get3A_0 : i32, i32
  }
  func.func @transform_1(%arg0: i32, %arg1: memref<8xi32, #tpu.memory_space<smem>>) -> (i32, i32, i32) {
    %c0_i32 = arith.constant 0 : i32
    %c0_i32_0 = arith.constant 0 : i32
    %c0_i32_1 = arith.constant 0 : i32
    return %arg0, %c0_i32, %c0_i32_0 : i32, i32, i32
  }
}

</mosaic_0001>

<sc_bundles>
// kernel: kernel.4.cloned.1.call-start
scs
__scs_entry_jumppad:
0x0: {  	(pc) =	sbr.rel $0x88, $3  }
0x1: {  	(tag) =	ssettag $0x0;
	lr =	simm.s32 $0x1  }
0x2: {  	[smem:$0x3F9E] =	sst lr;
	_ =	strace $0xD0000000  }
0x3: {  	_ = 	snop  }
0x4: {  	_ = 	snop  }
0x5: {  	_ = 	snop  }
0x6: {  	_ = 	snop  }
0x7: {  	_ = 	snop  }
__scs_overlays_trampoline_lowered:
0x8: {  	[smem:$0x3FAD] =	sst s0  }
0x9: {  	[smem:$0x3FAE] =	sst s1  }
0xa: {  	[smem:$0x3FAF] =	sst s2  }
0xb: {  	[smem:$0x3FB0] =	sst s3  }
0xc: {  	[smem:$0x3FB1] =	sst s4  }
0xd: {  	[smem:$0x3FB2] =	sst s5  }
0xe: {  	[smem:$0x3FB3] =	sst s6  }
0xf: {  	[smem:$0x3FB4] =	sst s7  }
0x10: {  	[smem:$0x3FB5] =	sst s8  }
0x11: {  	[smem:$0x3FB6] =	sst s9;
	s0 =	simm.s32 @!p0 $0x0  }
0x12: {  	s1 =	sld [smem:$0x3F9C];
	s0 =	simm.s32 @p0 $0x1  }
0x13: {  	[smem:$0x3FB7] =	sst s0;
	s0 =	simm.s32 @!p1 $0x0  }
0x14: {  	s2 =	sld [smem:$0x3F9B];
	s0 =	simm.s32 @p1 $0x1  }
0x15: {  	[smem:$0x3FB8] =	sst s0;
	s0 =	simm.s32 @!p2 $0x0  }
0x16: {  	s3 =	sld [smem:$0x3FDB];
	s0 =	simm.s32 @p2 $0x1  }
0x17: {  	s4 =	simm.s32 $0x1BF5;
	[smem:$0x3FBA] =	sst s0  }
0x18: {  	s0 =	sld [smem:$0x3F9D];
	_ =	swait.ge [sflag:s4], $0x0  }
0x19: {  	s7 =	sld [smem:$0x3F9E]  }
0x1a: {  	s8 =	sadd.s32 $0xFFFFE003, lr  }
0x1b: {  	s9 =	sadd.s32 $0xFFFFFEF7, lr;
	s5 =	simm.s32 $0xFFFFFFFF;
	p2 =	slt.u32 s8, $0xFFFFF086  }
0x1c: {  	p1 =	slt.u32 s9, $0xF7A;
	s5 =	simm.s32 @!p2 $0x0  }
0x1d: {  	s5 =	simm.s32 @p1 $0x1;
	p0 =	seq.s32 s7, s2  }
0x1e: {  	s7 =	smul.u32 @!p0 $0xF7A, s2;
	p2 =	seq.s32 @!p0 s5, $0x0  }
0x1f: {  	s9 =	smul.u32 $0xF7A, s1;
	s8 =	simm.s32 @!p0 $0x1BF5;
	p2 =	por !p2, p0  }
0x20: {  	[sflag:s8] =	ssyncset.s32 @!p0 $0xFFFFF086;
	s6 =	sadd.s32 @!p0 s3, s7;
	s7 =	simm.s32 @!p0 $0x108  }
0x21: {  	s3 =	sadd.s32 s3, s9;
	s6 =	sadd.s32 @!p0 $0x88, s6;
	s7 =	simm.s32 @p2 $0x1082  }
0x22: {  	[simem:s7], [sflag:s8] =	dma.local @!p0 [hbm:s6], $0xF7A  }
0x23: {  	s9 =	sor.u32 $0xD0000000, s2;
	s6 =	simm.s32 $0x108;
	_ =	swait.ge @!p0 [sflag:s8], $0x0  }
0x24: {  	s3 =	sadd.s32 $0x88, s3;
	s6 =	simm.s32 @!p1 $0x1082;
	[sflag:s4] =	ssyncset.s32 $0xFFFFF086  }
0x25: {  	[simem:s6], [sflag:s4] =	dma.local [hbm:s3], $0xF7A  }
0x26: {  	[smem:$0x3F9E] =	sst s1;
	(tag) =	ssettag s2;
	_ =	strace s9  }
0x27: {  	s1 =	sld [smem:$0x3FAE]  }
0x28: {  	s2 =	sld [smem:$0x3FAF]  }
0x29: {  	s4 =	sld [smem:$0x3FB1]  }
0x2a: {  	p0 =	seq.s32 s5, $0x0;
	s5 =	sld [smem:$0x3FB2]  }
0x2b: {  	s6 =	sld [smem:$0x3FB3]  }
0x2c: {  	s7 =	sld [smem:$0x3FB4]  }
0x2d: {  	s3 =	simm.s32 $0x108;
	s8 =	sld [smem:$0x3FB5]  }
0x2e: {  	s3 =	simm.s32 @!p0 $0x1082;
	s9 =	sld [smem:$0x3FB6]  }
0x2f: {  	lr =	sadd.s32 s0, s3;
	s0 =	sld [smem:$0x3FAD]  }
0x30: {  	s3 =	sld [smem:$0x3FB0]  }
0x31: {  	[smem:$0x3FB9] =	sst s10  }
0x32: {  	s10 =	sld [smem:$0x3FB7];
	_ =	sdelay $0x3  }
0x33: {  	p0 =	seq.s32 s10, $0x1;
	s10 =	sld [smem:$0x3FB9];
	_ =	sdelay $0x3  }
0x34: {  	[smem:$0x3FB9] =	sst s10  }
0x35: {  	s10 =	sld [smem:$0x3FB8];
	_ =	sdelay $0x3  }
0x36: {  	p1 =	seq.s32 s10, $0x1;
	s10 =	sld [smem:$0x3FB9];
	_ =	sdelay $0x3  }
0x37: {  	[smem:$0x3FB9] =	sst s10  }
0x38: {  	s10 =	sld [smem:$0x3FBA]  }
0x39: {  	_ = 	snop;
	(pc) =	sbr.ind lr, $3  }
0x3a: {  	_ = 	snop  }
0x3b: {  	_ = 	snop  }
0x3c: {  	p2 =	seq.s32 s10, $0x1;
	s10 =	sld [smem:$0x3FB9]  }
0x3d: {  	_ =	shalt  }
0x3e: {  	_ =	shalt  }
0x3f: {  	_ =	shalt  }
0x40: {  	_ =	shalt  }
0x41: {  	_ =	shalt  }
0x42: {  	_ =	shalt  }
0x43: {  	_ =	shalt  }
0x44: {  	_ =	shalt  }
0x45: {  	_ =	shalt  }
0x46: {  	_ =	shalt  }
0x47: {  	_ =	shalt  }
0x48: {  	_ =	shalt  }
0x49: {  	_ =	shalt  }
0x4a: {  	_ =	shalt  }
0x4b: {  	_ =	shalt  }
0x4c: {  	_ =	shalt  }
0x4d: {  	_ =	shalt  }
0x4e: {  	_ =	shalt  }
0x4f: {  	_ =	shalt  }
0x50: {  	_ =	shalt  }
0x51: {  	_ =	shalt  }
0x52: {  	_ =	shalt  }
0x53: {  	_ =	shalt  }
0x54: {  	_ =	shalt  }
0x55: {  	_ =	shalt  }
0x56: {  	_ =	shalt  }
0x57: {  	_ =	shalt  }
0x58: {  	_ =	shalt  }
0x59: {  	_ =	shalt  }
0x5a: {  	_ =	shalt  }
0x5b: {  	_ =	shalt  }
0x5c: {  	_ =	shalt  }
0x5d: {  	_ =	shalt  }
0x5e: {  	_ =	shalt  }
0x5f: {  	_ =	shalt  }
0x60: {  	_ =	shalt  }
0x61: {  	_ =	shalt  }
0x62: {  	_ =	shalt  }
0x63: {  	_ =	shalt  }
0x64: {  	_ =	shalt  }
0x65: {  	_ =	shalt  }
0x66: {  	_ =	shalt  }
0x67: {  	_ =	shalt  }
0x68: {  	_ =	shalt  }
0x69: {  	_ =	shalt  }
0x6a: {  	_ =	shalt  }
0x6b: {  	_ =	shalt  }
0x6c: {  	_ =	shalt  }
0x6d: {  	_ =	shalt  }
0x6e: {  	_ =	shalt  }
0x6f: {  	_ =	shalt  }
0x70: {  	_ =	shalt  }
0x71: {  	_ =	shalt  }
0x72: {  	_ =	shalt  }
0x73: {  	_ =	shalt  }
0x74: {  	_ =	shalt  }
0x75: {  	_ =	shalt  }
0x76: {  	_ =	shalt  }
0x77: {  	_ =	shalt  }
0x78: {  	_ =	shalt  }
0x79: {  	_ =	shalt  }
0x7a: {  	_ =	shalt  }
0x7b: {  	_ =	shalt  }
0x7c: {  	_ =	shalt  }
0x7d: {  	_ =	shalt  }
0x7e: {  	_ =	shalt  }
0x7f: {  	_ =	shalt  }
0x80: {  	_ =	shalt  }
0x81: {  	_ =	shalt  }
0x82: {  	_ =	shalt  }
0x83: {  	_ =	shalt  }
0x84: {  	_ =	shalt  }
0x85: {  	_ =	shalt  }
0x86: {  	_ =	shalt  }
0x87: {  	_ =	shalt  }
.Lfunc_end0:
.L_simem_size_0:
called_computation.1_lowered:
.L_overlay_start_0:
0x88: {  	s2 =	sld [smem:$0x3FD9]  }
0x89: {  	s3 =	sld [smem:$0x3FFE];
	_ =	sdelay $0x1  }
0x8a: {  	s1 =	srdreg.scid  }
0x8b: {  	s0 =	sand.u32 $0x1, s1  }
0x8c: {  	s17 =	sshll.u32 s0, $0xA;
	s2 =	sadd.s32 s3, s2  }
0x8d: {  	s2 =	sadd.s32 s2, s17  }
0x8e: {  	[smem:$0x3FC5] =	sst s2  }
0x8f: {  	_ = 	snop  }
0x90: {  	s2 =	sld [smem:$0x3FD0];
	(tm) =	ssettm $0x1  }
0x91: {  	s18 =	sld [smem:$0x3FFB];
	_ =	sdelay $0x3  }
0x92: {  	_ =	strace s18  }
0x93: {  	s3 =	sld [smem:$0x3FFC];
	_ =	sdelay $0x3  }
0x94: {  	_ =	strace s3  }
0x95: {  	s3 =	sld [smem:$0x3FFD];
	_ =	sdelay $0x3  }
0x96: {  	_ =	strace s3  }
0x97: {  	_ =	strace $0x8FFFFFFF  }
0x98: {  	s19 =	sld [smem:$0x3FDB];
	_ =	sdelay $0x1  }
0x99: {  	s4 =	simm.s32 $_scs_section_size  }
0x9a: {  	s5 =	simm.s32 $_size__tile_overlayer_lowered;
	s6 =	simm.s32 $_tile_overlayer_lowered  }
0x9b: {  	s22 =	simm.s32 $0x1BFF;
	s21 =	sshll.u32 s6, $0x1;
	s3 =	sadd.s32 s4, s19  }
0x9c: {  	s7 =	simm.s32 $0x0;
	s20 =	sshll.u32 s5, $0x1;
	s5 =	sadd.s32 s21, s3  }
0x9d: {  	[timem:s7], [sflag:s22] =	dma.local [hbm:s5], s20  }
0x9e: {  	_ =	swait.ge [sflag:s22], s20  }
0x9f: {  	s4 =	ssub.s32 $0x0, s20;
	[sflag:s22] =	ssyncset.done $0x0  }
0xa0: {  	[sflag:s22] =	ssyncadd.s32 s4;
	_ =	sdelay $0x1  }
0xa1: {  	s23 =	simm.s32 $0x1B8B  }
0xa2: {  	_ =	swait.ge [sflag:s23], $0x1  }
0xa3: {  	[sflag:s23] =	ssyncset.done $0x0  }
0xa4: {  	s25 =	simm.s32 $0x1B8E;
	s24 =	sld [smem:$0x3FFE];
	[sflag:s23] =	ssyncadd.s32 $0xFFFFFFFF  }
0xa5: {  	s26 =	simm.s32 $execute0_lowered;
	[smem:$0x3FD2] =	sst s25  }
0xa6: {  	s5 =	sshll.u32 s26, $0x1;
	_ =	strace $0x80000046;
	[dreg:$0x1] =	wrdreg $0xFFFFFFFF  }
0xa7: {  	s28 =	simm.s32 $_size_execute0_lowered;
	s3 =	sadd.s32 s3, s5;
	[dreg:$0x0] =	wrdreg $0x0  }
0xa8: {  	s5 =	sshll.u32 s28, $0x1;
	[dreg:$0x2] =	wrdreg s3  }
0xa9: {  	[dreg:$0x3] =	wrdreg s5  }
0xaa: {  	[dreg:$0x4] =	wrdreg $0xC0  }
0xab: {  	_ =	task [dreg:s7], $0x5FFFF  }
0xac: {  	[dreg:$0x1] =	wrdreg $0xFFFFFFFF  }
0xad: {  	[dreg:$0x0] =	wrdreg $0x60  }
0xae: {  	[dreg:$0x2] =	wrdreg s24  }
0xaf: {  	[dreg:$0x3] =	wrdreg s2  }
0xb0: {  	[dreg:$0x4] =	wrdreg $0x9  }
0xb1: {  	_ =	task.clear_ibuf [dreg:s7], $0x5FFFF;
	_ =	strace $0x90000046  }
0xb2: {  	s29 =	simm.s32 $0x9;
	_ =	strace $0x80000048  }
0xb3: {  	_ =	swait.ge [sflag:s29], $0x1  }
0xb4: {  	[sflag:s29] =	ssyncadd.s32 $0xFFFFFFFF  }
0xb5: {  	_ =	strace $0x90000048  }
0xb6: {  	_ =	sfence  }
0xb7: {  	s30 =	sld [smem:$0x0];
	_ =	sdelay $0x2  }
0xb8: {  	s31 =	sshll.u32 s1, $0xD;
	s1 =	sshrl.u32 s1, $0x2  }
0xb9: {  	s3 =	sand.u32 $0x4000, s31;
	s1 =	sadd.s32 s1, s30  }
0xba: {  	s0 =	sor.u32 s3, s0;
	s1 =	sshll.u32 s1, $0x11  }
0xbb: {  	s0 =	sor.u32 s1, s0  }
0xbc: {  	s0 =	sadd.s32 $0x8F2B, s0  }
0xbd: {  	[sflag:s0] =	ssyncadd.remote.s32 $0x1  }
0xbe: {  	_ =	sfence.sel $0xFFFF  }
0xbf: {  	[dreg:$0x0] =	wrdreg $0xFFFFFFFF;
	(pc) =	sbr.abs _section_cstart, $3  }
0xc0: {  	[dreg:$0x1] =	wrdreg $0xFFFFFFFF  }
0xc1: {  	_ =	task.clear_ibuf [dreg:s7], $0x2FFFF;
	_ =	strace $0x9FFFFFFF  }
0xc2: {  	(tm) =	ssettm $0x7FFFFFFF  }
0xc3: {  	_ =	shalt  }
tec
execute0_lowered:
.L_overlay_start_1:
0x0: {  	(tag) =	ssettag $0x1  }
0x1: {  	v0 =	vlaneseq.u32  }
0x2: {  	s0 =	rddreg [dreg:$0x0];
	s3 =	simm.s32 $0x0;
	v4 =	vmul.u32 $0x41, v0  }
0x3: {  	[smem:$0x7FF] =	sst s3  }
0x4: {  	s1 =	rddreg [dreg:$0x1];
	_ =	strace $0x80000047;
	v0 =	vadd.s32 $0x15, v4;
	[tilespmem:$0x1FE80] =	vst v4  }
0x5: {  	v5 =	vadd.s32 $0x1, v4;
	[tilespmem:$0x1FE50] =	vst v0  }
0x6: {  	v6 =	vadd.s32 $0x2, v4;
	[tilespmem:$0x1FE90] =	vst v5  }
0x7: {  	v7 =	vadd.s32 $0x3, v4;
	[tilespmem:$0x1FEA0] =	vst v6  }
0x8: {  	v8 =	vadd.s32 $0x4, v4;
	[tilespmem:$0x1FEB0] =	vst v7  }
0x9: {  	s7 =	stileid.u32;
	v9 =	vadd.s32 $0x5, v4;
	[tilespmem:$0x1FEC0] =	vst v8  }
0xa: {  	s2 =	sshrl.u32 s7, $0x1;
	v10 =	vadd.s32 $0x6, v4;
	[tilespmem:$0x1FED0] =	vst v9  }
0xb: {  	s4 =	smul.u32 $0xC000, s2;
	v11 =	vadd.s32 $0x7, v4;
	[tilespmem:$0x1FEE0] =	vst v10  }
0xc: {  	v12 =	vadd.s32 $0x8, v4;
	v13 =	vadd.s32 $0x9, v4;
	[tilespmem:$0x1FEF0] =	vst v11  }
0xd: {  	s5 =	srdreg.scid;
	s6 =	sadd.s32 $0xC00, s0;
	v14 =	vadd.s32 $0xA, v4;
	v15 =	vadd.s32 $0xB, v4;
	v16 =	vadd.s32 $0xC, v4;
	s4 =	sshrl.u32 s4, $0x3;
	[tilespmem:$0x1FF00] =	vst v12  }
0xe: {  	s5 =	sand.u32 $0x1, s5;
	s7 =	sshll.u32 s7, $0x1;
	v17 =	vadd.s32 $0xD, v4;
	v18 =	vadd.s32 $0xE, v4;
	v19 =	vadd.s32 $0xF, v4;
	[tilespmem:$0x1FF10] =	vst v13;
	s0 =	sadd.s32 s4, s0  }
0xf: {  	s7 =	sor.u32 s5, s7;
	v20 =	vadd.s32 $0x10, v4;
	v21 =	vadd.s32 $0x11, v4;
	v22 =	vadd.s32 $0x12, v4;
	[tilespmem:$0x1FF20] =	vst v14;
	s17 =	sadd.s32 $0xF800, s0  }
0x10: {  	s8 =	sshll.u32 s2, $0x2;
	v23 =	vadd.s32 $0x13, v4;
	v24 =	vadd.s32 $0x14, v4;
	v25 =	vadd.s32 $0x18, v4;
	[tilespmem:$0x1FF30] =	vst v15;
	s18 =	sadd.s32 $0xFB00, s0;
	[dreg:$0x3] =	wrdreg s17  }
0x11: {  	s5 =	ssub.s32 $0x2, s5;
	v27 =	vadd.s32 $0x19, v4;
	v26 =	vadd.s32 $0x1A, v4;
	v28 =	vadd.s32 $0x1B, v4;
	[tilespmem:$0x1FF40] =	vst v16;
	s19 =	sadd.s32 $0xFE00, s0;
	[dreg:$0x4] =	wrdreg s18  }
0x12: {  	s2 =	smul.u32 $0x4E20, s2;
	v29 =	vadd.s32 $0x1C, v4;
	v30 =	vadd.s32 $0x1D, v4;
	v31 =	vadd.s32 $0x1E, v4;
	[tilespmem:$0x1FF50] =	vst v17;
	s20 =	sadd.s32 $0x10100, s0;
	[dreg:$0x5] =	wrdreg s19  }
0x13: {  	s7 =	ssub.s32 s7, s8;
	v32 =	vadd.s32 $0x1F, v4;
	v33 =	vadd.s32 $0x20, v4;
	v34 =	vadd.s32 $0x21, v4;
	[tilespmem:$0x1FF60] =	vst v18;
	s21 =	sadd.s32 $0x10400, s0;
	[dreg:$0x6] =	wrdreg s20  }
0x14: {  	v35 =	vadd.s32 $0x22, v4;
	v36 =	vadd.s32 $0x23, v4;
	v37 =	vadd.s32 $0x24, v4;
	s7 =	smul.u32 $0x1388, s7;
	[tilespmem:$0x1FF70] =	vst v19;
	s22 =	sadd.s32 $0x10700, s0;
	[dreg:$0x7] =	wrdreg s21  }
0x15: {  	s16 =	sshrl.u32 s5, $0x1;
	v38 =	vadd.s32 $0x25, v4;
	v39 =	vadd.s32 $0x26, v4;
	v40 =	vadd.s32 $0x27, v4;
	[tilespmem:$0x1FF80] =	vst v20;
	s24 =	sadd.s32 $0x10A00, s0;
	[dreg:$0x8] =	wrdreg s22  }
0x16: {  	v41 =	vadd.s32 $0x28, v4;
	v42 =	vadd.s32 $0x29, v4;
	v43 =	vadd.s32 $0x2A, v4;
	[tilespmem:$0x1FF90] =	vst v21;
	s2 =	sadd.s32 s2, s7;
	s0 =	sadd.s32 $0x10D00, s0;
	[dreg:$0x9] =	wrdreg s24  }
0x17: {  	v44 =	vadd.s32 $0x2B, v4;
	v45 =	vadd.s32 $0x2C, v4;
	v46 =	vadd.s32 $0x2D, v4;
	[tilespmem:$0x1FFA0] =	vst v22;
	s4 =	ssub.s32 s5, s16;
	s23 =	sshrl.u32 s2, $0x3;
	[dreg:$0xa] =	wrdreg s0  }
0x18: {  	v47 =	vadd.s32 $0x2E, v4;
	v48 =	vadd.s32 $0x2F, v4;
	v49 =	vadd.s32 $0x30, v4;
	[tilespmem:$0x1FFB0] =	vst v23;
	s26 =	sadd.s32 $0x27100, s2;
	s28 =	sadd.s32 $0x4E200, s2;
	s13 =	sshll.u32 s2, $0x6  }
0x19: {  	v50 =	vadd.s32 $0x31, v4;
	v51 =	vadd.s32 $0x32, v4;
	v52 =	vadd.s32 $0x33, v4;
	[tilespmem:$0x1FFC0] =	vst v24;
	s17 =	smax.u32 s4, $0x1;
	s18 =	simm.s32 $0x2;
	s19 =	simm.s32 $0x1800  }
0x1a: {  	v53 =	vadd.s32 $0x34, v4;
	v54 =	vadd.s32 $0x35, v4;
	[tilespmem:$0x1FFD0] =	vst v25;
	s20 =	simm.s32 $0x11980;
	s21 =	simm.s32 $0x11C00;
	s22 =	simm.s32 $0x14E00  }
0x1b: {  	v55 =	vadd.s32 $0x36, v4;
	v56 =	vadd.s32 $0x37, v4;
	v57 =	vadd.s32 $0x38, v4;
	[tilespmem:$0x1FFE0] =	vst v27;
	s24 =	simm.s32 $0x0;
	s25 =	sadd.s32 s6, s23;
	s0 =	sshrl.u32 s26, $0x3  }
0x1c: {  	v58 =	vadd.s32 $0x39, v4;
	v59 =	vadd.s32 $0x3A, v4;
	v0 =	vadd.s32 $0x16, v4;
	[tilespmem:$0x1FFF0] =	vst v26;
	s29 =	sshrl.u32 s28, $0x3;
	s30 =	sadd.s32 $0x4B000, s13;
	s23 =	simm.s32 $0x1  }
0x1d: {  	v60 =	vadd.s32 $0x3B, v4;
	v61 =	vadd.s32 $0x3C, v4;
	[tilespmem:$0x1FE60] =	vst v0;
	v0 =	vadd.s32 $0x17, v4;
	[dreg:$0xb] =	wrdreg s25;
	s14 =	sadd.s32 s6, s0;
	s31 =	sshrl.u32 s30, $0x3  }
0x1e: {  	v62 =	vadd.s32 $0x3D, v4;
	v63 =	vadd.s32 $0x3E, v4;
	[tilespmem:$0x1FE70] =	vst v0;
	v0 =	vadd.s32 $0x3F, v4;
	s15 =	sadd.s32 s6, s29;
	s25 =	simm.s32 $0x0;
	s16 =	sadd.s32 s1, s31  }
.LBB2_1:
0x1f: {  	v1 =	vmov s3;
	s0 =	rddreg [dreg:$0x3]  }
0x20: {  	[tilespmem:s3], [sflag:$0x2] =	stream.linear.gather [hbm4b:s0+s3], $0x1800, $0x38;
	v1 =	vmul.u32 $0x41, v1;
	[tilespmem:$0x18000] =	vst v63  }
0x21: {  	_ =	swait.ge [sflag:s18], $0x1800  }
0x22: {  	s30 =	sand.u32 $0x70, s3;
	s2 =	sand.u32 $0x1C00, s3;
	[sflag:s18] =	ssyncset.done $0x0;
	v1 =	vbroadcast v1, $0x0  }
0x23: {  	s0 =	sor.u32 s30, s2;
	[sflag:s18] =	ssyncadd.s32 $0xFFFFE800  }
0x24: {  	v2 =	vadd.s32 v4, v1;
	v3 =	vld [tilespmem:s0+$0x0];
	_ =	sdelay $0x4  }
0x25: {  	[tilespmem:v2+s19+$0x0] =	vst.idx.msk $0xffff, v3  }
0x26: {  	v3 =	vadd.s32 v5, v1;
	v2 =	vld [tilespmem:s0+$0x80];
	_ =	sdelay $0x4  }
0x27: {  	[tilespmem:v3+s19+$0x0] =	vst.idx.msk $0xffff, v2  }
0x28: {  	v3 =	vadd.s32 v6, v1;
	v2 =	vld [tilespmem:s0+$0x100];
	_ =	sdelay $0x4  }
0x29: {  	[tilespmem:v3+s19+$0x0] =	vst.idx.msk $0xffff, v2  }
0x2a: {  	v3 =	vadd.s32 v7, v1;
	v2 =	vld [tilespmem:s0+$0x180];
	_ =	sdelay $0x4  }
0x2b: {  	[tilespmem:v3+s19+$0x0] =	vst.idx.msk $0xffff, v2  }
0x2c: {  	v3 =	vadd.s32 v8, v1;
	v2 =	vld [tilespmem:s0+$0x200];
	_ =	sdelay $0x4  }
0x2d: {  	[tilespmem:v3+s19+$0x0] =	vst.idx.msk $0xffff, v2  }
0x2e: {  	v3 =	vadd.s32 v9, v1;
	v2 =	vld [tilespmem:s0+$0x280];
	_ =	sdelay $0x4  }
0x2f: {  	[tilespmem:v3+s19+$0x0] =	vst.idx.msk $0xffff, v2  }
0x30: {  	v3 =	vadd.s32 v10, v1;
	v2 =	vld [tilespmem:s0+$0x300];
	_ =	sdelay $0x3  }
0x31: {  	s31 =	sor.u32 s3, s3  }
0x32: {  	s2 =	sor.u32 $0x380, s31;
	[tilespmem:v3+s19+$0x0] =	vst.idx.msk $0xffff, v2  }
0x33: {  	s0 =	simm.s32 $0x10;
	v3 =	vadd.s32 v11, v1;
	v2 =	vld [tilespmem:s2+$0x0]  }
0x34: {  	s4 =	simm.s32 $0x20;
	v1 =	vmov s0;
	s2 =	simm.s32 $0x0  }
.LBB2_2:
0x35: {  	p0 =	sne.s32 s4, $0x2F0;
	v1 =	vmul.u32 $0x41, v1  }
0x36: {  	s2 =	sadd.s32 $0x80, s2  }
0x37: {  	s5 =	sand.u32 $0x70, s0;
	s6 =	sand.u32 $0x1C00, s2;
	v1 =	vbroadcast v1, $0x0  }
0x38: {  	s5 =	sor.u32 s5, s6;
	[tilespmem:v3+s19+$0x0] =	vst.idx.msk $0xffff, v2  }
0x39: {  	v2 =	vadd.s32 v4, v1;
	v3 =	vld [tilespmem:s5+$0x0];
	_ =	sdelay $0x4  }
0x3a: {  	[tilespmem:v2+s19+$0x0] =	vst.idx.msk $0xffff, v3  }
0x3b: {  	v3 =	vadd.s32 v5, v1;
	v2 =	vld [tilespmem:s5+$0x80];
	_ =	sdelay $0x4  }
0x3c: {  	[tilespmem:v3+s19+$0x0] =	vst.idx.msk $0xffff, v2  }
0x3d: {  	v3 =	vadd.s32 v6, v1;
	v2 =	vld [tilespmem:s5+$0x100];
	_ =	sdelay $0x4  }
0x3e: {  	[tilespmem:v3+s19+$0x0] =	vst.idx.msk $0xffff, v2  }
0x3f: {  	v3 =	vadd.s32 v7, v1;
	v2 =	vld [tilespmem:s5+$0x180];
	_ =	sdelay $0x4  }
0x40: {  	[tilespmem:v3+s19+$0x0] =	vst.idx.msk $0xffff, v2  }
0x41: {  	v3 =	vadd.s32 v8, v1;
	v2 =	vld [tilespmem:s5+$0x200];
	_ =	sdelay $0x4  }
0x42: {  	[tilespmem:v3+s19+$0x0] =	vst.idx.msk $0xffff, v2  }
0x43: {  	v3 =	vadd.s32 v9, v1;
	v2 =	vld [tilespmem:s5+$0x280];
	_ =	sdelay $0x4  }
0x44: {  	[tilespmem:v3+s19+$0x0] =	vst.idx.msk $0xffff, v2  }
0x45: {  	v3 =	vadd.s32 v10, v1;
	v2 =	vld [tilespmem:s5+$0x300];
	_ =	sdelay $0x2  }
.Ltmp0:
0x46: {  	(pc) =	sbr.rel @p0 .LBB2_2-.Ltmp0, $4  }
0x47: {  	s5 =	sor.u32 s2, s0;
	s0 =	smov.u32 s4  }
0x48: {  	s5 =	sor.u32 $0x380, s5;
	[tilespmem:v3+s19+$0x0] =	vst.idx.msk $0xffff, v2  }
0x49: {  	v3 =	vadd.s32 v11, v1;
	v2 =	vld [tilespmem:s5+$0x0]  }
0x4a: {  	s4 =	sadd.s32 $0x10, s4;
	v1 =	vmov s0  }
0x4b: {  	_ = 	snop  }
0x4c: {  	v1 =	vmul.u32 $0x41, v1  }
0x4d: {  	s2 =	sadd.s32 $0x80, s2  }
0x4e: {  	s4 =	sand.u32 $0x70, s0;
	s5 =	sand.u32 $0x1C00, s2;
	v1 =	vbroadcast v1, $0x0  }
0x4f: {  	s4 =	sor.u32 s4, s5;
	[tilespmem:v3+s19+$0x0] =	vst.idx.msk $0xffff, v2  }
0x50: {  	v2 =	vadd.s32 v4, v1;
	v3 =	vld [tilespmem:s4+$0x0];
	_ =	sdelay $0x4  }
0x51: {  	[tilespmem:v2+s19+$0x0] =	vst.idx.msk $0xffff, v3  }
0x52: {  	v3 =	vadd.s32 v5, v1;
	v2 =	vld [tilespmem:s4+$0x80];
	_ =	sdelay $0x4  }
0x53: {  	[tilespmem:v3+s19+$0x0] =	vst.idx.msk $0xffff, v2  }
0x54: {  	v3 =	vadd.s32 v6, v1;
	v2 =	vld [tilespmem:s4+$0x100];
	_ =	sdelay $0x4  }
0x55: {  	[tilespmem:v3+s19+$0x0] =	vst.idx.msk $0xffff, v2  }
0x56: {  	v3 =	vadd.s32 v7, v1;
	v2 =	vld [tilespmem:s4+$0x180];
	_ =	sdelay $0x4  }
0x57: {  	[tilespmem:v3+s19+$0x0] =	vst.idx.msk $0xffff, v2  }
0x58: {  	v3 =	vadd.s32 v8, v1;
	v2 =	vld [tilespmem:s4+$0x200];
	_ =	sdelay $0x4  }
0x59: {  	[tilespmem:v3+s19+$0x0] =	vst.idx.msk $0xffff, v2  }
0x5a: {  	v3 =	vadd.s32 v9, v1;
	v2 =	vld [tilespmem:s4+$0x280];
	_ =	sdelay $0x4  }
0x5b: {  	[tilespmem:v3+s19+$0x0] =	vst.idx.msk $0xffff, v2  }
0x5c: {  	v3 =	vadd.s32 v10, v1;
	v2 =	vld [tilespmem:s4+$0x300];
	_ =	sdelay $0x3  }
0x5d: {  	s26 =	sor.u32 s2, s0  }
0x5e: {  	s0 =	sor.u32 $0x380, s26;
	[tilespmem:v3+s19+$0x0] =	vst.idx.msk $0xffff, v2  }
0x5f: {  	v1 =	vadd.s32 v11, v1;
	v2 =	vld [tilespmem:s0+$0x0];
	_ =	sdelay $0x3  }
0x60: {  	s0 =	simm.s32 $0x0  }
0x61: {  	s28 =	rddreg [dreg:$0x4];
	[tilespmem:v1+s19+$0x0] =	vst.idx.msk $0xffff, v2;
	v1 =	vmov s0  }
0x62: {  	[tilespmem:s0], [sflag:$0x2] =	stream.linear.gather [hbm4b:s28+s0], $0x1800, $0x38;
	v1 =	vmul.u32 $0x41, v1;
	[tilespmem:$0x18000] =	vst v63  }
0x63: {  	_ =	swait.ge [sflag:s18], $0x1800  }
0x64: {  	s29 =	sand.u32 $0x70, s0;
	s30 =	sand.u32 $0x1C00, s0;
	[sflag:s18] =	ssyncset.done $0x0;
	v1 =	vbroadcast v1, $0x0  }
0x65: {  	s2 =	sor.u32 s29, s30;
	[sflag:s18] =	ssyncadd.s32 $0xFFFFE800  }
0x66: {  	v2 =	vadd.s32 v12, v1;
	v3 =	vld [tilespmem:s2+$0x0];
	_ =	sdelay $0x4  }
0x67: {  	[tilespmem:v2+s19+$0x0] =	vst.idx.msk $0xffff, v3  }
0x68: {  	v3 =	vadd.s32 v13, v1;
	v2 =	vld [tilespmem:s2+$0x80];
	_ =	sdelay $0x4  }
0x69: {  	[tilespmem:v3+s19+$0x0] =	vst.idx.msk $0xffff, v2  }
0x6a: {  	v3 =	vadd.s32 v14, v1;
	v2 =	vld [tilespmem:s2+$0x100];
	_ =	sdelay $0x4  }
0x6b: {  	[tilespmem:v3+s19+$0x0] =	vst.idx.msk $0xffff, v2  }
0x6c: {  	v3 =	vadd.s32 v15, v1;
	v2 =	vld [tilespmem:s2+$0x180];
	_ =	sdelay $0x4  }
0x6d: {  	[tilespmem:v3+s19+$0x0] =	vst.idx.msk $0xffff, v2  }
0x6e: {  	v3 =	vadd.s32 v16, v1;
	v2 =	vld [tilespmem:s2+$0x200];
	_ =	sdelay $0x4  }
0x6f: {  	[tilespmem:v3+s19+$0x0] =	vst.idx.msk $0xffff, v2  }
0x70: {  	v3 =	vadd.s32 v17, v1;
	v2 =	vld [tilespmem:s2+$0x280];
	_ =	sdelay $0x4  }
0x71: {  	[tilespmem:v3+s19+$0x0] =	vst.idx.msk $0xffff, v2  }
0x72: {  	v3 =	vadd.s32 v18, v1;
	v2 =	vld [tilespmem:s2+$0x300];
	_ =	sdelay $0x3  }
0x73: {  	s31 =	sor.u32 s0, s0  }
0x74: {  	s4 =	sor.u32 $0x380, s31;
	[tilespmem:v3+s19+$0x0] =	vst.idx.msk $0xffff, v2  }
0x75: {  	s2 =	simm.s32 $0x10;
	v3 =	vadd.s32 v19, v1;
	v2 =	vld [tilespmem:s4+$0x0]  }
0x76: {  	v1 =	vmov s2;
	s4 =	simm.s32 $0x20  }
.LBB2_4:
0x77: {  	p0 =	sne.s32 s4, $0x2F0;
	v1 =	vmul.u32 $0x41, v1  }
0x78: {  	s0 =	sadd.s32 $0x80, s0  }
0x79: {  	s5 =	sand.u32 $0x70, s2;
	s6 =	sand.u32 $0x1C00, s0;
	v1 =	vbroadcast v1, $0x0  }
0x7a: {  	s5 =	sor.u32 s5, s6;
	[tilespmem:v3+s19+$0x0] =	vst.idx.msk $0xffff, v2  }
0x7b: {  	v2 =	vadd.s32 v12, v1;
	v3 =	vld [tilespmem:s5+$0x0];
	_ =	sdelay $0x4  }
0x7c: {  	[tilespmem:v2+s19+$0x0] =	vst.idx.msk $0xffff, v3  }
0x7d: {  	v3 =	vadd.s32 v13, v1;
	v2 =	vld [tilespmem:s5+$0x80];
	_ =	sdelay $0x4  }
0x7e: {  	[tilespmem:v3+s19+$0x0] =	vst.idx.msk $0xffff, v2  }
0x7f: {  	v3 =	vadd.s32 v14, v1;
	v2 =	vld [tilespmem:s5+$0x100];
	_ =	sdelay $0x4  }
0x80: {  	[tilespmem:v3+s19+$0x0] =	vst.idx.msk $0xffff, v2  }
0x81: {  	v3 =	vadd.s32 v15, v1;
	v2 =	vld [tilespmem:s5+$0x180];
	_ =	sdelay $0x4  }
0x82: {  	[tilespmem:v3+s19+$0x0] =	vst.idx.msk $0xffff, v2  }
0x83: {  	v3 =	vadd.s32 v16, v1;
	v2 =	vld [tilespmem:s5+$0x200];
	_ =	sdelay $0x4  }
0x84: {  	[tilespmem:v3+s19+$0x0] =	vst.idx.msk $0xffff, v2  }
0x85: {  	v3 =	vadd.s32 v17, v1;
	v2 =	vld [tilespmem:s5+$0x280];
	_ =	sdelay $0x4  }
0x86: {  	[tilespmem:v3+s19+$0x0] =	vst.idx.msk $0xffff, v2  }
0x87: {  	v3 =	vadd.s32 v18, v1;
	v2 =	vld [tilespmem:s5+$0x300];
	_ =	sdelay $0x2  }
.Ltmp1:
0x88: {  	(pc) =	sbr.rel @p0 .LBB2_4-.Ltmp1, $4  }
0x89: {  	s5 =	sor.u32 s0, s2;
	s2 =	smov.u32 s4  }
0x8a: {  	s5 =	sor.u32 $0x380, s5;
	[tilespmem:v3+s19+$0x0] =	vst.idx.msk $0xffff, v2  }
0x8b: {  	v3 =	vadd.s32 v19, v1;
	v2 =	vld [tilespmem:s5+$0x0]  }
0x8c: {  	s4 =	sadd.s32 $0x10, s4;
	v1 =	vmov s2  }
0x8d: {  	_ = 	snop  }
0x8e: {  	v1 =	vmul.u32 $0x41, v1  }
0x8f: {  	s0 =	sadd.s32 $0x80, s0  }
0x90: {  	s4 =	sand.u32 $0x70, s2;
	s5 =	sand.u32 $0x1C00, s0;
	v1 =	vbroadcast v1, $0x0  }
0x91: {  	s4 =	sor.u32 s4, s5;
	[tilespmem:v3+s19+$0x0] =	vst.idx.msk $0xffff, v2  }
0x92: {  	v2 =	vadd.s32 v12, v1;
	v3 =	vld [tilespmem:s4+$0x0];
	_ =	sdelay $0x4  }
0x93: {  	[tilespmem:v2+s19+$0x0] =	vst.idx.msk $0xffff, v3  }
0x94: {  	v3 =	vadd.s32 v13, v1;
	v2 =	vld [tilespmem:s4+$0x80];
	_ =	sdelay $0x4  }
0x95: {  	[tilespmem:v3+s19+$0x0] =	vst.idx.msk $0xffff, v2  }
0x96: {  	v3 =	vadd.s32 v14, v1;
	v2 =	vld [tilespmem:s4+$0x100];
	_ =	sdelay $0x4  }
0x97: {  	[tilespmem:v3+s19+$0x0] =	vst.idx.msk $0xffff, v2  }
0x98: {  	v3 =	vadd.s32 v15, v1;
	v2 =	vld [tilespmem:s4+$0x180];
	_ =	sdelay $0x4  }
0x99: {  	[tilespmem:v3+s19+$0x0] =	vst.idx.msk $0xffff, v2  }
0x9a: {  	v3 =	vadd.s32 v16, v1;
	v2 =	vld [tilespmem:s4+$0x200];
	_ =	sdelay $0x4  }
0x9b: {  	[tilespmem:v3+s19+$0x0] =	vst.idx.msk $0xffff, v2  }
0x9c: {  	v3 =	vadd.s32 v17, v1;
	v2 =	vld [tilespmem:s4+$0x280];
	_ =	sdelay $0x4  }
0x9d: {  	[tilespmem:v3+s19+$0x0] =	vst.idx.msk $0xffff, v2  }
0x9e: {  	v3 =	vadd.s32 v18, v1;
	v2 =	vld [tilespmem:s4+$0x300];
	_ =	sdelay $0x3  }
0x9f: {  	s0 =	sor.u32 s0, s2  }
0xa0: {  	s0 =	sor.u32 $0x380, s0;
	[tilespmem:v3+s19+$0x0] =	vst.idx.msk $0xffff, v2  }
0xa1: {  	v1 =	vadd.s32 v19, v1;
	v2 =	vld [tilespmem:s0+$0x0];
	_ =	sdelay $0x3  }
0xa2: {  	s0 =	simm.s32 $0x0  }
0xa3: {  	s28 =	rddreg [dreg:$0x5];
	[tilespmem:v1+s19+$0x0] =	vst.idx.msk $0xffff, v2;
	v1 =	vmov s0  }
0xa4: {  	[tilespmem:s0], [sflag:$0x2] =	stream.linear.gather [hbm4b:s28+s0], $0x1800, $0x38;
	v1 =	vmul.u32 $0x41, v1;
	[tilespmem:$0x18000] =	vst v63  }
0xa5: {  	_ =	swait.ge [sflag:s18], $0x1800  }
0xa6: {  	s29 =	sand.u32 $0x70, s0;
	s30 =	sand.u32 $0x1C00, s0;
	[sflag:s18] =	ssyncset.done $0x0;
	v1 =	vbroadcast v1, $0x0  }
0xa7: {  	s2 =	sor.u32 s29, s30;
	[sflag:s18] =	ssyncadd.s32 $0xFFFFE800  }
0xa8: {  	v2 =	vadd.s32 v20, v1;
	v3 =	vld [tilespmem:s2+$0x0];
	_ =	sdelay $0x4  }
0xa9: {  	[tilespmem:v2+s19+$0x0] =	vst.idx.msk $0xffff, v3  }
0xaa: {  	v3 =	vadd.s32 v21, v1;
	v2 =	vld [tilespmem:s2+$0x80];
	_ =	sdelay $0x4  }
0xab: {  	[tilespmem:v3+s19+$0x0] =	vst.idx.msk $0xffff, v2  }
0xac: {  	v3 =	vadd.s32 v22, v1;
	v2 =	vld [tilespmem:s2+$0x100];
	_ =	sdelay $0x4  }
0xad: {  	[tilespmem:v3+s19+$0x0] =	vst.idx.msk $0xffff, v2  }
0xae: {  	v3 =	vadd.s32 v23, v1;
	v2 =	vld [tilespmem:s2+$0x180];
	_ =	sdelay $0x4  }
0xaf: {  	[tilespmem:v3+s19+$0x0] =	vst.idx.msk $0xffff, v2  }
0xb0: {  	v3 =	vadd.s32 v24, v1;
	v2 =	vld [tilespmem:s2+$0x200]  }
0xb1: {  	v25 =	vld [tilespmem:$0x1FE50];
	_ =	sdelay $0x3  }
0xb2: {  	[tilespmem:v3+s19+$0x0] =	vst.idx.msk $0xffff, v2  }
0xb3: {  	v3 =	vadd.s32 v25, v1;
	v2 =	vld [tilespmem:s2+$0x280]  }
0xb4: {  	v26 =	vld [tilespmem:$0x1FE60];
	_ =	sdelay $0x3  }
0xb5: {  	[tilespmem:v3+s19+$0x0] =	vst.idx.msk $0xffff, v2  }
0xb6: {  	v3 =	vadd.s32 v26, v1;
	v2 =	vld [tilespmem:s2+$0x300]  }
0xb7: {  	v27 =	vld [tilespmem:$0x1FE70];
	_ =	sdelay $0x2  }
0xb8: {  	s31 =	sor.u32 s0, s0  }
0xb9: {  	s4 =	sor.u32 $0x380, s31;
	[tilespmem:v3+s19+$0x0] =	vst.idx.msk $0xffff, v2  }
0xba: {  	s2 =	simm.s32 $0x10;
	v3 =	vadd.s32 v27, v1;
	v2 =	vld [tilespmem:s4+$0x0]  }
0xbb: {  	v1 =	vmov s2;
	s4 =	simm.s32 $0x20  }
.LBB2_6:
0xbc: {  	p0 =	sne.s32 s4, $0x2F0;
	v1 =	vmul.u32 $0x41, v1  }
0xbd: {  	s0 =	sadd.s32 $0x80, s0  }
0xbe: {  	s5 =	sand.u32 $0x70, s2;
	s6 =	sand.u32 $0x1C00, s0;
	v1 =	vbroadcast v1, $0x0  }
0xbf: {  	s5 =	sor.u32 s5, s6;
	[tilespmem:v3+s19+$0x0] =	vst.idx.msk $0xffff, v2  }
0xc0: {  	v2 =	vadd.s32 v20, v1;
	v3 =	vld [tilespmem:s5+$0x0];
	_ =	sdelay $0x4  }
0xc1: {  	[tilespmem:v2+s19+$0x0] =	vst.idx.msk $0xffff, v3  }
0xc2: {  	v3 =	vadd.s32 v21, v1;
	v2 =	vld [tilespmem:s5+$0x80];
	_ =	sdelay $0x4  }
0xc3: {  	[tilespmem:v3+s19+$0x0] =	vst.idx.msk $0xffff, v2  }
0xc4: {  	v3 =	vadd.s32 v22, v1;
	v2 =	vld [tilespmem:s5+$0x100];
	_ =	sdelay $0x4  }
0xc5: {  	[tilespmem:v3+s19+$0x0] =	vst.idx.msk $0xffff, v2  }
0xc6: {  	v3 =	vadd.s32 v23, v1;
	v2 =	vld [tilespmem:s5+$0x180];
	_ =	sdelay $0x4  }
0xc7: {  	[tilespmem:v3+s19+$0x0] =	vst.idx.msk $0xffff, v2  }
0xc8: {  	v3 =	vadd.s32 v24, v1;
	v2 =	vld [tilespmem:s5+$0x200];
	_ =	sdelay $0x4  }
0xc9: {  	[tilespmem:v3+s19+$0x0] =	vst.idx.msk $0xffff, v2  }
0xca: {  	v3 =	vadd.s32 v25, v1;
	v2 =	vld [tilespmem:s5+$0x280];
	_ =	sdelay $0x4  }
0xcb: {  	[tilespmem:v3+s19+$0x0] =	vst.idx.msk $0xffff, v2  }
0xcc: {  	v3 =	vadd.s32 v26, v1;
	v2 =	vld [tilespmem:s5+$0x300];
	_ =	sdelay $0x2  }
.Ltmp2:
0xcd: {  	(pc) =	sbr.rel @p0 .LBB2_6-.Ltmp2, $4  }
0xce: {  	s5 =	sor.u32 s0, s2;
	s2 =	smov.u32 s4  }
0xcf: {  	s5 =	sor.u32 $0x380, s5;
	[tilespmem:v3+s19+$0x0] =	vst.idx.msk $0xffff, v2  }
0xd0: {  	v3 =	vadd.s32 v27, v1;
	v2 =	vld [tilespmem:s5+$0x0]  }
0xd1: {  	s4 =	sadd.s32 $0x10, s4;
	v1 =	vmov s2  }
0xd2: {  	_ = 	snop  }
0xd3: {  	v1 =	vmul.u32 $0x41, v1  }
0xd4: {  	s0 =	sadd.s32 $0x80, s0  }
0xd5: {  	s4 =	sand.u32 $0x70, s2;
	s5 =	sand.u32 $0x1C00, s0;
	v1 =	vbroadcast v1, $0x0  }
0xd6: {  	s4 =	sor.u32 s4, s5;
	[tilespmem:v3+s19+$0x0] =	vst.idx.msk $0xffff, v2  }
0xd7: {  	v2 =	vadd.s32 v20, v1;
	v3 =	vld [tilespmem:s4+$0x0];
	_ =	sdelay $0x4  }
0xd8: {  	[tilespmem:v2+s19+$0x0] =	vst.idx.msk $0xffff, v3  }
0xd9: {  	v3 =	vadd.s32 v21, v1;
	v2 =	vld [tilespmem:s4+$0x80];
	_ =	sdelay $0x4  }
0xda: {  	[tilespmem:v3+s19+$0x0] =	vst.idx.msk $0xffff, v2  }
0xdb: {  	v3 =	vadd.s32 v22, v1;
	v2 =	vld [tilespmem:s4+$0x100];
	_ =	sdelay $0x4  }
0xdc: {  	[tilespmem:v3+s19+$0x0] =	vst.idx.msk $0xffff, v2  }
0xdd: {  	v3 =	vadd.s32 v23, v1;
	v2 =	vld [tilespmem:s4+$0x180];
	_ =	sdelay $0x4  }
0xde: {  	[tilespmem:v3+s19+$0x0] =	vst.idx.msk $0xffff, v2  }
0xdf: {  	v3 =	vadd.s32 v24, v1;
	v2 =	vld [tilespmem:s4+$0x200];
	_ =	sdelay $0x4  }
0xe0: {  	[tilespmem:v3+s19+$0x0] =	vst.idx.msk $0xffff, v2  }
0xe1: {  	v3 =	vadd.s32 v25, v1;
	v2 =	vld [tilespmem:s4+$0x280];
	_ =	sdelay $0x4  }
0xe2: {  	[tilespmem:v3+s19+$0x0] =	vst.idx.msk $0xffff, v2  }
0xe3: {  	v3 =	vadd.s32 v26, v1;
	v2 =	vld [tilespmem:s4+$0x300];
	_ =	sdelay $0x3  }
0xe4: {  	s0 =	sor.u32 s0, s2  }
0xe5: {  	s0 =	sor.u32 $0x380, s0;
	[tilespmem:v3+s19+$0x0] =	vst.idx.msk $0xffff, v2  }
0xe6: {  	v1 =	vadd.s32 v27, v1;
	v2 =	vld [tilespmem:s0+$0x0];
	_ =	sdelay $0x4  }
0xe7: {  	s28 =	rddreg [dreg:$0x6];
	s0 =	simm.s32 $0x0;
	[tilespmem:v1+s19+$0x0] =	vst.idx.msk $0xffff, v2  }
0xe8: {  	[tilespmem:s0], [sflag:$0x2] =	stream.linear.gather [hbm4b:s28+s0], $0x1800, $0x38;
	[tilespmem:$0x18000] =	vst v63  }
0xe9: {  	_ =	swait.ge [sflag:s18], $0x1800  }
0xea: {  	v1 =	vmov s0;
	v25 =	vld [tilespmem:$0x1FFD0]  }
0xeb: {  	v1 =	vmul.u32 $0x41, v1;
	_ =	sdelay $0x1  }
0xec: {  	s29 =	sand.u32 $0x70, s0;
	s30 =	sand.u32 $0x1C00, s0;
	[sflag:s18] =	ssyncset.done $0x0;
	v1 =	vbroadcast v1, $0x0  }
0xed: {  	s2 =	sor.u32 s29, s30;
	[sflag:s18] =	ssyncadd.s32 $0xFFFFE800  }
0xee: {  	v3 =	vld [tilespmem:s2+$0x0];
	v2 =	vadd.s32 v25, v1;
	_ =	sdelay $0x4  }
0xef: {  	[tilespmem:v2+s19+$0x0] =	vst.idx.msk $0xffff, v3;
	v3 =	vld [tilespmem:$0x1FFE0];
	_ =	sdelay $0x4  }
0xf0: {  	v2 =	vld [tilespmem:s2+$0x80];
	v3 =	vadd.s32 v3, v1  }
0xf1: {  	v26 =	vld [tilespmem:$0x1FFF0];
	_ =	sdelay $0x3  }
0xf2: {  	[tilespmem:v3+s19+$0x0] =	vst.idx.msk $0xffff, v2  }
0xf3: {  	v3 =	vadd.s32 v26, v1;
	v2 =	vld [tilespmem:s2+$0x100];
	_ =	sdelay $0x4  }
0xf4: {  	[tilespmem:v3+s19+$0x0] =	vst.idx.msk $0xffff, v2  }
0xf5: {  	v3 =	vadd.s32 v28, v1;
	v2 =	vld [tilespmem:s2+$0x180];
	_ =	sdelay $0x4  }
0xf6: {  	[tilespmem:v3+s19+$0x0] =	vst.idx.msk $0xffff, v2  }
0xf7: {  	v3 =	vadd.s32 v29, v1;
	v2 =	vld [tilespmem:s2+$0x200];
	_ =	sdelay $0x4  }
0xf8: {  	[tilespmem:v3+s19+$0x0] =	vst.idx.msk $0xffff, v2  }
0xf9: {  	v3 =	vadd.s32 v30, v1;
	v2 =	vld [tilespmem:s2+$0x280];
	_ =	sdelay $0x4  }
0xfa: {  	[tilespmem:v3+s19+$0x0] =	vst.idx.msk $0xffff, v2  }
0xfb: {  	v3 =	vadd.s32 v31, v1;
	v2 =	vld [tilespmem:s2+$0x300];
	_ =	sdelay $0x3  }
0xfc: {  	s31 =	sor.u32 s0, s0  }
0xfd: {  	s4 =	sor.u32 $0x380, s31;
	[tilespmem:v3+s19+$0x0] =	vst.idx.msk $0xffff, v2  }
0xfe: {  	s2 =	simm.s32 $0x10;
	v3 =	vadd.s32 v32, v1;
	v2 =	vld [tilespmem:s4+$0x0]  }
0xff: {  	v27 =	vld [tilespmem:$0x1FFE0];
	v1 =	vmov s2;
	s4 =	simm.s32 $0x20  }
.LBB2_8:
0x100: {  	p0 =	sne.s32 s4, $0x2F0;
	v1 =	vmul.u32 $0x41, v1  }
0x101: {  	s0 =	sadd.s32 $0x80, s0  }
0x102: {  	s5 =	sand.u32 $0x70, s2;
	s6 =	sand.u32 $0x1C00, s0;
	v1 =	vbroadcast v1, $0x0  }
0x103: {  	s5 =	sor.u32 s5, s6;
	[tilespmem:v3+s19+$0x0] =	vst.idx.msk $0xffff, v2  }
0x104: {  	v2 =	vadd.s32 v25, v1;
	v3 =	vld [tilespmem:s5+$0x0];
	_ =	sdelay $0x4  }
0x105: {  	[tilespmem:v2+s19+$0x0] =	vst.idx.msk $0xffff, v3  }
0x106: {  	v3 =	vadd.s32 v27, v1;
	v2 =	vld [tilespmem:s5+$0x80];
	_ =	sdelay $0x4  }
0x107: {  	[tilespmem:v3+s19+$0x0] =	vst.idx.msk $0xffff, v2  }
0x108: {  	v3 =	vadd.s32 v26, v1;
	v2 =	vld [tilespmem:s5+$0x100];
	_ =	sdelay $0x4  }
0x109: {  	[tilespmem:v3+s19+$0x0] =	vst.idx.msk $0xffff, v2  }
0x10a: {  	v3 =	vadd.s32 v28, v1;
	v2 =	vld [tilespmem:s5+$0x180];
	_ =	sdelay $0x4  }
0x10b: {  	[tilespmem:v3+s19+$0x0] =	vst.idx.msk $0xffff, v2  }
0x10c: {  	v3 =	vadd.s32 v29, v1;
	v2 =	vld [tilespmem:s5+$0x200];
	_ =	sdelay $0x4  }
0x10d: {  	[tilespmem:v3+s19+$0x0] =	vst.idx.msk $0xffff, v2  }
0x10e: {  	v3 =	vadd.s32 v30, v1;
	v2 =	vld [tilespmem:s5+$0x280];
	_ =	sdelay $0x4  }
0x10f: {  	[tilespmem:v3+s19+$0x0] =	vst.idx.msk $0xffff, v2  }
0x110: {  	v3 =	vadd.s32 v31, v1;
	v2 =	vld [tilespmem:s5+$0x300];
	_ =	sdelay $0x2  }
.Ltmp3:
0x111: {  	(pc) =	sbr.rel @p0 .LBB2_8-.Ltmp3, $4  }
0x112: {  	s5 =	sor.u32 s0, s2;
	s2 =	smov.u32 s4  }
0x113: {  	s5 =	sor.u32 $0x380, s5;
	[tilespmem:v3+s19+$0x0] =	vst.idx.msk $0xffff, v2  }
0x114: {  	v3 =	vadd.s32 v32, v1;
	v2 =	vld [tilespmem:s5+$0x0]  }
0x115: {  	s4 =	sadd.s32 $0x10, s4;
	v1 =	vmov s2  }
0x116: {  	_ = 	snop  }
0x117: {  	v1 =	vmul.u32 $0x41, v1  }
0x118: {  	s0 =	sadd.s32 $0x80, s0  }
0x119: {  	s4 =	sand.u32 $0x70, s2;
	s5 =	sand.u32 $0x1C00, s0;
	v1 =	vbroadcast v1, $0x0  }
0x11a: {  	s4 =	sor.u32 s4, s5;
	[tilespmem:v3+s19+$0x0] =	vst.idx.msk $0xffff, v2  }
0x11b: {  	v2 =	vadd.s32 v25, v1;
	v3 =	vld [tilespmem:s4+$0x0];
	_ =	sdelay $0x4  }
0x11c: {  	[tilespmem:v2+s19+$0x0] =	vst.idx.msk $0xffff, v3  }
0x11d: {  	v3 =	vadd.s32 v27, v1;
	v2 =	vld [tilespmem:s4+$0x80];
	_ =	sdelay $0x4  }
0x11e: {  	[tilespmem:v3+s19+$0x0] =	vst.idx.msk $0xffff, v2  }
0x11f: {  	v3 =	vadd.s32 v26, v1;
	v2 =	vld [tilespmem:s4+$0x100];
	_ =	sdelay $0x4  }
0x120: {  	[tilespmem:v3+s19+$0x0] =	vst.idx.msk $0xffff, v2  }
0x121: {  	v3 =	vadd.s32 v28, v1;
	v2 =	vld [tilespmem:s4+$0x180];
	_ =	sdelay $0x4  }
0x122: {  	[tilespmem:v3+s19+$0x0] =	vst.idx.msk $0xffff, v2  }
0x123: {  	v3 =	vadd.s32 v29, v1;
	v2 =	vld [tilespmem:s4+$0x200];
	_ =	sdelay $0x4  }
0x124: {  	[tilespmem:v3+s19+$0x0] =	vst.idx.msk $0xffff, v2  }
0x125: {  	v3 =	vadd.s32 v30, v1;
	v2 =	vld [tilespmem:s4+$0x280];
	_ =	sdelay $0x4  }
0x126: {  	[tilespmem:v3+s19+$0x0] =	vst.idx.msk $0xffff, v2  }
0x127: {  	v3 =	vadd.s32 v31, v1;
	v2 =	vld [tilespmem:s4+$0x300];
	_ =	sdelay $0x3  }
0x128: {  	s0 =	sor.u32 s0, s2  }
0x129: {  	s0 =	sor.u32 $0x380, s0;
	[tilespmem:v3+s19+$0x0] =	vst.idx.msk $0xffff, v2  }
0x12a: {  	v1 =	vadd.s32 v32, v1;
	v2 =	vld [tilespmem:s0+$0x0];
	_ =	sdelay $0x3  }
0x12b: {  	s0 =	simm.s32 $0x0  }
0x12c: {  	s28 =	rddreg [dreg:$0x7];
	[tilespmem:v1+s19+$0x0] =	vst.idx.msk $0xffff, v2;
	v1 =	vmov s0  }
0x12d: {  	[tilespmem:s0], [sflag:$0x2] =	stream.linear.gather [hbm4b:s28+s0], $0x1800, $0x38;
	v1 =	vmul.u32 $0x41, v1;
	[tilespmem:$0x18000] =	vst v63  }
0x12e: {  	_ =	swait.ge [sflag:s18], $0x1800  }
0x12f: {  	s29 =	sand.u32 $0x70, s0;
	s30 =	sand.u32 $0x1C00, s0;
	[sflag:s18] =	ssyncset.done $0x0;
	v1 =	vbroadcast v1, $0x0  }
0x130: {  	s2 =	sor.u32 s29, s30;
	[sflag:s18] =	ssyncadd.s32 $0xFFFFE800  }
0x131: {  	v2 =	vadd.s32 v33, v1;
	v3 =	vld [tilespmem:s2+$0x0];
	_ =	sdelay $0x4  }
0x132: {  	[tilespmem:v2+s19+$0x0] =	vst.idx.msk $0xffff, v3  }
0x133: {  	v3 =	vadd.s32 v34, v1;
	v2 =	vld [tilespmem:s2+$0x80];
	_ =	sdelay $0x4  }
0x134: {  	[tilespmem:v3+s19+$0x0] =	vst.idx.msk $0xffff, v2  }
0x135: {  	v3 =	vadd.s32 v35, v1;
	v2 =	vld [tilespmem:s2+$0x100];
	_ =	sdelay $0x4  }
0x136: {  	[tilespmem:v3+s19+$0x0] =	vst.idx.msk $0xffff, v2  }
0x137: {  	v3 =	vadd.s32 v36, v1;
	v2 =	vld [tilespmem:s2+$0x180];
	_ =	sdelay $0x4  }
0x138: {  	[tilespmem:v3+s19+$0x0] =	vst.idx.msk $0xffff, v2  }
0x139: {  	v3 =	vadd.s32 v37, v1;
	v2 =	vld [tilespmem:s2+$0x200];
	_ =	sdelay $0x4  }
0x13a: {  	[tilespmem:v3+s19+$0x0] =	vst.idx.msk $0xffff, v2  }
0x13b: {  	v3 =	vadd.s32 v38, v1;
	v2 =	vld [tilespmem:s2+$0x280];
	_ =	sdelay $0x4  }
0x13c: {  	[tilespmem:v3+s19+$0x0] =	vst.idx.msk $0xffff, v2  }
0x13d: {  	v3 =	vadd.s32 v39, v1;
	v2 =	vld [tilespmem:s2+$0x300];
	_ =	sdelay $0x3  }
0x13e: {  	s31 =	sor.u32 s0, s0  }
0x13f: {  	s4 =	sor.u32 $0x380, s31;
	[tilespmem:v3+s19+$0x0] =	vst.idx.msk $0xffff, v2  }
0x140: {  	s2 =	simm.s32 $0x10;
	v3 =	vadd.s32 v40, v1;
	v2 =	vld [tilespmem:s4+$0x0]  }
0x141: {  	v1 =	vmov s2;
	s4 =	simm.s32 $0x20  }
.LBB2_10:
0x142: {  	p0 =	sne.s32 s4, $0x2F0;
	v1 =	vmul.u32 $0x41, v1  }
0x143: {  	s0 =	sadd.s32 $0x80, s0  }
0x144: {  	s5 =	sand.u32 $0x70, s2;
	s6 =	sand.u32 $0x1C00, s0;
	v1 =	vbroadcast v1, $0x0  }
0x145: {  	s5 =	sor.u32 s5, s6;
	[tilespmem:v3+s19+$0x0] =	vst.idx.msk $0xffff, v2  }
0x146: {  	v2 =	vadd.s32 v33, v1;
	v3 =	vld [tilespmem:s5+$0x0];
	_ =	sdelay $0x4  }
0x147: {  	[tilespmem:v2+s19+$0x0] =	vst.idx.msk $0xffff, v3  }
0x148: {  	v3 =	vadd.s32 v34, v1;
	v2 =	vld [tilespmem:s5+$0x80];
	_ =	sdelay $0x4  }
0x149: {  	[tilespmem:v3+s19+$0x0] =	vst.idx.msk $0xffff, v2  }
0x14a: {  	v3 =	vadd.s32 v35, v1;
	v2 =	vld [tilespmem:s5+$0x100];
	_ =	sdelay $0x4  }
0x14b: {  	[tilespmem:v3+s19+$0x0] =	vst.idx.msk $0xffff, v2  }
0x14c: {  	v3 =	vadd.s32 v36, v1;
	v2 =	vld [tilespmem:s5+$0x180];
	_ =	sdelay $0x4  }
0x14d: {  	[tilespmem:v3+s19+$0x0] =	vst.idx.msk $0xffff, v2  }
0x14e: {  	v3 =	vadd.s32 v37, v1;
	v2 =	vld [tilespmem:s5+$0x200];
	_ =	sdelay $0x4  }
0x14f: {  	[tilespmem:v3+s19+$0x0] =	vst.idx.msk $0xffff, v2  }
0x150: {  	v3 =	vadd.s32 v38, v1;
	v2 =	vld [tilespmem:s5+$0x280];
	_ =	sdelay $0x4  }
0x151: {  	[tilespmem:v3+s19+$0x0] =	vst.idx.msk $0xffff, v2  }
0x152: {  	v3 =	vadd.s32 v39, v1;
	v2 =	vld [tilespmem:s5+$0x300];
	_ =	sdelay $0x2  }
.Ltmp4:
0x153: {  	(pc) =	sbr.rel @p0 .LBB2_10-.Ltmp4, $4  }
0x154: {  	s5 =	sor.u32 s0, s2;
	s2 =	smov.u32 s4  }
0x155: {  	s5 =	sor.u32 $0x380, s5;
	[tilespmem:v3+s19+$0x0] =	vst.idx.msk $0xffff, v2  }
0x156: {  	v3 =	vadd.s32 v40, v1;
	v2 =	vld [tilespmem:s5+$0x0]  }
0x157: {  	s4 =	sadd.s32 $0x10, s4;
	v1 =	vmov s2  }
0x158: {  	_ = 	snop  }
0x159: {  	v1 =	vmul.u32 $0x41, v1  }
0x15a: {  	s0 =	sadd.s32 $0x80, s0  }
0x15b: {  	s4 =	sand.u32 $0x70, s2;
	s5 =	sand.u32 $0x1C00, s0;
	v1 =	vbroadcast v1, $0x0  }
0x15c: {  	s4 =	sor.u32 s4, s5;
	[tilespmem:v3+s19+$0x0] =	vst.idx.msk $0xffff, v2  }
0x15d: {  	v2 =	vadd.s32 v33, v1;
	v3 =	vld [tilespmem:s4+$0x0];
	_ =	sdelay $0x4  }
0x15e: {  	[tilespmem:v2+s19+$0x0] =	vst.idx.msk $0xffff, v3  }
0x15f: {  	v3 =	vadd.s32 v34, v1;
	v2 =	vld [tilespmem:s4+$0x80];
	_ =	sdelay $0x4  }
0x160: {  	[tilespmem:v3+s19+$0x0] =	vst.idx.msk $0xffff, v2  }
0x161: {  	v3 =	vadd.s32 v35, v1;
	v2 =	vld [tilespmem:s4+$0x100];
	_ =	sdelay $0x4  }
0x162: {  	[tilespmem:v3+s19+$0x0] =	vst.idx.msk $0xffff, v2  }
0x163: {  	v3 =	vadd.s32 v36, v1;
	v2 =	vld [tilespmem:s4+$0x180];
	_ =	sdelay $0x4  }
0x164: {  	[tilespmem:v3+s19+$0x0] =	vst.idx.msk $0xffff, v2  }
0x165: {  	v3 =	vadd.s32 v37, v1;
	v2 =	vld [tilespmem:s4+$0x200];
	_ =	sdelay $0x4  }
0x166: {  	[tilespmem:v3+s19+$0x0] =	vst.idx.msk $0xffff, v2  }
0x167: {  	v3 =	vadd.s32 v38, v1;
	v2 =	vld [tilespmem:s4+$0x280];
	_ =	sdelay $0x4  }
0x168: {  	[tilespmem:v3+s19+$0x0] =	vst.idx.msk $0xffff, v2  }
0x169: {  	v3 =	vadd.s32 v39, v1;
	v2 =	vld [tilespmem:s4+$0x300];
	_ =	sdelay $0x3  }
0x16a: {  	s0 =	sor.u32 s0, s2  }
0x16b: {  	s0 =	sor.u32 $0x380, s0;
	[tilespmem:v3+s19+$0x0] =	vst.idx.msk $0xffff, v2  }
0x16c: {  	v1 =	vadd.s32 v40, v1;
	v2 =	vld [tilespmem:s0+$0x0];
	_ =	sdelay $0x3  }
0x16d: {  	s0 =	simm.s32 $0x0  }
0x16e: {  	s28 =	rddreg [dreg:$0x8];
	[tilespmem:v1+s19+$0x0] =	vst.idx.msk $0xffff, v2;
	v1 =	vmov s0  }
0x16f: {  	[tilespmem:s0], [sflag:$0x2] =	stream.linear.gather [hbm4b:s28+s0], $0x1800, $0x38;
	v1 =	vmul.u32 $0x41, v1;
	[tilespmem:$0x18000] =	vst v63  }
0x170: {  	_ =	swait.ge [sflag:s18], $0x1800  }
0x171: {  	s29 =	sand.u32 $0x70, s0;
	s30 =	sand.u32 $0x1C00, s0;
	[sflag:s18] =	ssyncset.done $0x0;
	v1 =	vbroadcast v1, $0x0  }
0x172: {  	s2 =	sor.u32 s29, s30;
	[sflag:s18] =	ssyncadd.s32 $0xFFFFE800  }
0x173: {  	v2 =	vadd.s32 v41, v1;
	v3 =	vld [tilespmem:s2+$0x0];
	_ =	sdelay $0x4  }
0x174: {  	[tilespmem:v2+s19+$0x0] =	vst.idx.msk $0xffff, v3  }
0x175: {  	v3 =	vadd.s32 v42, v1;
	v2 =	vld [tilespmem:s2+$0x80];
	_ =	sdelay $0x4  }
0x176: {  	[tilespmem:v3+s19+$0x0] =	vst.idx.msk $0xffff, v2  }
0x177: {  	v3 =	vadd.s32 v43, v1;
	v2 =	vld [tilespmem:s2+$0x100];
	_ =	sdelay $0x4  }
0x178: {  	[tilespmem:v3+s19+$0x0] =	vst.idx.msk $0xffff, v2  }
0x179: {  	v3 =	vadd.s32 v44, v1;
	v2 =	vld [tilespmem:s2+$0x180];
	_ =	sdelay $0x4  }
0x17a: {  	[tilespmem:v3+s19+$0x0] =	vst.idx.msk $0xffff, v2  }
0x17b: {  	v3 =	vadd.s32 v45, v1;
	v2 =	vld [tilespmem:s2+$0x200];
	_ =	sdelay $0x4  }
0x17c: {  	[tilespmem:v3+s19+$0x0] =	vst.idx.msk $0xffff, v2  }
0x17d: {  	v3 =	vadd.s32 v46, v1;
	v2 =	vld [tilespmem:s2+$0x280];
	_ =	sdelay $0x4  }
0x17e: {  	[tilespmem:v3+s19+$0x0] =	vst.idx.msk $0xffff, v2  }
0x17f: {  	v3 =	vadd.s32 v47, v1;
	v2 =	vld [tilespmem:s2+$0x300];
	_ =	sdelay $0x3  }
0x180: {  	s31 =	sor.u32 s0, s0  }
0x181: {  	s4 =	sor.u32 $0x380, s31;
	[tilespmem:v3+s19+$0x0] =	vst.idx.msk $0xffff, v2  }
0x182: {  	s2 =	simm.s32 $0x10;
	v3 =	vadd.s32 v48, v1;
	v2 =	vld [tilespmem:s4+$0x0]  }
0x183: {  	v1 =	vmov s2;
	s4 =	simm.s32 $0x20  }
.LBB2_12:
0x184: {  	p0 =	sne.s32 s4, $0x2F0;
	v1 =	vmul.u32 $0x41, v1  }
0x185: {  	s0 =	sadd.s32 $0x80, s0  }
0x186: {  	s5 =	sand.u32 $0x70, s2;
	s6 =	sand.u32 $0x1C00, s0;
	v1 =	vbroadcast v1, $0x0  }
0x187: {  	s5 =	sor.u32 s5, s6;
	[tilespmem:v3+s19+$0x0] =	vst.idx.msk $0xffff, v2  }
0x188: {  	v2 =	vadd.s32 v41, v1;
	v3 =	vld [tilespmem:s5+$0x0];
	_ =	sdelay $0x4  }
0x189: {  	[tilespmem:v2+s19+$0x0] =	vst.idx.msk $0xffff, v3  }
0x18a: {  	v3 =	vadd.s32 v42, v1;
	v2 =	vld [tilespmem:s5+$0x80];
	_ =	sdelay $0x4  }
0x18b: {  	[tilespmem:v3+s19+$0x0] =	vst.idx.msk $0xffff, v2  }
0x18c: {  	v3 =	vadd.s32 v43, v1;
	v2 =	vld [tilespmem:s5+$0x100];
	_ =	sdelay $0x4  }
0x18d: {  	[tilespmem:v3+s19+$0x0] =	vst.idx.msk $0xffff, v2  }
0x18e: {  	v3 =	vadd.s32 v44, v1;
	v2 =	vld [tilespmem:s5+$0x180];
	_ =	sdelay $0x4  }
0x18f: {  	[tilespmem:v3+s19+$0x0] =	vst.idx.msk $0xffff, v2  }
0x190: {  	v3 =	vadd.s32 v45, v1;
	v2 =	vld [tilespmem:s5+$0x200];
	_ =	sdelay $0x4  }
0x191: {  	[tilespmem:v3+s19+$0x0] =	vst.idx.msk $0xffff, v2  }
0x192: {  	v3 =	vadd.s32 v46, v1;
	v2 =	vld [tilespmem:s5+$0x280];
	_ =	sdelay $0x4  }
0x193: {  	[tilespmem:v3+s19+$0x0] =	vst.idx.msk $0xffff, v2  }
0x194: {  	v3 =	vadd.s32 v47, v1;
	v2 =	vld [tilespmem:s5+$0x300];
	_ =	sdelay $0x2  }
.Ltmp5:
0x195: {  	(pc) =	sbr.rel @p0 .LBB2_12-.Ltmp5, $4  }
0x196: {  	s5 =	sor.u32 s0, s2;
	s2 =	smov.u32 s4  }
0x197: {  	s5 =	sor.u32 $0x380, s5;
	[tilespmem:v3+s19+$0x0] =	vst.idx.msk $0xffff, v2  }
0x198: {  	v3 =	vadd.s32 v48, v1;
	v2 =	vld [tilespmem:s5+$0x0]  }
0x199: {  	s4 =	sadd.s32 $0x10, s4;
	v1 =	vmov s2  }
0x19a: {  	_ = 	snop  }
0x19b: {  	v1 =	vmul.u32 $0x41, v1  }
0x19c: {  	s0 =	sadd.s32 $0x80, s0  }
0x19d: {  	s4 =	sand.u32 $0x70, s2;
	s5 =	sand.u32 $0x1C00, s0;
	v1 =	vbroadcast v1, $0x0  }
0x19e: {  	s4 =	sor.u32 s4, s5;
	[tilespmem:v3+s19+$0x0] =	vst.idx.msk $0xffff, v2  }
0x19f: {  	v2 =	vadd.s32 v41, v1;
	v3 =	vld [tilespmem:s4+$0x0];
	_ =	sdelay $0x4  }
0x1a0: {  	[tilespmem:v2+s19+$0x0] =	vst.idx.msk $0xffff, v3  }
0x1a1: {  	v3 =	vadd.s32 v42, v1;
	v2 =	vld [tilespmem:s4+$0x80];
	_ =	sdelay $0x4  }
0x1a2: {  	[tilespmem:v3+s19+$0x0] =	vst.idx.msk $0xffff, v2  }
0x1a3: {  	v3 =	vadd.s32 v43, v1;
	v2 =	vld [tilespmem:s4+$0x100];
	_ =	sdelay $0x4  }
0x1a4: {  	[tilespmem:v3+s19+$0x0] =	vst.idx.msk $0xffff, v2  }
0x1a5: {  	v3 =	vadd.s32 v44, v1;
	v2 =	vld [tilespmem:s4+$0x180];
	_ =	sdelay $0x4  }
0x1a6: {  	[tilespmem:v3+s19+$0x0] =	vst.idx.msk $0xffff, v2  }
0x1a7: {  	v3 =	vadd.s32 v45, v1;
	v2 =	vld [tilespmem:s4+$0x200];
	_ =	sdelay $0x4  }
0x1a8: {  	[tilespmem:v3+s19+$0x0] =	vst.idx.msk $0xffff, v2  }
0x1a9: {  	v3 =	vadd.s32 v46, v1;
	v2 =	vld [tilespmem:s4+$0x280];
	_ =	sdelay $0x4  }
0x1aa: {  	[tilespmem:v3+s19+$0x0] =	vst.idx.msk $0xffff, v2  }
0x1ab: {  	v3 =	vadd.s32 v47, v1;
	v2 =	vld [tilespmem:s4+$0x300];
	_ =	sdelay $0x3  }
0x1ac: {  	s0 =	sor.u32 s0, s2  }
0x1ad: {  	s0 =	sor.u32 $0x380, s0;
	[tilespmem:v3+s19+$0x0] =	vst.idx.msk $0xffff, v2  }
0x1ae: {  	v1 =	vadd.s32 v48, v1;
	v2 =	vld [tilespmem:s0+$0x0];
	_ =	sdelay $0x3  }
0x1af: {  	s0 =	simm.s32 $0x0  }
0x1b0: {  	s28 =	rddreg [dreg:$0x9];
	[tilespmem:v1+s19+$0x0] =	vst.idx.msk $0xffff, v2;
	v1 =	vmov s0  }
0x1b1: {  	[tilespmem:s0], [sflag:$0x2] =	stream.linear.gather [hbm4b:s28+s0], $0x1800, $0x38;
	v1 =	vmul.u32 $0x41, v1;
	[tilespmem:$0x18000] =	vst v63  }
0x1b2: {  	_ =	swait.ge [sflag:s18], $0x1800  }
0x1b3: {  	s29 =	sand.u32 $0x70, s0;
	s30 =	sand.u32 $0x1C00, s0;
	[sflag:s18] =	ssyncset.done $0x0;
	v1 =	vbroadcast v1, $0x0  }
0x1b4: {  	s2 =	sor.u32 s29, s30;
	[sflag:s18] =	ssyncadd.s32 $0xFFFFE800  }
0x1b5: {  	v2 =	vadd.s32 v49, v1;
	v3 =	vld [tilespmem:s2+$0x0];
	_ =	sdelay $0x4  }
0x1b6: {  	[tilespmem:v2+s19+$0x0] =	vst.idx.msk $0xffff, v3  }
0x1b7: {  	v3 =	vadd.s32 v50, v1;
	v2 =	vld [tilespmem:s2+$0x80];
	_ =	sdelay $0x4  }
0x1b8: {  	[tilespmem:v3+s19+$0x0] =	vst.idx.msk $0xffff, v2  }
0x1b9: {  	v3 =	vadd.s32 v51, v1;
	v2 =	vld [tilespmem:s2+$0x100];
	_ =	sdelay $0x4  }
0x1ba: {  	[tilespmem:v3+s19+$0x0] =	vst.idx.msk $0xffff, v2  }
0x1bb: {  	v3 =	vadd.s32 v52, v1;
	v2 =	vld [tilespmem:s2+$0x180];
	_ =	sdelay $0x4  }
0x1bc: {  	[tilespmem:v3+s19+$0x0] =	vst.idx.msk $0xffff, v2  }
0x1bd: {  	v3 =	vadd.s32 v53, v1;
	v2 =	vld [tilespmem:s2+$0x200];
	_ =	sdelay $0x4  }
0x1be: {  	[tilespmem:v3+s19+$0x0] =	vst.idx.msk $0xffff, v2  }
0x1bf: {  	v3 =	vadd.s32 v54, v1;
	v2 =	vld [tilespmem:s2+$0x280];
	_ =	sdelay $0x4  }
0x1c0: {  	[tilespmem:v3+s19+$0x0] =	vst.idx.msk $0xffff, v2  }
0x1c1: {  	v3 =	vadd.s32 v55, v1;
	v2 =	vld [tilespmem:s2+$0x300];
	_ =	sdelay $0x3  }
0x1c2: {  	s31 =	sor.u32 s0, s0  }
0x1c3: {  	s4 =	sor.u32 $0x380, s31;
	[tilespmem:v3+s19+$0x0] =	vst.idx.msk $0xffff, v2  }
0x1c4: {  	s2 =	simm.s32 $0x10;
	v3 =	vadd.s32 v56, v1;
	v2 =	vld [tilespmem:s4+$0x0]  }
0x1c5: {  	v1 =	vmov s2;
	s4 =	simm.s32 $0x20  }
.LBB2_14:
0x1c6: {  	p0 =	sne.s32 s4, $0x2F0;
	v1 =	vmul.u32 $0x41, v1  }
0x1c7: {  	s0 =	sadd.s32 $0x80, s0  }
0x1c8: {  	s5 =	sand.u32 $0x70, s2;
	s6 =	sand.u32 $0x1C00, s0;
	v1 =	vbroadcast v1, $0x0  }
0x1c9: {  	s5 =	sor.u32 s5, s6;
	[tilespmem:v3+s19+$0x0] =	vst.idx.msk $0xffff, v2  }
0x1ca: {  	v2 =	vadd.s32 v49, v1;
	v3 =	vld [tilespmem:s5+$0x0];
	_ =	sdelay $0x4  }
0x1cb: {  	[tilespmem:v2+s19+$0x0] =	vst.idx.msk $0xffff, v3  }
0x1cc: {  	v3 =	vadd.s32 v50, v1;
	v2 =	vld [tilespmem:s5+$0x80];
	_ =	sdelay $0x4  }
0x1cd: {  	[tilespmem:v3+s19+$0x0] =	vst.idx.msk $0xffff, v2  }
0x1ce: {  	v3 =	vadd.s32 v51, v1;
	v2 =	vld [tilespmem:s5+$0x100];
	_ =	sdelay $0x4  }
0x1cf: {  	[tilespmem:v3+s19+$0x0] =	vst.idx.msk $0xffff, v2  }
0x1d0: {  	v3 =	vadd.s32 v52, v1;
	v2 =	vld [tilespmem:s5+$0x180];
	_ =	sdelay $0x4  }
0x1d1: {  	[tilespmem:v3+s19+$0x0] =	vst.idx.msk $0xffff, v2  }
0x1d2: {  	v3 =	vadd.s32 v53, v1;
	v2 =	vld [tilespmem:s5+$0x200];
	_ =	sdelay $0x4  }
0x1d3: {  	[tilespmem:v3+s19+$0x0] =	vst.idx.msk $0xffff, v2  }
0x1d4: {  	v3 =	vadd.s32 v54, v1;
	v2 =	vld [tilespmem:s5+$0x280];
	_ =	sdelay $0x4  }
0x1d5: {  	[tilespmem:v3+s19+$0x0] =	vst.idx.msk $0xffff, v2  }
0x1d6: {  	v3 =	vadd.s32 v55, v1;
	v2 =	vld [tilespmem:s5+$0x300];
	_ =	sdelay $0x2  }
.Ltmp6:
0x1d7: {  	(pc) =	sbr.rel @p0 .LBB2_14-.Ltmp6, $4  }
0x1d8: {  	s5 =	sor.u32 s0, s2;
	s2 =	smov.u32 s4  }
0x1d9: {  	s5 =	sor.u32 $0x380, s5;
	[tilespmem:v3+s19+$0x0] =	vst.idx.msk $0xffff, v2  }
0x1da: {  	v3 =	vadd.s32 v56, v1;
	v2 =	vld [tilespmem:s5+$0x0]  }
0x1db: {  	s4 =	sadd.s32 $0x10, s4;
	v1 =	vmov s2  }
0x1dc: {  	_ = 	snop  }
0x1dd: {  	v1 =	vmul.u32 $0x41, v1  }
0x1de: {  	s0 =	sadd.s32 $0x80, s0  }
0x1df: {  	s4 =	sand.u32 $0x70, s2;
	s5 =	sand.u32 $0x1C00, s0;
	v1 =	vbroadcast v1, $0x0  }
0x1e0: {  	s4 =	sor.u32 s4, s5;
	[tilespmem:v3+s19+$0x0] =	vst.idx.msk $0xffff, v2  }
0x1e1: {  	v2 =	vadd.s32 v49, v1;
	v3 =	vld [tilespmem:s4+$0x0];
	_ =	sdelay $0x4  }
0x1e2: {  	[tilespmem:v2+s19+$0x0] =	vst.idx.msk $0xffff, v3  }
0x1e3: {  	v3 =	vadd.s32 v50, v1;
	v2 =	vld [tilespmem:s4+$0x80];
	_ =	sdelay $0x4  }
0x1e4: {  	[tilespmem:v3+s19+$0x0] =	vst.idx.msk $0xffff, v2  }
0x1e5: {  	v3 =	vadd.s32 v51, v1;
	v2 =	vld [tilespmem:s4+$0x100];
	_ =	sdelay $0x4  }
0x1e6: {  	[tilespmem:v3+s19+$0x0] =	vst.idx.msk $0xffff, v2  }
0x1e7: {  	v3 =	vadd.s32 v52, v1;
	v2 =	vld [tilespmem:s4+$0x180];
	_ =	sdelay $0x4  }
0x1e8: {  	[tilespmem:v3+s19+$0x0] =	vst.idx.msk $0xffff, v2  }
0x1e9: {  	v3 =	vadd.s32 v53, v1;
	v2 =	vld [tilespmem:s4+$0x200];
	_ =	sdelay $0x4  }
0x1ea: {  	[tilespmem:v3+s19+$0x0] =	vst.idx.msk $0xffff, v2  }
0x1eb: {  	v3 =	vadd.s32 v54, v1;
	v2 =	vld [tilespmem:s4+$0x280];
	_ =	sdelay $0x4  }
0x1ec: {  	[tilespmem:v3+s19+$0x0] =	vst.idx.msk $0xffff, v2  }
0x1ed: {  	v3 =	vadd.s32 v55, v1;
	v2 =	vld [tilespmem:s4+$0x300];
	_ =	sdelay $0x3  }
0x1ee: {  	s0 =	sor.u32 s0, s2  }
0x1ef: {  	s0 =	sor.u32 $0x380, s0;
	[tilespmem:v3+s19+$0x0] =	vst.idx.msk $0xffff, v2  }
0x1f0: {  	v1 =	vadd.s32 v56, v1;
	v2 =	vld [tilespmem:s0+$0x0];
	_ =	sdelay $0x3  }
0x1f1: {  	s0 =	simm.s32 $0x0  }
0x1f2: {  	s28 =	rddreg [dreg:$0xa];
	[tilespmem:v1+s19+$0x0] =	vst.idx.msk $0xffff, v2;
	v1 =	vmov s0  }
0x1f3: {  	[tilespmem:s0], [sflag:$0x2] =	stream.linear.gather [hbm4b:s28+s0], $0x1800, $0x38;
	v1 =	vmul.u32 $0x41, v1;
	[tilespmem:$0x18000] =	vst v63  }
0x1f4: {  	_ =	swait.ge [sflag:s18], $0x1800  }
0x1f5: {  	s29 =	sand.u32 $0x70, s0;
	s30 =	sand.u32 $0x1C00, s0;
	[sflag:s18] =	ssyncset.done $0x0;
	v1 =	vbroadcast v1, $0x0  }
0x1f6: {  	s2 =	sor.u32 s29, s30;
	[sflag:s18] =	ssyncadd.s32 $0xFFFFE800  }
0x1f7: {  	v2 =	vadd.s32 v57, v1;
	v3 =	vld [tilespmem:s2+$0x0];
	_ =	sdelay $0x4  }
0x1f8: {  	[tilespmem:v2+s19+$0x0] =	vst.idx.msk $0xffff, v3  }
0x1f9: {  	v3 =	vadd.s32 v58, v1;
	v2 =	vld [tilespmem:s2+$0x80];
	_ =	sdelay $0x4  }
0x1fa: {  	[tilespmem:v3+s19+$0x0] =	vst.idx.msk $0xffff, v2  }
0x1fb: {  	v3 =	vadd.s32 v59, v1;
	v2 =	vld [tilespmem:s2+$0x100];
	_ =	sdelay $0x4  }
0x1fc: {  	[tilespmem:v3+s19+$0x0] =	vst.idx.msk $0xffff, v2  }
0x1fd: {  	v3 =	vadd.s32 v60, v1;
	v2 =	vld [tilespmem:s2+$0x180];
	_ =	sdelay $0x4  }
0x1fe: {  	[tilespmem:v3+s19+$0x0] =	vst.idx.msk $0xffff, v2  }
0x1ff: {  	v3 =	vadd.s32 v61, v1;
	v2 =	vld [tilespmem:s2+$0x200];
	_ =	sdelay $0x4  }
0x200: {  	[tilespmem:v3+s19+$0x0] =	vst.idx.msk $0xffff, v2  }
0x201: {  	v3 =	vadd.s32 v62, v1;
	v2 =	vld [tilespmem:s2+$0x280];
	_ =	sdelay $0x4  }
0x202: {  	[tilespmem:v3+s19+$0x0] =	vst.idx.msk $0xffff, v2  }
0x203: {  	v3 =	vadd.s32 v63, v1;
	v2 =	vld [tilespmem:s2+$0x300];
	_ =	sdelay $0x3  }
0x204: {  	s31 =	sor.u32 s0, s0  }
0x205: {  	s4 =	sor.u32 $0x380, s31;
	[tilespmem:v3+s19+$0x0] =	vst.idx.msk $0xffff, v2  }
0x206: {  	s2 =	simm.s32 $0x10;
	v3 =	vadd.s32 v0, v1;
	v2 =	vld [tilespmem:s4+$0x0]  }
0x207: {  	v1 =	vmov s2;
	s4 =	simm.s32 $0x20  }
.LBB2_16:
0x208: {  	p0 =	sne.s32 s4, $0x2F0;
	v1 =	vmul.u32 $0x41, v1  }
0x209: {  	s0 =	sadd.s32 $0x80, s0  }
0x20a: {  	s5 =	sand.u32 $0x70, s2;
	s6 =	sand.u32 $0x1C00, s0;
	v1 =	vbroadcast v1, $0x0  }
0x20b: {  	s5 =	sor.u32 s5, s6;
	[tilespmem:v3+s19+$0x0] =	vst.idx.msk $0xffff, v2  }
0x20c: {  	v2 =	vadd.s32 v57, v1;
	v3 =	vld [tilespmem:s5+$0x0];
	_ =	sdelay $0x4  }
0x20d: {  	[tilespmem:v2+s19+$0x0] =	vst.idx.msk $0xffff, v3  }
0x20e: {  	v3 =	vadd.s32 v58, v1;
	v2 =	vld [tilespmem:s5+$0x80];
	_ =	sdelay $0x4  }
0x20f: {  	[tilespmem:v3+s19+$0x0] =	vst.idx.msk $0xffff, v2  }
0x210: {  	v3 =	vadd.s32 v59, v1;
	v2 =	vld [tilespmem:s5+$0x100];
	_ =	sdelay $0x4  }
0x211: {  	[tilespmem:v3+s19+$0x0] =	vst.idx.msk $0xffff, v2  }
0x212: {  	v3 =	vadd.s32 v60, v1;
	v2 =	vld [tilespmem:s5+$0x180];
	_ =	sdelay $0x4  }
0x213: {  	[tilespmem:v3+s19+$0x0] =	vst.idx.msk $0xffff, v2  }
0x214: {  	v3 =	vadd.s32 v61, v1;
	v2 =	vld [tilespmem:s5+$0x200];
	_ =	sdelay $0x4  }
0x215: {  	[tilespmem:v3+s19+$0x0] =	vst.idx.msk $0xffff, v2  }
0x216: {  	v3 =	vadd.s32 v62, v1;
	v2 =	vld [tilespmem:s5+$0x280];
	_ =	sdelay $0x4  }
0x217: {  	[tilespmem:v3+s19+$0x0] =	vst.idx.msk $0xffff, v2  }
0x218: {  	v3 =	vadd.s32 v63, v1;
	v2 =	vld [tilespmem:s5+$0x300];
	_ =	sdelay $0x2  }
.Ltmp7:
0x219: {  	(pc) =	sbr.rel @p0 .LBB2_16-.Ltmp7, $4  }
0x21a: {  	s5 =	sor.u32 s0, s2;
	s2 =	smov.u32 s4  }
0x21b: {  	s5 =	sor.u32 $0x380, s5;
	[tilespmem:v3+s19+$0x0] =	vst.idx.msk $0xffff, v2  }
0x21c: {  	v3 =	vadd.s32 v0, v1;
	v2 =	vld [tilespmem:s5+$0x0]  }
0x21d: {  	s4 =	sadd.s32 $0x10, s4;
	v1 =	vmov s2  }
0x21e: {  	_ = 	snop  }
0x21f: {  	v1 =	vmul.u32 $0x41, v1  }
0x220: {  	s0 =	sadd.s32 $0x80, s0  }
0x221: {  	s4 =	sand.u32 $0x70, s2;
	s5 =	sand.u32 $0x1C00, s0;
	v1 =	vbroadcast v1, $0x0  }
0x222: {  	s4 =	sor.u32 s4, s5;
	[tilespmem:v3+s19+$0x0] =	vst.idx.msk $0xffff, v2  }
0x223: {  	v2 =	vadd.s32 v57, v1;
	v3 =	vld [tilespmem:s4+$0x0];
	_ =	sdelay $0x4  }
0x224: {  	[tilespmem:v2+s19+$0x0] =	vst.idx.msk $0xffff, v3  }
0x225: {  	v3 =	vadd.s32 v58, v1;
	v2 =	vld [tilespmem:s4+$0x80];
	_ =	sdelay $0x4  }
0x226: {  	[tilespmem:v3+s19+$0x0] =	vst.idx.msk $0xffff, v2  }
0x227: {  	v3 =	vadd.s32 v59, v1;
	v2 =	vld [tilespmem:s4+$0x100];
	_ =	sdelay $0x4  }
0x228: {  	[tilespmem:v3+s19+$0x0] =	vst.idx.msk $0xffff, v2  }
0x229: {  	v3 =	vadd.s32 v60, v1;
	v2 =	vld [tilespmem:s4+$0x180];
	_ =	sdelay $0x4  }
0x22a: {  	[tilespmem:v3+s19+$0x0] =	vst.idx.msk $0xffff, v2  }
0x22b: {  	v3 =	vadd.s32 v61, v1;
	v2 =	vld [tilespmem:s4+$0x200];
	_ =	sdelay $0x4  }
0x22c: {  	[tilespmem:v3+s19+$0x0] =	vst.idx.msk $0xffff, v2  }
0x22d: {  	v3 =	vadd.s32 v62, v1;
	v2 =	vld [tilespmem:s4+$0x280];
	_ =	sdelay $0x4  }
0x22e: {  	[tilespmem:v3+s19+$0x0] =	vst.idx.msk $0xffff, v2  }
0x22f: {  	v3 =	vadd.s32 v63, v1;
	v2 =	vld [tilespmem:s4+$0x300];
	_ =	sdelay $0x3  }
0x230: {  	s0 =	sor.u32 s0, s2  }
0x231: {  	s0 =	sor.u32 $0x380, s0;
	[tilespmem:v3+s19+$0x0] =	vst.idx.msk $0xffff, v2  }
0x232: {  	v1 =	vadd.s32 v0, v1;
	v2 =	vld [tilespmem:s0+$0x0];
	_ =	sdelay $0x4  }
0x233: {  	s26 =	simm.s32 $0xDB00;
	s12 =	rddreg [dreg:$0xb];
	[tilespmem:v1+s19+$0x0] =	vst.idx.msk $0xffff, v2  }
0x234: {  	[tilespmem:s26], [sflag:$0x2] =	stream.linear.gather [hbm4b:s12+s25], $0x1388, $0x38;
	[tilespmem:$0x18000] =	vst v63  }
0x235: {  	_ =	swait.ge [sflag:s18], $0x1388  }
0x236: {  	[sflag:s18] =	ssyncset.done $0x0  }
0x237: {  	s28 =	simm.s32 $0xEF00;
	[sflag:s18] =	ssyncadd.s32 $0xFFFFEC78  }
0x238: {  	[tilespmem:s28], [sflag:$0x2] =	stream.linear.gather [hbm4b:s14+s25], $0x1388, $0x38;
	[tilespmem:$0x18000] =	vst v63  }
0x239: {  	_ =	swait.ge [sflag:s18], $0x1388  }
0x23a: {  	[sflag:s18] =	ssyncset.done $0x0  }
0x23b: {  	s29 =	simm.s32 $0x10300;
	[sflag:s18] =	ssyncadd.s32 $0xFFFFEC78  }
0x23c: {  	[tilespmem:s29], [sflag:$0x2] =	stream.linear.gather [hbm4b:s15+s25], $0x1388, $0x38;
	[tilespmem:$0x18000] =	vst v63  }
0x23d: {  	_ =	swait.ge [sflag:s18], $0x1388  }
0x23e: {  	s30 =	simm.s32 $0xDBC8;
	s31 =	simm.s32 $0xEFC8;
	[sflag:s18] =	ssyncset.done $0x0  }
0x23f: {  	s2 =	simm.s32 $0x0;
	s0 =	simm.s32 $0x103C8;
	[sflag:s18] =	ssyncadd.s32 $0xFFFFEC78  }
.LBB2_18:
0x240: {  	p0 =	seq.s32 s2, $0x0  }
0x241: {  	s4 =	simm.s32 @!p0 $0x1  }
0x242: {  	_ =	swait.ge @!p0 [sflag:s4], $0x3200  }
0x243: {  	[sflag:s4] =	ssyncset.done @!p0 $0x0  }
0x244: {  	[sflag:s4] =	ssyncadd.s32 @!p0 $0xFFFFCE00  }
0x245: {  	v1 =	vld [tilespmem:s26+$0x0];
	_ =	sdelay $0x3  }
0x246: {  	v2 =	vmov s25  }
0x247: {  	v2 =	vmul.u32 $0x3, v2;
	v1 =	vadd.f32 $1.000000000e+00, v1;
	_ =	sdelay $0x1  }
0x248: {  	v5 =	vbroadcast v2, $0x0;
	v2 =	vlaneseq.u32;
	v1 =	vmul.f32 $1.275000000e+02, v1  }
0x249: {  	v2 =	vmul.u32 $0x3, v2  }
0x24a: {  	v3 =	vtrunc.f32 v1  }
0x24b: {  	v4 =	vadd.s32 v2, v5;
	v3 =	vcvt.f32.s32 v3;
	_ =	sdelay $0x1  }
0x24c: {  	v6 =	vcvt.s32.f32 v3  }
0x24d: {  	v3 =	vmul.u32 $0x41, v3  }
0x24e: {  	s5 =	simm.s32 $0x11700;
	v1 =	vsub.f32 v1, v6  }
0x24f: {  	[tilespmem:v4+s5+$0x0] =	vst.idx.msk $0xffff, v3  }
0x250: {  	[tilespmem:v4+s20+$0x0] =	vst.idx.msk $0xffff, v1  }
0x251: {  	v1 =	vld [tilespmem:s28+$0x0];
	_ =	sdelay $0x4  }
0x252: {  	v1 =	vadd.f32 $1.000000000e+00, v1;
	_ =	sdelay $0x1  }
0x253: {  	v1 =	vmul.f32 $1.275000000e+02, v1;
	_ =	sdelay $0x1  }
0x254: {  	v3 =	vadd.s32 $0x1, v2;
	v4 =	vtrunc.f32 v1  }
0x255: {  	v6 =	vadd.s32 v3, v5;
	v4 =	vcvt.f32.s32 v4;
	_ =	sdelay $0x1  }
0x256: {  	v7 =	vcvt.s32.f32 v4;
	v4 =	vmul.u32 $0x41, v4;
	_ =	sdelay $0x1  }
0x257: {  	v1 =	vsub.f32 v1, v7;
	v4 =	vadd.s32 $0x4100, v4  }
0x258: {  	[tilespmem:v6+s5+$0x0] =	vst.idx.msk $0xffff, v4  }
0x259: {  	[tilespmem:v6+s20+$0x0] =	vst.idx.msk $0xffff, v1  }
0x25a: {  	v1 =	vld [tilespmem:s29+$0x0];
	_ =	sdelay $0x4  }
0x25b: {  	v1 =	vadd.f32 $1.000000000e+00, v1;
	_ =	sdelay $0x1  }
0x25c: {  	v1 =	vmul.f32 $1.275000000e+02, v1;
	_ =	sdelay $0x1  }
0x25d: {  	v4 =	vadd.s32 $0x2, v2;
	v6 =	vtrunc.f32 v1  }
0x25e: {  	v5 =	vadd.s32 v4, v5;
	v6 =	vcvt.f32.s32 v6;
	_ =	sdelay $0x1  }
0x25f: {  	v7 =	vmul.u32 $0x41, v6;
	v6 =	vcvt.s32.f32 v6;
	_ =	sdelay $0x1  }
0x260: {  	s6 =	simm.s32 $0x10;
	s7 =	smov.u32 s26;
	v7 =	vadd.s32 $0x8200, v7;
	v1 =	vsub.f32 v1, v6  }
0x261: {  	s8 =	smov.u32 s28;
	s9 =	smov.u32 s29;
	s4 =	sshll.u32 s2, $0x1;
	[tilespmem:v5+s5+$0x0] =	vst.idx.msk $0xffff, v7  }
.LBB2_19:
0x262: {  	[tilespmem:v5+s20+$0x0] =	vst.idx.msk $0xffff, v1;
	s7 =	sadd.s32 $0x10, s7;
	s8 =	sadd.s32 $0x10, s8;
	s9 =	sadd.s32 $0x10, s9  }
0x263: {  	p1 =	sne.s32 s6, $0xC0;
	s10 =	smov.u32 s6;
	s6 =	sadd.s32 $0x10, s6;
	v1 =	vld [tilespmem:s7+$0x0]  }
0x264: {  	_ =	sdelay $0x3  }
0x265: {  	v5 =	vmov s10;
	v1 =	vadd.f32 $1.000000000e+00, v1  }
0x266: {  	v5 =	vmul.u32 $0x3, v5  }
0x267: {  	v1 =	vmul.f32 $1.275000000e+02, v1  }
0x268: {  	v5 =	vbroadcast v5, $0x0  }
0x269: {  	v6 =	vtrunc.f32 v1  }
0x26a: {  	v7 =	vadd.s32 v2, v5;
	v6 =	vcvt.f32.s32 v6;
	_ =	sdelay $0x1  }
0x26b: {  	v8 =	vcvt.s32.f32 v6;
	v6 =	vmul.u32 $0x41, v6;
	_ =	sdelay $0x1  }
0x26c: {  	v1 =	vsub.f32 v1, v8  }
0x26d: {  	[tilespmem:v7+s5+$0x0] =	vst.idx.msk $0xffff, v6  }
0x26e: {  	[tilespmem:v7+s20+$0x0] =	vst.idx.msk $0xffff, v1  }
0x26f: {  	v1 =	vld [tilespmem:s8+$0x0];
	_ =	sdelay $0x4  }
0x270: {  	v1 =	vadd.f32 $1.000000000e+00, v1;
	_ =	sdelay $0x1  }
0x271: {  	v1 =	vmul.f32 $1.275000000e+02, v1;
	_ =	sdelay $0x1  }
0x272: {  	v6 =	vtrunc.f32 v1  }
0x273: {  	v7 =	vadd.s32 v3, v5;
	v6 =	vcvt.f32.s32 v6;
	_ =	sdelay $0x1  }
0x274: {  	v8 =	vcvt.s32.f32 v6;
	v6 =	vmul.u32 $0x41, v6;
	_ =	sdelay $0x1  }
0x275: {  	v1 =	vsub.f32 v1, v8;
	v6 =	vadd.s32 $0x4100, v6  }
0x276: {  	[tilespmem:v7+s5+$0x0] =	vst.idx.msk $0xffff, v6  }
0x277: {  	[tilespmem:v7+s20+$0x0] =	vst.idx.msk $0xffff, v1  }
0x278: {  	v1 =	vld [tilespmem:s9+$0x0];
	_ =	sdelay $0x4  }
0x279: {  	v1 =	vadd.f32 $1.000000000e+00, v1;
	_ =	sdelay $0x1  }
0x27a: {  	v1 =	vmul.f32 $1.275000000e+02, v1;
	_ =	sdelay $0x1  }
0x27b: {  	v6 =	vtrunc.f32 v1  }
0x27c: {  	v5 =	vadd.s32 v4, v5;
	v6 =	vcvt.f32.s32 v6  }
.Ltmp8:
0x27d: {  	(pc) =	sbr.rel @p1 .LBB2_19-.Ltmp8, $3  }
0x27e: {  	v7 =	vcvt.s32.f32 v6;
	v6 =	vmul.u32 $0x41, v6;
	_ =	sdelay $0x1  }
0x27f: {  	v1 =	vsub.f32 v1, v7;
	v6 =	vadd.s32 $0x8200, v6  }
0x280: {  	[tilespmem:v5+s5+$0x0] =	vst.idx.msk $0xffff, v6  }
0x281: {  	_ =	sdelay $0x2  }
0x282: {  	s6 =	simm.s32 $0xFFFFFFFE  }
0x283: {  	[tilespmem:v5+s20+$0x0] =	vst.idx.msk $0xffff, v1;
	s7 =	simm.s32 $0x40;
	s8 =	simm.s32 $0x11C20;
	s9 =	simm.s32 $0x11983  }
.LBB2_21:
0x284: {  	v1 =	vld [tilespmem:s5+$0x0];
	_ =	sdelay $0x4  }
0x285: {  	(v2sf) =	vpush v1, $0x0;
	_ =	sdelay $0x1  }
0x286: {  	v5 =	vld [tilespmem:s9+$0xFFFFFFFD];
	_ =	sdelay $0x4  }
0x287: {  	(v2sf) =	vpush v5, $0x0  }
0x288: {  	(v2sf) =	vpush v1, $0x1;
	_ =	sdelay $0x6  }
0x289: {  	s10 =	spop (v2sf);
	(v2sf) =	vpush v5, $0x1  }
0x28a: {  	v6 =	vld [tilespmem:s10+$0x1800];
	(v2sf) =	vpush v1, $0x2  }
0x28b: {  	v1 =	vld [tilespmem:s10+$0x1841]  }
0x28c: {  	v7 =	vld [tilespmem:s10+$0x1810]  }
0x28d: {  	v8 =	vld [tilespmem:s10+$0x1851]  }
0x28e: {  	v9 =	vld [tilespmem:s10+$0x1820]  }
0x28f: {  	v10 =	vld [tilespmem:s10+$0x1861]  }
0x290: {  	s11 =	spop (v2sf);
	v11 =	vld [tilespmem:s10+$0x1830]  }
0x291: {  	v12 =	vld [tilespmem:s10+$0x1871];
	s10 =	spop (v2sf);
	(v2sf) =	vpush v5, $0x2  }
0x292: {  	v13 =	vld [tilespmem:s10+$0x1800]  }
0x293: {  	v14 =	vld [tilespmem:s10+$0x1841]  }
0x294: {  	v15 =	vld [tilespmem:s10+$0x1810]  }
0x295: {  	v16 =	vld [tilespmem:s10+$0x1851]  }
0x296: {  	s11 =	ssub.f32 $1.000000000e+00, s11;
	v17 =	vld [tilespmem:s10+$0x1820]  }
0x297: {  	v18 =	vbroadcast v5, $0x0;
	v19 =	vld [tilespmem:s10+$0x1861]  }
0x298: {  	v20 =	vld [tilespmem:s10+$0x1830];
	v6 =	vmul.f32 s11, v6;
	s12 =	spop (v2sf)  }
0x299: {  	v21 =	vld [tilespmem:s10+$0x1871];
	v1 =	vmul.f32 v1, v18;
	v7 =	vmul.f32 s11, v7;
	s10 =	spop (v2sf)  }
0x29a: {  	v8 =	vmul.f32 v8, v18;
	v9 =	vmul.f32 s11, v9;
	v22 =	vld [tilespmem:s10+$0x1800]  }
0x29b: {  	v1 =	vadd.f32 v6, v1;
	v6 =	vmul.f32 v10, v18;
	v10 =	vbroadcast v5, $0x1;
	s12 =	ssub.f32 $1.000000000e+00, s12;
	v23 =	vld [tilespmem:s10+$0x1841]  }
0x29c: {  	v26 =	vmul.f32 s11, v11;
	v7 =	vadd.f32 v8, v7;
	v18 =	vmul.f32 v12, v18;
	v12 =	vld [tilespmem:s10+$0x1810]  }
0x29d: {  	v6 =	vadd.f32 v6, v9;
	v25 =	vmul.f32 v14, v10;
	v14 =	vld [tilespmem:s10+$0x1851];
	v24 =	vmul.f32 s12, v13  }
0x29e: {  	v8 =	vadd.f32 v18, v26;
	v26 =	vmul.f32 v16, v10;
	v16 =	vld [tilespmem:s10+$0x1820];
	v11 =	vmul.f32 s12, v15  }
0x29f: {  	v18 =	vld [tilespmem:s10+$0x1861];
	v9 =	vadd.f32 v25, v24;
	v24 =	vmul.f32 s12, v17;
	v25 =	vmul.f32 v19, v10  }
0x2a0: {  	v5 =	vbroadcast v5, $0x2;
	v11 =	vadd.f32 v26, v11;
	v26 =	vmul.f32 s12, v20;
	s12 =	spop (v2sf);
	v19 =	vld [tilespmem:s10+$0x1830]  }
0x2a1: {  	v10 =	vmul.f32 v21, v10;
	s11 =	ssub.f32 $1.000000000e+00, s12;
	v24 =	vadd.f32 v25, v24;
	v25 =	vld [tilespmem:s10+$0x1871]  }
0x2a2: {  	v1 =	vadd.f32 v9, v1;
	v7 =	vadd.f32 v11, v7;
	v17 =	vmul.f32 v23, v5  }
0x2a3: {  	v10 =	vadd.f32 v10, v26;
	v21 =	vmul.f32 v14, v5;
	v26 =	vmul.f32 s11, v22  }
0x2a4: {  	v23 =	vmul.f32 v18, v5;
	v20 =	vmul.f32 s11, v12;
	v6 =	vadd.f32 v24, v6  }
0x2a5: {  	v22 =	vmul.f32 s11, v16;
	v8 =	vadd.f32 v10, v8;
	v9 =	vadd.f32 v17, v26  }
0x2a6: {  	v10 =	vadd.f32 v21, v20;
	v24 =	vmul.f32 s11, v19;
	v5 =	vmul.f32 v25, v5  }
0x2a7: {  	v1 =	vadd.f32 v9, v1;
	v25 =	vadd.f32 v23, v22  }
0x2a8: {  	v7 =	vadd.f32 v10, v7;
	v5 =	vadd.f32 v5, v24  }
0x2a9: {  	v6 =	vadd.f32 v25, v6;
	[tilespmem:s8+$0xFFFFFFE0] =	vst v1  }
0x2aa: {  	[tilespmem:s8+$0xFFFFFFF0] =	vst v7;
	v1 =	vadd.f32 v5, v8  }
0x2ab: {  	[tilespmem:s8+$0x0] =	vst v6  }
0x2ac: {  	[tilespmem:s8+$0x10] =	vst v1  }
0x2ad: {  	v1 =	vld [tilespmem:s5+$0x3];
	_ =	sdelay $0x4  }
0x2ae: {  	(v2sf) =	vpush v1, $0x0;
	_ =	sdelay $0x1  }
0x2af: {  	v5 =	vld [tilespmem:s9+$0x0];
	_ =	sdelay $0x4  }
0x2b0: {  	(v2sf) =	vpush v5, $0x0  }
0x2b1: {  	(v2sf) =	vpush v1, $0x1;
	_ =	sdelay $0x6  }
0x2b2: {  	(v2sf) =	vpush v5, $0x1;
	s11 =	spop (v2sf)  }
0x2b3: {  	(v2sf) =	vpush v1, $0x2;
	v6 =	vld [tilespmem:s11+$0x1800]  }
0x2b4: {  	v1 =	vld [tilespmem:s11+$0x1841]  }
0x2b5: {  	v7 =	vld [tilespmem:s11+$0x1810]  }
0x2b6: {  	v8 =	vld [tilespmem:s11+$0x1851]  }
0x2b7: {  	v26 =	vld [tilespmem:s11+$0x1820]  }
0x2b8: {  	v24 =	vld [tilespmem:s11+$0x1861]  }
0x2b9: {  	s12 =	spop (v2sf);
	v25 =	vld [tilespmem:s11+$0x1830]  }
0x2ba: {  	v12 =	vld [tilespmem:s11+$0x1871];
	(v2sf) =	vpush v5, $0x2;
	s10 =	spop (v2sf)  }
0x2bb: {  	v13 =	vld [tilespmem:s10+$0x1800]  }
0x2bc: {  	v14 =	vld [tilespmem:s10+$0x1841]  }
0x2bd: {  	v15 =	vld [tilespmem:s10+$0x1810]  }
0x2be: {  	v16 =	vld [tilespmem:s10+$0x1851]  }
0x2bf: {  	s11 =	ssub.f32 $1.000000000e+00, s12;
	v17 =	vld [tilespmem:s10+$0x1820]  }
0x2c0: {  	v19 =	vbroadcast v5, $0x0;
	v18 =	vld [tilespmem:s10+$0x1861]  }
0x2c1: {  	v23 =	vbroadcast v5, $0x1;
	s12 =	spop (v2sf);
	v20 =	vld [tilespmem:s10+$0x1830];
	v6 =	vmul.f32 s11, v6  }
0x2c2: {  	v21 =	vld [tilespmem:s10+$0x1871];
	v7 =	vmul.f32 s11, v7;
	v9 =	vmul.f32 s11, v26;
	s10 =	spop (v2sf)  }
0x2c3: {  	v1 =	vmul.f32 v1, v19;
	v8 =	vmul.f32 v8, v19;
	v22 =	vld [tilespmem:s10+$0x1800]  }
0x2c4: {  	s12 =	ssub.f32 $1.000000000e+00, s12;
	v11 =	vmul.f32 s11, v25;
	v10 =	vmul.f32 v24, v19;
	v24 =	vld [tilespmem:s10+$0x1841]  }
0x2c5: {  	v1 =	vadd.f32 v6, v1;
	v6 =	vadd.f32 v8, v7;
	v7 =	vmul.f32 v12, v19;
	v8 =	vld [tilespmem:s10+$0x1810]  }
0x2c6: {  	v9 =	vadd.f32 v10, v9;
	v26 =	vmul.f32 s12, v13;
	v19 =	vmul.f32 v14, v23;
	v13 =	vld [tilespmem:s10+$0x1851]  }
0x2c7: {  	v14 =	vmul.f32 v16, v23;
	v7 =	vadd.f32 v7, v11;
	v11 =	vmul.f32 s12, v15;
	v15 =	vld [tilespmem:s10+$0x1820]  }
0x2c8: {  	v25 =	vmul.f32 s12, v17;
	v10 =	vadd.f32 v19, v26;
	v26 =	vmul.f32 v18, v23;
	v17 =	vld [tilespmem:s10+$0x1861]  }
0x2c9: {  	v23 =	vmul.f32 v21, v23;
	v11 =	vadd.f32 v14, v11;
	v14 =	vmul.f32 s12, v20;
	s12 =	spop (v2sf);
	v19 =	vld [tilespmem:s10+$0x1830]  }
0x2ca: {  	v5 =	vbroadcast v5, $0x2;
	v1 =	vadd.f32 v10, v1;
	v25 =	vadd.f32 v26, v25;
	v26 =	vld [tilespmem:s10+$0x1871];
	s11 =	ssub.f32 $1.000000000e+00, s12  }
0x2cb: {  	v6 =	vadd.f32 v11, v6;
	v16 =	vadd.f32 v23, v14  }
0x2cc: {  	v9 =	vadd.f32 v25, v9;
	v18 =	vmul.f32 s11, v22;
	v20 =	vmul.f32 v24, v5  }
0x2cd: {  	v7 =	vadd.f32 v16, v7;
	v8 =	vmul.f32 s11, v8;
	v21 =	vmul.f32 v13, v5  }
0x2ce: {  	v22 =	vmul.f32 s11, v15;
	v23 =	vmul.f32 v17, v5;
	v10 =	vadd.f32 v20, v18  }
0x2cf: {  	s6 =	sadd.s32 $0x2, s6;
	v5 =	vmul.f32 v26, v5;
	v24 =	vmul.f32 s11, v19;
	v8 =	vadd.f32 v21, v8  }
0x2d0: {  	p1 =	slt.u32 s6, $0xC6;
	v25 =	vadd.f32 v23, v22;
	v1 =	vadd.f32 v10, v1  }
.Ltmp9:
0x2d1: {  	v5 =	vadd.f32 v5, v24;
	v6 =	vadd.f32 v8, v6;
	(pc) =	sbr.rel @p1 .LBB2_21-.Ltmp9, $4  }
0x2d2: {  	s12 =	sor.u32 $0x50, s7;
	v26 =	vadd.f32 v25, v9;
	[tilespmem:s8+$0x20] =	vst v1  }
0x2d3: {  	s11 =	sor.u32 $0x60, s7;
	v1 =	vadd.f32 v5, v7;
	[tilespmem:s12+$0x11C00] =	vst v6  }
0x2d4: {  	s5 =	sadd.s32 $0x6, s5;
	s12 =	sor.u32 $0x70, s7;
	[tilespmem:s11+$0x11C00] =	vst v26  }
0x2d5: {  	s9 =	sadd.s32 $0x6, s9;
	s8 =	sadd.s32 $0x80, s8;
	s7 =	sadd.s32 $0x80, s7;
	[tilespmem:s12+$0x11C00] =	vst v1  }
0x2d6: {  	s5 =	smul.u32 $0x6400, s2;
	_ =	sdelay $0x1  }
0x2d7: {  	s5 =	sadd.s32 s13, s5  }
0x2d8: {  	s5 =	sshrl.u32 s5, $0x3  }
0x2d9: {  	s5 =	sadd.s32 s1, s5  }
0x2da: {  	[hbm4b:s5+s3] =	stream.linear.scatter [tilespmem:s21], [sflag:$0x1], $0x3200, $0x38;
	[tilespmem:$0x18000] =	vst v63  }
0x2db: {  	s5 =	simm.s32 @!p0 $0x1  }
0x2dc: {  	_ =	swait.ge @!p0 [sflag:s5], $0x3200  }
0x2dd: {  	[sflag:s5] =	ssyncset.done @!p0 $0x0  }
0x2de: {  	[sflag:s5] =	ssyncadd.s32 @!p0 $0xFFFFCE00  }
0x2df: {  	v1 =	vld [tilespmem:s30+$0x0];
	_ =	sdelay $0x3  }
0x2e0: {  	s12 =	simm.s32 $0x0  }
0x2e1: {  	v5 =	vmov s12;
	v1 =	vadd.f32 $1.000000000e+00, v1  }
0x2e2: {  	v5 =	vmul.u32 $0x3, v5  }
0x2e3: {  	v1 =	vmul.f32 $1.275000000e+02, v1  }
0x2e4: {  	v5 =	vbroadcast v5, $0x0  }
0x2e5: {  	v6 =	vtrunc.f32 v1  }
0x2e6: {  	v7 =	vadd.s32 v2, v5;
	v6 =	vcvt.f32.s32 v6;
	_ =	sdelay $0x1  }
0x2e7: {  	v8 =	vcvt.s32.f32 v6  }
0x2e8: {  	v6 =	vmul.u32 $0x41, v6  }
0x2e9: {  	s5 =	simm.s32 $0x11700;
	v1 =	vsub.f32 v1, v8  }
0x2ea: {  	[tilespmem:v7+s5+$0x0] =	vst.idx.msk $0xffff, v6  }
0x2eb: {  	[tilespmem:v7+s20+$0x0] =	vst.idx.msk $0xffff, v1  }
0x2ec: {  	v1 =	vld [tilespmem:s31+$0x0];
	_ =	sdelay $0x4  }
0x2ed: {  	v1 =	vadd.f32 $1.000000000e+00, v1;
	_ =	sdelay $0x1  }
0x2ee: {  	v1 =	vmul.f32 $1.275000000e+02, v1;
	_ =	sdelay $0x1  }
0x2ef: {  	v6 =	vtrunc.f32 v1  }
0x2f0: {  	v7 =	vadd.s32 v3, v5;
	v6 =	vcvt.f32.s32 v6;
	_ =	sdelay $0x1  }
0x2f1: {  	v26 =	vcvt.s32.f32 v6;
	v6 =	vmul.u32 $0x41, v6;
	_ =	sdelay $0x1  }
0x2f2: {  	v1 =	vsub.f32 v1, v26;
	v6 =	vadd.s32 $0x4100, v6  }
0x2f3: {  	[tilespmem:v7+s5+$0x0] =	vst.idx.msk $0xffff, v6  }
0x2f4: {  	[tilespmem:v7+s20+$0x0] =	vst.idx.msk $0xffff, v1  }
0x2f5: {  	v1 =	vld [tilespmem:s0+$0x0];
	_ =	sdelay $0x4  }
0x2f6: {  	v1 =	vadd.f32 $1.000000000e+00, v1;
	_ =	sdelay $0x1  }
0x2f7: {  	v1 =	vmul.f32 $1.275000000e+02, v1;
	_ =	sdelay $0x1  }
0x2f8: {  	v6 =	vtrunc.f32 v1  }
0x2f9: {  	v5 =	vadd.s32 v4, v5;
	v6 =	vcvt.f32.s32 v6;
	_ =	sdelay $0x1  }
0x2fa: {  	v7 =	vmul.u32 $0x41, v6;
	v6 =	vcvt.s32.f32 v6;
	_ =	sdelay $0x1  }
0x2fb: {  	s4 =	sor.u32 $0x1, s4;
	s6 =	simm.s32 $0x10;
	v7 =	vadd.s32 $0x8200, v7;
	v1 =	vsub.f32 v1, v6  }
0x2fc: {  	s7 =	smov.u32 s30;
	s8 =	smov.u32 s31;
	s9 =	smov.u32 s0;
	[tilespmem:v5+s5+$0x0] =	vst.idx.msk $0xffff, v7  }
.LBB2_23:
0x2fd: {  	[tilespmem:v5+s20+$0x0] =	vst.idx.msk $0xffff, v1;
	s7 =	sadd.s32 $0x10, s7;
	s8 =	sadd.s32 $0x10, s8;
	s9 =	sadd.s32 $0x10, s9  }
0x2fe: {  	p0 =	sne.s32 s6, $0xC0;
	s10 =	smov.u32 s6;
	s6 =	sadd.s32 $0x10, s6;
	v1 =	vld [tilespmem:s7+$0x0]  }
0x2ff: {  	_ =	sdelay $0x3  }
0x300: {  	v5 =	vmov s10;
	v1 =	vadd.f32 $1.000000000e+00, v1  }
0x301: {  	v5 =	vmul.u32 $0x3, v5  }
0x302: {  	v1 =	vmul.f32 $1.275000000e+02, v1  }
0x303: {  	v5 =	vbroadcast v5, $0x0  }
0x304: {  	v6 =	vtrunc.f32 v1  }
0x305: {  	v7 =	vadd.s32 v2, v5;
	v6 =	vcvt.f32.s32 v6;
	_ =	sdelay $0x1  }
0x306: {  	v8 =	vcvt.s32.f32 v6;
	v6 =	vmul.u32 $0x41, v6;
	_ =	sdelay $0x1  }
0x307: {  	v1 =	vsub.f32 v1, v8  }
0x308: {  	[tilespmem:v7+s5+$0x0] =	vst.idx.msk $0xffff, v6  }
0x309: {  	[tilespmem:v7+s20+$0x0] =	vst.idx.msk $0xffff, v1  }
0x30a: {  	v1 =	vld [tilespmem:s8+$0x0];
	_ =	sdelay $0x4  }
0x30b: {  	v1 =	vadd.f32 $1.000000000e+00, v1;
	_ =	sdelay $0x1  }
0x30c: {  	v1 =	vmul.f32 $1.275000000e+02, v1;
	_ =	sdelay $0x1  }
0x30d: {  	v6 =	vtrunc.f32 v1  }
0x30e: {  	v7 =	vadd.s32 v3, v5;
	v6 =	vcvt.f32.s32 v6;
	_ =	sdelay $0x1  }
0x30f: {  	v8 =	vcvt.s32.f32 v6;
	v6 =	vmul.u32 $0x41, v6;
	_ =	sdelay $0x1  }
0x310: {  	v1 =	vsub.f32 v1, v8;
	v6 =	vadd.s32 $0x4100, v6  }
0x311: {  	[tilespmem:v7+s5+$0x0] =	vst.idx.msk $0xffff, v6  }
0x312: {  	[tilespmem:v7+s20+$0x0] =	vst.idx.msk $0xffff, v1  }
0x313: {  	v1 =	vld [tilespmem:s9+$0x0];
	_ =	sdelay $0x4  }
0x314: {  	v1 =	vadd.f32 $1.000000000e+00, v1;
	_ =	sdelay $0x1  }
0x315: {  	v1 =	vmul.f32 $1.275000000e+02, v1;
	_ =	sdelay $0x1  }
0x316: {  	v6 =	vtrunc.f32 v1  }
0x317: {  	v5 =	vadd.s32 v4, v5;
	v6 =	vcvt.f32.s32 v6  }
.Ltmp10:
0x318: {  	(pc) =	sbr.rel @p0 .LBB2_23-.Ltmp10, $3  }
0x319: {  	v7 =	vcvt.s32.f32 v6;
	v6 =	vmul.u32 $0x41, v6;
	_ =	sdelay $0x1  }
0x31a: {  	v1 =	vsub.f32 v1, v7;
	v6 =	vadd.s32 $0x8200, v6  }
0x31b: {  	[tilespmem:v5+s5+$0x0] =	vst.idx.msk $0xffff, v6  }
0x31c: {  	_ =	sdelay $0x2  }
0x31d: {  	s6 =	simm.s32 $0xFFFFFFFE  }
0x31e: {  	[tilespmem:v5+s20+$0x0] =	vst.idx.msk $0xffff, v1;
	s7 =	simm.s32 $0x40;
	s8 =	simm.s32 $0x14E20;
	s9 =	simm.s32 $0x11983  }
.LBB2_25:
0x31f: {  	v1 =	vld [tilespmem:s5+$0x0];
	_ =	sdelay $0x4  }
0x320: {  	(v2sf) =	vpush v1, $0x0;
	_ =	sdelay $0x1  }
0x321: {  	v5 =	vld [tilespmem:s9+$0xFFFFFFFD];
	_ =	sdelay $0x4  }
0x322: {  	(v2sf) =	vpush v5, $0x0  }
0x323: {  	(v2sf) =	vpush v1, $0x1;
	_ =	sdelay $0x6  }
0x324: {  	s10 =	spop (v2sf);
	(v2sf) =	vpush v5, $0x1  }
0x325: {  	v6 =	vld [tilespmem:s10+$0x1800];
	(v2sf) =	vpush v1, $0x2  }
0x326: {  	v1 =	vld [tilespmem:s10+$0x1841]  }
0x327: {  	v7 =	vld [tilespmem:s10+$0x1810]  }
0x328: {  	v8 =	vld [tilespmem:s10+$0x1851]  }
0x329: {  	v9 =	vld [tilespmem:s10+$0x1820]  }
0x32a: {  	v10 =	vld [tilespmem:s10+$0x1861]  }
0x32b: {  	s11 =	spop (v2sf);
	v11 =	vld [tilespmem:s10+$0x1830]  }
0x32c: {  	v12 =	vld [tilespmem:s10+$0x1871];
	s10 =	spop (v2sf);
	(v2sf) =	vpush v5, $0x2  }
0x32d: {  	v13 =	vld [tilespmem:s10+$0x1800]  }
0x32e: {  	v14 =	vld [tilespmem:s10+$0x1841]  }
0x32f: {  	v15 =	vld [tilespmem:s10+$0x1810]  }
0x330: {  	v16 =	vld [tilespmem:s10+$0x1851]  }
0x331: {  	s11 =	ssub.f32 $1.000000000e+00, s11;
	v17 =	vld [tilespmem:s10+$0x1820]  }
0x332: {  	v18 =	vbroadcast v5, $0x0;
	v19 =	vld [tilespmem:s10+$0x1861]  }
0x333: {  	v20 =	vld [tilespmem:s10+$0x1830];
	v6 =	vmul.f32 s11, v6;
	s12 =	spop (v2sf)  }
0x334: {  	v21 =	vld [tilespmem:s10+$0x1871];
	v1 =	vmul.f32 v1, v18;
	v7 =	vmul.f32 s11, v7;
	s10 =	spop (v2sf)  }
0x335: {  	v8 =	vmul.f32 v8, v18;
	v9 =	vmul.f32 s11, v9;
	v22 =	vld [tilespmem:s10+$0x1800]  }
0x336: {  	v1 =	vadd.f32 v6, v1;
	v6 =	vmul.f32 v10, v18;
	v10 =	vbroadcast v5, $0x1;
	s12 =	ssub.f32 $1.000000000e+00, s12;
	v23 =	vld [tilespmem:s10+$0x1841]  }
0x337: {  	v26 =	vmul.f32 s11, v11;
	v7 =	vadd.f32 v8, v7;
	v18 =	vmul.f32 v12, v18;
	v12 =	vld [tilespmem:s10+$0x1810]  }
0x338: {  	v6 =	vadd.f32 v6, v9;
	v25 =	vmul.f32 v14, v10;
	v14 =	vld [tilespmem:s10+$0x1851];
	v24 =	vmul.f32 s12, v13  }
0x339: {  	v8 =	vadd.f32 v18, v26;
	v26 =	vmul.f32 v16, v10;
	v16 =	vld [tilespmem:s10+$0x1820];
	v11 =	vmul.f32 s12, v15  }
0x33a: {  	v18 =	vld [tilespmem:s10+$0x1861];
	v9 =	vadd.f32 v25, v24;
	v24 =	vmul.f32 s12, v17;
	v25 =	vmul.f32 v19, v10  }
0x33b: {  	v5 =	vbroadcast v5, $0x2;
	v11 =	vadd.f32 v26, v11;
	v26 =	vmul.f32 s12, v20;
	s12 =	spop (v2sf);
	v19 =	vld [tilespmem:s10+$0x1830]  }
0x33c: {  	v10 =	vmul.f32 v21, v10;
	s11 =	ssub.f32 $1.000000000e+00, s12;
	v24 =	vadd.f32 v25, v24;
	v25 =	vld [tilespmem:s10+$0x1871]  }
0x33d: {  	v1 =	vadd.f32 v9, v1;
	v7 =	vadd.f32 v11, v7;
	v17 =	vmul.f32 v23, v5  }
0x33e: {  	v10 =	vadd.f32 v10, v26;
	v21 =	vmul.f32 v14, v5;
	v26 =	vmul.f32 s11, v22  }
0x33f: {  	v23 =	vmul.f32 v18, v5;
	v20 =	vmul.f32 s11, v12;
	v6 =	vadd.f32 v24, v6  }
0x340: {  	v22 =	vmul.f32 s11, v16;
	v8 =	vadd.f32 v10, v8;
	v9 =	vadd.f32 v17, v26  }
0x341: {  	v10 =	vadd.f32 v21, v20;
	v24 =	vmul.f32 s11, v19;
	v5 =	vmul.f32 v25, v5  }
0x342: {  	v1 =	vadd.f32 v9, v1;
	v25 =	vadd.f32 v23, v22  }
0x343: {  	v7 =	vadd.f32 v10, v7;
	v5 =	vadd.f32 v5, v24  }
0x344: {  	v6 =	vadd.f32 v25, v6;
	[tilespmem:s8+$0xFFFFFFE0] =	vst v1  }
0x345: {  	[tilespmem:s8+$0xFFFFFFF0] =	vst v7;
	v1 =	vadd.f32 v5, v8  }
0x346: {  	[tilespmem:s8+$0x0] =	vst v6  }
0x347: {  	[tilespmem:s8+$0x10] =	vst v1  }
0x348: {  	v1 =	vld [tilespmem:s5+$0x3];
	_ =	sdelay $0x4  }
0x349: {  	(v2sf) =	vpush v1, $0x0;
	_ =	sdelay $0x1  }
0x34a: {  	v5 =	vld [tilespmem:s9+$0x0];
	_ =	sdelay $0x4  }
0x34b: {  	(v2sf) =	vpush v5, $0x0  }
0x34c: {  	(v2sf) =	vpush v1, $0x1;
	_ =	sdelay $0x6  }
0x34d: {  	(v2sf) =	vpush v5, $0x1;
	s11 =	spop (v2sf)  }
0x34e: {  	(v2sf) =	vpush v1, $0x2;
	v6 =	vld [tilespmem:s11+$0x1800]  }
0x34f: {  	v1 =	vld [tilespmem:s11+$0x1841]  }
0x350: {  	v7 =	vld [tilespmem:s11+$0x1810]  }
0x351: {  	v8 =	vld [tilespmem:s11+$0x1851]  }
0x352: {  	v26 =	vld [tilespmem:s11+$0x1820]  }
0x353: {  	v24 =	vld [tilespmem:s11+$0x1861]  }
0x354: {  	s12 =	spop (v2sf);
	v25 =	vld [tilespmem:s11+$0x1830]  }
0x355: {  	v12 =	vld [tilespmem:s11+$0x1871];
	(v2sf) =	vpush v5, $0x2;
	s10 =	spop (v2sf)  }
0x356: {  	v13 =	vld [tilespmem:s10+$0x1800]  }
0x357: {  	v14 =	vld [tilespmem:s10+$0x1841]  }
0x358: {  	v15 =	vld [tilespmem:s10+$0x1810]  }
0x359: {  	v16 =	vld [tilespmem:s10+$0x1851]  }
0x35a: {  	s11 =	ssub.f32 $1.000000000e+00, s12;
	v17 =	vld [tilespmem:s10+$0x1820]  }
0x35b: {  	v19 =	vbroadcast v5, $0x0;
	v18 =	vld [tilespmem:s10+$0x1861]  }
0x35c: {  	v23 =	vbroadcast v5, $0x1;
	s12 =	spop (v2sf);
	v20 =	vld [tilespmem:s10+$0x1830];
	v6 =	vmul.f32 s11, v6  }
0x35d: {  	v21 =	vld [tilespmem:s10+$0x1871];
	v7 =	vmul.f32 s11, v7;
	v9 =	vmul.f32 s11, v26;
	s10 =	spop (v2sf)  }
0x35e: {  	v1 =	vmul.f32 v1, v19;
	v8 =	vmul.f32 v8, v19;
	v22 =	vld [tilespmem:s10+$0x1800]  }
0x35f: {  	s12 =	ssub.f32 $1.000000000e+00, s12;
	v11 =	vmul.f32 s11, v25;
	v10 =	vmul.f32 v24, v19;
	v24 =	vld [tilespmem:s10+$0x1841]  }
0x360: {  	v1 =	vadd.f32 v6, v1;
	v6 =	vadd.f32 v8, v7;
	v7 =	vmul.f32 v12, v19;
	v8 =	vld [tilespmem:s10+$0x1810]  }
0x361: {  	v9 =	vadd.f32 v10, v9;
	v26 =	vmul.f32 s12, v13;
	v19 =	vmul.f32 v14, v23;
	v13 =	vld [tilespmem:s10+$0x1851]  }
0x362: {  	v14 =	vmul.f32 v16, v23;
	v7 =	vadd.f32 v7, v11;
	v11 =	vmul.f32 s12, v15;
	v15 =	vld [tilespmem:s10+$0x1820]  }
0x363: {  	v25 =	vmul.f32 s12, v17;
	v10 =	vadd.f32 v19, v26;
	v26 =	vmul.f32 v18, v23;
	v17 =	vld [tilespmem:s10+$0x1861]  }
0x364: {  	v23 =	vmul.f32 v21, v23;
	v11 =	vadd.f32 v14, v11;
	v14 =	vmul.f32 s12, v20;
	s12 =	spop (v2sf);
	v19 =	vld [tilespmem:s10+$0x1830]  }
0x365: {  	v5 =	vbroadcast v5, $0x2;
	v1 =	vadd.f32 v10, v1;
	v25 =	vadd.f32 v26, v25;
	v26 =	vld [tilespmem:s10+$0x1871];
	s11 =	ssub.f32 $1.000000000e+00, s12  }
0x366: {  	v6 =	vadd.f32 v11, v6;
	v16 =	vadd.f32 v23, v14  }
0x367: {  	v9 =	vadd.f32 v25, v9;
	v18 =	vmul.f32 s11, v22;
	v20 =	vmul.f32 v24, v5  }
0x368: {  	v7 =	vadd.f32 v16, v7;
	v8 =	vmul.f32 s11, v8;
	v21 =	vmul.f32 v13, v5  }
0x369: {  	v22 =	vmul.f32 s11, v15;
	v23 =	vmul.f32 v17, v5;
	v10 =	vadd.f32 v20, v18  }
0x36a: {  	s6 =	sadd.s32 $0x2, s6;
	v5 =	vmul.f32 v26, v5;
	v24 =	vmul.f32 s11, v19;
	v8 =	vadd.f32 v21, v8  }
0x36b: {  	p0 =	slt.u32 s6, $0xC6;
	v25 =	vadd.f32 v23, v22;
	v1 =	vadd.f32 v10, v1  }
.Ltmp11:
0x36c: {  	v5 =	vadd.f32 v5, v24;
	v6 =	vadd.f32 v8, v6;
	(pc) =	sbr.rel @p0 .LBB2_25-.Ltmp11, $4  }
0x36d: {  	s12 =	sor.u32 $0x50, s7;
	v26 =	vadd.f32 v25, v9;
	[tilespmem:s8+$0x20] =	vst v1  }
0x36e: {  	s11 =	sor.u32 $0x60, s7;
	v1 =	vadd.f32 v5, v7;
	[tilespmem:s12+$0x14E00] =	vst v6  }
0x36f: {  	s5 =	sadd.s32 $0x6, s5;
	s12 =	sor.u32 $0x70, s7;
	[tilespmem:s11+$0x14E00] =	vst v26  }
0x370: {  	s9 =	sadd.s32 $0x6, s9;
	s8 =	sadd.s32 $0x80, s8;
	s7 =	sadd.s32 $0x80, s7;
	[tilespmem:s12+$0x14E00] =	vst v1  }
0x371: {  	s2 =	sadd.s32 $0x1, s2  }
0x372: {  	s4 =	smul.u32 $0x3200, s4;
	p0 =	sne.s32 s2, $0xC  }
.Ltmp12:
0x373: {  	_ = 	snop;
	(pc) =	sbr.rel @p0 .LBB2_18-.Ltmp12, $4  }
0x374: {  	s26 =	sadd.s32 $0x190, s26;
	s28 =	sadd.s32 $0x190, s28;
	s4 =	sadd.s32 s13, s4  }
0x375: {  	s29 =	sadd.s32 $0x190, s29;
	s30 =	sadd.s32 $0x190, s30;
	s4 =	sshrl.u32 s4, $0x3  }
0x376: {  	s31 =	sadd.s32 $0x190, s31;
	s0 =	sadd.s32 $0x190, s0;
	s4 =	sadd.s32 s1, s4  }
0x377: {  	[hbm4b:s4+s3] =	stream.linear.scatter [tilespmem:s22], [sflag:$0x1], $0x3200, $0x38;
	[tilespmem:$0x18000] =	vst v63  }
0x378: {  	_ =	swait.ge [sflag:s23], $0x3200  }
0x379: {  	[sflag:s23] =	ssyncset.done $0x0  }
0x37a: {  	s2 =	simm.s32 $0xEDC0;
	[sflag:s23] =	ssyncadd.s32 $0xFFFFCE00  }
0x37b: {  	v1 =	vld [tilespmem:s2+$0x0];
	_ =	sdelay $0x3  }
0x37c: {  	s0 =	simm.s32 $0x0  }
0x37d: {  	v5 =	vmov s0;
	v1 =	vadd.f32 $1.000000000e+00, v1  }
0x37e: {  	v5 =	vmul.u32 $0x3, v5  }
0x37f: {  	v1 =	vmul.f32 $1.275000000e+02, v1  }
0x380: {  	v5 =	vbroadcast v5, $0x0  }
0x381: {  	v6 =	vtrunc.f32 v1  }
0x382: {  	v7 =	vadd.s32 v2, v5;
	v6 =	vcvt.f32.s32 v6;
	_ =	sdelay $0x1  }
0x383: {  	v8 =	vcvt.s32.f32 v6  }
0x384: {  	v6 =	vmul.u32 $0x41, v6  }
0x385: {  	s0 =	simm.s32 $0x11700;
	v1 =	vsub.f32 v1, v8  }
0x386: {  	[tilespmem:v7+s0+$0x0] =	vst.idx.msk $0xffff, v6  }
0x387: {  	s4 =	simm.s32 $0x101C0;
	[tilespmem:v7+s20+$0x0] =	vst.idx.msk $0xffff, v1  }
0x388: {  	v1 =	vld [tilespmem:s4+$0x0];
	_ =	sdelay $0x4  }
0x389: {  	v1 =	vadd.f32 $1.000000000e+00, v1;
	_ =	sdelay $0x1  }
0x38a: {  	v1 =	vmul.f32 $1.275000000e+02, v1;
	_ =	sdelay $0x1  }
0x38b: {  	v6 =	vtrunc.f32 v1  }
0x38c: {  	v7 =	vadd.s32 v3, v5;
	v6 =	vcvt.f32.s32 v6;
	_ =	sdelay $0x1  }
0x38d: {  	v26 =	vcvt.s32.f32 v6;
	v6 =	vmul.u32 $0x41, v6;
	_ =	sdelay $0x1  }
0x38e: {  	v1 =	vsub.f32 v1, v26;
	v6 =	vadd.s32 $0x4100, v6  }
0x38f: {  	[tilespmem:v7+s0+$0x0] =	vst.idx.msk $0xffff, v6  }
0x390: {  	s5 =	simm.s32 $0x115C0;
	[tilespmem:v7+s20+$0x0] =	vst.idx.msk $0xffff, v1  }
0x391: {  	v1 =	vld [tilespmem:s5+$0x0];
	_ =	sdelay $0x4  }
0x392: {  	v1 =	vadd.f32 $1.000000000e+00, v1;
	_ =	sdelay $0x1  }
0x393: {  	v1 =	vmul.f32 $1.275000000e+02, v1;
	_ =	sdelay $0x1  }
0x394: {  	v6 =	vtrunc.f32 v1  }
0x395: {  	v5 =	vadd.s32 v4, v5;
	v6 =	vcvt.f32.s32 v6;
	_ =	sdelay $0x1  }
0x396: {  	v7 =	vmul.u32 $0x41, v6;
	v6 =	vcvt.s32.f32 v6;
	_ =	sdelay $0x1  }
0x397: {  	v7 =	vadd.s32 $0x8200, v7;
	v1 =	vsub.f32 v1, v6  }
0x398: {  	s6 =	simm.s32 $0x10;
	[tilespmem:v5+s0+$0x0] =	vst.idx.msk $0xffff, v7  }
.LBB2_28:
0x399: {  	[tilespmem:v5+s20+$0x0] =	vst.idx.msk $0xffff, v1;
	s2 =	sadd.s32 $0x10, s2;
	s4 =	sadd.s32 $0x10, s4;
	s5 =	sadd.s32 $0x10, s5  }
0x39a: {  	p0 =	sne.s32 s6, $0xC0;
	s7 =	smov.u32 s6;
	s6 =	sadd.s32 $0x10, s6;
	v1 =	vld [tilespmem:s2+$0x0]  }
0x39b: {  	_ =	sdelay $0x3  }
0x39c: {  	v5 =	vmov s7;
	v1 =	vadd.f32 $1.000000000e+00, v1  }
0x39d: {  	v5 =	vmul.u32 $0x3, v5  }
0x39e: {  	v1 =	vmul.f32 $1.275000000e+02, v1  }
0x39f: {  	v5 =	vbroadcast v5, $0x0  }
0x3a0: {  	v6 =	vtrunc.f32 v1  }
0x3a1: {  	v7 =	vadd.s32 v2, v5;
	v6 =	vcvt.f32.s32 v6;
	_ =	sdelay $0x1  }
0x3a2: {  	v8 =	vcvt.s32.f32 v6;
	v6 =	vmul.u32 $0x41, v6;
	_ =	sdelay $0x1  }
0x3a3: {  	v1 =	vsub.f32 v1, v8  }
0x3a4: {  	[tilespmem:v7+s0+$0x0] =	vst.idx.msk $0xffff, v6  }
0x3a5: {  	[tilespmem:v7+s20+$0x0] =	vst.idx.msk $0xffff, v1  }
0x3a6: {  	v1 =	vld [tilespmem:s4+$0x0];
	_ =	sdelay $0x4  }
0x3a7: {  	v1 =	vadd.f32 $1.000000000e+00, v1;
	_ =	sdelay $0x1  }
0x3a8: {  	v1 =	vmul.f32 $1.275000000e+02, v1;
	_ =	sdelay $0x1  }
0x3a9: {  	v6 =	vtrunc.f32 v1  }
0x3aa: {  	v7 =	vadd.s32 v3, v5;
	v6 =	vcvt.f32.s32 v6;
	_ =	sdelay $0x1  }
0x3ab: {  	v8 =	vcvt.s32.f32 v6;
	v6 =	vmul.u32 $0x41, v6;
	_ =	sdelay $0x1  }
0x3ac: {  	v1 =	vsub.f32 v1, v8;
	v6 =	vadd.s32 $0x4100, v6  }
0x3ad: {  	[tilespmem:v7+s0+$0x0] =	vst.idx.msk $0xffff, v6  }
0x3ae: {  	[tilespmem:v7+s20+$0x0] =	vst.idx.msk $0xffff, v1  }
0x3af: {  	v1 =	vld [tilespmem:s5+$0x0];
	_ =	sdelay $0x4  }
0x3b0: {  	v1 =	vadd.f32 $1.000000000e+00, v1;
	_ =	sdelay $0x1  }
0x3b1: {  	v1 =	vmul.f32 $1.275000000e+02, v1;
	_ =	sdelay $0x1  }
0x3b2: {  	v6 =	vtrunc.f32 v1  }
0x3b3: {  	v5 =	vadd.s32 v4, v5;
	v6 =	vcvt.f32.s32 v6  }
.Ltmp13:
0x3b4: {  	(pc) =	sbr.rel @p0 .LBB2_28-.Ltmp13, $3  }
0x3b5: {  	v7 =	vcvt.s32.f32 v6;
	v6 =	vmul.u32 $0x41, v6;
	_ =	sdelay $0x1  }
0x3b6: {  	v1 =	vsub.f32 v1, v7;
	v6 =	vadd.s32 $0x8200, v6  }
0x3b7: {  	[tilespmem:v5+s0+$0x0] =	vst.idx.msk $0xffff, v6  }
0x3b8: {  	_ =	sdelay $0x1  }
0x3b9: {  	v22 =	vld [tilespmem:$0x1FFA0]  }
0x3ba: {  	s2 =	simm.s32 $0xFFFFFFFE;
	v23 =	vld [tilespmem:$0x1FFB0]  }
0x3bb: {  	[tilespmem:v5+s20+$0x0] =	vst.idx.msk $0xffff, v1;
	s4 =	simm.s32 $0x40;
	s5 =	simm.s32 $0x11C20;
	s6 =	simm.s32 $0x11983;
	v24 =	vld [tilespmem:$0x1FFC0]  }
.LBB2_30:
0x3bc: {  	v1 =	vld [tilespmem:s0+$0x0];
	_ =	sdelay $0x4  }
0x3bd: {  	(v2sf) =	vpush v1, $0x0  }
0x3be: {  	v2 =	vld [tilespmem:s6+$0xFFFFFFFD];
	_ =	sdelay $0x4  }
0x3bf: {  	(v2sf) =	vpush v2, $0x0  }
0x3c0: {  	(v2sf) =	vpush v1, $0x1;
	_ =	sdelay $0x7  }
0x3c1: {  	s7 =	spop (v2sf);
	(v2sf) =	vpush v2, $0x1  }
0x3c2: {  	v3 =	vld [tilespmem:s7+$0x1800];
	(v2sf) =	vpush v1, $0x2  }
0x3c3: {  	v1 =	vld [tilespmem:s7+$0x1841]  }
0x3c4: {  	v4 =	vld [tilespmem:s7+$0x1810]  }
0x3c5: {  	v5 =	vld [tilespmem:s7+$0x1851]  }
0x3c6: {  	v6 =	vld [tilespmem:s7+$0x1820]  }
0x3c7: {  	v7 =	vld [tilespmem:s7+$0x1861];
	s8 =	spop (v2sf)  }
0x3c8: {  	v8 =	vld [tilespmem:s7+$0x1830];
	s29 =	spop (v2sf);
	(v2sf) =	vpush v2, $0x2  }
0x3c9: {  	v9 =	vld [tilespmem:s7+$0x1871]  }
0x3ca: {  	v10 =	vld [tilespmem:s29+$0x1800]  }
0x3cb: {  	v11 =	vld [tilespmem:s29+$0x1841]  }
0x3cc: {  	v12 =	vld [tilespmem:s29+$0x1810]  }
0x3cd: {  	s8 =	ssub.f32 $1.000000000e+00, s8;
	v13 =	vld [tilespmem:s29+$0x1851]  }
0x3ce: {  	v15 =	vbroadcast v2, $0x0;
	v14 =	vld [tilespmem:s29+$0x1820]  }
0x3cf: {  	v16 =	vld [tilespmem:s29+$0x1861];
	v3 =	vmul.f32 s8, v3  }
0x3d0: {  	v17 =	vld [tilespmem:s29+$0x1830];
	v1 =	vmul.f32 v1, v15;
	v4 =	vmul.f32 s8, v4;
	s9 =	spop (v2sf)  }
0x3d1: {  	v18 =	vld [tilespmem:s29+$0x1871];
	v5 =	vmul.f32 v5, v15;
	v6 =	vmul.f32 s8, v6;
	s30 =	spop (v2sf)  }
0x3d2: {  	v1 =	vadd.f32 v3, v1;
	v3 =	vmul.f32 v7, v15;
	v7 =	vbroadcast v2, $0x1;
	v19 =	vld [tilespmem:s30+$0x1800]  }
0x3d3: {  	v4 =	vadd.f32 v5, v4;
	v5 =	vmul.f32 s8, v8;
	v15 =	vmul.f32 v9, v15;
	s9 =	ssub.f32 $1.000000000e+00, s9;
	v20 =	vld [tilespmem:s30+$0x1841]  }
0x3d4: {  	v3 =	vadd.f32 v3, v6;
	v9 =	vld [tilespmem:s30+$0x1810]  }
0x3d5: {  	v5 =	vadd.f32 v15, v5;
	v15 =	vld [tilespmem:s30+$0x1861];
	v6 =	vmul.f32 s9, v10;
	v10 =	vmul.f32 v11, v7  }
0x3d6: {  	v11 =	vld [tilespmem:s30+$0x1851];
	v8 =	vmul.f32 s9, v12;
	v12 =	vmul.f32 v13, v7  }
0x3d7: {  	s31 =	spop (v2sf);
	v13 =	vld [tilespmem:s30+$0x1820];
	v6 =	vadd.f32 v10, v6;
	v10 =	vmul.f32 s9, v14;
	v14 =	vmul.f32 v16, v7  }
0x3d8: {  	v2 =	vbroadcast v2, $0x2;
	s8 =	ssub.f32 $1.000000000e+00, s31;
	v8 =	vadd.f32 v12, v8;
	v16 =	vld [tilespmem:s30+$0x1830]  }
0x3d9: {  	v12 =	vmul.f32 s9, v17;
	v7 =	vmul.f32 v18, v7;
	v18 =	vadd.f32 v14, v10;
	v10 =	vld [tilespmem:s30+$0x1871]  }
0x3da: {  	v1 =	vadd.f32 v6, v1;
	v4 =	vadd.f32 v8, v4;
	v14 =	vmul.f32 s8, v19  }
0x3db: {  	v7 =	vadd.f32 v7, v12;
	v17 =	vmul.f32 v20, v2;
	v19 =	vmul.f32 v11, v2  }
0x3dc: {  	v12 =	vmul.f32 s8, v13;
	v13 =	vmul.f32 v15, v2;
	v3 =	vadd.f32 v18, v3  }
0x3dd: {  	v5 =	vadd.f32 v7, v5;
	v18 =	vmul.f32 s8, v9;
	v6 =	vadd.f32 v17, v14  }
0x3de: {  	v14 =	vmul.f32 s8, v16;
	v15 =	vadd.f32 v13, v12;
	v2 =	vmul.f32 v10, v2  }
0x3df: {  	v7 =	vadd.f32 v19, v18;
	v1 =	vadd.f32 v6, v1  }
0x3e0: {  	v3 =	vadd.f32 v15, v3;
	v2 =	vadd.f32 v2, v14  }
0x3e1: {  	v4 =	vadd.f32 v7, v4;
	[tilespmem:s5+$0xFFFFFFE0] =	vst v1  }
0x3e2: {  	[tilespmem:s5+$0x0] =	vst v3;
	v1 =	vadd.f32 v2, v5  }
0x3e3: {  	[tilespmem:s5+$0xFFFFFFF0] =	vst v4  }
0x3e4: {  	[tilespmem:s5+$0x10] =	vst v1  }
0x3e5: {  	v1 =	vld [tilespmem:s0+$0x3];
	_ =	sdelay $0x4  }
0x3e6: {  	(v2sf) =	vpush v1, $0x0;
	_ =	sdelay $0x1  }
0x3e7: {  	v2 =	vld [tilespmem:s6+$0x0];
	_ =	sdelay $0x4  }
0x3e8: {  	(v2sf) =	vpush v2, $0x0  }
0x3e9: {  	(v2sf) =	vpush v1, $0x1;
	_ =	sdelay $0x6  }
0x3ea: {  	(v2sf) =	vpush v2, $0x1;
	s8 =	spop (v2sf)  }
0x3eb: {  	(v2sf) =	vpush v1, $0x2;
	v3 =	vld [tilespmem:s8+$0x1800]  }
0x3ec: {  	v1 =	vld [tilespmem:s8+$0x1841]  }
0x3ed: {  	v4 =	vld [tilespmem:s8+$0x1810]  }
0x3ee: {  	v5 =	vld [tilespmem:s8+$0x1851]  }
0x3ef: {  	v6 =	vld [tilespmem:s8+$0x1820]  }
0x3f0: {  	v7 =	vld [tilespmem:s8+$0x1861]  }
0x3f1: {  	s9 =	spop (v2sf);
	v8 =	vld [tilespmem:s8+$0x1830]  }
0x3f2: {  	v9 =	vld [tilespmem:s8+$0x1871];
	(v2sf) =	vpush v2, $0x2;
	s10 =	spop (v2sf)  }
0x3f3: {  	v10 =	vld [tilespmem:s10+$0x1800]  }
0x3f4: {  	v11 =	vld [tilespmem:s10+$0x1841]  }
0x3f5: {  	v12 =	vld [tilespmem:s10+$0x1810]  }
0x3f6: {  	s8 =	ssub.f32 $1.000000000e+00, s9;
	v13 =	vld [tilespmem:s10+$0x1851]  }
0x3f7: {  	v16 =	vbroadcast v2, $0x0;
	v14 =	vld [tilespmem:s10+$0x1820]  }
0x3f8: {  	v20 =	vbroadcast v2, $0x1;
	v15 =	vld [tilespmem:s10+$0x1861];
	v3 =	vmul.f32 s8, v3  }
0x3f9: {  	s11 =	spop (v2sf);
	v17 =	vld [tilespmem:s10+$0x1830];
	v4 =	vmul.f32 s8, v4;
	v6 =	vmul.f32 s8, v6  }
0x3fa: {  	v18 =	vld [tilespmem:s10+$0x1871];
	v1 =	vmul.f32 v1, v16;
	v5 =	vmul.f32 v5, v16;
	s12 =	spop (v2sf)  }
0x3fb: {  	s26 =	ssub.f32 $1.000000000e+00, s11;
	v8 =	vmul.f32 s8, v8;
	v7 =	vmul.f32 v7, v16;
	v19 =	vld [tilespmem:s12+$0x1800]  }
0x3fc: {  	v16 =	vmul.f32 v9, v16;
	v1 =	vadd.f32 v3, v1;
	v3 =	vadd.f32 v5, v4;
	v21 =	vld [tilespmem:s12+$0x1841]  }
0x3fd: {  	v6 =	vadd.f32 v7, v6;
	v7 =	vmul.f32 s26, v10;
	v9 =	vmul.f32 v11, v20;
	v5 =	vld [tilespmem:s12+$0x1810]  }
0x3fe: {  	v4 =	vadd.f32 v16, v8;
	v8 =	vmul.f32 s26, v12;
	v16 =	vmul.f32 v13, v20;
	v10 =	vld [tilespmem:s12+$0x1851]  }
0x3ff: {  	v13 =	vmul.f32 v15, v20;
	v11 =	vmul.f32 s26, v17;
	v12 =	vld [tilespmem:s12+$0x1820]  }
0x400: {  	v15 =	vmul.f32 v18, v20;
	v7 =	vadd.f32 v9, v7;
	v9 =	vmul.f32 s26, v14;
	v14 =	vld [tilespmem:s12+$0x1861]  }
0x401: {  	v8 =	vadd.f32 v16, v8;
	s28 =	spop (v2sf);
	v16 =	vld [tilespmem:s12+$0x1830]  }
0x402: {  	v2 =	vbroadcast v2, $0x2;
	v15 =	vadd.f32 v15, v11;
	v13 =	vadd.f32 v13, v9;
	v9 =	vld [tilespmem:s12+$0x1871];
	s8 =	ssub.f32 $1.000000000e+00, s28  }
0x403: {  	v1 =	vadd.f32 v7, v1;
	v3 =	vadd.f32 v8, v3  }
0x404: {  	v4 =	vadd.f32 v15, v4;
	v17 =	vmul.f32 s8, v19;
	v18 =	vmul.f32 v21, v2  }
0x405: {  	v6 =	vadd.f32 v13, v6;
	v5 =	vmul.f32 s8, v5;
	v19 =	vmul.f32 v10, v2  }
0x406: {  	v13 =	vmul.f32 s8, v12;
	v15 =	vmul.f32 v14, v2;
	v7 =	vadd.f32 v18, v17  }
0x407: {  	s2 =	sadd.s32 $0x2, s2;
	v2 =	vmul.f32 v9, v2;
	v5 =	vadd.f32 v19, v5;
	v17 =	vmul.f32 s8, v16  }
0x408: {  	p0 =	slt.u32 s2, $0xC6;
	v18 =	vadd.f32 v15, v13;
	v1 =	vadd.f32 v7, v1  }
.Ltmp14:
0x409: {  	v3 =	vadd.f32 v5, v3;
	v2 =	vadd.f32 v2, v17;
	(pc) =	sbr.rel @p0 .LBB2_30-.Ltmp14, $4  }
0x40a: {  	s29 =	sor.u32 $0x50, s4;
	v19 =	vadd.f32 v18, v6;
	[tilespmem:s5+$0x20] =	vst v1  }
0x40b: {  	s30 =	sor.u32 $0x60, s4;
	v1 =	vadd.f32 v2, v4;
	[tilespmem:s29+$0x11C00] =	vst v3  }
0x40c: {  	s31 =	sor.u32 $0x70, s4;
	s4 =	sadd.s32 $0x80, s4;
	[tilespmem:s30+$0x11C00] =	vst v19  }
0x40d: {  	s0 =	sadd.s32 $0x6, s0;
	s6 =	sadd.s32 $0x6, s6;
	s5 =	sadd.s32 $0x80, s5;
	[tilespmem:s31+$0x11C00] =	vst v1  }
0x40e: {  	[hbm4b:s16+s3] =	stream.linear.scatter [tilespmem:s21], [sflag:$0x1], $0x3200, $0x38;
	[tilespmem:$0x18000] =	vst v63  }
0x40f: {  	_ =	swait.ge [sflag:s23], $0x3200  }
0x410: {  	[sflag:s23] =	ssyncset.done $0x0  }
0x411: {  	[sflag:s23] =	ssyncadd.s32 $0xFFFFCE00  }
0x412: {  	_ =	swait.ge [sflag:s23], $0x3200  }
0x413: {  	v4 =	vld [tilespmem:$0x1FE80]  }
0x414: {  	v5 =	vld [tilespmem:$0x1FE90]  }
0x415: {  	v6 =	vld [tilespmem:$0x1FEA0]  }
0x416: {  	v7 =	vld [tilespmem:$0x1FEB0]  }
0x417: {  	v8 =	vld [tilespmem:$0x1FEC0]  }
0x418: {  	v9 =	vld [tilespmem:$0x1FED0]  }
0x419: {  	v10 =	vld [tilespmem:$0x1FEE0]  }
0x41a: {  	v11 =	vld [tilespmem:$0x1FEF0]  }
0x41b: {  	v12 =	vld [tilespmem:$0x1FF00]  }
0x41c: {  	v13 =	vld [tilespmem:$0x1FF10]  }
0x41d: {  	v14 =	vld [tilespmem:$0x1FF20]  }
0x41e: {  	s24 =	sadd.s32 $0x1, s24;
	v15 =	vld [tilespmem:$0x1FF30]  }
0x41f: {  	p0 =	sne.s32 s24, s17;
	v16 =	vld [tilespmem:$0x1FF40]  }
.Ltmp15:
0x420: {  	v17 =	vld [tilespmem:$0x1FF50];
	(pc) =	sbr.rel @p0 .LBB2_1-.Ltmp15, $4  }
0x421: {  	v18 =	vld [tilespmem:$0x1FF60]  }
0x422: {  	v19 =	vld [tilespmem:$0x1FF70]  }
0x423: {  	[sflag:s23] =	ssyncset.done $0x0;
	v20 =	vld [tilespmem:$0x1FF80]  }
0x424: {  	v21 =	vld [tilespmem:$0x1FF90];
	[sflag:s23] =	ssyncadd.s32 $0xFFFFCE00  }
0x425: {  	_ =	sfence.sel $0x180000  }
0x426: {  	[bflag:$0x0] =	sbarrier.arrive $0xFFFF  }
0x427: {  	_ =	strace $0x90000047  }
0x428: {  	s0 =	stileid.u32;
	[bflag:$0x2] =	sbarrier.arrive $0xFFFF  }
0x429: {  	p0 =	sne.s32 s0, $0x0;
	s0 =	rddreg [dreg:$0x2]  }
0x42a: {  	s0 =	sadd.s32 @!p0 $0x100000, s0  }
0x42b: {  	[sflag:s0] =	ssyncadd.tile.s32 @!p0 $0x1;
	_ =	shalt  }
.Lfunc_end2:
_tile_overlayer_lowered:
.L_overlay_start_2:
0x42c: {  	(tag) =	ssettag $0x2  }
0x42d: {  	s0 =	rddreg [dreg:$0x0];
	s2 =	stileid.u32  }
0x42e: {  	s1 =	rddreg [dreg:$0x1];
	p0 =	sne.s32 s2, $0x0  }
0x42f: {  	s3 =	rddreg [dreg:$0x2];
	[bflag:$0x3] =	sbarrier.arrive $0xFFFF;
	s2 =	simm.s32 @!p0 $0x1C02  }
0x430: {  	[timem:s3], [sflag:s2] =	dma.local @!p0 [hbm:s0], s1  }
0x431: {  	s0 =	simm.s32 @!p0 $0x2  }
0x432: {  	_ =	swait.ge @!p0 [sflag:s0], s1  }
0x433: {  	s1 =	ssub.s32 @!p0 $0x0, s1;
	[sflag:s0] =	ssyncset.done @!p0 $0x0  }
0x434: {  	[sflag:s0] =	ssyncadd.s32 @!p0 s1  }
0x435: {  	[bflag:$0x3] =	sbarrier.arrive $0xFFFF  }
0x436: {  	_ =	shalt  }

// kernel: sparse-core-data-format-call.cloned.1.call-start
scs
called_computation_lowered:
.L_overlay_start_0:
0x0: {  	s2 =	sld [smem:$0x3FD9]  }
0x1: {  	s3 =	sld [smem:$0x3FFE];
	_ =	sdelay $0x1  }
0x2: {  	s1 =	srdreg.scid  }
0x3: {  	s0 =	sand.u32 $0x1, s1  }
0x4: {  	s18 =	sshll.u32 s0, $0xA;
	s2 =	sadd.s32 s3, s2  }
0x5: {  	s2 =	sadd.s32 s2, s18  }
0x6: {  	[smem:$0x3FC5] =	sst s2  }
0x7: {  	_ = 	snop  }
0x8: {  	s2 =	sld [smem:$0x3FD0];
	(tm) =	ssettm $0x1  }
0x9: {  	s19 =	sld [smem:$0x3FFB];
	_ =	sdelay $0x3  }
0xa: {  	_ =	strace s19  }
0xb: {  	s3 =	sld [smem:$0x3FFC];
	_ =	sdelay $0x3  }
0xc: {  	_ =	strace s3  }
0xd: {  	s3 =	sld [smem:$0x3FFD];
	_ =	sdelay $0x3  }
0xe: {  	_ =	strace s3  }
0xf: {  	_ =	strace $0x8FFFFFFF  }
0x10: {  	s20 =	sld [smem:$0x3FDB];
	_ =	sdelay $0x1  }
0x11: {  	s4 =	simm.s32 $_scs_section_size  }
0x12: {  	s5 =	simm.s32 $_size__tile_overlayer_lowered;
	s6 =	simm.s32 $_tile_overlayer_lowered  }
0x13: {  	s23 =	simm.s32 $0x1BFF;
	s22 =	sshll.u32 s6, $0x1;
	s3 =	sadd.s32 s4, s20  }
0x14: {  	s7 =	simm.s32 $0x0;
	s21 =	sshll.u32 s5, $0x1;
	s5 =	sadd.s32 s22, s3  }
0x15: {  	[timem:s7], [sflag:s23] =	dma.local [hbm:s5], s21  }
0x16: {  	_ =	swait.ge [sflag:s23], s21  }
0x17: {  	s4 =	ssub.s32 $0x0, s21;
	[sflag:s23] =	ssyncset.done $0x0  }
0x18: {  	[sflag:s23] =	ssyncadd.s32 s4;
	_ =	sdelay $0x1  }
0x19: {  	s24 =	simm.s32 $0x1B8B  }
0x1a: {  	_ =	swait.ge [sflag:s24], $0x1  }
0x1b: {  	[sflag:s24] =	ssyncset.done $0x0  }
0x1c: {  	s26 =	simm.s32 $0x1B8E;
	s25 =	sld [smem:$0x3FFE];
	[sflag:s24] =	ssyncadd.s32 $0xFFFFFFFF  }
0x1d: {  	s27 =	simm.s32 $execute0_lowered;
	[smem:$0x3FD2] =	sst s26  }
0x1e: {  	s5 =	sshll.u32 s27, $0x1;
	_ =	strace $0x80000049;
	[dreg:$0x1] =	wrdreg $0xFFFFFFFF  }
0x1f: {  	s28 =	simm.s32 $_size_execute0_lowered;
	s3 =	sadd.s32 s3, s5;
	[dreg:$0x0] =	wrdreg $0x0  }
0x20: {  	s5 =	sshll.u32 s28, $0x1;
	[dreg:$0x2] =	wrdreg s3  }
0x21: {  	[dreg:$0x3] =	wrdreg s5  }
0x22: {  	[dreg:$0x4] =	wrdreg $0xC0  }
0x23: {  	_ =	task [dreg:s7], $0x5FFFF  }
0x24: {  	[dreg:$0x1] =	wrdreg $0xFFFFFFFF  }
0x25: {  	[dreg:$0x0] =	wrdreg $0x60  }
0x26: {  	[dreg:$0x2] =	wrdreg s25  }
0x27: {  	[dreg:$0x3] =	wrdreg s2  }
0x28: {  	[dreg:$0x4] =	wrdreg $0x9  }
0x29: {  	_ =	task.clear_ibuf [dreg:s7], $0x5FFFF;
	_ =	strace $0x90000049  }
0x2a: {  	s29 =	simm.s32 $0x9;
	_ =	strace $0x8000004B  }
0x2b: {  	_ =	swait.ge [sflag:s29], $0x1  }
0x2c: {  	[sflag:s29] =	ssyncadd.s32 $0xFFFFFFFF  }
0x2d: {  	_ =	strace $0x9000004B  }
0x2e: {  	_ =	sfence  }
0x2f: {  	s30 =	sld [smem:$0x0];
	_ =	sdelay $0x2  }
0x30: {  	s31 =	sshll.u32 s1, $0xD;
	s1 =	sshrl.u32 s1, $0x2  }
0x31: {  	s3 =	sand.u32 $0x4000, s31;
	s1 =	sadd.s32 s1, s30  }
0x32: {  	s0 =	sor.u32 s3, s0;
	s1 =	sshll.u32 s1, $0x11  }
0x33: {  	s0 =	sor.u32 s1, s0  }
0x34: {  	s0 =	sadd.s32 $0x8F2B, s0  }
0x35: {  	[sflag:s0] =	ssyncadd.remote.s32 $0x1  }
0x36: {  	_ =	sfence.sel $0xFFFF  }
0x37: {  	[dreg:$0x0] =	wrdreg $0xFFFFFFFF;
	(pc) =	sbr.abs _section_cstart, $3  }
0x38: {  	[dreg:$0x1] =	wrdreg $0xFFFFFFFF  }
0x39: {  	_ =	task.clear_ibuf [dreg:s7], $0x2FFFF;
	_ =	strace $0x9FFFFFFF  }
0x3a: {  	(tm) =	ssettm $0x7FFFFFFF  }
0x3b: {  	_ =	shalt  }
tec
execute0_lowered:
.L_overlay_start_1:
0x0: {  	(tag) =	ssettag $0x1  }
0x1: {  	s3 =	rddreg [dreg:$0x0]  }
0x2: {  	s2 =	rddreg [dreg:$0x1];
	s1 =	stileid.u32  }
0x3: {  	s4 =	srdreg.scid;
	s0 =	rddreg [dreg:$0x2];
	_ =	strace $0x8000004A  }
0x4: {  	s7 =	simm.s32 $0x2;
	s14 =	simm.s32 $0x0;
	p0 =	por $0x0, $0x0  }
0x5: {  	s9 =	simm.s32 $0x27400;
	s5 =	sshll.u32 s1, $0x4;
	s4 =	sshll.u32 s4, $0x8  }
.Ltmp0:
0x6: {  	s13 =	simm.s32 $0x0;
	s4 =	sor.u32 s5, s4;
	(pc) =	sbr.rel .LBB1_1-.Ltmp0, $4  }
0x7: {  	s12 =	simm.s32 $0x0;
	s5 =	simm.s32 $0x1;
	s4 =	sand.u32 $0x180, s4  }
0x8: {  	s3 =	sadd.s32 $0xC00, s3;
	[sflag:s5] =	ssyncpa.u1 $0x0;
	s8 =	ssub.s32 $0x4E00, s4  }
0x9: {  	s6 =	sand.u32 $0x7, s1;
	[sflag:s7] =	ssyncpa.u1 $0x0;
	s7 =	sshrl.u32 s8, $0x9  }
0xa: {  	s11 =	smov.u32 s6;
	s10 =	smov.u32 s4;
	s8 =	sadd.s32 $0x2, s7  }
.LBB1_5:
0xb: {  	s15 =	sadd.s32 $0x200, s10  }
0xc: {  	s13 =	sadd.s32 $0x8, s11;
	s17 =	smov.u32 s11;
	p2 =	sgt.s32 s15, $0x4E1F  }
0xd: {  	s17 =	smov.u32 @p2 s13  }
0xe: {  	s15 =	smov.u32 @p2 s4;
	p2 =	sgt.s32 s17, $0x7  }
0xf: {  	s17 =	smov.u32 @p2 s6;
	p2 =	sne.s32 s12, s8  }
.Ltmp1:
0x10: {  	p1 =	slt.u32 s12, $0x2;
	(pc) =	sbr.rel @!p2 .LBB1_6-.Ltmp1, $4  }
0x11: {  	s16 =	simm.s32 @!p1 $0x2  }
0x12: {  	s14 =	smov.u32 s10;
	p0 =	por !p0, !p0;
	_ =	swait.ge @!p1 [sflag:s16], $0x2000  }
0x13: {  	s13 =	smov.u32 s11;
	[sflag:s16] =	ssyncset.done @!p1 $0x0;
	s10 =	smov.u32 s15  }
0x14: {  	s12 =	sadd.s32 $0x1, s12;
	[sflag:s16] =	ssyncadd.s32 @!p1 $0xFFFFE000;
	s11 =	smov.u32 s17  }
.LBB1_1:
0x15: {  	p1 =	sgt.u32 s12, s7  }
0x16: {  	s17 =	smov.u32 s11;
	s19 =	smov.u32 s10;
	p2 =	sgt.s32 @!p1 s11, $0x7  }
0x17: {  	s15 =	sand.u32 @!p1 $0x1FFFFFF, s10;
	s18 =	sshra.s32 @!p1 s11, $0x1F;
	p2 =	por !p2, p1  }
0x18: {  	s20 =	sshra.s32 @!p1 s10, $0x1F;
	s17 =	simm.s32 @p2 $0x7;
	p2 =	sgt.s32 @!p1 s10, $0x4DA0  }
0x19: {  	s16 =	smulhi.u32 @!p1 $0x1A36E2F, s15;
	s18 =	sand.u32 @!p1 s18, s11;
	p2 =	por !p2, p1  }
0x1a: {  	s17 =	ssub.s32 @!p1 s17, s18;
	s18 =	sand.u32 @!p1 s20, s10;
	s19 =	simm.s32 @p2 $0x4DA0  }
0x1b: {  	s17 =	sadd.s32 @!p1 $0xFFFFFFF9, s17;
	s18 =	ssub.s32 @!p1 s19, s18  }
0x1c: {  	s16 =	sshrl.u32 @!p1 s16, $0x7;
	p2 =	sgt.s32 @!p1 s17, $0x0;
	s19 =	sadd.s32 @!p1 $0xFFFFB260, s18  }
0x1d: {  	s17 =	sshll.u32 @!p1 s17, $0x6;
	s18 =	ssub.s32 @!p1 $0x4E20, s18;
	p3 =	sgt.s32 @!p1 s19, $0x7F  }
0x1e: {  	s17 =	ssub.s32 @!p1 $0x40, s17;
	p2 =	por !p2, p1;
	p3 =	por !p3, p1  }
0x1f: {  	s16 =	smul.u32 @!p1 $0x4E20, s16;
	s17 =	simm.s32 @!p2 $0x0;
	s18 =	simm.s32 @!p3 $0x0  }
0x20: {  	s19 =	sxor.u32 @!p1 $0xFFFFFFFF, s12;
	s17 =	smul.u32 @!p1 s18, s17  }
0x21: {  	s15 =	ssub.s32 @!p1 s15, s16;
	s18 =	sshll.u32 @!p1 s19, $0xD;
	s19 =	smul.u32 @!p1 $0x4E200, s11  }
0x22: {  	s15 =	sshll.u32 @!p1 s15, $0x4  }
0x23: {  	s18 =	sand.u32 @!p1 $0x2000, s18;
	s16 =	sand.u32 @!p1 $0x3FFFFFC0, s17;
	s17 =	sadd.s32 @!p1 s3, s19  }
0x24: {  	s19 =	simm.s32 @!p1 $0x80;
	s15 =	sadd.s32 @!p1 s15, s17;
	s17 =	simm.s32 @!p1 $0x40  }
0x25: {  	[tilespmem:s18], [sflag:$0x1] =	stream.strided.gather @!p1 [hbm4b:s15+s17], s16, s19, s17, $0x38;
	[tilespmem:$0x8080] =	vst v63  }
0x26: {  	p1 =	seq.s32 s12, $0x0  }
0x27: {  	p2 =	sge.u32 @!p1 s12, s8  }
0x28: {  	p1 =	por p1, p2  }
.Ltmp2:
0x29: {  	_ = 	snop;
	(pc) =	sbr.rel @p1 .LBB1_5-.Ltmp2, $1  }
0x2a: {  	_ =	sdelay $0x3  }
0x2b: {  	p1 =	sgt.s32 s13, $0x7;
	s15 =	smov.u32 s13  }
0x2c: {  	s16 =	sshra.s32 s13, $0x1F;
	s17 =	smov.u32 s14;
	s18 =	sshra.s32 s14, $0x1F  }
0x2d: {  	s15 =	simm.s32 @!p1 $0x7;
	s16 =	sand.u32 s16, s13;
	p1 =	sgt.s32 s14, $0x4DA0  }
0x2e: {  	s27 =	sand.u32 s18, s14;
	s15 =	ssub.s32 s15, s16;
	s17 =	simm.s32 @!p1 $0x4DA0  }
0x2f: {  	s15 =	sadd.s32 $0xFFFFFFF9, s15;
	s16 =	ssub.s32 s17, s27  }
0x30: {  	p1 =	sgt.s32 s15, $0x0;
	s17 =	sadd.s32 $0xFFFFB260, s16;
	s15 =	sshll.u32 s15, $0x6  }
0x31: {  	s16 =	ssub.s32 $0x4E20, s16;
	p2 =	sgt.s32 s17, $0x7F;
	s15 =	ssub.s32 $0x40, s15  }
0x32: {  	s16 =	simm.s32 @p2 $0x0;
	s15 =	simm.s32 @p1 $0x0  }
0x33: {  	s15 =	smul.u32 s16, s15;
	_ =	sdelay $0x1  }
0x34: {  	s16 =	simm.s32 $0x1;
	s15 =	sand.u32 $0x3FFFFFC0, s15  }
0x35: {  	s16 =	simm.s32 @!p0 $0x0;
	_ =	swait.ge [sflag:s5], s15  }
0x36: {  	s28 =	sshll.u32 s16, $0xD;
	s15 =	ssub.s32 $0x0, s15;
	[sflag:s5] =	ssyncset.done $0x0  }
0x37: {  	s19 =	sor.u32 $0x20, s28;
	[sflag:s5] =	ssyncadd.s32 s15  }
0x38: {  	s29 =	smul.u32 $0x8100, s16;
	v3 =	vld [tilespmem:s19+$0x10]  }
0x39: {  	s30 =	sand.u32 $0x1, s12;
	v2 =	vld [tilespmem:s19+$0xFFFFFFF0]  }
0x3a: {  	s16 =	smul.u32 $0x8100, s30;
	s15 =	sshrl.u32 s29, $0x2;
	v0 =	vld [tilespmem:s19+$0x0]  }
0x3b: {  	s17 =	sor.u32 $0x4000, s15;
	v1 =	vld [tilespmem:s19+$0xFFFFFFE0]  }
0x3c: {  	s31 =	sshrl.u32 s16, $0x2;
	s16 =	sadd.s32 $0x0, s17  }
0x3d: {  	s18 =	simm.s32 $0x4;
	s15 =	sor.u32 $0x4000, s31;
	s19 =	sadd.s32 $0x40, s19;
	[tilespmem:s16+$0x1830 ss:$0x81] =	vst.msk $0xffff, v3  }
.LBB1_3:
0x3e: {  	v3 =	vld [tilespmem:s19+$0x10];
	p1 =	sne.s32 s18, $0x1FC;
	[tilespmem:s16+$0x810 ss:$0x81] =	vst.msk $0xffff, v2;
	s20 =	smov.u32 s18;
	s18 =	sadd.s32 $0x4, s18  }
.Ltmp3:
0x3f: {  	v2 =	vld [tilespmem:s19+$0xFFFFFFF0];
	[tilespmem:s16+$0x1020 ss:$0x81] =	vst.msk $0xffff, v0;
	(pc) =	sbr.rel @p1 .LBB1_3-.Ltmp3, $4  }
0x40: {  	v0 =	vld [tilespmem:s19+$0x0];
	[tilespmem:s16+$0x0 ss:$0x81] =	vst.msk $0xffff, v1  }
0x41: {  	s16 =	sshra.s32 s20, $0x2;
	v1 =	vld [tilespmem:s19+$0xFFFFFFE0]  }
0x42: {  	s16 =	sadd.s32 s16, s17  }
0x43: {  	s19 =	sadd.s32 $0x40, s19;
	[tilespmem:s16+$0x1830 ss:$0x81] =	vst.msk $0xffff, v3  }
0x44: {  	s17 =	sshll.u32 s14, $0x3  }
0x45: {  	s29 =	sand.u32 $0x7F, s14;
	s17 =	sand.u32 $0xFFFFFC00, s17  }
0x46: {  	s14 =	sor.u32 s29, s17;
	s17 =	smulhi.u32 $0x342DA7F3, s17  }
0x47: {  	s18 =	smulhi.u32 $0x342DA7F3, s14;
	_ =	sdelay $0x1  }
0x48: {  	s13 =	smul.u32 $0x27400, s13;
	s17 =	sshrl.u32 s17, $0xC;
	s18 =	sshrl.u32 s18, $0xC  }
0x49: {  	s17 =	sand.u32 $0x3F, s17;
	s18 =	smul.u32 $0x4E80, s18  }
0x4a: {  	s17 =	smul.u32 $0x9D0, s17  }
.Ltmp4:
0x4b: {  	s14 =	ssub.s32 s14, s18;
	(pc) =	sbr.rel .LBB1_5-.Ltmp4, $4  }
0x4c: {  	[tilespmem:s16+$0x810 ss:$0x81] =	vst.msk $0xffff, v2;
	s13 =	sadd.s32 s2, s13;
	s18 =	sand.u32 $0x7, s14  }
0x4d: {  	[tilespmem:s16+$0x1020 ss:$0x81] =	vst.msk $0xffff, v0;
	s13 =	sadd.s32 s17, s13;
	s14 =	sshrl.u32 s14, $0x3;
	s30 =	sshll.u32 s18, $0x12  }
0x4e: {  	[tilespmem:s16+$0x0 ss:$0x81] =	vst.msk $0xffff, v1;
	s13 =	sadd.s32 s14, s13;
	s31 =	sor.u32 $0x400, s30  }
0x4f: {  	[hbm4b:s13+s31] =	stream.strided.scatter [tilespmem:s15], [sflag:$0x2], $0x2000, s9, s31, $0x20;
	[tilespmem:$0x8080] =	vst v63  }
.LBB1_6:
0x50: {  	_ =	sfence.sel $0x180000  }
0x51: {  	s2 =	simm.s32 $0x1;
	[bflag:$0x0] =	sbarrier.arrive $0xFFFF  }
0x52: {  	s31 =	simm.s32 $0x2;
	[sflag:s2] =	ssyncpa.u1 $0x1  }
0x53: {  	[sflag:s31] =	ssyncpa.u1 $0x1  }
0x54: {  	p0 =	sne.s32 s1, $0x0;
	_ =	strace $0x9000004A  }
0x55: {  	s0 =	sadd.s32 @!p0 $0x100000, s0;
	[bflag:$0x2] =	sbarrier.arrive $0xFFFF  }
0x56: {  	[sflag:s0] =	ssyncadd.tile.s32 @!p0 $0x1;
	_ =	shalt  }
.Lfunc_end1:
_tile_overlayer_lowered:
.L_overlay_start_2:
0x57: {  	(tag) =	ssettag $0x2  }
0x58: {  	s0 =	rddreg [dreg:$0x0];
	s2 =	stileid.u32  }
0x59: {  	s1 =	rddreg [dreg:$0x1];
	p0 =	sne.s32 s2, $0x0  }
0x5a: {  	s3 =	rddreg [dreg:$0x2];
	[bflag:$0x3] =	sbarrier.arrive $0xFFFF;
	s2 =	simm.s32 @!p0 $0x1C01  }
0x5b: {  	[timem:s3], [sflag:s2] =	dma.local @!p0 [hbm:s0], s1  }
0x5c: {  	s0 =	simm.s32 @!p0 $0x1  }
0x5d: {  	_ =	swait.ge @!p0 [sflag:s0], s1  }
0x5e: {  	s1 =	ssub.s32 @!p0 $0x0, s1;
	[sflag:s0] =	ssyncset.done @!p0 $0x0  }
0x5f: {  	[sflag:s0] =	ssyncadd.s32 @!p0 s1  }
0x60: {  	[bflag:$0x3] =	sbarrier.arrive $0xFFFF  }
0x61: {  	_ =	shalt  }

</sc_bundles>
